<compile_context>
chip_gen: v7x
topology: tpu7x:2x2x1
jax: 0.10.2.dev20260603
libtpu: 0.0.44.dev20260713+nightly
codegen_flags: <defaults>
</compile_context>

<pallas_src>
import functools

import jax
import jax.numpy as jnp
from jax import lax
from jax.experimental import pallas as pl
from jax.experimental.pallas import tpu as pltpu
from jax.experimental.pallas import tpu_sc as plsc

_N = 1000000
_H = 64
_B = 16384
_NC = 2
_NS = 16
_NW = _NC * _NS
_BPW = _B // _NW
_FPW = _BPW * _H
_K = 16
_NGRP = _BPW // _K
_R = 11
_LB = 128
_TAIL = (_N // _LB) * _LB


def _make_gather():
    mesh = plsc.VectorSubcoreMesh(core_axis_name="c", subcore_axis_name="s")

    @functools.partial(
        pl.kernel,
        mesh=mesh,
        out_type=jax.ShapeDtypeStruct((_B * _H,), jnp.float32),
        compiler_params=pltpu.CompilerParams(needs_layout_passes=False),
        scratch_types=[
            pltpu.VMEM((_BPW,), jnp.int32),
            pltpu.VMEM((_R, _H, _LB), jnp.float32),
            pltpu.VMEM((_FPW,), jnp.float32),
            pltpu.SemaphoreType.DMA((_R,)),
        ],
    )
    def k(table_t_hbm, tail_hbm, idx_hbm, out_hbm, idx_v, blk_v, rows_v, sems):
        wid = lax.axis_index("s") * _NC + lax.axis_index("c")
        pltpu.sync_copy(idx_hbm.at[pl.ds(wid * _BPW, _BPW)], idx_v)
        jcol = lax.iota(jnp.int32, 16)

        def fire(m, i):
            ib = (i >> 7) * _LB

            @pl.when(i < _TAIL)
            def _():
                pltpu.async_copy(
                    table_t_hbm.at[:, pl.ds(ib, _LB)], blk_v.at[m % _R],
                    sems.at[m % _R],
                )

            @pl.when(i >= _TAIL)
            def _():
                pltpu.async_copy(
                    tail_hbm, blk_v.at[m % _R], sems.at[m % _R],
                )

        def extract(m, i):
            li = jnp.full((16,), i & (_LB - 1), jnp.int32)
            pltpu.make_async_copy(
                table_t_hbm.at[:, pl.ds(0, _LB)], blk_v.at[m % _R],
                sems.at[m % _R],
            ).wait()
            for g in range(4):
                vals = plsc.load_gather(blk_v.at[m % _R], [jcol + 16 * g, li])
                rows_v[pl.ds(m * _H + 16 * g, 16)] = vals

        _LAG = _R - 1

        def body(j, carry):
            iv = idx_v[pl.ds(j * _K, _K)]
            ivp = idx_v[pl.ds(jnp.maximum(j - 1, 0) * _K, _K)]
            for t in range(_K):
                m = j * _K + t
                fire(m, iv[t])
                if t < _LAG:

                    @pl.when(j >= 1)
                    def _(m=m, t=t):
                        extract(m - _LAG, ivp[t + _K - _LAG])

                else:
                    extract(m - _LAG, iv[t - _LAG])
            return carry

        lax.fori_loop(0, _NGRP, body, 0)
        iv_last = idx_v[pl.ds((_NGRP - 1) * _K, _K)]
        for t in range(_K - _LAG, _K):
            m = (_NGRP - 1) * _K + t
            extract(m, iv_last[t])

        pltpu.sync_copy(rows_v, out_hbm.at[pl.ds(wid * _FPW, _FPW)])

    return k


_gather = _make_gather()


def kernel(h, embedding_weight):
    idx = h.reshape(_B)
    tail = jnp.pad(
        embedding_weight[_TAIL:].T, ((0, 0), (0, _LB - (_N - _TAIL)))
    )
    out = _gather(embedding_weight.T, tail, idx)
    return out.reshape(_B, _H)

# --- scband reference (transcript-rebuilt; emitter-appended) ---
"""Pipeline reference for scband-embedding-layer-90426241450703 (READ-ONLY COPY).

The authoritative reference and input builder live on the scoring server;
editing this copy changes nothing except your own understanding.
"""

import jax, jax.numpy as jnp
import numpy as np

NUM_NODES = 1000000
H_DIM = 64
BATCH = 16384

def setup_inputs(seed: int = 0) -> dict:
    key = jax.random.key(seed)
    k_idx, k_emb = jax.random.split(key)
    h = jax.random.randint(k_idx, (BATCH, 1), 0, NUM_NODES, dtype=jnp.int64 if jax.config.jax_enable_x64 else jnp.int32).astype(jnp.int32)
    embedding_weight = jax.random.normal(k_emb, (NUM_NODES, H_DIM), dtype=jnp.float32)
    return {"h": h, "embedding_weight": embedding_weight}

def reference(h, embedding_weight):
    # EmbeddingLayer.forward: self.embedding(h.squeeze())
    idx = jnp.squeeze(h)
    out = jnp.take(embedding_weight, idx, axis=0)
    return out

if __name__ == "__main__":
    import jax
    _d = setup_inputs()
    print(jax.jit(kernel)(*tuple(_d.values())))

</pallas_src>

<mosaic_0001>
#map = affine_map<(d0, d1) -> (0, 0)>
#map1 = affine_map<(d0, d1) -> (0)>
module attributes {stable_mosaic.version = 14 : i64} {
  func.func @k(%arg0: i32, %arg1: i32, %arg2: memref<64x1000000xf32, #tpu.memory_space<hbm>>, %arg3: memref<64x128xf32, #tpu.memory_space<hbm>>, %arg4: memref<16384xi32, #tpu.memory_space<hbm>>, %arg5: memref<1048576xf32, #tpu.memory_space<hbm>>, %arg6: memref<512xi32, #tpu.memory_space<vmem>>, %arg7: memref<11x64x128xf32, #tpu.memory_space<vmem>>, %arg8: memref<32768xf32, #tpu.memory_space<vmem>>, %arg9: memref<11x!tpu.dma_semaphore, #tpu.memory_space<semaphore_mem>>) attributes {dimension_semantics = [#tpu.dimension_semantics<core_parallel>, #tpu.dimension_semantics<subcore_parallel>], iteration_bounds = array<i64: 2, 16>, scalar_prefetch = 0 : i64, scratch_operands = 4 : i64, tpu.core_type = #tpu.core_type<sc_vector_subcore>, window_params = [{transform_indices = #map}, {transform_indices = #map}, {transform_indices = #map1}, {transform_indices = #map1}]} {
    %mul3A = arith.constant 2 : i32
    %mul3A_0 = arith.muli %arg1, %mul3A : i32
    %add3A = arith.addi %mul3A_0, %arg0 : i32
    %mul3A_1 = arith.constant 512 : i32
    %mul3A_2 = arith.muli %add3A, %mul3A_1 : i32
    "tpu.region"() ({
      %run_scoped3A = tpu.sem_alloc : memref<!tpu.dma_semaphore, #tpu.memory_space<semaphore_mem>>
      %dma_start3A = tpu.memref_slice %arg4[%mul3A_2] : memref<16384xi32, #tpu.memory_space<hbm>> -> memref<512xi32, #tpu.memory_space<hbm>>
      %dma_start3A_674 = tpu.memref_slice %arg4[%mul3A_2] : memref<16384xi32, #tpu.memory_space<hbm>> -> memref<512xi32, #tpu.memory_space<hbm>>
      tpu.enqueue_dma source(%dma_start3A_674 : memref<512xi32, #tpu.memory_space<hbm>>) target(%arg6 : memref<512xi32, #tpu.memory_space<vmem>>) target_semaphore(%run_scoped3A : memref<!tpu.dma_semaphore, #tpu.memory_space<semaphore_mem>>)
      %dma_wait3A_675 = tpu.memref_slice %arg4[%mul3A_2] : memref<16384xi32, #tpu.memory_space<hbm>> -> memref<512xi32, #tpu.memory_space<hbm>>
      %dma_wait3A_676 = tpu.memref_slice %arg4[%mul3A_2] : memref<16384xi32, #tpu.memory_space<hbm>> -> memref<512xi32, #tpu.memory_space<hbm>>
      tpu.wait_dma2 semaphore(%run_scoped3A : memref<!tpu.dma_semaphore, #tpu.memory_space<semaphore_mem>>) src(%dma_wait3A_676 : memref<512xi32, #tpu.memory_space<hbm>>) dst(%arg6 : memref<512xi32, #tpu.memory_space<vmem>>)
      tpu.yield
    }) : () -> ()
    %iota3A = tpu.iota {dimensions = array<i32: 0>} : vector<16xi32>
    %scan3A = arith.constant 0 : i32
    %scan3A_3 = arith.constant 0 : i32
    %scan3A_4 = arith.constant 32 : i32
    %scan3A_5 = arith.addi %scan3A_3, %scan3A_4 : i32
    %scan3A_6 = arith.constant 1 : i32
    scf.for %scan3A_674 = %scan3A_3 to %scan3A_5 step %scan3A_6  : i32 {
      %mul3A_675 = arith.constant 16 : i32
      %mul3A_676 = arith.muli %scan3A_674, %mul3A_675 : i32
      %get3A_677 = arith.index_cast %mul3A_676 : i32 to index
      %get3A_678 = tpu.vector_load %arg6[%get3A_677] {strides = array<i32>} : memref<512xi32, #tpu.memory_space<vmem>>, vector<16xi32>,
      %sub3A = arith.constant 1 : i32
      %sub3A_679 = arith.subi %scan3A_674, %sub3A : i32
      %max3A = arith.constant 0 : i32
      %max3A_680 = arith.maxsi %sub3A_679, %max3A : i32
      %mul3A_681 = arith.constant 16 : i32
      %mul3A_682 = arith.muli %max3A_680, %mul3A_681 : i32
      %get3A_683 = arith.index_cast %mul3A_682 : i32 to index
      %get3A_684 = tpu.vector_load %arg6[%get3A_683] {strides = array<i32>} : memref<512xi32, #tpu.memory_space<vmem>>, vector<16xi32>,
      %mul3A_685 = arith.constant 16 : i32
      %mul3A_686 = arith.muli %scan3A_674, %mul3A_685 : i32
      %add3A_687 = arith.constant 0 : i32
      %add3A_688 = arith.addi %mul3A_686, %add3A_687 : i32
      %slice3A_689 = vector.extract_strided_slice %get3A_678 {offsets = [0], sizes = [1], strides = [1]} : vector<16xi32> to vector<1xi32>
      %squeeze3A_690 = vector.extract %slice3A_689[0] : i32 from vector<1xi32>
      %shift_right_arithmetic3A = arith.constant 7 : i32
      %shift_right_arithmetic3A_691 = arith.shrsi %squeeze3A_690, %shift_right_arithmetic3A : i32
      %mul3A_692 = arith.constant 128 : i32
      %mul3A_693 = arith.muli %shift_right_arithmetic3A_691, %mul3A_692 : i32
      %lt3A = arith.constant 999936 : i32
      %lt3A_694 = arith.cmpi slt, %squeeze3A_690, %lt3A : i32
      %convert_element_type3A = arith.extui %lt3A_694 : i1 to i32
      %cond3A = arith.constant 0 : i32
      %cond3A_695 = arith.cmpi ne, %convert_element_type3A, %cond3A : i32
      scf.if %cond3A_695 {
        %jit3A_2095 = arith.constant 11 : i32
        %eq3A_2096 = arith.constant 0 : i32
        %eq3A_2097 = arith.cmpi eq, %jit3A_2095, %eq3A_2096 : i32
        %jit3A_2098 = arith.constant 1 : i32
        %select_n3A_2099 = arith.select %eq3A_2097, %jit3A_2098, %jit3A_2095 : i32
        %rem3A_2100 = arith.remsi %add3A_688, %select_n3A_2099 : i32
        %ne3A_2101 = arith.constant 0 : i32
        %ne3A_2102 = arith.cmpi ne, %rem3A_2100, %ne3A_2101 : i32
        %lt3A_2103 = arith.constant 0 : i32
        %lt3A_2104 = arith.cmpi slt, %rem3A_2100, %lt3A_2103 : i32
        %lt3A_2105 = arith.constant 0 : i32
        %lt3A_2106 = arith.cmpi slt, %select_n3A_2099, %lt3A_2105 : i32
        %ne3A_2107 = arith.xori %lt3A_2104, %lt3A_2106 : i1
        %and3A_2108 = arith.andi %ne3A_2107, %ne3A_2102 : i1
        %add3A_2109 = arith.addi %rem3A_2100, %select_n3A_2099 : i32
        %select_n3A_2110 = arith.select %and3A_2108, %add3A_2109, %rem3A_2100 : i32
        %jit3A_2111 = arith.constant 11 : i32
        %eq3A_2112 = arith.constant 0 : i32
        %eq3A_2113 = arith.cmpi eq, %jit3A_2111, %eq3A_2112 : i32
        %jit3A_2114 = arith.constant 1 : i32
        %select_n3A_2115 = arith.select %eq3A_2113, %jit3A_2114, %jit3A_2111 : i32
        %rem3A_2116 = arith.remsi %add3A_688, %select_n3A_2115 : i32
        %ne3A_2117 = arith.constant 0 : i32
        %ne3A_2118 = arith.cmpi ne, %rem3A_2116, %ne3A_2117 : i32
        %lt3A_2119 = arith.constant 0 : i32
        %lt3A_2120 = arith.cmpi slt, %rem3A_2116, %lt3A_2119 : i32
        %lt3A_2121 = arith.constant 0 : i32
        %lt3A_2122 = arith.cmpi slt, %select_n3A_2115, %lt3A_2121 : i32
        %ne3A_2123 = arith.xori %lt3A_2120, %lt3A_2122 : i1
        %and3A_2124 = arith.andi %ne3A_2123, %ne3A_2118 : i1
        %add3A_2125 = arith.addi %rem3A_2116, %select_n3A_2115 : i32
        %select_n3A_2126 = arith.select %and3A_2124, %add3A_2125, %rem3A_2116 : i32
        %dma_start3A = arith.constant 0 : i32
        %dma_start3A_2127 = arith.constant 0 : i32
        %dma_start3A_2128 = tpu.memref_slice %arg7[%select_n3A_2110, %dma_start3A, %dma_start3A_2127] : memref<11x64x128xf32, #tpu.memory_space<vmem>> -> memref<1x64x128xf32, #tpu.memory_space<vmem>>
        %dma_start3A_2129 = tpu.memref_squeeze %dma_start3A_2128 : memref<1x64x128xf32, #tpu.memory_space<vmem>> -> memref<64x128xf32, #tpu.memory_space<vmem>>
        %dma_start3A_2130 = arith.constant 0 : i32
        %dma_start3A_2131 = tpu.memref_slice %arg2[%dma_start3A_2130, %mul3A_693] : memref<64x1000000xf32, #tpu.memory_space<hbm>> -> memref<64x128xf32, #tpu.memory_space<hbm>>
        %dma_start3A_2132 = tpu.memref_slice %arg9[%select_n3A_2126] : memref<11x!tpu.dma_semaphore, #tpu.memory_space<semaphore_mem>> -> memref<1x!tpu.dma_semaphore, #tpu.memory_space<semaphore_mem>>
        %dma_start3A_2133 = tpu.memref_squeeze %dma_start3A_2132 : memref<1x!tpu.dma_semaphore, #tpu.memory_space<semaphore_mem>> -> memref<!tpu.dma_semaphore, #tpu.memory_space<semaphore_mem>>
        %dma_start3A_2134 = arith.constant 0 : i32
        %dma_start3A_2135 = arith.constant 0 : i32
        %dma_start3A_2136 = tpu.memref_slice %arg7[%select_n3A_2110, %dma_start3A_2134, %dma_start3A_2135] : memref<11x64x128xf32, #tpu.memory_space<vmem>> -> memref<1x64x128xf32, #tpu.memory_space<vmem>>
        %dma_start3A_2137 = tpu.memref_squeeze %dma_start3A_2136 : memref<1x64x128xf32, #tpu.memory_space<vmem>> -> memref<64x128xf32, #tpu.memory_space<vmem>>
        %dma_start3A_2138 = arith.constant 0 : i32
        %dma_start3A_2139 = tpu.memref_slice %arg2[%dma_start3A_2138, %mul3A_693] : memref<64x1000000xf32, #tpu.memory_space<hbm>> -> memref<64x128xf32, #tpu.memory_space<hbm>>
        tpu.enqueue_dma source(%dma_start3A_2139 : memref<64x128xf32, #tpu.memory_space<hbm>>) target(%dma_start3A_2137 : memref<64x128xf32, #tpu.memory_space<vmem>>) target_semaphore(%dma_start3A_2133 : memref<!tpu.dma_semaphore, #tpu.memory_space<semaphore_mem>>)
      } else {
      }
      %ge3A = arith.constant 999936 : i32
      %ge3A_696 = arith.cmpi sge, %squeeze3A_690, %ge3A : i32
      %convert_element_type3A_697 = arith.extui %ge3A_696 : i1 to i32
      %cond3A_698 = arith.constant 0 : i32
      %cond3A_699 = arith.cmpi ne, %convert_element_type3A_697, %cond3A_698 : i32
      scf.if %cond3A_699 {
        %jit3A_2095 = arith.constant 11 : i32
        %eq3A_2096 = arith.constant 0 : i32
        %eq3A_2097 = arith.cmpi eq, %jit3A_2095, %eq3A_2096 : i32
        %jit3A_2098 = arith.constant 1 : i32
        %select_n3A_2099 = arith.select %eq3A_2097, %jit3A_2098, %jit3A_2095 : i32
        %rem3A_2100 = arith.remsi %add3A_688, %select_n3A_2099 : i32
        %ne3A_2101 = arith.constant 0 : i32
        %ne3A_2102 = arith.cmpi ne, %rem3A_2100, %ne3A_2101 : i32
        %lt3A_2103 = arith.constant 0 : i32
        %lt3A_2104 = arith.cmpi slt, %rem3A_2100, %lt3A_2103 : i32
        %lt3A_2105 = arith.constant 0 : i32
        %lt3A_2106 = arith.cmpi slt, %select_n3A_2099, %lt3A_2105 : i32
        %ne3A_2107 = arith.xori %lt3A_2104, %lt3A_2106 : i1
        %and3A_2108 = arith.andi %ne3A_2107, %ne3A_2102 : i1
        %add3A_2109 = arith.addi %rem3A_2100, %select_n3A_2099 : i32
        %select_n3A_2110 = arith.select %and3A_2108, %add3A_2109, %rem3A_2100 : i32
        %jit3A_2111 = arith.constant 11 : i32
        %eq3A_2112 = arith.constant 0 : i32
        %eq3A_2113 = arith.cmpi eq, %jit3A_2111, %eq3A_2112 : i32
        %jit3A_2114 = arith.constant 1 : i32
        %select_n3A_2115 = arith.select %eq3A_2113, %jit3A_2114, %jit3A_2111 : i32
        %rem3A_2116 = arith.remsi %add3A_688, %select_n3A_2115 : i32
        %ne3A_2117 = arith.constant 0 : i32
        %ne3A_2118 = arith.cmpi ne, %rem3A_2116, %ne3A_2117 : i32
        %lt3A_2119 = arith.constant 0 : i32
        %lt3A_2120 = arith.cmpi slt, %rem3A_2116, %lt3A_2119 : i32
        %lt3A_2121 = arith.constant 0 : i32
        %lt3A_2122 = arith.cmpi slt, %select_n3A_2115, %lt3A_2121 : i32
        %ne3A_2123 = arith.xori %lt3A_2120, %lt3A_2122 : i1
        %and3A_2124 = arith.andi %ne3A_2123, %ne3A_2118 : i1
        %add3A_2125 = arith.addi %rem3A_2116, %select_n3A_2115 : i32
        %select_n3A_2126 = arith.select %and3A_2124, %add3A_2125, %rem3A_2116 : i32
        %dma_start3A = arith.constant 0 : i32
        %dma_start3A_2127 = arith.constant 0 : i32
        %dma_start3A_2128 = tpu.memref_slice %arg7[%select_n3A_2110, %dma_start3A, %dma_start3A_2127] : memref<11x64x128xf32, #tpu.memory_space<vmem>> -> memref<1x64x128xf32, #tpu.memory_space<vmem>>
        %dma_start3A_2129 = tpu.memref_squeeze %dma_start3A_2128 : memref<1x64x128xf32, #tpu.memory_space<vmem>> -> memref<64x128xf32, #tpu.memory_space<vmem>>
        %dma_start3A_2130 = tpu.memref_slice %arg9[%select_n3A_2126] : memref<11x!tpu.dma_semaphore, #tpu.memory_space<semaphore_mem>> -> memref<1x!tpu.dma_semaphore, #tpu.memory_space<semaphore_mem>>
        %dma_start3A_2131 = tpu.memref_squeeze %dma_start3A_2130 : memref<1x!tpu.dma_semaphore, #tpu.memory_space<semaphore_mem>> -> memref<!tpu.dma_semaphore, #tpu.memory_space<semaphore_mem>>
        %dma_start3A_2132 = arith.constant 0 : i32
        %dma_start3A_2133 = arith.constant 0 : i32
        %dma_start3A_2134 = tpu.memref_slice %arg7[%select_n3A_2110, %dma_start3A_2132, %dma_start3A_2133] : memref<11x64x128xf32, #tpu.memory_space<vmem>> -> memref<1x64x128xf32, #tpu.memory_space<vmem>>
        %dma_start3A_2135 = tpu.memref_squeeze %dma_start3A_2134 : memref<1x64x128xf32, #tpu.memory_space<vmem>> -> memref<64x128xf32, #tpu.memory_space<vmem>>
        tpu.enqueue_dma source(%arg3 : memref<64x128xf32, #tpu.memory_space<hbm>>) target(%dma_start3A_2135 : memref<64x128xf32, #tpu.memory_space<vmem>>) target_semaphore(%dma_start3A_2131 : memref<!tpu.dma_semaphore, #tpu.memory_space<semaphore_mem>>)
      } else {
      }
      %ge3A_700 = arith.constant 1 : i32
      %ge3A_701 = arith.cmpi sge, %scan3A_674, %ge3A_700 : i32
      %convert_element_type3A_702 = arith.extui %ge3A_701 : i1 to i32
      %cond3A_703 = arith.constant 0 : i32
      %cond3A_704 = arith.cmpi ne, %convert_element_type3A_702, %cond3A_703 : i32
      scf.if %cond3A_704 {
        %sub3A_2095 = arith.constant 10 : i32
        %sub3A_2096 = arith.subi %add3A_688, %sub3A_2095 : i32
        %slice3A_2097 = vector.extract_strided_slice %get3A_684 {offsets = [6], sizes = [1], strides = [1]} : vector<16xi32> to vector<1xi32>
        %squeeze3A_2098 = vector.extract %slice3A_2097[0] : i32 from vector<1xi32>
        %and3A_2099 = arith.constant 127 : i32
        %and3A_2100 = arith.andi %squeeze3A_2098, %and3A_2099 : i32
        %broadcast_in_dim3A_2101 = vector.broadcast %and3A_2100 : i32 to vector<16xi32>
        %jit3A_2102 = arith.constant 11 : i32
        %eq3A_2103 = arith.constant 0 : i32
        %eq3A_2104 = arith.cmpi eq, %jit3A_2102, %eq3A_2103 : i32
        %jit3A_2105 = arith.constant 1 : i32
        %select_n3A_2106 = arith.select %eq3A_2104, %jit3A_2105, %jit3A_2102 : i32
        %rem3A_2107 = arith.remsi %sub3A_2096, %select_n3A_2106 : i32
        %ne3A_2108 = arith.constant 0 : i32
        %ne3A_2109 = arith.cmpi ne, %rem3A_2107, %ne3A_2108 : i32
        %lt3A_2110 = arith.constant 0 : i32
        %lt3A_2111 = arith.cmpi slt, %rem3A_2107, %lt3A_2110 : i32
        %lt3A_2112 = arith.constant 0 : i32
        %lt3A_2113 = arith.cmpi slt, %select_n3A_2106, %lt3A_2112 : i32
        %ne3A_2114 = arith.xori %lt3A_2111, %lt3A_2113 : i1
        %and3A_2115 = arith.andi %ne3A_2114, %ne3A_2109 : i1
        %add3A_2116 = arith.addi %rem3A_2107, %select_n3A_2106 : i32
        %select_n3A_2117 = arith.select %and3A_2115, %add3A_2116, %rem3A_2107 : i32
        %jit3A_2118 = arith.constant 11 : i32
        %eq3A_2119 = arith.constant 0 : i32
        %eq3A_2120 = arith.cmpi eq, %jit3A_2118, %eq3A_2119 : i32
        %jit3A_2121 = arith.constant 1 : i32
        %select_n3A_2122 = arith.select %eq3A_2120, %jit3A_2121, %jit3A_2118 : i32
        %rem3A_2123 = arith.remsi %sub3A_2096, %select_n3A_2122 : i32
        %ne3A_2124 = arith.constant 0 : i32
        %ne3A_2125 = arith.cmpi ne, %rem3A_2123, %ne3A_2124 : i32
        %lt3A_2126 = arith.constant 0 : i32
        %lt3A_2127 = arith.cmpi slt, %rem3A_2123, %lt3A_2126 : i32
        %lt3A_2128 = arith.constant 0 : i32
        %lt3A_2129 = arith.cmpi slt, %select_n3A_2122, %lt3A_2128 : i32
        %ne3A_2130 = arith.xori %lt3A_2127, %lt3A_2129 : i1
        %and3A_2131 = arith.andi %ne3A_2130, %ne3A_2125 : i1
        %add3A_2132 = arith.addi %rem3A_2123, %select_n3A_2122 : i32
        %select_n3A_2133 = arith.select %and3A_2131, %add3A_2132, %rem3A_2123 : i32
        %dma_wait3A_2134 = arith.constant 0 : i32
        %dma_wait3A_2135 = arith.constant 0 : i32
        %dma_wait3A_2136 = tpu.memref_slice %arg7[%select_n3A_2117, %dma_wait3A_2134, %dma_wait3A_2135] : memref<11x64x128xf32, #tpu.memory_space<vmem>> -> memref<1x64x128xf32, #tpu.memory_space<vmem>>
        %dma_wait3A_2137 = tpu.memref_squeeze %dma_wait3A_2136 : memref<1x64x128xf32, #tpu.memory_space<vmem>> -> memref<64x128xf32, #tpu.memory_space<vmem>>
        %dma_wait3A_2138 = arith.constant 0 : i32
        %dma_wait3A_2139 = arith.constant 0 : i32
        %dma_wait3A_2140 = tpu.memref_slice %arg2[%dma_wait3A_2138, %dma_wait3A_2139] : memref<64x1000000xf32, #tpu.memory_space<hbm>> -> memref<64x128xf32, #tpu.memory_space<hbm>>
        %dma_wait3A_2141 = tpu.memref_slice %arg9[%select_n3A_2133] : memref<11x!tpu.dma_semaphore, #tpu.memory_space<semaphore_mem>> -> memref<1x!tpu.dma_semaphore, #tpu.memory_space<semaphore_mem>>
        %dma_wait3A_2142 = tpu.memref_squeeze %dma_wait3A_2141 : memref<1x!tpu.dma_semaphore, #tpu.memory_space<semaphore_mem>> -> memref<!tpu.dma_semaphore, #tpu.memory_space<semaphore_mem>>
        %dma_wait3A_2143 = arith.constant 0 : i32
        %dma_wait3A_2144 = arith.constant 0 : i32
        %dma_wait3A_2145 = tpu.memref_slice %arg7[%select_n3A_2117, %dma_wait3A_2143, %dma_wait3A_2144] : memref<11x64x128xf32, #tpu.memory_space<vmem>> -> memref<1x64x128xf32, #tpu.memory_space<vmem>>
        %dma_wait3A_2146 = tpu.memref_squeeze %dma_wait3A_2145 : memref<1x64x128xf32, #tpu.memory_space<vmem>> -> memref<64x128xf32, #tpu.memory_space<vmem>>
        %dma_wait3A_2147 = arith.constant 0 : i32
        %dma_wait3A_2148 = arith.constant 0 : i32
        %dma_wait3A_2149 = tpu.memref_slice %arg2[%dma_wait3A_2147, %dma_wait3A_2148] : memref<64x1000000xf32, #tpu.memory_space<hbm>> -> memref<64x128xf32, #tpu.memory_space<hbm>>
        tpu.wait_dma2 semaphore(%dma_wait3A_2142 : memref<!tpu.dma_semaphore, #tpu.memory_space<semaphore_mem>>) src(%dma_wait3A_2149 : memref<64x128xf32, #tpu.memory_space<hbm>>) dst(%dma_wait3A_2146 : memref<64x128xf32, #tpu.memory_space<vmem>>)
        %jit3A_2150 = arith.constant 11 : i32
        %eq3A_2151 = arith.constant 0 : i32
        %eq3A_2152 = arith.cmpi eq, %jit3A_2150, %eq3A_2151 : i32
        %jit3A_2153 = arith.constant 1 : i32
        %select_n3A_2154 = arith.select %eq3A_2152, %jit3A_2153, %jit3A_2150 : i32
        %rem3A_2155 = arith.remsi %sub3A_2096, %select_n3A_2154 : i32
        %ne3A_2156 = arith.constant 0 : i32
        %ne3A_2157 = arith.cmpi ne, %rem3A_2155, %ne3A_2156 : i32
        %lt3A_2158 = arith.constant 0 : i32
        %lt3A_2159 = arith.cmpi slt, %rem3A_2155, %lt3A_2158 : i32
        %lt3A_2160 = arith.constant 0 : i32
        %lt3A_2161 = arith.cmpi slt, %select_n3A_2154, %lt3A_2160 : i32
        %ne3A_2162 = arith.xori %lt3A_2159, %lt3A_2161 : i1
        %and3A_2163 = arith.andi %ne3A_2162, %ne3A_2157 : i1
        %add3A_2164 = arith.addi %rem3A_2155, %select_n3A_2154 : i32
        %select_n3A_2165 = arith.select %and3A_2163, %add3A_2164, %rem3A_2155 : i32
        %add3A_2166 = arith.constant 0 : i32
        %add3A_2167 = vector.broadcast %add3A_2166 : i32 to vector<16xi32>
        %add3A_2168 = arith.addi %iota3A, %add3A_2167 : vector<16xi32>
        %gather3A_2169 = arith.constant 0 : i32
        %gather3A_2170 = arith.constant 0 : i32
        %gather3A_2171 = tpu.memref_slice %arg7[%select_n3A_2165, %gather3A_2169, %gather3A_2170] : memref<11x64x128xf32, #tpu.memory_space<vmem>> -> memref<1x64x128xf32, #tpu.memory_space<vmem>>
        %gather3A_2172 = tpu.memref_squeeze %gather3A_2171 : memref<1x64x128xf32, #tpu.memory_space<vmem>> -> memref<64x128xf32, #tpu.memory_space<vmem>>
        %gather3A_2173 = tpu.vector_load_idx %gather3A_2172[%add3A_2168, %broadcast_in_dim3A_2101] : memref<64x128xf32, #tpu.memory_space<vmem>>[vector<16xi32>, vector<16xi32>], vector<16xf32>,
        %mul3A_2174 = arith.constant 64 : i32
        %mul3A_2175 = arith.muli %sub3A_2096, %mul3A_2174 : i32
        %add3A_2176 = arith.constant 0 : i32
        %add3A_2177 = arith.addi %mul3A_2175, %add3A_2176 : i32
        %swap3A_2178 = arith.index_cast %add3A_2177 : i32 to index
        %swap3A_2179 = tpu.vector_load %arg8[%swap3A_2178] {strides = array<i32>} : memref<32768xf32, #tpu.memory_space<vmem>>, vector<16xf32>,
        tpu.vector_store %arg8[%swap3A_2178], %gather3A_2173 {strides = array<i32>} : memref<32768xf32, #tpu.memory_space<vmem>>, vector<16xf32>,
        %jit3A_2180 = arith.constant 11 : i32
        %eq3A_2181 = arith.constant 0 : i32
        %eq3A_2182 = arith.cmpi eq, %jit3A_2180, %eq3A_2181 : i32
        %jit3A_2183 = arith.constant 1 : i32
        %select_n3A_2184 = arith.select %eq3A_2182, %jit3A_2183, %jit3A_2180 : i32
        %rem3A_2185 = arith.remsi %sub3A_2096, %select_n3A_2184 : i32
        %ne3A_2186 = arith.constant 0 : i32
        %ne3A_2187 = arith.cmpi ne, %rem3A_2185, %ne3A_2186 : i32
        %lt3A_2188 = arith.constant 0 : i32
        %lt3A_2189 = arith.cmpi slt, %rem3A_2185, %lt3A_2188 : i32
        %lt3A_2190 = arith.constant 0 : i32
        %lt3A_2191 = arith.cmpi slt, %select_n3A_2184, %lt3A_2190 : i32
        %ne3A_2192 = arith.xori %lt3A_2189, %lt3A_2191 : i1
        %and3A_2193 = arith.andi %ne3A_2192, %ne3A_2187 : i1
        %add3A_2194 = arith.addi %rem3A_2185, %select_n3A_2184 : i32
        %select_n3A_2195 = arith.select %and3A_2193, %add3A_2194, %rem3A_2185 : i32
        %add3A_2196 = arith.constant 16 : i32
        %add3A_2197 = vector.broadcast %add3A_2196 : i32 to vector<16xi32>
        %add3A_2198 = arith.addi %iota3A, %add3A_2197 : vector<16xi32>
        %gather3A_2199 = arith.constant 0 : i32
        %gather3A_2200 = arith.constant 0 : i32
        %gather3A_2201 = tpu.memref_slice %arg7[%select_n3A_2195, %gather3A_2199, %gather3A_2200] : memref<11x64x128xf32, #tpu.memory_space<vmem>> -> memref<1x64x128xf32, #tpu.memory_space<vmem>>
        %gather3A_2202 = tpu.memref_squeeze %gather3A_2201 : memref<1x64x128xf32, #tpu.memory_space<vmem>> -> memref<64x128xf32, #tpu.memory_space<vmem>>
        %gather3A_2203 = tpu.vector_load_idx %gather3A_2202[%add3A_2198, %broadcast_in_dim3A_2101] : memref<64x128xf32, #tpu.memory_space<vmem>>[vector<16xi32>, vector<16xi32>], vector<16xf32>,
        %mul3A_2204 = arith.constant 64 : i32
        %mul3A_2205 = arith.muli %sub3A_2096, %mul3A_2204 : i32
        %add3A_2206 = arith.constant 16 : i32
        %add3A_2207 = arith.addi %mul3A_2205, %add3A_2206 : i32
        %swap3A_2208 = arith.index_cast %add3A_2207 : i32 to index
        %swap3A_2209 = tpu.vector_load %arg8[%swap3A_2208] {strides = array<i32>} : memref<32768xf32, #tpu.memory_space<vmem>>, vector<16xf32>,
        tpu.vector_store %arg8[%swap3A_2208], %gather3A_2203 {strides = array<i32>} : memref<32768xf32, #tpu.memory_space<vmem>>, vector<16xf32>,
        %jit3A_2210 = arith.constant 11 : i32
        %eq3A_2211 = arith.constant 0 : i32
        %eq3A_2212 = arith.cmpi eq, %jit3A_2210, %eq3A_2211 : i32
        %jit3A_2213 = arith.constant 1 : i32
        %select_n3A_2214 = arith.select %eq3A_2212, %jit3A_2213, %jit3A_2210 : i32
        %rem3A_2215 = arith.remsi %sub3A_2096, %select_n3A_2214 : i32
        %ne3A_2216 = arith.constant 0 : i32
        %ne3A_2217 = arith.cmpi ne, %rem3A_2215, %ne3A_2216 : i32
        %lt3A_2218 = arith.constant 0 : i32
        %lt3A_2219 = arith.cmpi slt, %rem3A_2215, %lt3A_2218 : i32
        %lt3A_2220 = arith.constant 0 : i32
        %lt3A_2221 = arith.cmpi slt, %select_n3A_2214, %lt3A_2220 : i32
        %ne3A_2222 = arith.xori %lt3A_2219, %lt3A_2221 : i1
        %and3A_2223 = arith.andi %ne3A_2222, %ne3A_2217 : i1
        %add3A_2224 = arith.addi %rem3A_2215, %select_n3A_2214 : i32
        %select_n3A_2225 = arith.select %and3A_2223, %add3A_2224, %rem3A_2215 : i32
        %add3A_2226 = arith.constant 32 : i32
        %add3A_2227 = vector.broadcast %add3A_2226 : i32 to vector<16xi32>
        %add3A_2228 = arith.addi %iota3A, %add3A_2227 : vector<16xi32>
        %gather3A_2229 = arith.constant 0 : i32
        %gather3A_2230 = arith.constant 0 : i32
        %gather3A_2231 = tpu.memref_slice %arg7[%select_n3A_2225, %gather3A_2229, %gather3A_2230] : memref<11x64x128xf32, #tpu.memory_space<vmem>> -> memref<1x64x128xf32, #tpu.memory_space<vmem>>
        %gather3A_2232 = tpu.memref_squeeze %gather3A_2231 : memref<1x64x128xf32, #tpu.memory_space<vmem>> -> memref<64x128xf32, #tpu.memory_space<vmem>>
        %gather3A_2233 = tpu.vector_load_idx %gather3A_2232[%add3A_2228, %broadcast_in_dim3A_2101] : memref<64x128xf32, #tpu.memory_space<vmem>>[vector<16xi32>, vector<16xi32>], vector<16xf32>,
        %mul3A_2234 = arith.constant 64 : i32
        %mul3A_2235 = arith.muli %sub3A_2096, %mul3A_2234 : i32
        %add3A_2236 = arith.constant 32 : i32
        %add3A_2237 = arith.addi %mul3A_2235, %add3A_2236 : i32
        %swap3A_2238 = arith.index_cast %add3A_2237 : i32 to index
        %swap3A_2239 = tpu.vector_load %arg8[%swap3A_2238] {strides = array<i32>} : memref<32768xf32, #tpu.memory_space<vmem>>, vector<16xf32>,
        tpu.vector_store %arg8[%swap3A_2238], %gather3A_2233 {strides = array<i32>} : memref<32768xf32, #tpu.memory_space<vmem>>, vector<16xf32>,
        %jit3A_2240 = arith.constant 11 : i32
        %eq3A_2241 = arith.constant 0 : i32
        %eq3A_2242 = arith.cmpi eq, %jit3A_2240, %eq3A_2241 : i32
        %jit3A_2243 = arith.constant 1 : i32
        %select_n3A_2244 = arith.select %eq3A_2242, %jit3A_2243, %jit3A_2240 : i32
        %rem3A_2245 = arith.remsi %sub3A_2096, %select_n3A_2244 : i32
        %ne3A_2246 = arith.constant 0 : i32
        %ne3A_2247 = arith.cmpi ne, %rem3A_2245, %ne3A_2246 : i32
        %lt3A_2248 = arith.constant 0 : i32
        %lt3A_2249 = arith.cmpi slt, %rem3A_2245, %lt3A_2248 : i32
        %lt3A_2250 = arith.constant 0 : i32
        %lt3A_2251 = arith.cmpi slt, %select_n3A_2244, %lt3A_2250 : i32
        %ne3A_2252 = arith.xori %lt3A_2249, %lt3A_2251 : i1
        %and3A_2253 = arith.andi %ne3A_2252, %ne3A_2247 : i1
        %add3A_2254 = arith.addi %rem3A_2245, %select_n3A_2244 : i32
        %select_n3A_2255 = arith.select %and3A_2253, %add3A_2254, %rem3A_2245 : i32
        %add3A_2256 = arith.constant 48 : i32
        %add3A_2257 = vector.broadcast %add3A_2256 : i32 to vector<16xi32>
        %add3A_2258 = arith.addi %iota3A, %add3A_2257 : vector<16xi32>
        %gather3A_2259 = arith.constant 0 : i32
        %gather3A_2260 = arith.constant 0 : i32
        %gather3A_2261 = tpu.memref_slice %arg7[%select_n3A_2255, %gather3A_2259, %gather3A_2260] : memref<11x64x128xf32, #tpu.memory_space<vmem>> -> memref<1x64x128xf32, #tpu.memory_space<vmem>>
        %gather3A_2262 = tpu.memref_squeeze %gather3A_2261 : memref<1x64x128xf32, #tpu.memory_space<vmem>> -> memref<64x128xf32, #tpu.memory_space<vmem>>
        %gather3A_2263 = tpu.vector_load_idx %gather3A_2262[%add3A_2258, %broadcast_in_dim3A_2101] : memref<64x128xf32, #tpu.memory_space<vmem>>[vector<16xi32>, vector<16xi32>], vector<16xf32>,
        %mul3A_2264 = arith.constant 64 : i32
        %mul3A_2265 = arith.muli %sub3A_2096, %mul3A_2264 : i32
        %add3A_2266 = arith.constant 48 : i32
        %add3A_2267 = arith.addi %mul3A_2265, %add3A_2266 : i32
        %swap3A_2268 = arith.index_cast %add3A_2267 : i32 to index
        %swap3A_2269 = tpu.vector_load %arg8[%swap3A_2268] {strides = array<i32>} : memref<32768xf32, #tpu.memory_space<vmem>>, vector<16xf32>,
        tpu.vector_store %arg8[%swap3A_2268], %gather3A_2263 {strides = array<i32>} : memref<32768xf32, #tpu.memory_space<vmem>>, vector<16xf32>,
      } else {
      }
      %mul3A_705 = arith.constant 16 : i32
      %mul3A_706 = arith.muli %scan3A_674, %mul3A_705 : i32
      %add3A_707 = arith.constant 1 : i32
      %add3A_708 = arith.addi %mul3A_706, %add3A_707 : i32
      %slice3A_709 = vector.extract_strided_slice %get3A_678 {offsets = [1], sizes = [1], strides = [1]} : vector<16xi32> to vector<1xi32>
      %squeeze3A_710 = vector.extract %slice3A_709[0] : i32 from vector<1xi32>
      %shift_right_arithmetic3A_711 = arith.constant 7 : i32
      %shift_right_arithmetic3A_712 = arith.shrsi %squeeze3A_710, %shift_right_arithmetic3A_711 : i32
      %mul3A_713 = arith.constant 128 : i32
      %mul3A_714 = arith.muli %shift_right_arithmetic3A_712, %mul3A_713 : i32
      %lt3A_715 = arith.constant 999936 : i32
      %lt3A_716 = arith.cmpi slt, %squeeze3A_710, %lt3A_715 : i32
      %convert_element_type3A_717 = arith.extui %lt3A_716 : i1 to i32
      %cond3A_718 = arith.constant 0 : i32
      %cond3A_719 = arith.cmpi ne, %convert_element_type3A_717, %cond3A_718 : i32
      scf.if %cond3A_719 {
        %jit3A_2095 = arith.constant 11 : i32
        %eq3A_2096 = arith.constant 0 : i32
        %eq3A_2097 = arith.cmpi eq, %jit3A_2095, %eq3A_2096 : i32
        %jit3A_2098 = arith.constant 1 : i32
        %select_n3A_2099 = arith.select %eq3A_2097, %jit3A_2098, %jit3A_2095 : i32
        %rem3A_2100 = arith.remsi %add3A_708, %select_n3A_2099 : i32
        %ne3A_2101 = arith.constant 0 : i32
        %ne3A_2102 = arith.cmpi ne, %rem3A_2100, %ne3A_2101 : i32
        %lt3A_2103 = arith.constant 0 : i32
        %lt3A_2104 = arith.cmpi slt, %rem3A_2100, %lt3A_2103 : i32
        %lt3A_2105 = arith.constant 0 : i32
        %lt3A_2106 = arith.cmpi slt, %select_n3A_2099, %lt3A_2105 : i32
        %ne3A_2107 = arith.xori %lt3A_2104, %lt3A_2106 : i1
        %and3A_2108 = arith.andi %ne3A_2107, %ne3A_2102 : i1
        %add3A_2109 = arith.addi %rem3A_2100, %select_n3A_2099 : i32
        %select_n3A_2110 = arith.select %and3A_2108, %add3A_2109, %rem3A_2100 : i32
        %jit3A_2111 = arith.constant 11 : i32
        %eq3A_2112 = arith.constant 0 : i32
        %eq3A_2113 = arith.cmpi eq, %jit3A_2111, %eq3A_2112 : i32
        %jit3A_2114 = arith.constant 1 : i32
        %select_n3A_2115 = arith.select %eq3A_2113, %jit3A_2114, %jit3A_2111 : i32
        %rem3A_2116 = arith.remsi %add3A_708, %select_n3A_2115 : i32
        %ne3A_2117 = arith.constant 0 : i32
        %ne3A_2118 = arith.cmpi ne, %rem3A_2116, %ne3A_2117 : i32
        %lt3A_2119 = arith.constant 0 : i32
        %lt3A_2120 = arith.cmpi slt, %rem3A_2116, %lt3A_2119 : i32
        %lt3A_2121 = arith.constant 0 : i32
        %lt3A_2122 = arith.cmpi slt, %select_n3A_2115, %lt3A_2121 : i32
        %ne3A_2123 = arith.xori %lt3A_2120, %lt3A_2122 : i1
        %and3A_2124 = arith.andi %ne3A_2123, %ne3A_2118 : i1
        %add3A_2125 = arith.addi %rem3A_2116, %select_n3A_2115 : i32
        %select_n3A_2126 = arith.select %and3A_2124, %add3A_2125, %rem3A_2116 : i32
        %dma_start3A = arith.constant 0 : i32
        %dma_start3A_2127 = arith.constant 0 : i32
        %dma_start3A_2128 = tpu.memref_slice %arg7[%select_n3A_2110, %dma_start3A, %dma_start3A_2127] : memref<11x64x128xf32, #tpu.memory_space<vmem>> -> memref<1x64x128xf32, #tpu.memory_space<vmem>>
        %dma_start3A_2129 = tpu.memref_squeeze %dma_start3A_2128 : memref<1x64x128xf32, #tpu.memory_space<vmem>> -> memref<64x128xf32, #tpu.memory_space<vmem>>
        %dma_start3A_2130 = arith.constant 0 : i32
        %dma_start3A_2131 = tpu.memref_slice %arg2[%dma_start3A_2130, %mul3A_714] : memref<64x1000000xf32, #tpu.memory_space<hbm>> -> memref<64x128xf32, #tpu.memory_space<hbm>>
        %dma_start3A_2132 = tpu.memref_slice %arg9[%select_n3A_2126] : memref<11x!tpu.dma_semaphore, #tpu.memory_space<semaphore_mem>> -> memref<1x!tpu.dma_semaphore, #tpu.memory_space<semaphore_mem>>
        %dma_start3A_2133 = tpu.memref_squeeze %dma_start3A_2132 : memref<1x!tpu.dma_semaphore, #tpu.memory_space<semaphore_mem>> -> memref<!tpu.dma_semaphore, #tpu.memory_space<semaphore_mem>>
        %dma_start3A_2134 = arith.constant 0 : i32
        %dma_start3A_2135 = arith.constant 0 : i32
        %dma_start3A_2136 = tpu.memref_slice %arg7[%select_n3A_2110, %dma_start3A_2134, %dma_start3A_2135] : memref<11x64x128xf32, #tpu.memory_space<vmem>> -> memref<1x64x128xf32, #tpu.memory_space<vmem>>
        %dma_start3A_2137 = tpu.memref_squeeze %dma_start3A_2136 : memref<1x64x128xf32, #tpu.memory_space<vmem>> -> memref<64x128xf32, #tpu.memory_space<vmem>>
        %dma_start3A_2138 = arith.constant 0 : i32
        %dma_start3A_2139 = tpu.memref_slice %arg2[%dma_start3A_2138, %mul3A_714] : memref<64x1000000xf32, #tpu.memory_space<hbm>> -> memref<64x128xf32, #tpu.memory_space<hbm>>
        tpu.enqueue_dma source(%dma_start3A_2139 : memref<64x128xf32, #tpu.memory_space<hbm>>) target(%dma_start3A_2137 : memref<64x128xf32, #tpu.memory_space<vmem>>) target_semaphore(%dma_start3A_2133 : memref<!tpu.dma_semaphore, #tpu.memory_space<semaphore_mem>>)
      } else {
      }
      %ge3A_720 = arith.constant 999936 : i32
      %ge3A_721 = arith.cmpi sge, %squeeze3A_710, %ge3A_720 : i32
      %convert_element_type3A_722 = arith.extui %ge3A_721 : i1 to i32
      %cond3A_723 = arith.constant 0 : i32
      %cond3A_724 = arith.cmpi ne, %convert_element_type3A_722, %cond3A_723 : i32
      scf.if %cond3A_724 {
        %jit3A_2095 = arith.constant 11 : i32
        %eq3A_2096 = arith.constant 0 : i32
        %eq3A_2097 = arith.cmpi eq, %jit3A_2095, %eq3A_2096 : i32
        %jit3A_2098 = arith.constant 1 : i32
        %select_n3A_2099 = arith.select %eq3A_2097, %jit3A_2098, %jit3A_2095 : i32
        %rem3A_2100 = arith.remsi %add3A_708, %select_n3A_2099 : i32
        %ne3A_2101 = arith.constant 0 : i32
        %ne3A_2102 = arith.cmpi ne, %rem3A_2100, %ne3A_2101 : i32
        %lt3A_2103 = arith.constant 0 : i32
        %lt3A_2104 = arith.cmpi slt, %rem3A_2100, %lt3A_2103 : i32
        %lt3A_2105 = arith.constant 0 : i32
        %lt3A_2106 = arith.cmpi slt, %select_n3A_2099, %lt3A_2105 : i32
        %ne3A_2107 = arith.xori %lt3A_2104, %lt3A_2106 : i1
        %and3A_2108 = arith.andi %ne3A_2107, %ne3A_2102 : i1
        %add3A_2109 = arith.addi %rem3A_2100, %select_n3A_2099 : i32
        %select_n3A_2110 = arith.select %and3A_2108, %add3A_2109, %rem3A_2100 : i32
        %jit3A_2111 = arith.constant 11 : i32
        %eq3A_2112 = arith.constant 0 : i32
        %eq3A_2113 = arith.cmpi eq, %jit3A_2111, %eq3A_2112 : i32
        %jit3A_2114 = arith.constant 1 : i32
        %select_n3A_2115 = arith.select %eq3A_2113, %jit3A_2114, %jit3A_2111 : i32
        %rem3A_2116 = arith.remsi %add3A_708, %select_n3A_2115 : i32
        %ne3A_2117 = arith.constant 0 : i32
        %ne3A_2118 = arith.cmpi ne, %rem3A_2116, %ne3A_2117 : i32
        %lt3A_2119 = arith.constant 0 : i32
        %lt3A_2120 = arith.cmpi slt, %rem3A_2116, %lt3A_2119 : i32
        %lt3A_2121 = arith.constant 0 : i32
        %lt3A_2122 = arith.cmpi slt, %select_n3A_2115, %lt3A_2121 : i32
        %ne3A_2123 = arith.xori %lt3A_2120, %lt3A_2122 : i1
        %and3A_2124 = arith.andi %ne3A_2123, %ne3A_2118 : i1
        %add3A_2125 = arith.addi %rem3A_2116, %select_n3A_2115 : i32
        %select_n3A_2126 = arith.select %and3A_2124, %add3A_2125, %rem3A_2116 : i32
        %dma_start3A = arith.constant 0 : i32
        %dma_start3A_2127 = arith.constant 0 : i32
        %dma_start3A_2128 = tpu.memref_slice %arg7[%select_n3A_2110, %dma_start3A, %dma_start3A_2127] : memref<11x64x128xf32, #tpu.memory_space<vmem>> -> memref<1x64x128xf32, #tpu.memory_space<vmem>>
        %dma_start3A_2129 = tpu.memref_squeeze %dma_start3A_2128 : memref<1x64x128xf32, #tpu.memory_space<vmem>> -> memref<64x128xf32, #tpu.memory_space<vmem>>
        %dma_start3A_2130 = tpu.memref_slice %arg9[%select_n3A_2126] : memref<11x!tpu.dma_semaphore, #tpu.memory_space<semaphore_mem>> -> memref<1x!tpu.dma_semaphore, #tpu.memory_space<semaphore_mem>>
        %dma_start3A_2131 = tpu.memref_squeeze %dma_start3A_2130 : memref<1x!tpu.dma_semaphore, #tpu.memory_space<semaphore_mem>> -> memref<!tpu.dma_semaphore, #tpu.memory_space<semaphore_mem>>
        %dma_start3A_2132 = arith.constant 0 : i32
        %dma_start3A_2133 = arith.constant 0 : i32
        %dma_start3A_2134 = tpu.memref_slice %arg7[%select_n3A_2110, %dma_start3A_2132, %dma_start3A_2133] : memref<11x64x128xf32, #tpu.memory_space<vmem>> -> memref<1x64x128xf32, #tpu.memory_space<vmem>>
        %dma_start3A_2135 = tpu.memref_squeeze %dma_start3A_2134 : memref<1x64x128xf32, #tpu.memory_space<vmem>> -> memref<64x128xf32, #tpu.memory_space<vmem>>
        tpu.enqueue_dma source(%arg3 : memref<64x128xf32, #tpu.memory_space<hbm>>) target(%dma_start3A_2135 : memref<64x128xf32, #tpu.memory_space<vmem>>) target_semaphore(%dma_start3A_2131 : memref<!tpu.dma_semaphore, #tpu.memory_space<semaphore_mem>>)
      } else {
      }
      %ge3A_725 = arith.constant 1 : i32
      %ge3A_726 = arith.cmpi sge, %scan3A_674, %ge3A_725 : i32
      %convert_element_type3A_727 = arith.extui %ge3A_726 : i1 to i32
      %cond3A_728 = arith.constant 0 : i32
      %cond3A_729 = arith.cmpi ne, %convert_element_type3A_727, %cond3A_728 : i32
      scf.if %cond3A_729 {
        %sub3A_2095 = arith.constant 10 : i32
        %sub3A_2096 = arith.subi %add3A_708, %sub3A_2095 : i32
        %slice3A_2097 = vector.extract_strided_slice %get3A_684 {offsets = [7], sizes = [1], strides = [1]} : vector<16xi32> to vector<1xi32>
        %squeeze3A_2098 = vector.extract %slice3A_2097[0] : i32 from vector<1xi32>
        %and3A_2099 = arith.constant 127 : i32
        %and3A_2100 = arith.andi %squeeze3A_2098, %and3A_2099 : i32
        %broadcast_in_dim3A_2101 = vector.broadcast %and3A_2100 : i32 to vector<16xi32>
        %jit3A_2102 = arith.constant 11 : i32
        %eq3A_2103 = arith.constant 0 : i32
        %eq3A_2104 = arith.cmpi eq, %jit3A_2102, %eq3A_2103 : i32
        %jit3A_2105 = arith.constant 1 : i32
        %select_n3A_2106 = arith.select %eq3A_2104, %jit3A_2105, %jit3A_2102 : i32
        %rem3A_2107 = arith.remsi %sub3A_2096, %select_n3A_2106 : i32
        %ne3A_2108 = arith.constant 0 : i32
        %ne3A_2109 = arith.cmpi ne, %rem3A_2107, %ne3A_2108 : i32
        %lt3A_2110 = arith.constant 0 : i32
        %lt3A_2111 = arith.cmpi slt, %rem3A_2107, %lt3A_2110 : i32
        %lt3A_2112 = arith.constant 0 : i32
        %lt3A_2113 = arith.cmpi slt, %select_n3A_2106, %lt3A_2112 : i32
        %ne3A_2114 = arith.xori %lt3A_2111, %lt3A_2113 : i1
        %and3A_2115 = arith.andi %ne3A_2114, %ne3A_2109 : i1
        %add3A_2116 = arith.addi %rem3A_2107, %select_n3A_2106 : i32
        %select_n3A_2117 = arith.select %and3A_2115, %add3A_2116, %rem3A_2107 : i32
        %jit3A_2118 = arith.constant 11 : i32
        %eq3A_2119 = arith.constant 0 : i32
        %eq3A_2120 = arith.cmpi eq, %jit3A_2118, %eq3A_2119 : i32
        %jit3A_2121 = arith.constant 1 : i32
        %select_n3A_2122 = arith.select %eq3A_2120, %jit3A_2121, %jit3A_2118 : i32
        %rem3A_2123 = arith.remsi %sub3A_2096, %select_n3A_2122 : i32
        %ne3A_2124 = arith.constant 0 : i32
        %ne3A_2125 = arith.cmpi ne, %rem3A_2123, %ne3A_2124 : i32
        %lt3A_2126 = arith.constant 0 : i32
        %lt3A_2127 = arith.cmpi slt, %rem3A_2123, %lt3A_2126 : i32
        %lt3A_2128 = arith.constant 0 : i32
        %lt3A_2129 = arith.cmpi slt, %select_n3A_2122, %lt3A_2128 : i32
        %ne3A_2130 = arith.xori %lt3A_2127, %lt3A_2129 : i1
        %and3A_2131 = arith.andi %ne3A_2130, %ne3A_2125 : i1
        %add3A_2132 = arith.addi %rem3A_2123, %select_n3A_2122 : i32
        %select_n3A_2133 = arith.select %and3A_2131, %add3A_2132, %rem3A_2123 : i32
        %dma_wait3A_2134 = arith.constant 0 : i32
        %dma_wait3A_2135 = arith.constant 0 : i32
        %dma_wait3A_2136 = tpu.memref_slice %arg7[%select_n3A_2117, %dma_wait3A_2134, %dma_wait3A_2135] : memref<11x64x128xf32, #tpu.memory_space<vmem>> -> memref<1x64x128xf32, #tpu.memory_space<vmem>>
        %dma_wait3A_2137 = tpu.memref_squeeze %dma_wait3A_2136 : memref<1x64x128xf32, #tpu.memory_space<vmem>> -> memref<64x128xf32, #tpu.memory_space<vmem>>
        %dma_wait3A_2138 = arith.constant 0 : i32
        %dma_wait3A_2139 = arith.constant 0 : i32
        %dma_wait3A_2140 = tpu.memref_slice %arg2[%dma_wait3A_2138, %dma_wait3A_2139] : memref<64x1000000xf32, #tpu.memory_space<hbm>> -> memref<64x128xf32, #tpu.memory_space<hbm>>
        %dma_wait3A_2141 = tpu.memref_slice %arg9[%select_n3A_2133] : memref<11x!tpu.dma_semaphore, #tpu.memory_space<semaphore_mem>> -> memref<1x!tpu.dma_semaphore, #tpu.memory_space<semaphore_mem>>
        %dma_wait3A_2142 = tpu.memref_squeeze %dma_wait3A_2141 : memref<1x!tpu.dma_semaphore, #tpu.memory_space<semaphore_mem>> -> memref<!tpu.dma_semaphore, #tpu.memory_space<semaphore_mem>>
        %dma_wait3A_2143 = arith.constant 0 : i32
        %dma_wait3A_2144 = arith.constant 0 : i32
        %dma_wait3A_2145 = tpu.memref_slice %arg7[%select_n3A_2117, %dma_wait3A_2143, %dma_wait3A_2144] : memref<11x64x128xf32, #tpu.memory_space<vmem>> -> memref<1x64x128xf32, #tpu.memory_space<vmem>>
        %dma_wait3A_2146 = tpu.memref_squeeze %dma_wait3A_2145 : memref<1x64x128xf32, #tpu.memory_space<vmem>> -> memref<64x128xf32, #tpu.memory_space<vmem>>
        %dma_wait3A_2147 = arith.constant 0 : i32
        %dma_wait3A_2148 = arith.constant 0 : i32
        %dma_wait3A_2149 = tpu.memref_slice %arg2[%dma_wait3A_2147, %dma_wait3A_2148] : memref<64x1000000xf32, #tpu.memory_space<hbm>> -> memref<64x128xf32, #tpu.memory_space<hbm>>
        tpu.wait_dma2 semaphore(%dma_wait3A_2142 : memref<!tpu.dma_semaphore, #tpu.memory_space<semaphore_mem>>) src(%dma_wait3A_2149 : memref<64x128xf32, #tpu.memory_space<hbm>>) dst(%dma_wait3A_2146 : memref<64x128xf32, #tpu.memory_space<vmem>>)
        %jit3A_2150 = arith.constant 11 : i32
        %eq3A_2151 = arith.constant 0 : i32
        %eq3A_2152 = arith.cmpi eq, %jit3A_2150, %eq3A_2151 : i32
        %jit3A_2153 = arith.constant 1 : i32
        %select_n3A_2154 = arith.select %eq3A_2152, %jit3A_2153, %jit3A_2150 : i32
        %rem3A_2155 = arith.remsi %sub3A_2096, %select_n3A_2154 : i32
        %ne3A_2156 = arith.constant 0 : i32
        %ne3A_2157 = arith.cmpi ne, %rem3A_2155, %ne3A_2156 : i32
        %lt3A_2158 = arith.constant 0 : i32
        %lt3A_2159 = arith.cmpi slt, %rem3A_2155, %lt3A_2158 : i32
        %lt3A_2160 = arith.constant 0 : i32
        %lt3A_2161 = arith.cmpi slt, %select_n3A_2154, %lt3A_2160 : i32
        %ne3A_2162 = arith.xori %lt3A_2159, %lt3A_2161 : i1
        %and3A_2163 = arith.andi %ne3A_2162, %ne3A_2157 : i1
        %add3A_2164 = arith.addi %rem3A_2155, %select_n3A_2154 : i32
        %select_n3A_2165 = arith.select %and3A_2163, %add3A_2164, %rem3A_2155 : i32
        %add3A_2166 = arith.constant 0 : i32
        %add3A_2167 = vector.broadcast %add3A_2166 : i32 to vector<16xi32>
        %add3A_2168 = arith.addi %iota3A, %add3A_2167 : vector<16xi32>
        %gather3A_2169 = arith.constant 0 : i32
        %gather3A_2170 = arith.constant 0 : i32
        %gather3A_2171 = tpu.memref_slice %arg7[%select_n3A_2165, %gather3A_2169, %gather3A_2170] : memref<11x64x128xf32, #tpu.memory_space<vmem>> -> memref<1x64x128xf32, #tpu.memory_space<vmem>>
        %gather3A_2172 = tpu.memref_squeeze %gather3A_2171 : memref<1x64x128xf32, #tpu.memory_space<vmem>> -> memref<64x128xf32, #tpu.memory_space<vmem>>
        %gather3A_2173 = tpu.vector_load_idx %gather3A_2172[%add3A_2168, %broadcast_in_dim3A_2101] : memref<64x128xf32, #tpu.memory_space<vmem>>[vector<16xi32>, vector<16xi32>], vector<16xf32>,
        %mul3A_2174 = arith.constant 64 : i32
        %mul3A_2175 = arith.muli %sub3A_2096, %mul3A_2174 : i32
        %add3A_2176 = arith.constant 0 : i32
        %add3A_2177 = arith.addi %mul3A_2175, %add3A_2176 : i32
        %swap3A_2178 = arith.index_cast %add3A_2177 : i32 to index
        %swap3A_2179 = tpu.vector_load %arg8[%swap3A_2178] {strides = array<i32>} : memref<32768xf32, #tpu.memory_space<vmem>>, vector<16xf32>,
        tpu.vector_store %arg8[%swap3A_2178], %gather3A_2173 {strides = array<i32>} : memref<32768xf32, #tpu.memory_space<vmem>>, vector<16xf32>,
        %jit3A_2180 = arith.constant 11 : i32
        %eq3A_2181 = arith.constant 0 : i32
        %eq3A_2182 = arith.cmpi eq, %jit3A_2180, %eq3A_2181 : i32
        %jit3A_2183 = arith.constant 1 : i32
        %select_n3A_2184 = arith.select %eq3A_2182, %jit3A_2183, %jit3A_2180 : i32
        %rem3A_2185 = arith.remsi %sub3A_2096, %select_n3A_2184 : i32
        %ne3A_2186 = arith.constant 0 : i32
        %ne3A_2187 = arith.cmpi ne, %rem3A_2185, %ne3A_2186 : i32
        %lt3A_2188 = arith.constant 0 : i32
        %lt3A_2189 = arith.cmpi slt, %rem3A_2185, %lt3A_2188 : i32
        %lt3A_2190 = arith.constant 0 : i32
        %lt3A_2191 = arith.cmpi slt, %select_n3A_2184, %lt3A_2190 : i32
        %ne3A_2192 = arith.xori %lt3A_2189, %lt3A_2191 : i1
        %and3A_2193 = arith.andi %ne3A_2192, %ne3A_2187 : i1
        %add3A_2194 = arith.addi %rem3A_2185, %select_n3A_2184 : i32
        %select_n3A_2195 = arith.select %and3A_2193, %add3A_2194, %rem3A_2185 : i32
        %add3A_2196 = arith.constant 16 : i32
        %add3A_2197 = vector.broadcast %add3A_2196 : i32 to vector<16xi32>
        %add3A_2198 = arith.addi %iota3A, %add3A_2197 : vector<16xi32>
        %gather3A_2199 = arith.constant 0 : i32
        %gather3A_2200 = arith.constant 0 : i32
        %gather3A_2201 = tpu.memref_slice %arg7[%select_n3A_2195, %gather3A_2199, %gather3A_2200] : memref<11x64x128xf32, #tpu.memory_space<vmem>> -> memref<1x64x128xf32, #tpu.memory_space<vmem>>
        %gather3A_2202 = tpu.memref_squeeze %gather3A_2201 : memref<1x64x128xf32, #tpu.memory_space<vmem>> -> memref<64x128xf32, #tpu.memory_space<vmem>>
        %gather3A_2203 = tpu.vector_load_idx %gather3A_2202[%add3A_2198, %broadcast_in_dim3A_2101] : memref<64x128xf32, #tpu.memory_space<vmem>>[vector<16xi32>, vector<16xi32>], vector<16xf32>,
        %mul3A_2204 = arith.constant 64 : i32
        %mul3A_2205 = arith.muli %sub3A_2096, %mul3A_2204 : i32
        %add3A_2206 = arith.constant 16 : i32
        %add3A_2207 = arith.addi %mul3A_2205, %add3A_2206 : i32
        %swap3A_2208 = arith.index_cast %add3A_2207 : i32 to index
        %swap3A_2209 = tpu.vector_load %arg8[%swap3A_2208] {strides = array<i32>} : memref<32768xf32, #tpu.memory_space<vmem>>, vector<16xf32>,
        tpu.vector_store %arg8[%swap3A_2208], %gather3A_2203 {strides = array<i32>} : memref<32768xf32, #tpu.memory_space<vmem>>, vector<16xf32>,
        %jit3A_2210 = arith.constant 11 : i32
        %eq3A_2211 = arith.constant 0 : i32
        %eq3A_2212 = arith.cmpi eq, %jit3A_2210, %eq3A_2211 : i32
        %jit3A_2213 = arith.constant 1 : i32
        %select_n3A_2214 = arith.select %eq3A_2212, %jit3A_2213, %jit3A_2210 : i32
        %rem3A_2215 = arith.remsi %sub3A_2096, %select_n3A_2214 : i32
        %ne3A_2216 = arith.constant 0 : i32
        %ne3A_2217 = arith.cmpi ne, %rem3A_2215, %ne3A_2216 : i32
        %lt3A_2218 = arith.constant 0 : i32
        %lt3A_2219 = arith.cmpi slt, %rem3A_2215, %lt3A_2218 : i32
        %lt3A_2220 = arith.constant 0 : i32
        %lt3A_2221 = arith.cmpi slt, %select_n3A_2214, %lt3A_2220 : i32
        %ne3A_2222 = arith.xori %lt3A_2219, %lt3A_2221 : i1
        %and3A_2223 = arith.andi %ne3A_2222, %ne3A_2217 : i1
        %add3A_2224 = arith.addi %rem3A_2215, %select_n3A_2214 : i32
        %select_n3A_2225 = arith.select %and3A_2223, %add3A_2224, %rem3A_2215 : i32
        %add3A_2226 = arith.constant 32 : i32
        %add3A_2227 = vector.broadcast %add3A_2226 : i32 to vector<16xi32>
        %add3A_2228 = arith.addi %iota3A, %add3A_2227 : vector<16xi32>
        %gather3A_2229 = arith.constant 0 : i32
        %gather3A_2230 = arith.constant 0 : i32
        %gather3A_2231 = tpu.memref_slice %arg7[%select_n3A_2225, %gather3A_2229, %gather3A_2230] : memref<11x64x128xf32, #tpu.memory_space<vmem>> -> memref<1x64x128xf32, #tpu.memory_space<vmem>>
        %gather3A_2232 = tpu.memref_squeeze %gather3A_2231 : memref<1x64x128xf32, #tpu.memory_space<vmem>> -> memref<64x128xf32, #tpu.memory_space<vmem>>
        %gather3A_2233 = tpu.vector_load_idx %gather3A_2232[%add3A_2228, %broadcast_in_dim3A_2101] : memref<64x128xf32, #tpu.memory_space<vmem>>[vector<16xi32>, vector<16xi32>], vector<16xf32>,
        %mul3A_2234 = arith.constant 64 : i32
        %mul3A_2235 = arith.muli %sub3A_2096, %mul3A_2234 : i32
        %add3A_2236 = arith.constant 32 : i32
        %add3A_2237 = arith.addi %mul3A_2235, %add3A_2236 : i32
        %swap3A_2238 = arith.index_cast %add3A_2237 : i32 to index
        %swap3A_2239 = tpu.vector_load %arg8[%swap3A_2238] {strides = array<i32>} : memref<32768xf32, #tpu.memory_space<vmem>>, vector<16xf32>,
        tpu.vector_store %arg8[%swap3A_2238], %gather3A_2233 {strides = array<i32>} : memref<32768xf32, #tpu.memory_space<vmem>>, vector<16xf32>,
        %jit3A_2240 = arith.constant 11 : i32
        %eq3A_2241 = arith.constant 0 : i32
        %eq3A_2242 = arith.cmpi eq, %jit3A_2240, %eq3A_2241 : i32
        %jit3A_2243 = arith.constant 1 : i32
        %select_n3A_2244 = arith.select %eq3A_2242, %jit3A_2243, %jit3A_2240 : i32
        %rem3A_2245 = arith.remsi %sub3A_2096, %select_n3A_2244 : i32
        %ne3A_2246 = arith.constant 0 : i32
        %ne3A_2247 = arith.cmpi ne, %rem3A_2245, %ne3A_2246 : i32
        %lt3A_2248 = arith.constant 0 : i32
        %lt3A_2249 = arith.cmpi slt, %rem3A_2245, %lt3A_2248 : i32
        %lt3A_2250 = arith.constant 0 : i32
        %lt3A_2251 = arith.cmpi slt, %select_n3A_2244, %lt3A_2250 : i32
        %ne3A_2252 = arith.xori %lt3A_2249, %lt3A_2251 : i1
        %and3A_2253 = arith.andi %ne3A_2252, %ne3A_2247 : i1
        %add3A_2254 = arith.addi %rem3A_2245, %select_n3A_2244 : i32
        %select_n3A_2255 = arith.select %and3A_2253, %add3A_2254, %rem3A_2245 : i32
        %add3A_2256 = arith.constant 48 : i32
        %add3A_2257 = vector.broadcast %add3A_2256 : i32 to vector<16xi32>
        %add3A_2258 = arith.addi %iota3A, %add3A_2257 : vector<16xi32>
        %gather3A_2259 = arith.constant 0 : i32
        %gather3A_2260 = arith.constant 0 : i32
        %gather3A_2261 = tpu.memref_slice %arg7[%select_n3A_2255, %gather3A_2259, %gather3A_2260] : memref<11x64x128xf32, #tpu.memory_space<vmem>> -> memref<1x64x128xf32, #tpu.memory_space<vmem>>
        %gather3A_2262 = tpu.memref_squeeze %gather3A_2261 : memref<1x64x128xf32, #tpu.memory_space<vmem>> -> memref<64x128xf32, #tpu.memory_space<vmem>>
        %gather3A_2263 = tpu.vector_load_idx %gather3A_2262[%add3A_2258, %broadcast_in_dim3A_2101] : memref<64x128xf32, #tpu.memory_space<vmem>>[vector<16xi32>, vector<16xi32>], vector<16xf32>,
        %mul3A_2264 = arith.constant 64 : i32
        %mul3A_2265 = arith.muli %sub3A_2096, %mul3A_2264 : i32
        %add3A_2266 = arith.constant 48 : i32
        %add3A_2267 = arith.addi %mul3A_2265, %add3A_2266 : i32
        %swap3A_2268 = arith.index_cast %add3A_2267 : i32 to index
        %swap3A_2269 = tpu.vector_load %arg8[%swap3A_2268] {strides = array<i32>} : memref<32768xf32, #tpu.memory_space<vmem>>, vector<16xf32>,
        tpu.vector_store %arg8[%swap3A_2268], %gather3A_2263 {strides = array<i32>} : memref<32768xf32, #tpu.memory_space<vmem>>, vector<16xf32>,
      } else {
      }
      %mul3A_730 = arith.constant 16 : i32
      %mul3A_731 = arith.muli %scan3A_674, %mul3A_730 : i32
      %add3A_732 = arith.constant 2 : i32
      %add3A_733 = arith.addi %mul3A_731, %add3A_732 : i32
      %slice3A_734 = vector.extract_strided_slice %get3A_678 {offsets = [2], sizes = [1], strides = [1]} : vector<16xi32> to vector<1xi32>
      %squeeze3A_735 = vector.extract %slice3A_734[0] : i32 from vector<1xi32>
      %shift_right_arithmetic3A_736 = arith.constant 7 : i32
      %shift_right_arithmetic3A_737 = arith.shrsi %squeeze3A_735, %shift_right_arithmetic3A_736 : i32
      %mul3A_738 = arith.constant 128 : i32
      %mul3A_739 = arith.muli %shift_right_arithmetic3A_737, %mul3A_738 : i32
      %lt3A_740 = arith.constant 999936 : i32
      %lt3A_741 = arith.cmpi slt, %squeeze3A_735, %lt3A_740 : i32
      %convert_element_type3A_742 = arith.extui %lt3A_741 : i1 to i32
      %cond3A_743 = arith.constant 0 : i32
      %cond3A_744 = arith.cmpi ne, %convert_element_type3A_742, %cond3A_743 : i32
      scf.if %cond3A_744 {
        %jit3A_2095 = arith.constant 11 : i32
        %eq3A_2096 = arith.constant 0 : i32
        %eq3A_2097 = arith.cmpi eq, %jit3A_2095, %eq3A_2096 : i32
        %jit3A_2098 = arith.constant 1 : i32
        %select_n3A_2099 = arith.select %eq3A_2097, %jit3A_2098, %jit3A_2095 : i32
        %rem3A_2100 = arith.remsi %add3A_733, %select_n3A_2099 : i32
        %ne3A_2101 = arith.constant 0 : i32
        %ne3A_2102 = arith.cmpi ne, %rem3A_2100, %ne3A_2101 : i32
        %lt3A_2103 = arith.constant 0 : i32
        %lt3A_2104 = arith.cmpi slt, %rem3A_2100, %lt3A_2103 : i32
        %lt3A_2105 = arith.constant 0 : i32
        %lt3A_2106 = arith.cmpi slt, %select_n3A_2099, %lt3A_2105 : i32
        %ne3A_2107 = arith.xori %lt3A_2104, %lt3A_2106 : i1
        %and3A_2108 = arith.andi %ne3A_2107, %ne3A_2102 : i1
        %add3A_2109 = arith.addi %rem3A_2100, %select_n3A_2099 : i32
        %select_n3A_2110 = arith.select %and3A_2108, %add3A_2109, %rem3A_2100 : i32
        %jit3A_2111 = arith.constant 11 : i32
        %eq3A_2112 = arith.constant 0 : i32
        %eq3A_2113 = arith.cmpi eq, %jit3A_2111, %eq3A_2112 : i32
        %jit3A_2114 = arith.constant 1 : i32
        %select_n3A_2115 = arith.select %eq3A_2113, %jit3A_2114, %jit3A_2111 : i32
        %rem3A_2116 = arith.remsi %add3A_733, %select_n3A_2115 : i32
        %ne3A_2117 = arith.constant 0 : i32
        %ne3A_2118 = arith.cmpi ne, %rem3A_2116, %ne3A_2117 : i32
        %lt3A_2119 = arith.constant 0 : i32
        %lt3A_2120 = arith.cmpi slt, %rem3A_2116, %lt3A_2119 : i32
        %lt3A_2121 = arith.constant 0 : i32
        %lt3A_2122 = arith.cmpi slt, %select_n3A_2115, %lt3A_2121 : i32
        %ne3A_2123 = arith.xori %lt3A_2120, %lt3A_2122 : i1
        %and3A_2124 = arith.andi %ne3A_2123, %ne3A_2118 : i1
        %add3A_2125 = arith.addi %rem3A_2116, %select_n3A_2115 : i32
        %select_n3A_2126 = arith.select %and3A_2124, %add3A_2125, %rem3A_2116 : i32
        %dma_start3A = arith.constant 0 : i32
        %dma_start3A_2127 = arith.constant 0 : i32
        %dma_start3A_2128 = tpu.memref_slice %arg7[%select_n3A_2110, %dma_start3A, %dma_start3A_2127] : memref<11x64x128xf32, #tpu.memory_space<vmem>> -> memref<1x64x128xf32, #tpu.memory_space<vmem>>
        %dma_start3A_2129 = tpu.memref_squeeze %dma_start3A_2128 : memref<1x64x128xf32, #tpu.memory_space<vmem>> -> memref<64x128xf32, #tpu.memory_space<vmem>>
        %dma_start3A_2130 = arith.constant 0 : i32
        %dma_start3A_2131 = tpu.memref_slice %arg2[%dma_start3A_2130, %mul3A_739] : memref<64x1000000xf32, #tpu.memory_space<hbm>> -> memref<64x128xf32, #tpu.memory_space<hbm>>
        %dma_start3A_2132 = tpu.memref_slice %arg9[%select_n3A_2126] : memref<11x!tpu.dma_semaphore, #tpu.memory_space<semaphore_mem>> -> memref<1x!tpu.dma_semaphore, #tpu.memory_space<semaphore_mem>>
        %dma_start3A_2133 = tpu.memref_squeeze %dma_start3A_2132 : memref<1x!tpu.dma_semaphore, #tpu.memory_space<semaphore_mem>> -> memref<!tpu.dma_semaphore, #tpu.memory_space<semaphore_mem>>
        %dma_start3A_2134 = arith.constant 0 : i32
        %dma_start3A_2135 = arith.constant 0 : i32
        %dma_start3A_2136 = tpu.memref_slice %arg7[%select_n3A_2110, %dma_start3A_2134, %dma_start3A_2135] : memref<11x64x128xf32, #tpu.memory_space<vmem>> -> memref<1x64x128xf32, #tpu.memory_space<vmem>>
        %dma_start3A_2137 = tpu.memref_squeeze %dma_start3A_2136 : memref<1x64x128xf32, #tpu.memory_space<vmem>> -> memref<64x128xf32, #tpu.memory_space<vmem>>
        %dma_start3A_2138 = arith.constant 0 : i32
        %dma_start3A_2139 = tpu.memref_slice %arg2[%dma_start3A_2138, %mul3A_739] : memref<64x1000000xf32, #tpu.memory_space<hbm>> -> memref<64x128xf32, #tpu.memory_space<hbm>>
        tpu.enqueue_dma source(%dma_start3A_2139 : memref<64x128xf32, #tpu.memory_space<hbm>>) target(%dma_start3A_2137 : memref<64x128xf32, #tpu.memory_space<vmem>>) target_semaphore(%dma_start3A_2133 : memref<!tpu.dma_semaphore, #tpu.memory_space<semaphore_mem>>)
      } else {
      }
      %ge3A_745 = arith.constant 999936 : i32
      %ge3A_746 = arith.cmpi sge, %squeeze3A_735, %ge3A_745 : i32
      %convert_element_type3A_747 = arith.extui %ge3A_746 : i1 to i32
      %cond3A_748 = arith.constant 0 : i32
      %cond3A_749 = arith.cmpi ne, %convert_element_type3A_747, %cond3A_748 : i32
      scf.if %cond3A_749 {
        %jit3A_2095 = arith.constant 11 : i32
        %eq3A_2096 = arith.constant 0 : i32
        %eq3A_2097 = arith.cmpi eq, %jit3A_2095, %eq3A_2096 : i32
        %jit3A_2098 = arith.constant 1 : i32
        %select_n3A_2099 = arith.select %eq3A_2097, %jit3A_2098, %jit3A_2095 : i32
        %rem3A_2100 = arith.remsi %add3A_733, %select_n3A_2099 : i32
        %ne3A_2101 = arith.constant 0 : i32
        %ne3A_2102 = arith.cmpi ne, %rem3A_2100, %ne3A_2101 : i32
        %lt3A_2103 = arith.constant 0 : i32
        %lt3A_2104 = arith.cmpi slt, %rem3A_2100, %lt3A_2103 : i32
        %lt3A_2105 = arith.constant 0 : i32
        %lt3A_2106 = arith.cmpi slt, %select_n3A_2099, %lt3A_2105 : i32
        %ne3A_2107 = arith.xori %lt3A_2104, %lt3A_2106 : i1
        %and3A_2108 = arith.andi %ne3A_2107, %ne3A_2102 : i1
        %add3A_2109 = arith.addi %rem3A_2100, %select_n3A_2099 : i32
        %select_n3A_2110 = arith.select %and3A_2108, %add3A_2109, %rem3A_2100 : i32
        %jit3A_2111 = arith.constant 11 : i32
        %eq3A_2112 = arith.constant 0 : i32
        %eq3A_2113 = arith.cmpi eq, %jit3A_2111, %eq3A_2112 : i32
        %jit3A_2114 = arith.constant 1 : i32
        %select_n3A_2115 = arith.select %eq3A_2113, %jit3A_2114, %jit3A_2111 : i32
        %rem3A_2116 = arith.remsi %add3A_733, %select_n3A_2115 : i32
        %ne3A_2117 = arith.constant 0 : i32
        %ne3A_2118 = arith.cmpi ne, %rem3A_2116, %ne3A_2117 : i32
        %lt3A_2119 = arith.constant 0 : i32
        %lt3A_2120 = arith.cmpi slt, %rem3A_2116, %lt3A_2119 : i32
        %lt3A_2121 = arith.constant 0 : i32
        %lt3A_2122 = arith.cmpi slt, %select_n3A_2115, %lt3A_2121 : i32
        %ne3A_2123 = arith.xori %lt3A_2120, %lt3A_2122 : i1
        %and3A_2124 = arith.andi %ne3A_2123, %ne3A_2118 : i1
        %add3A_2125 = arith.addi %rem3A_2116, %select_n3A_2115 : i32
        %select_n3A_2126 = arith.select %and3A_2124, %add3A_2125, %rem3A_2116 : i32
        %dma_start3A = arith.constant 0 : i32
        %dma_start3A_2127 = arith.constant 0 : i32
        %dma_start3A_2128 = tpu.memref_slice %arg7[%select_n3A_2110, %dma_start3A, %dma_start3A_2127] : memref<11x64x128xf32, #tpu.memory_space<vmem>> -> memref<1x64x128xf32, #tpu.memory_space<vmem>>
        %dma_start3A_2129 = tpu.memref_squeeze %dma_start3A_2128 : memref<1x64x128xf32, #tpu.memory_space<vmem>> -> memref<64x128xf32, #tpu.memory_space<vmem>>
        %dma_start3A_2130 = tpu.memref_slice %arg9[%select_n3A_2126] : memref<11x!tpu.dma_semaphore, #tpu.memory_space<semaphore_mem>> -> memref<1x!tpu.dma_semaphore, #tpu.memory_space<semaphore_mem>>
        %dma_start3A_2131 = tpu.memref_squeeze %dma_start3A_2130 : memref<1x!tpu.dma_semaphore, #tpu.memory_space<semaphore_mem>> -> memref<!tpu.dma_semaphore, #tpu.memory_space<semaphore_mem>>
        %dma_start3A_2132 = arith.constant 0 : i32
        %dma_start3A_2133 = arith.constant 0 : i32
        %dma_start3A_2134 = tpu.memref_slice %arg7[%select_n3A_2110, %dma_start3A_2132, %dma_start3A_2133] : memref<11x64x128xf32, #tpu.memory_space<vmem>> -> memref<1x64x128xf32, #tpu.memory_space<vmem>>
        %dma_start3A_2135 = tpu.memref_squeeze %dma_start3A_2134 : memref<1x64x128xf32, #tpu.memory_space<vmem>> -> memref<64x128xf32, #tpu.memory_space<vmem>>
        tpu.enqueue_dma source(%arg3 : memref<64x128xf32, #tpu.memory_space<hbm>>) target(%dma_start3A_2135 : memref<64x128xf32, #tpu.memory_space<vmem>>) target_semaphore(%dma_start3A_2131 : memref<!tpu.dma_semaphore, #tpu.memory_space<semaphore_mem>>)
      } else {
      }
      %ge3A_750 = arith.constant 1 : i32
      %ge3A_751 = arith.cmpi sge, %scan3A_674, %ge3A_750 : i32
      %convert_element_type3A_752 = arith.extui %ge3A_751 : i1 to i32
      %cond3A_753 = arith.constant 0 : i32
      %cond3A_754 = arith.cmpi ne, %convert_element_type3A_752, %cond3A_753 : i32
      scf.if %cond3A_754 {
        %sub3A_2095 = arith.constant 10 : i32
        %sub3A_2096 = arith.subi %add3A_733, %sub3A_2095 : i32
        %slice3A_2097 = vector.extract_strided_slice %get3A_684 {offsets = [8], sizes = [1], strides = [1]} : vector<16xi32> to vector<1xi32>
        %squeeze3A_2098 = vector.extract %slice3A_2097[0] : i32 from vector<1xi32>
        %and3A_2099 = arith.constant 127 : i32
        %and3A_2100 = arith.andi %squeeze3A_2098, %and3A_2099 : i32
        %broadcast_in_dim3A_2101 = vector.broadcast %and3A_2100 : i32 to vector<16xi32>
        %jit3A_2102 = arith.constant 11 : i32
        %eq3A_2103 = arith.constant 0 : i32
        %eq3A_2104 = arith.cmpi eq, %jit3A_2102, %eq3A_2103 : i32
        %jit3A_2105 = arith.constant 1 : i32
        %select_n3A_2106 = arith.select %eq3A_2104, %jit3A_2105, %jit3A_2102 : i32
        %rem3A_2107 = arith.remsi %sub3A_2096, %select_n3A_2106 : i32
        %ne3A_2108 = arith.constant 0 : i32
        %ne3A_2109 = arith.cmpi ne, %rem3A_2107, %ne3A_2108 : i32
        %lt3A_2110 = arith.constant 0 : i32
        %lt3A_2111 = arith.cmpi slt, %rem3A_2107, %lt3A_2110 : i32
        %lt3A_2112 = arith.constant 0 : i32
        %lt3A_2113 = arith.cmpi slt, %select_n3A_2106, %lt3A_2112 : i32
        %ne3A_2114 = arith.xori %lt3A_2111, %lt3A_2113 : i1
        %and3A_2115 = arith.andi %ne3A_2114, %ne3A_2109 : i1
        %add3A_2116 = arith.addi %rem3A_2107, %select_n3A_2106 : i32
        %select_n3A_2117 = arith.select %and3A_2115, %add3A_2116, %rem3A_2107 : i32
        %jit3A_2118 = arith.constant 11 : i32
        %eq3A_2119 = arith.constant 0 : i32
        %eq3A_2120 = arith.cmpi eq, %jit3A_2118, %eq3A_2119 : i32
        %jit3A_2121 = arith.constant 1 : i32
        %select_n3A_2122 = arith.select %eq3A_2120, %jit3A_2121, %jit3A_2118 : i32
        %rem3A_2123 = arith.remsi %sub3A_2096, %select_n3A_2122 : i32
        %ne3A_2124 = arith.constant 0 : i32
        %ne3A_2125 = arith.cmpi ne, %rem3A_2123, %ne3A_2124 : i32
        %lt3A_2126 = arith.constant 0 : i32
        %lt3A_2127 = arith.cmpi slt, %rem3A_2123, %lt3A_2126 : i32
        %lt3A_2128 = arith.constant 0 : i32
        %lt3A_2129 = arith.cmpi slt, %select_n3A_2122, %lt3A_2128 : i32
        %ne3A_2130 = arith.xori %lt3A_2127, %lt3A_2129 : i1
        %and3A_2131 = arith.andi %ne3A_2130, %ne3A_2125 : i1
        %add3A_2132 = arith.addi %rem3A_2123, %select_n3A_2122 : i32
        %select_n3A_2133 = arith.select %and3A_2131, %add3A_2132, %rem3A_2123 : i32
        %dma_wait3A_2134 = arith.constant 0 : i32
        %dma_wait3A_2135 = arith.constant 0 : i32
        %dma_wait3A_2136 = tpu.memref_slice %arg7[%select_n3A_2117, %dma_wait3A_2134, %dma_wait3A_2135] : memref<11x64x128xf32, #tpu.memory_space<vmem>> -> memref<1x64x128xf32, #tpu.memory_space<vmem>>
        %dma_wait3A_2137 = tpu.memref_squeeze %dma_wait3A_2136 : memref<1x64x128xf32, #tpu.memory_space<vmem>> -> memref<64x128xf32, #tpu.memory_space<vmem>>
        %dma_wait3A_2138 = arith.constant 0 : i32
        %dma_wait3A_2139 = arith.constant 0 : i32
        %dma_wait3A_2140 = tpu.memref_slice %arg2[%dma_wait3A_2138, %dma_wait3A_2139] : memref<64x1000000xf32, #tpu.memory_space<hbm>> -> memref<64x128xf32, #tpu.memory_space<hbm>>
        %dma_wait3A_2141 = tpu.memref_slice %arg9[%select_n3A_2133] : memref<11x!tpu.dma_semaphore, #tpu.memory_space<semaphore_mem>> -> memref<1x!tpu.dma_semaphore, #tpu.memory_space<semaphore_mem>>
        %dma_wait3A_2142 = tpu.memref_squeeze %dma_wait3A_2141 : memref<1x!tpu.dma_semaphore, #tpu.memory_space<semaphore_mem>> -> memref<!tpu.dma_semaphore, #tpu.memory_space<semaphore_mem>>
        %dma_wait3A_2143 = arith.constant 0 : i32
        %dma_wait3A_2144 = arith.constant 0 : i32
        %dma_wait3A_2145 = tpu.memref_slice %arg7[%select_n3A_2117, %dma_wait3A_2143, %dma_wait3A_2144] : memref<11x64x128xf32, #tpu.memory_space<vmem>> -> memref<1x64x128xf32, #tpu.memory_space<vmem>>
        %dma_wait3A_2146 = tpu.memref_squeeze %dma_wait3A_2145 : memref<1x64x128xf32, #tpu.memory_space<vmem>> -> memref<64x128xf32, #tpu.memory_space<vmem>>
        %dma_wait3A_2147 = arith.constant 0 : i32
        %dma_wait3A_2148 = arith.constant 0 : i32
        %dma_wait3A_2149 = tpu.memref_slice %arg2[%dma_wait3A_2147, %dma_wait3A_2148] : memref<64x1000000xf32, #tpu.memory_space<hbm>> -> memref<64x128xf32, #tpu.memory_space<hbm>>
        tpu.wait_dma2 semaphore(%dma_wait3A_2142 : memref<!tpu.dma_semaphore, #tpu.memory_space<semaphore_mem>>) src(%dma_wait3A_2149 : memref<64x128xf32, #tpu.memory_space<hbm>>) dst(%dma_wait3A_2146 : memref<64x128xf32, #tpu.memory_space<vmem>>)
        %jit3A_2150 = arith.constant 11 : i32
        %eq3A_2151 = arith.constant 0 : i32
        %eq3A_2152 = arith.cmpi eq, %jit3A_2150, %eq3A_2151 : i32
        %jit3A_2153 = arith.constant 1 : i32
        %select_n3A_2154 = arith.select %eq3A_2152, %jit3A_2153, %jit3A_2150 : i32
        %rem3A_2155 = arith.remsi %sub3A_2096, %select_n3A_2154 : i32
        %ne3A_2156 = arith.constant 0 : i32
        %ne3A_2157 = arith.cmpi ne, %rem3A_2155, %ne3A_2156 : i32
        %lt3A_2158 = arith.constant 0 : i32
        %lt3A_2159 = arith.cmpi slt, %rem3A_2155, %lt3A_2158 : i32
        %lt3A_2160 = arith.constant 0 : i32
        %lt3A_2161 = arith.cmpi slt, %select_n3A_2154, %lt3A_2160 : i32
        %ne3A_2162 = arith.xori %lt3A_2159, %lt3A_2161 : i1
        %and3A_2163 = arith.andi %ne3A_2162, %ne3A_2157 : i1
        %add3A_2164 = arith.addi %rem3A_2155, %select_n3A_2154 : i32
        %select_n3A_2165 = arith.select %and3A_2163, %add3A_2164, %rem3A_2155 : i32
        %add3A_2166 = arith.constant 0 : i32
        %add3A_2167 = vector.broadcast %add3A_2166 : i32 to vector<16xi32>
        %add3A_2168 = arith.addi %iota3A, %add3A_2167 : vector<16xi32>
        %gather3A_2169 = arith.constant 0 : i32
        %gather3A_2170 = arith.constant 0 : i32
        %gather3A_2171 = tpu.memref_slice %arg7[%select_n3A_2165, %gather3A_2169, %gather3A_2170] : memref<11x64x128xf32, #tpu.memory_space<vmem>> -> memref<1x64x128xf32, #tpu.memory_space<vmem>>
        %gather3A_2172 = tpu.memref_squeeze %gather3A_2171 : memref<1x64x128xf32, #tpu.memory_space<vmem>> -> memref<64x128xf32, #tpu.memory_space<vmem>>
        %gather3A_2173 = tpu.vector_load_idx %gather3A_2172[%add3A_2168, %broadcast_in_dim3A_2101] : memref<64x128xf32, #tpu.memory_space<vmem>>[vector<16xi32>, vector<16xi32>], vector<16xf32>,
        %mul3A_2174 = arith.constant 64 : i32
        %mul3A_2175 = arith.muli %sub3A_2096, %mul3A_2174 : i32
        %add3A_2176 = arith.constant 0 : i32
        %add3A_2177 = arith.addi %mul3A_2175, %add3A_2176 : i32
        %swap3A_2178 = arith.index_cast %add3A_2177 : i32 to index
        %swap3A_2179 = tpu.vector_load %arg8[%swap3A_2178] {strides = array<i32>} : memref<32768xf32, #tpu.memory_space<vmem>>, vector<16xf32>,
        tpu.vector_store %arg8[%swap3A_2178], %gather3A_2173 {strides = array<i32>} : memref<32768xf32, #tpu.memory_space<vmem>>, vector<16xf32>,
        %jit3A_2180 = arith.constant 11 : i32
        %eq3A_2181 = arith.constant 0 : i32
        %eq3A_2182 = arith.cmpi eq, %jit3A_2180, %eq3A_2181 : i32
        %jit3A_2183 = arith.constant 1 : i32
        %select_n3A_2184 = arith.select %eq3A_2182, %jit3A_2183, %jit3A_2180 : i32
        %rem3A_2185 = arith.remsi %sub3A_2096, %select_n3A_2184 : i32
        %ne3A_2186 = arith.constant 0 : i32
        %ne3A_2187 = arith.cmpi ne, %rem3A_2185, %ne3A_2186 : i32
        %lt3A_2188 = arith.constant 0 : i32
        %lt3A_2189 = arith.cmpi slt, %rem3A_2185, %lt3A_2188 : i32
        %lt3A_2190 = arith.constant 0 : i32
        %lt3A_2191 = arith.cmpi slt, %select_n3A_2184, %lt3A_2190 : i32
        %ne3A_2192 = arith.xori %lt3A_2189, %lt3A_2191 : i1
        %and3A_2193 = arith.andi %ne3A_2192, %ne3A_2187 : i1
        %add3A_2194 = arith.addi %rem3A_2185, %select_n3A_2184 : i32
        %select_n3A_2195 = arith.select %and3A_2193, %add3A_2194, %rem3A_2185 : i32
        %add3A_2196 = arith.constant 16 : i32
        %add3A_2197 = vector.broadcast %add3A_2196 : i32 to vector<16xi32>
        %add3A_2198 = arith.addi %iota3A, %add3A_2197 : vector<16xi32>
        %gather3A_2199 = arith.constant 0 : i32
        %gather3A_2200 = arith.constant 0 : i32
        %gather3A_2201 = tpu.memref_slice %arg7[%select_n3A_2195, %gather3A_2199, %gather3A_2200] : memref<11x64x128xf32, #tpu.memory_space<vmem>> -> memref<1x64x128xf32, #tpu.memory_space<vmem>>
        %gather3A_2202 = tpu.memref_squeeze %gather3A_2201 : memref<1x64x128xf32, #tpu.memory_space<vmem>> -> memref<64x128xf32, #tpu.memory_space<vmem>>
        %gather3A_2203 = tpu.vector_load_idx %gather3A_2202[%add3A_2198, %broadcast_in_dim3A_2101] : memref<64x128xf32, #tpu.memory_space<vmem>>[vector<16xi32>, vector<16xi32>], vector<16xf32>,
        %mul3A_2204 = arith.constant 64 : i32
        %mul3A_2205 = arith.muli %sub3A_2096, %mul3A_2204 : i32
        %add3A_2206 = arith.constant 16 : i32
        %add3A_2207 = arith.addi %mul3A_2205, %add3A_2206 : i32
        %swap3A_2208 = arith.index_cast %add3A_2207 : i32 to index
        %swap3A_2209 = tpu.vector_load %arg8[%swap3A_2208] {strides = array<i32>} : memref<32768xf32, #tpu.memory_space<vmem>>, vector<16xf32>,
        tpu.vector_store %arg8[%swap3A_2208], %gather3A_2203 {strides = array<i32>} : memref<32768xf32, #tpu.memory_space<vmem>>, vector<16xf32>,
        %jit3A_2210 = arith.constant 11 : i32
        %eq3A_2211 = arith.constant 0 : i32
        %eq3A_2212 = arith.cmpi eq, %jit3A_2210, %eq3A_2211 : i32
        %jit3A_2213 = arith.constant 1 : i32
        %select_n3A_2214 = arith.select %eq3A_2212, %jit3A_2213, %jit3A_2210 : i32
        %rem3A_2215 = arith.remsi %sub3A_2096, %select_n3A_2214 : i32
        %ne3A_2216 = arith.constant 0 : i32
        %ne3A_2217 = arith.cmpi ne, %rem3A_2215, %ne3A_2216 : i32
        %lt3A_2218 = arith.constant 0 : i32
        %lt3A_2219 = arith.cmpi slt, %rem3A_2215, %lt3A_2218 : i32
        %lt3A_2220 = arith.constant 0 : i32
        %lt3A_2221 = arith.cmpi slt, %select_n3A_2214, %lt3A_2220 : i32
        %ne3A_2222 = arith.xori %lt3A_2219, %lt3A_2221 : i1
        %and3A_2223 = arith.andi %ne3A_2222, %ne3A_2217 : i1
        %add3A_2224 = arith.addi %rem3A_2215, %select_n3A_2214 : i32
        %select_n3A_2225 = arith.select %and3A_2223, %add3A_2224, %rem3A_2215 : i32
        %add3A_2226 = arith.constant 32 : i32
        %add3A_2227 = vector.broadcast %add3A_2226 : i32 to vector<16xi32>
        %add3A_2228 = arith.addi %iota3A, %add3A_2227 : vector<16xi32>
        %gather3A_2229 = arith.constant 0 : i32
        %gather3A_2230 = arith.constant 0 : i32
        %gather3A_2231 = tpu.memref_slice %arg7[%select_n3A_2225, %gather3A_2229, %gather3A_2230] : memref<11x64x128xf32, #tpu.memory_space<vmem>> -> memref<1x64x128xf32, #tpu.memory_space<vmem>>
        %gather3A_2232 = tpu.memref_squeeze %gather3A_2231 : memref<1x64x128xf32, #tpu.memory_space<vmem>> -> memref<64x128xf32, #tpu.memory_space<vmem>>
        %gather3A_2233 = tpu.vector_load_idx %gather3A_2232[%add3A_2228, %broadcast_in_dim3A_2101] : memref<64x128xf32, #tpu.memory_space<vmem>>[vector<16xi32>, vector<16xi32>], vector<16xf32>,
        %mul3A_2234 = arith.constant 64 : i32
        %mul3A_2235 = arith.muli %sub3A_2096, %mul3A_2234 : i32
        %add3A_2236 = arith.constant 32 : i32
        %add3A_2237 = arith.addi %mul3A_2235, %add3A_2236 : i32
        %swap3A_2238 = arith.index_cast %add3A_2237 : i32 to index
        %swap3A_2239 = tpu.vector_load %arg8[%swap3A_2238] {strides = array<i32>} : memref<32768xf32, #tpu.memory_space<vmem>>, vector<16xf32>,
        tpu.vector_store %arg8[%swap3A_2238], %gather3A_2233 {strides = array<i32>} : memref<32768xf32, #tpu.memory_space<vmem>>, vector<16xf32>,
        %jit3A_2240 = arith.constant 11 : i32
        %eq3A_2241 = arith.constant 0 : i32
        %eq3A_2242 = arith.cmpi eq, %jit3A_2240, %eq3A_2241 : i32
        %jit3A_2243 = arith.constant 1 : i32
        %select_n3A_2244 = arith.select %eq3A_2242, %jit3A_2243, %jit3A_2240 : i32
        %rem3A_2245 = arith.remsi %sub3A_2096, %select_n3A_2244 : i32
        %ne3A_2246 = arith.constant 0 : i32
        %ne3A_2247 = arith.cmpi ne, %rem3A_2245, %ne3A_2246 : i32
        %lt3A_2248 = arith.constant 0 : i32
        %lt3A_2249 = arith.cmpi slt, %rem3A_2245, %lt3A_2248 : i32
        %lt3A_2250 = arith.constant 0 : i32
        %lt3A_2251 = arith.cmpi slt, %select_n3A_2244, %lt3A_2250 : i32
        %ne3A_2252 = arith.xori %lt3A_2249, %lt3A_2251 : i1
        %and3A_2253 = arith.andi %ne3A_2252, %ne3A_2247 : i1
        %add3A_2254 = arith.addi %rem3A_2245, %select_n3A_2244 : i32
        %select_n3A_2255 = arith.select %and3A_2253, %add3A_2254, %rem3A_2245 : i32
        %add3A_2256 = arith.constant 48 : i32
        %add3A_2257 = vector.broadcast %add3A_2256 : i32 to vector<16xi32>
        %add3A_2258 = arith.addi %iota3A, %add3A_2257 : vector<16xi32>
        %gather3A_2259 = arith.constant 0 : i32
        %gather3A_2260 = arith.constant 0 : i32
        %gather3A_2261 = tpu.memref_slice %arg7[%select_n3A_2255, %gather3A_2259, %gather3A_2260] : memref<11x64x128xf32, #tpu.memory_space<vmem>> -> memref<1x64x128xf32, #tpu.memory_space<vmem>>
        %gather3A_2262 = tpu.memref_squeeze %gather3A_2261 : memref<1x64x128xf32, #tpu.memory_space<vmem>> -> memref<64x128xf32, #tpu.memory_space<vmem>>
        %gather3A_2263 = tpu.vector_load_idx %gather3A_2262[%add3A_2258, %broadcast_in_dim3A_2101] : memref<64x128xf32, #tpu.memory_space<vmem>>[vector<16xi32>, vector<16xi32>], vector<16xf32>,
        %mul3A_2264 = arith.constant 64 : i32
        %mul3A_2265 = arith.muli %sub3A_2096, %mul3A_2264 : i32
        %add3A_2266 = arith.constant 48 : i32
        %add3A_2267 = arith.addi %mul3A_2265, %add3A_2266 : i32
        %swap3A_2268 = arith.index_cast %add3A_2267 : i32 to index
        %swap3A_2269 = tpu.vector_load %arg8[%swap3A_2268] {strides = array<i32>} : memref<32768xf32, #tpu.memory_space<vmem>>, vector<16xf32>,
        tpu.vector_store %arg8[%swap3A_2268], %gather3A_2263 {strides = array<i32>} : memref<32768xf32, #tpu.memory_space<vmem>>, vector<16xf32>,
      } else {
      }
      %mul3A_755 = arith.constant 16 : i32
      %mul3A_756 = arith.muli %scan3A_674, %mul3A_755 : i32
      %add3A_757 = arith.constant 3 : i32
      %add3A_758 = arith.addi %mul3A_756, %add3A_757 : i32
      %slice3A_759 = vector.extract_strided_slice %get3A_678 {offsets = [3], sizes = [1], strides = [1]} : vector<16xi32> to vector<1xi32>
      %squeeze3A_760 = vector.extract %slice3A_759[0] : i32 from vector<1xi32>
      %shift_right_arithmetic3A_761 = arith.constant 7 : i32
      %shift_right_arithmetic3A_762 = arith.shrsi %squeeze3A_760, %shift_right_arithmetic3A_761 : i32
      %mul3A_763 = arith.constant 128 : i32
      %mul3A_764 = arith.muli %shift_right_arithmetic3A_762, %mul3A_763 : i32
      %lt3A_765 = arith.constant 999936 : i32
      %lt3A_766 = arith.cmpi slt, %squeeze3A_760, %lt3A_765 : i32
      %convert_element_type3A_767 = arith.extui %lt3A_766 : i1 to i32
      %cond3A_768 = arith.constant 0 : i32
      %cond3A_769 = arith.cmpi ne, %convert_element_type3A_767, %cond3A_768 : i32
      scf.if %cond3A_769 {
        %jit3A_2095 = arith.constant 11 : i32
        %eq3A_2096 = arith.constant 0 : i32
        %eq3A_2097 = arith.cmpi eq, %jit3A_2095, %eq3A_2096 : i32
        %jit3A_2098 = arith.constant 1 : i32
        %select_n3A_2099 = arith.select %eq3A_2097, %jit3A_2098, %jit3A_2095 : i32
        %rem3A_2100 = arith.remsi %add3A_758, %select_n3A_2099 : i32
        %ne3A_2101 = arith.constant 0 : i32
        %ne3A_2102 = arith.cmpi ne, %rem3A_2100, %ne3A_2101 : i32
        %lt3A_2103 = arith.constant 0 : i32
        %lt3A_2104 = arith.cmpi slt, %rem3A_2100, %lt3A_2103 : i32
        %lt3A_2105 = arith.constant 0 : i32
        %lt3A_2106 = arith.cmpi slt, %select_n3A_2099, %lt3A_2105 : i32
        %ne3A_2107 = arith.xori %lt3A_2104, %lt3A_2106 : i1
        %and3A_2108 = arith.andi %ne3A_2107, %ne3A_2102 : i1
        %add3A_2109 = arith.addi %rem3A_2100, %select_n3A_2099 : i32
        %select_n3A_2110 = arith.select %and3A_2108, %add3A_2109, %rem3A_2100 : i32
        %jit3A_2111 = arith.constant 11 : i32
        %eq3A_2112 = arith.constant 0 : i32
        %eq3A_2113 = arith.cmpi eq, %jit3A_2111, %eq3A_2112 : i32
        %jit3A_2114 = arith.constant 1 : i32
        %select_n3A_2115 = arith.select %eq3A_2113, %jit3A_2114, %jit3A_2111 : i32
        %rem3A_2116 = arith.remsi %add3A_758, %select_n3A_2115 : i32
        %ne3A_2117 = arith.constant 0 : i32
        %ne3A_2118 = arith.cmpi ne, %rem3A_2116, %ne3A_2117 : i32
        %lt3A_2119 = arith.constant 0 : i32
        %lt3A_2120 = arith.cmpi slt, %rem3A_2116, %lt3A_2119 : i32
        %lt3A_2121 = arith.constant 0 : i32
        %lt3A_2122 = arith.cmpi slt, %select_n3A_2115, %lt3A_2121 : i32
        %ne3A_2123 = arith.xori %lt3A_2120, %lt3A_2122 : i1
        %and3A_2124 = arith.andi %ne3A_2123, %ne3A_2118 : i1
        %add3A_2125 = arith.addi %rem3A_2116, %select_n3A_2115 : i32
        %select_n3A_2126 = arith.select %and3A_2124, %add3A_2125, %rem3A_2116 : i32
        %dma_start3A = arith.constant 0 : i32
        %dma_start3A_2127 = arith.constant 0 : i32
        %dma_start3A_2128 = tpu.memref_slice %arg7[%select_n3A_2110, %dma_start3A, %dma_start3A_2127] : memref<11x64x128xf32, #tpu.memory_space<vmem>> -> memref<1x64x128xf32, #tpu.memory_space<vmem>>
        %dma_start3A_2129 = tpu.memref_squeeze %dma_start3A_2128 : memref<1x64x128xf32, #tpu.memory_space<vmem>> -> memref<64x128xf32, #tpu.memory_space<vmem>>
        %dma_start3A_2130 = arith.constant 0 : i32
        %dma_start3A_2131 = tpu.memref_slice %arg2[%dma_start3A_2130, %mul3A_764] : memref<64x1000000xf32, #tpu.memory_space<hbm>> -> memref<64x128xf32, #tpu.memory_space<hbm>>
        %dma_start3A_2132 = tpu.memref_slice %arg9[%select_n3A_2126] : memref<11x!tpu.dma_semaphore, #tpu.memory_space<semaphore_mem>> -> memref<1x!tpu.dma_semaphore, #tpu.memory_space<semaphore_mem>>
        %dma_start3A_2133 = tpu.memref_squeeze %dma_start3A_2132 : memref<1x!tpu.dma_semaphore, #tpu.memory_space<semaphore_mem>> -> memref<!tpu.dma_semaphore, #tpu.memory_space<semaphore_mem>>
        %dma_start3A_2134 = arith.constant 0 : i32
        %dma_start3A_2135 = arith.constant 0 : i32
        %dma_start3A_2136 = tpu.memref_slice %arg7[%select_n3A_2110, %dma_start3A_2134, %dma_start3A_2135] : memref<11x64x128xf32, #tpu.memory_space<vmem>> -> memref<1x64x128xf32, #tpu.memory_space<vmem>>
        %dma_start3A_2137 = tpu.memref_squeeze %dma_start3A_2136 : memref<1x64x128xf32, #tpu.memory_space<vmem>> -> memref<64x128xf32, #tpu.memory_space<vmem>>
        %dma_start3A_2138 = arith.constant 0 : i32
        %dma_start3A_2139 = tpu.memref_slice %arg2[%dma_start3A_2138, %mul3A_764] : memref<64x1000000xf32, #tpu.memory_space<hbm>> -> memref<64x128xf32, #tpu.memory_space<hbm>>
        tpu.enqueue_dma source(%dma_start3A_2139 : memref<64x128xf32, #tpu.memory_space<hbm>>) target(%dma_start3A_2137 : memref<64x128xf32, #tpu.memory_space<vmem>>) target_semaphore(%dma_start3A_2133 : memref<!tpu.dma_semaphore, #tpu.memory_space<semaphore_mem>>)
      } else {
      }
      %ge3A_770 = arith.constant 999936 : i32
      %ge3A_771 = arith.cmpi sge, %squeeze3A_760, %ge3A_770 : i32
      %convert_element_type3A_772 = arith.extui %ge3A_771 : i1 to i32
      %cond3A_773 = arith.constant 0 : i32
      %cond3A_774 = arith.cmpi ne, %convert_element_type3A_772, %cond3A_773 : i32
      scf.if %cond3A_774 {
        %jit3A_2095 = arith.constant 11 : i32
        %eq3A_2096 = arith.constant 0 : i32
        %eq3A_2097 = arith.cmpi eq, %jit3A_2095, %eq3A_2096 : i32
        %jit3A_2098 = arith.constant 1 : i32
        %select_n3A_2099 = arith.select %eq3A_2097, %jit3A_2098, %jit3A_2095 : i32
        %rem3A_2100 = arith.remsi %add3A_758, %select_n3A_2099 : i32
        %ne3A_2101 = arith.constant 0 : i32
        %ne3A_2102 = arith.cmpi ne, %rem3A_2100, %ne3A_2101 : i32
        %lt3A_2103 = arith.constant 0 : i32
        %lt3A_2104 = arith.cmpi slt, %rem3A_2100, %lt3A_2103 : i32
        %lt3A_2105 = arith.constant 0 : i32
        %lt3A_2106 = arith.cmpi slt, %select_n3A_2099, %lt3A_2105 : i32
        %ne3A_2107 = arith.xori %lt3A_2104, %lt3A_2106 : i1
        %and3A_2108 = arith.andi %ne3A_2107, %ne3A_2102 : i1
        %add3A_2109 = arith.addi %rem3A_2100, %select_n3A_2099 : i32
        %select_n3A_2110 = arith.select %and3A_2108, %add3A_2109, %rem3A_2100 : i32
        %jit3A_2111 = arith.constant 11 : i32
        %eq3A_2112 = arith.constant 0 : i32
        %eq3A_2113 = arith.cmpi eq, %jit3A_2111, %eq3A_2112 : i32
        %jit3A_2114 = arith.constant 1 : i32
        %select_n3A_2115 = arith.select %eq3A_2113, %jit3A_2114, %jit3A_2111 : i32
        %rem3A_2116 = arith.remsi %add3A_758, %select_n3A_2115 : i32
        %ne3A_2117 = arith.constant 0 : i32
        %ne3A_2118 = arith.cmpi ne, %rem3A_2116, %ne3A_2117 : i32
        %lt3A_2119 = arith.constant 0 : i32
        %lt3A_2120 = arith.cmpi slt, %rem3A_2116, %lt3A_2119 : i32
        %lt3A_2121 = arith.constant 0 : i32
        %lt3A_2122 = arith.cmpi slt, %select_n3A_2115, %lt3A_2121 : i32
        %ne3A_2123 = arith.xori %lt3A_2120, %lt3A_2122 : i1
        %and3A_2124 = arith.andi %ne3A_2123, %ne3A_2118 : i1
        %add3A_2125 = arith.addi %rem3A_2116, %select_n3A_2115 : i32
        %select_n3A_2126 = arith.select %and3A_2124, %add3A_2125, %rem3A_2116 : i32
        %dma_start3A = arith.constant 0 : i32
        %dma_start3A_2127 = arith.constant 0 : i32
        %dma_start3A_2128 = tpu.memref_slice %arg7[%select_n3A_2110, %dma_start3A, %dma_start3A_2127] : memref<11x64x128xf32, #tpu.memory_space<vmem>> -> memref<1x64x128xf32, #tpu.memory_space<vmem>>
        %dma_start3A_2129 = tpu.memref_squeeze %dma_start3A_2128 : memref<1x64x128xf32, #tpu.memory_space<vmem>> -> memref<64x128xf32, #tpu.memory_space<vmem>>
        %dma_start3A_2130 = tpu.memref_slice %arg9[%select_n3A_2126] : memref<11x!tpu.dma_semaphore, #tpu.memory_space<semaphore_mem>> -> memref<1x!tpu.dma_semaphore, #tpu.memory_space<semaphore_mem>>
        %dma_start3A_2131 = tpu.memref_squeeze %dma_start3A_2130 : memref<1x!tpu.dma_semaphore, #tpu.memory_space<semaphore_mem>> -> memref<!tpu.dma_semaphore, #tpu.memory_space<semaphore_mem>>
        %dma_start3A_2132 = arith.constant 0 : i32
        %dma_start3A_2133 = arith.constant 0 : i32
        %dma_start3A_2134 = tpu.memref_slice %arg7[%select_n3A_2110, %dma_start3A_2132, %dma_start3A_2133] : memref<11x64x128xf32, #tpu.memory_space<vmem>> -> memref<1x64x128xf32, #tpu.memory_space<vmem>>
        %dma_start3A_2135 = tpu.memref_squeeze %dma_start3A_2134 : memref<1x64x128xf32, #tpu.memory_space<vmem>> -> memref<64x128xf32, #tpu.memory_space<vmem>>
        tpu.enqueue_dma source(%arg3 : memref<64x128xf32, #tpu.memory_space<hbm>>) target(%dma_start3A_2135 : memref<64x128xf32, #tpu.memory_space<vmem>>) target_semaphore(%dma_start3A_2131 : memref<!tpu.dma_semaphore, #tpu.memory_space<semaphore_mem>>)
      } else {
      }
      %ge3A_775 = arith.constant 1 : i32
      %ge3A_776 = arith.cmpi sge, %scan3A_674, %ge3A_775 : i32
      %convert_element_type3A_777 = arith.extui %ge3A_776 : i1 to i32
      %cond3A_778 = arith.constant 0 : i32
      %cond3A_779 = arith.cmpi ne, %convert_element_type3A_777, %cond3A_778 : i32
      scf.if %cond3A_779 {
        %sub3A_2095 = arith.constant 10 : i32
        %sub3A_2096 = arith.subi %add3A_758, %sub3A_2095 : i32
        %slice3A_2097 = vector.extract_strided_slice %get3A_684 {offsets = [9], sizes = [1], strides = [1]} : vector<16xi32> to vector<1xi32>
        %squeeze3A_2098 = vector.extract %slice3A_2097[0] : i32 from vector<1xi32>
        %and3A_2099 = arith.constant 127 : i32
        %and3A_2100 = arith.andi %squeeze3A_2098, %and3A_2099 : i32
        %broadcast_in_dim3A_2101 = vector.broadcast %and3A_2100 : i32 to vector<16xi32>
        %jit3A_2102 = arith.constant 11 : i32
        %eq3A_2103 = arith.constant 0 : i32
        %eq3A_2104 = arith.cmpi eq, %jit3A_2102, %eq3A_2103 : i32
        %jit3A_2105 = arith.constant 1 : i32
        %select_n3A_2106 = arith.select %eq3A_2104, %jit3A_2105, %jit3A_2102 : i32
        %rem3A_2107 = arith.remsi %sub3A_2096, %select_n3A_2106 : i32
        %ne3A_2108 = arith.constant 0 : i32
        %ne3A_2109 = arith.cmpi ne, %rem3A_2107, %ne3A_2108 : i32
        %lt3A_2110 = arith.constant 0 : i32
        %lt3A_2111 = arith.cmpi slt, %rem3A_2107, %lt3A_2110 : i32
        %lt3A_2112 = arith.constant 0 : i32
        %lt3A_2113 = arith.cmpi slt, %select_n3A_2106, %lt3A_2112 : i32
        %ne3A_2114 = arith.xori %lt3A_2111, %lt3A_2113 : i1
        %and3A_2115 = arith.andi %ne3A_2114, %ne3A_2109 : i1
        %add3A_2116 = arith.addi %rem3A_2107, %select_n3A_2106 : i32
        %select_n3A_2117 = arith.select %and3A_2115, %add3A_2116, %rem3A_2107 : i32
        %jit3A_2118 = arith.constant 11 : i32
        %eq3A_2119 = arith.constant 0 : i32
        %eq3A_2120 = arith.cmpi eq, %jit3A_2118, %eq3A_2119 : i32
        %jit3A_2121 = arith.constant 1 : i32
        %select_n3A_2122 = arith.select %eq3A_2120, %jit3A_2121, %jit3A_2118 : i32
        %rem3A_2123 = arith.remsi %sub3A_2096, %select_n3A_2122 : i32
        %ne3A_2124 = arith.constant 0 : i32
        %ne3A_2125 = arith.cmpi ne, %rem3A_2123, %ne3A_2124 : i32
        %lt3A_2126 = arith.constant 0 : i32
        %lt3A_2127 = arith.cmpi slt, %rem3A_2123, %lt3A_2126 : i32
        %lt3A_2128 = arith.constant 0 : i32
        %lt3A_2129 = arith.cmpi slt, %select_n3A_2122, %lt3A_2128 : i32
        %ne3A_2130 = arith.xori %lt3A_2127, %lt3A_2129 : i1
        %and3A_2131 = arith.andi %ne3A_2130, %ne3A_2125 : i1
        %add3A_2132 = arith.addi %rem3A_2123, %select_n3A_2122 : i32
        %select_n3A_2133 = arith.select %and3A_2131, %add3A_2132, %rem3A_2123 : i32
        %dma_wait3A_2134 = arith.constant 0 : i32
        %dma_wait3A_2135 = arith.constant 0 : i32
        %dma_wait3A_2136 = tpu.memref_slice %arg7[%select_n3A_2117, %dma_wait3A_2134, %dma_wait3A_2135] : memref<11x64x128xf32, #tpu.memory_space<vmem>> -> memref<1x64x128xf32, #tpu.memory_space<vmem>>
        %dma_wait3A_2137 = tpu.memref_squeeze %dma_wait3A_2136 : memref<1x64x128xf32, #tpu.memory_space<vmem>> -> memref<64x128xf32, #tpu.memory_space<vmem>>
        %dma_wait3A_2138 = arith.constant 0 : i32
        %dma_wait3A_2139 = arith.constant 0 : i32
        %dma_wait3A_2140 = tpu.memref_slice %arg2[%dma_wait3A_2138, %dma_wait3A_2139] : memref<64x1000000xf32, #tpu.memory_space<hbm>> -> memref<64x128xf32, #tpu.memory_space<hbm>>
        %dma_wait3A_2141 = tpu.memref_slice %arg9[%select_n3A_2133] : memref<11x!tpu.dma_semaphore, #tpu.memory_space<semaphore_mem>> -> memref<1x!tpu.dma_semaphore, #tpu.memory_space<semaphore_mem>>
        %dma_wait3A_2142 = tpu.memref_squeeze %dma_wait3A_2141 : memref<1x!tpu.dma_semaphore, #tpu.memory_space<semaphore_mem>> -> memref<!tpu.dma_semaphore, #tpu.memory_space<semaphore_mem>>
        %dma_wait3A_2143 = arith.constant 0 : i32
        %dma_wait3A_2144 = arith.constant 0 : i32
        %dma_wait3A_2145 = tpu.memref_slice %arg7[%select_n3A_2117, %dma_wait3A_2143, %dma_wait3A_2144] : memref<11x64x128xf32, #tpu.memory_space<vmem>> -> memref<1x64x128xf32, #tpu.memory_space<vmem>>
        %dma_wait3A_2146 = tpu.memref_squeeze %dma_wait3A_2145 : memref<1x64x128xf32, #tpu.memory_space<vmem>> -> memref<64x128xf32, #tpu.memory_space<vmem>>
        %dma_wait3A_2147 = arith.constant 0 : i32
        %dma_wait3A_2148 = arith.constant 0 : i32
        %dma_wait3A_2149 = tpu.memref_slice %arg2[%dma_wait3A_2147, %dma_wait3A_2148] : memref<64x1000000xf32, #tpu.memory_space<hbm>> -> memref<64x128xf32, #tpu.memory_space<hbm>>
        tpu.wait_dma2 semaphore(%dma_wait3A_2142 : memref<!tpu.dma_semaphore, #tpu.memory_space<semaphore_mem>>) src(%dma_wait3A_2149 : memref<64x128xf32, #tpu.memory_space<hbm>>) dst(%dma_wait3A_2146 : memref<64x128xf32, #tpu.memory_space<vmem>>)
        %jit3A_2150 = arith.constant 11 : i32
        %eq3A_2151 = arith.constant 0 : i32
        %eq3A_2152 = arith.cmpi eq, %jit3A_2150, %eq3A_2151 : i32
        %jit3A_2153 = arith.constant 1 : i32
        %select_n3A_2154 = arith.select %eq3A_2152, %jit3A_2153, %jit3A_2150 : i32
        %rem3A_2155 = arith.remsi %sub3A_2096, %select_n3A_2154 : i32
        %ne3A_2156 = arith.constant 0 : i32
        %ne3A_2157 = arith.cmpi ne, %rem3A_2155, %ne3A_2156 : i32
        %lt3A_2158 = arith.constant 0 : i32
        %lt3A_2159 = arith.cmpi slt, %rem3A_2155, %lt3A_2158 : i32
        %lt3A_2160 = arith.constant 0 : i32
        %lt3A_2161 = arith.cmpi slt, %select_n3A_2154, %lt3A_2160 : i32
        %ne3A_2162 = arith.xori %lt3A_2159, %lt3A_2161 : i1
        %and3A_2163 = arith.andi %ne3A_2162, %ne3A_2157 : i1
        %add3A_2164 = arith.addi %rem3A_2155, %select_n3A_2154 : i32
        %select_n3A_2165 = arith.select %and3A_2163, %add3A_2164, %rem3A_2155 : i32
        %add3A_2166 = arith.constant 0 : i32
        %add3A_2167 = vector.broadcast %add3A_2166 : i32 to vector<16xi32>
        %add3A_2168 = arith.addi %iota3A, %add3A_2167 : vector<16xi32>
        %gather3A_2169 = arith.constant 0 : i32
        %gather3A_2170 = arith.constant 0 : i32
        %gather3A_2171 = tpu.memref_slice %arg7[%select_n3A_2165, %gather3A_2169, %gather3A_2170] : memref<11x64x128xf32, #tpu.memory_space<vmem>> -> memref<1x64x128xf32, #tpu.memory_space<vmem>>
        %gather3A_2172 = tpu.memref_squeeze %gather3A_2171 : memref<1x64x128xf32, #tpu.memory_space<vmem>> -> memref<64x128xf32, #tpu.memory_space<vmem>>
        %gather3A_2173 = tpu.vector_load_idx %gather3A_2172[%add3A_2168, %broadcast_in_dim3A_2101] : memref<64x128xf32, #tpu.memory_space<vmem>>[vector<16xi32>, vector<16xi32>], vector<16xf32>,
        %mul3A_2174 = arith.constant 64 : i32
        %mul3A_2175 = arith.muli %sub3A_2096, %mul3A_2174 : i32
        %add3A_2176 = arith.constant 0 : i32
        %add3A_2177 = arith.addi %mul3A_2175, %add3A_2176 : i32
        %swap3A_2178 = arith.index_cast %add3A_2177 : i32 to index
        %swap3A_2179 = tpu.vector_load %arg8[%swap3A_2178] {strides = array<i32>} : memref<32768xf32, #tpu.memory_space<vmem>>, vector<16xf32>,
        tpu.vector_store %arg8[%swap3A_2178], %gather3A_2173 {strides = array<i32>} : memref<32768xf32, #tpu.memory_space<vmem>>, vector<16xf32>,
        %jit3A_2180 = arith.constant 11 : i32
        %eq3A_2181 = arith.constant 0 : i32
        %eq3A_2182 = arith.cmpi eq, %jit3A_2180, %eq3A_2181 : i32
        %jit3A_2183 = arith.constant 1 : i32
        %select_n3A_2184 = arith.select %eq3A_2182, %jit3A_2183, %jit3A_2180 : i32
        %rem3A_2185 = arith.remsi %sub3A_2096, %select_n3A_2184 : i32
        %ne3A_2186 = arith.constant 0 : i32
        %ne3A_2187 = arith.cmpi ne, %rem3A_2185, %ne3A_2186 : i32
        %lt3A_2188 = arith.constant 0 : i32
        %lt3A_2189 = arith.cmpi slt, %rem3A_2185, %lt3A_2188 : i32
        %lt3A_2190 = arith.constant 0 : i32
        %lt3A_2191 = arith.cmpi slt, %select_n3A_2184, %lt3A_2190 : i32
        %ne3A_2192 = arith.xori %lt3A_2189, %lt3A_2191 : i1
        %and3A_2193 = arith.andi %ne3A_2192, %ne3A_2187 : i1
        %add3A_2194 = arith.addi %rem3A_2185, %select_n3A_2184 : i32
        %select_n3A_2195 = arith.select %and3A_2193, %add3A_2194, %rem3A_2185 : i32
        %add3A_2196 = arith.constant 16 : i32
        %add3A_2197 = vector.broadcast %add3A_2196 : i32 to vector<16xi32>
        %add3A_2198 = arith.addi %iota3A, %add3A_2197 : vector<16xi32>
        %gather3A_2199 = arith.constant 0 : i32
        %gather3A_2200 = arith.constant 0 : i32
        %gather3A_2201 = tpu.memref_slice %arg7[%select_n3A_2195, %gather3A_2199, %gather3A_2200] : memref<11x64x128xf32, #tpu.memory_space<vmem>> -> memref<1x64x128xf32, #tpu.memory_space<vmem>>
        %gather3A_2202 = tpu.memref_squeeze %gather3A_2201 : memref<1x64x128xf32, #tpu.memory_space<vmem>> -> memref<64x128xf32, #tpu.memory_space<vmem>>
        %gather3A_2203 = tpu.vector_load_idx %gather3A_2202[%add3A_2198, %broadcast_in_dim3A_2101] : memref<64x128xf32, #tpu.memory_space<vmem>>[vector<16xi32>, vector<16xi32>], vector<16xf32>,
        %mul3A_2204 = arith.constant 64 : i32
        %mul3A_2205 = arith.muli %sub3A_2096, %mul3A_2204 : i32
        %add3A_2206 = arith.constant 16 : i32
        %add3A_2207 = arith.addi %mul3A_2205, %add3A_2206 : i32
        %swap3A_2208 = arith.index_cast %add3A_2207 : i32 to index
        %swap3A_2209 = tpu.vector_load %arg8[%swap3A_2208] {strides = array<i32>} : memref<32768xf32, #tpu.memory_space<vmem>>, vector<16xf32>,
        tpu.vector_store %arg8[%swap3A_2208], %gather3A_2203 {strides = array<i32>} : memref<32768xf32, #tpu.memory_space<vmem>>, vector<16xf32>,
        %jit3A_2210 = arith.constant 11 : i32
        %eq3A_2211 = arith.constant 0 : i32
        %eq3A_2212 = arith.cmpi eq, %jit3A_2210, %eq3A_2211 : i32
        %jit3A_2213 = arith.constant 1 : i32
        %select_n3A_2214 = arith.select %eq3A_2212, %jit3A_2213, %jit3A_2210 : i32
        %rem3A_2215 = arith.remsi %sub3A_2096, %select_n3A_2214 : i32
        %ne3A_2216 = arith.constant 0 : i32
        %ne3A_2217 = arith.cmpi ne, %rem3A_2215, %ne3A_2216 : i32
        %lt3A_2218 = arith.constant 0 : i32
        %lt3A_2219 = arith.cmpi slt, %rem3A_2215, %lt3A_2218 : i32
        %lt3A_2220 = arith.constant 0 : i32
        %lt3A_2221 = arith.cmpi slt, %select_n3A_2214, %lt3A_2220 : i32
        %ne3A_2222 = arith.xori %lt3A_2219, %lt3A_2221 : i1
        %and3A_2223 = arith.andi %ne3A_2222, %ne3A_2217 : i1
        %add3A_2224 = arith.addi %rem3A_2215, %select_n3A_2214 : i32
        %select_n3A_2225 = arith.select %and3A_2223, %add3A_2224, %rem3A_2215 : i32
        %add3A_2226 = arith.constant 32 : i32
        %add3A_2227 = vector.broadcast %add3A_2226 : i32 to vector<16xi32>
        %add3A_2228 = arith.addi %iota3A, %add3A_2227 : vector<16xi32>
        %gather3A_2229 = arith.constant 0 : i32
        %gather3A_2230 = arith.constant 0 : i32
        %gather3A_2231 = tpu.memref_slice %arg7[%select_n3A_2225, %gather3A_2229, %gather3A_2230] : memref<11x64x128xf32, #tpu.memory_space<vmem>> -> memref<1x64x128xf32, #tpu.memory_space<vmem>>
        %gather3A_2232 = tpu.memref_squeeze %gather3A_2231 : memref<1x64x128xf32, #tpu.memory_space<vmem>> -> memref<64x128xf32, #tpu.memory_space<vmem>>
        %gather3A_2233 = tpu.vector_load_idx %gather3A_2232[%add3A_2228, %broadcast_in_dim3A_2101] : memref<64x128xf32, #tpu.memory_space<vmem>>[vector<16xi32>, vector<16xi32>], vector<16xf32>,
        %mul3A_2234 = arith.constant 64 : i32
        %mul3A_2235 = arith.muli %sub3A_2096, %mul3A_2234 : i32
        %add3A_2236 = arith.constant 32 : i32
        %add3A_2237 = arith.addi %mul3A_2235, %add3A_2236 : i32
        %swap3A_2238 = arith.index_cast %add3A_2237 : i32 to index
        %swap3A_2239 = tpu.vector_load %arg8[%swap3A_2238] {strides = array<i32>} : memref<32768xf32, #tpu.memory_space<vmem>>, vector<16xf32>,
        tpu.vector_store %arg8[%swap3A_2238], %gather3A_2233 {strides = array<i32>} : memref<32768xf32, #tpu.memory_space<vmem>>, vector<16xf32>,
        %jit3A_2240 = arith.constant 11 : i32
        %eq3A_2241 = arith.constant 0 : i32
        %eq3A_2242 = arith.cmpi eq, %jit3A_2240, %eq3A_2241 : i32
        %jit3A_2243 = arith.constant 1 : i32
        %select_n3A_2244 = arith.select %eq3A_2242, %jit3A_2243, %jit3A_2240 : i32
        %rem3A_2245 = arith.remsi %sub3A_2096, %select_n3A_2244 : i32
        %ne3A_2246 = arith.constant 0 : i32
        %ne3A_2247 = arith.cmpi ne, %rem3A_2245, %ne3A_2246 : i32
        %lt3A_2248 = arith.constant 0 : i32
        %lt3A_2249 = arith.cmpi slt, %rem3A_2245, %lt3A_2248 : i32
        %lt3A_2250 = arith.constant 0 : i32
        %lt3A_2251 = arith.cmpi slt, %select_n3A_2244, %lt3A_2250 : i32
        %ne3A_2252 = arith.xori %lt3A_2249, %lt3A_2251 : i1
        %and3A_2253 = arith.andi %ne3A_2252, %ne3A_2247 : i1
        %add3A_2254 = arith.addi %rem3A_2245, %select_n3A_2244 : i32
        %select_n3A_2255 = arith.select %and3A_2253, %add3A_2254, %rem3A_2245 : i32
        %add3A_2256 = arith.constant 48 : i32
        %add3A_2257 = vector.broadcast %add3A_2256 : i32 to vector<16xi32>
        %add3A_2258 = arith.addi %iota3A, %add3A_2257 : vector<16xi32>
        %gather3A_2259 = arith.constant 0 : i32
        %gather3A_2260 = arith.constant 0 : i32
        %gather3A_2261 = tpu.memref_slice %arg7[%select_n3A_2255, %gather3A_2259, %gather3A_2260] : memref<11x64x128xf32, #tpu.memory_space<vmem>> -> memref<1x64x128xf32, #tpu.memory_space<vmem>>
        %gather3A_2262 = tpu.memref_squeeze %gather3A_2261 : memref<1x64x128xf32, #tpu.memory_space<vmem>> -> memref<64x128xf32, #tpu.memory_space<vmem>>
        %gather3A_2263 = tpu.vector_load_idx %gather3A_2262[%add3A_2258, %broadcast_in_dim3A_2101] : memref<64x128xf32, #tpu.memory_space<vmem>>[vector<16xi32>, vector<16xi32>], vector<16xf32>,
        %mul3A_2264 = arith.constant 64 : i32
        %mul3A_2265 = arith.muli %sub3A_2096, %mul3A_2264 : i32
        %add3A_2266 = arith.constant 48 : i32
        %add3A_2267 = arith.addi %mul3A_2265, %add3A_2266 : i32
        %swap3A_2268 = arith.index_cast %add3A_2267 : i32 to index
        %swap3A_2269 = tpu.vector_load %arg8[%swap3A_2268] {strides = array<i32>} : memref<32768xf32, #tpu.memory_space<vmem>>, vector<16xf32>,
        tpu.vector_store %arg8[%swap3A_2268], %gather3A_2263 {strides = array<i32>} : memref<32768xf32, #tpu.memory_space<vmem>>, vector<16xf32>,
      } else {
      }
      %mul3A_780 = arith.constant 16 : i32
      %mul3A_781 = arith.muli %scan3A_674, %mul3A_780 : i32
      %add3A_782 = arith.constant 4 : i32
      %add3A_783 = arith.addi %mul3A_781, %add3A_782 : i32
      %slice3A_784 = vector.extract_strided_slice %get3A_678 {offsets = [4], sizes = [1], strides = [1]} : vector<16xi32> to vector<1xi32>
      %squeeze3A_785 = vector.extract %slice3A_784[0] : i32 from vector<1xi32>
      %shift_right_arithmetic3A_786 = arith.constant 7 : i32
      %shift_right_arithmetic3A_787 = arith.shrsi %squeeze3A_785, %shift_right_arithmetic3A_786 : i32
      %mul3A_788 = arith.constant 128 : i32
      %mul3A_789 = arith.muli %shift_right_arithmetic3A_787, %mul3A_788 : i32
      %lt3A_790 = arith.constant 999936 : i32
      %lt3A_791 = arith.cmpi slt, %squeeze3A_785, %lt3A_790 : i32
      %convert_element_type3A_792 = arith.extui %lt3A_791 : i1 to i32
      %cond3A_793 = arith.constant 0 : i32
      %cond3A_794 = arith.cmpi ne, %convert_element_type3A_792, %cond3A_793 : i32
      scf.if %cond3A_794 {
        %jit3A_2095 = arith.constant 11 : i32
        %eq3A_2096 = arith.constant 0 : i32
        %eq3A_2097 = arith.cmpi eq, %jit3A_2095, %eq3A_2096 : i32
        %jit3A_2098 = arith.constant 1 : i32
        %select_n3A_2099 = arith.select %eq3A_2097, %jit3A_2098, %jit3A_2095 : i32
        %rem3A_2100 = arith.remsi %add3A_783, %select_n3A_2099 : i32
        %ne3A_2101 = arith.constant 0 : i32
        %ne3A_2102 = arith.cmpi ne, %rem3A_2100, %ne3A_2101 : i32
        %lt3A_2103 = arith.constant 0 : i32
        %lt3A_2104 = arith.cmpi slt, %rem3A_2100, %lt3A_2103 : i32
        %lt3A_2105 = arith.constant 0 : i32
        %lt3A_2106 = arith.cmpi slt, %select_n3A_2099, %lt3A_2105 : i32
        %ne3A_2107 = arith.xori %lt3A_2104, %lt3A_2106 : i1
        %and3A_2108 = arith.andi %ne3A_2107, %ne3A_2102 : i1
        %add3A_2109 = arith.addi %rem3A_2100, %select_n3A_2099 : i32
        %select_n3A_2110 = arith.select %and3A_2108, %add3A_2109, %rem3A_2100 : i32
        %jit3A_2111 = arith.constant 11 : i32
        %eq3A_2112 = arith.constant 0 : i32
        %eq3A_2113 = arith.cmpi eq, %jit3A_2111, %eq3A_2112 : i32
        %jit3A_2114 = arith.constant 1 : i32
        %select_n3A_2115 = arith.select %eq3A_2113, %jit3A_2114, %jit3A_2111 : i32
        %rem3A_2116 = arith.remsi %add3A_783, %select_n3A_2115 : i32
        %ne3A_2117 = arith.constant 0 : i32
        %ne3A_2118 = arith.cmpi ne, %rem3A_2116, %ne3A_2117 : i32
        %lt3A_2119 = arith.constant 0 : i32
        %lt3A_2120 = arith.cmpi slt, %rem3A_2116, %lt3A_2119 : i32
        %lt3A_2121 = arith.constant 0 : i32
        %lt3A_2122 = arith.cmpi slt, %select_n3A_2115, %lt3A_2121 : i32
        %ne3A_2123 = arith.xori %lt3A_2120, %lt3A_2122 : i1
        %and3A_2124 = arith.andi %ne3A_2123, %ne3A_2118 : i1
        %add3A_2125 = arith.addi %rem3A_2116, %select_n3A_2115 : i32
        %select_n3A_2126 = arith.select %and3A_2124, %add3A_2125, %rem3A_2116 : i32
        %dma_start3A = arith.constant 0 : i32
        %dma_start3A_2127 = arith.constant 0 : i32
        %dma_start3A_2128 = tpu.memref_slice %arg7[%select_n3A_2110, %dma_start3A, %dma_start3A_2127] : memref<11x64x128xf32, #tpu.memory_space<vmem>> -> memref<1x64x128xf32, #tpu.memory_space<vmem>>
        %dma_start3A_2129 = tpu.memref_squeeze %dma_start3A_2128 : memref<1x64x128xf32, #tpu.memory_space<vmem>> -> memref<64x128xf32, #tpu.memory_space<vmem>>
        %dma_start3A_2130 = arith.constant 0 : i32
        %dma_start3A_2131 = tpu.memref_slice %arg2[%dma_start3A_2130, %mul3A_789] : memref<64x1000000xf32, #tpu.memory_space<hbm>> -> memref<64x128xf32, #tpu.memory_space<hbm>>
        %dma_start3A_2132 = tpu.memref_slice %arg9[%select_n3A_2126] : memref<11x!tpu.dma_semaphore, #tpu.memory_space<semaphore_mem>> -> memref<1x!tpu.dma_semaphore, #tpu.memory_space<semaphore_mem>>
        %dma_start3A_2133 = tpu.memref_squeeze %dma_start3A_2132 : memref<1x!tpu.dma_semaphore, #tpu.memory_space<semaphore_mem>> -> memref<!tpu.dma_semaphore, #tpu.memory_space<semaphore_mem>>
        %dma_start3A_2134 = arith.constant 0 : i32
        %dma_start3A_2135 = arith.constant 0 : i32
        %dma_start3A_2136 = tpu.memref_slice %arg7[%select_n3A_2110, %dma_start3A_2134, %dma_start3A_2135] : memref<11x64x128xf32, #tpu.memory_space<vmem>> -> memref<1x64x128xf32, #tpu.memory_space<vmem>>
        %dma_start3A_2137 = tpu.memref_squeeze %dma_start3A_2136 : memref<1x64x128xf32, #tpu.memory_space<vmem>> -> memref<64x128xf32, #tpu.memory_space<vmem>>
        %dma_start3A_2138 = arith.constant 0 : i32
        %dma_start3A_2139 = tpu.memref_slice %arg2[%dma_start3A_2138, %mul3A_789] : memref<64x1000000xf32, #tpu.memory_space<hbm>> -> memref<64x128xf32, #tpu.memory_space<hbm>>
        tpu.enqueue_dma source(%dma_start3A_2139 : memref<64x128xf32, #tpu.memory_space<hbm>>) target(%dma_start3A_2137 : memref<64x128xf32, #tpu.memory_space<vmem>>) target_semaphore(%dma_start3A_2133 : memref<!tpu.dma_semaphore, #tpu.memory_space<semaphore_mem>>)
      } else {
      }
      %ge3A_795 = arith.constant 999936 : i32
      %ge3A_796 = arith.cmpi sge, %squeeze3A_785, %ge3A_795 : i32
      %convert_element_type3A_797 = arith.extui %ge3A_796 : i1 to i32
      %cond3A_798 = arith.constant 0 : i32
      %cond3A_799 = arith.cmpi ne, %convert_element_type3A_797, %cond3A_798 : i32
      scf.if %cond3A_799 {
        %jit3A_2095 = arith.constant 11 : i32
        %eq3A_2096 = arith.constant 0 : i32
        %eq3A_2097 = arith.cmpi eq, %jit3A_2095, %eq3A_2096 : i32
        %jit3A_2098 = arith.constant 1 : i32
        %select_n3A_2099 = arith.select %eq3A_2097, %jit3A_2098, %jit3A_2095 : i32
        %rem3A_2100 = arith.remsi %add3A_783, %select_n3A_2099 : i32
        %ne3A_2101 = arith.constant 0 : i32
        %ne3A_2102 = arith.cmpi ne, %rem3A_2100, %ne3A_2101 : i32
        %lt3A_2103 = arith.constant 0 : i32
        %lt3A_2104 = arith.cmpi slt, %rem3A_2100, %lt3A_2103 : i32
        %lt3A_2105 = arith.constant 0 : i32
        %lt3A_2106 = arith.cmpi slt, %select_n3A_2099, %lt3A_2105 : i32
        %ne3A_2107 = arith.xori %lt3A_2104, %lt3A_2106 : i1
        %and3A_2108 = arith.andi %ne3A_2107, %ne3A_2102 : i1
        %add3A_2109 = arith.addi %rem3A_2100, %select_n3A_2099 : i32
        %select_n3A_2110 = arith.select %and3A_2108, %add3A_2109, %rem3A_2100 : i32
        %jit3A_2111 = arith.constant 11 : i32
        %eq3A_2112 = arith.constant 0 : i32
        %eq3A_2113 = arith.cmpi eq, %jit3A_2111, %eq3A_2112 : i32
        %jit3A_2114 = arith.constant 1 : i32
        %select_n3A_2115 = arith.select %eq3A_2113, %jit3A_2114, %jit3A_2111 : i32
        %rem3A_2116 = arith.remsi %add3A_783, %select_n3A_2115 : i32
        %ne3A_2117 = arith.constant 0 : i32
        %ne3A_2118 = arith.cmpi ne, %rem3A_2116, %ne3A_2117 : i32
        %lt3A_2119 = arith.constant 0 : i32
        %lt3A_2120 = arith.cmpi slt, %rem3A_2116, %lt3A_2119 : i32
        %lt3A_2121 = arith.constant 0 : i32
        %lt3A_2122 = arith.cmpi slt, %select_n3A_2115, %lt3A_2121 : i32
        %ne3A_2123 = arith.xori %lt3A_2120, %lt3A_2122 : i1
        %and3A_2124 = arith.andi %ne3A_2123, %ne3A_2118 : i1
        %add3A_2125 = arith.addi %rem3A_2116, %select_n3A_2115 : i32
        %select_n3A_2126 = arith.select %and3A_2124, %add3A_2125, %rem3A_2116 : i32
        %dma_start3A = arith.constant 0 : i32
        %dma_start3A_2127 = arith.constant 0 : i32
        %dma_start3A_2128 = tpu.memref_slice %arg7[%select_n3A_2110, %dma_start3A, %dma_start3A_2127] : memref<11x64x128xf32, #tpu.memory_space<vmem>> -> memref<1x64x128xf32, #tpu.memory_space<vmem>>
        %dma_start3A_2129 = tpu.memref_squeeze %dma_start3A_2128 : memref<1x64x128xf32, #tpu.memory_space<vmem>> -> memref<64x128xf32, #tpu.memory_space<vmem>>
        %dma_start3A_2130 = tpu.memref_slice %arg9[%select_n3A_2126] : memref<11x!tpu.dma_semaphore, #tpu.memory_space<semaphore_mem>> -> memref<1x!tpu.dma_semaphore, #tpu.memory_space<semaphore_mem>>
        %dma_start3A_2131 = tpu.memref_squeeze %dma_start3A_2130 : memref<1x!tpu.dma_semaphore, #tpu.memory_space<semaphore_mem>> -> memref<!tpu.dma_semaphore, #tpu.memory_space<semaphore_mem>>
        %dma_start3A_2132 = arith.constant 0 : i32
        %dma_start3A_2133 = arith.constant 0 : i32
        %dma_start3A_2134 = tpu.memref_slice %arg7[%select_n3A_2110, %dma_start3A_2132, %dma_start3A_2133] : memref<11x64x128xf32, #tpu.memory_space<vmem>> -> memref<1x64x128xf32, #tpu.memory_space<vmem>>
        %dma_start3A_2135 = tpu.memref_squeeze %dma_start3A_2134 : memref<1x64x128xf32, #tpu.memory_space<vmem>> -> memref<64x128xf32, #tpu.memory_space<vmem>>
        tpu.enqueue_dma source(%arg3 : memref<64x128xf32, #tpu.memory_space<hbm>>) target(%dma_start3A_2135 : memref<64x128xf32, #tpu.memory_space<vmem>>) target_semaphore(%dma_start3A_2131 : memref<!tpu.dma_semaphore, #tpu.memory_space<semaphore_mem>>)
      } else {
      }
      %ge3A_800 = arith.constant 1 : i32
      %ge3A_801 = arith.cmpi sge, %scan3A_674, %ge3A_800 : i32
      %convert_element_type3A_802 = arith.extui %ge3A_801 : i1 to i32
      %cond3A_803 = arith.constant 0 : i32
      %cond3A_804 = arith.cmpi ne, %convert_element_type3A_802, %cond3A_803 : i32
      scf.if %cond3A_804 {
        %sub3A_2095 = arith.constant 10 : i32
        %sub3A_2096 = arith.subi %add3A_783, %sub3A_2095 : i32
        %slice3A_2097 = vector.extract_strided_slice %get3A_684 {offsets = [10], sizes = [1], strides = [1]} : vector<16xi32> to vector<1xi32>
        %squeeze3A_2098 = vector.extract %slice3A_2097[0] : i32 from vector<1xi32>
        %and3A_2099 = arith.constant 127 : i32
        %and3A_2100 = arith.andi %squeeze3A_2098, %and3A_2099 : i32
        %broadcast_in_dim3A_2101 = vector.broadcast %and3A_2100 : i32 to vector<16xi32>
        %jit3A_2102 = arith.constant 11 : i32
        %eq3A_2103 = arith.constant 0 : i32
        %eq3A_2104 = arith.cmpi eq, %jit3A_2102, %eq3A_2103 : i32
        %jit3A_2105 = arith.constant 1 : i32
        %select_n3A_2106 = arith.select %eq3A_2104, %jit3A_2105, %jit3A_2102 : i32
        %rem3A_2107 = arith.remsi %sub3A_2096, %select_n3A_2106 : i32
        %ne3A_2108 = arith.constant 0 : i32
        %ne3A_2109 = arith.cmpi ne, %rem3A_2107, %ne3A_2108 : i32
        %lt3A_2110 = arith.constant 0 : i32
        %lt3A_2111 = arith.cmpi slt, %rem3A_2107, %lt3A_2110 : i32
        %lt3A_2112 = arith.constant 0 : i32
        %lt3A_2113 = arith.cmpi slt, %select_n3A_2106, %lt3A_2112 : i32
        %ne3A_2114 = arith.xori %lt3A_2111, %lt3A_2113 : i1
        %and3A_2115 = arith.andi %ne3A_2114, %ne3A_2109 : i1
        %add3A_2116 = arith.addi %rem3A_2107, %select_n3A_2106 : i32
        %select_n3A_2117 = arith.select %and3A_2115, %add3A_2116, %rem3A_2107 : i32
        %jit3A_2118 = arith.constant 11 : i32
        %eq3A_2119 = arith.constant 0 : i32
        %eq3A_2120 = arith.cmpi eq, %jit3A_2118, %eq3A_2119 : i32
        %jit3A_2121 = arith.constant 1 : i32
        %select_n3A_2122 = arith.select %eq3A_2120, %jit3A_2121, %jit3A_2118 : i32
        %rem3A_2123 = arith.remsi %sub3A_2096, %select_n3A_2122 : i32
        %ne3A_2124 = arith.constant 0 : i32
        %ne3A_2125 = arith.cmpi ne, %rem3A_2123, %ne3A_2124 : i32
        %lt3A_2126 = arith.constant 0 : i32
        %lt3A_2127 = arith.cmpi slt, %rem3A_2123, %lt3A_2126 : i32
        %lt3A_2128 = arith.constant 0 : i32
        %lt3A_2129 = arith.cmpi slt, %select_n3A_2122, %lt3A_2128 : i32
        %ne3A_2130 = arith.xori %lt3A_2127, %lt3A_2129 : i1
        %and3A_2131 = arith.andi %ne3A_2130, %ne3A_2125 : i1
        %add3A_2132 = arith.addi %rem3A_2123, %select_n3A_2122 : i32
        %select_n3A_2133 = arith.select %and3A_2131, %add3A_2132, %rem3A_2123 : i32
        %dma_wait3A_2134 = arith.constant 0 : i32
        %dma_wait3A_2135 = arith.constant 0 : i32
        %dma_wait3A_2136 = tpu.memref_slice %arg7[%select_n3A_2117, %dma_wait3A_2134, %dma_wait3A_2135] : memref<11x64x128xf32, #tpu.memory_space<vmem>> -> memref<1x64x128xf32, #tpu.memory_space<vmem>>
        %dma_wait3A_2137 = tpu.memref_squeeze %dma_wait3A_2136 : memref<1x64x128xf32, #tpu.memory_space<vmem>> -> memref<64x128xf32, #tpu.memory_space<vmem>>
        %dma_wait3A_2138 = arith.constant 0 : i32
        %dma_wait3A_2139 = arith.constant 0 : i32
        %dma_wait3A_2140 = tpu.memref_slice %arg2[%dma_wait3A_2138, %dma_wait3A_2139] : memref<64x1000000xf32, #tpu.memory_space<hbm>> -> memref<64x128xf32, #tpu.memory_space<hbm>>
        %dma_wait3A_2141 = tpu.memref_slice %arg9[%select_n3A_2133] : memref<11x!tpu.dma_semaphore, #tpu.memory_space<semaphore_mem>> -> memref<1x!tpu.dma_semaphore, #tpu.memory_space<semaphore_mem>>
        %dma_wait3A_2142 = tpu.memref_squeeze %dma_wait3A_2141 : memref<1x!tpu.dma_semaphore, #tpu.memory_space<semaphore_mem>> -> memref<!tpu.dma_semaphore, #tpu.memory_space<semaphore_mem>>
        %dma_wait3A_2143 = arith.constant 0 : i32
        %dma_wait3A_2144 = arith.constant 0 : i32
        %dma_wait3A_2145 = tpu.memref_slice %arg7[%select_n3A_2117, %dma_wait3A_2143, %dma_wait3A_2144] : memref<11x64x128xf32, #tpu.memory_space<vmem>> -> memref<1x64x128xf32, #tpu.memory_space<vmem>>
        %dma_wait3A_2146 = tpu.memref_squeeze %dma_wait3A_2145 : memref<1x64x128xf32, #tpu.memory_space<vmem>> -> memref<64x128xf32, #tpu.memory_space<vmem>>
        %dma_wait3A_2147 = arith.constant 0 : i32
        %dma_wait3A_2148 = arith.constant 0 : i32
        %dma_wait3A_2149 = tpu.memref_slice %arg2[%dma_wait3A_2147, %dma_wait3A_2148] : memref<64x1000000xf32, #tpu.memory_space<hbm>> -> memref<64x128xf32, #tpu.memory_space<hbm>>
        tpu.wait_dma2 semaphore(%dma_wait3A_2142 : memref<!tpu.dma_semaphore, #tpu.memory_space<semaphore_mem>>) src(%dma_wait3A_2149 : memref<64x128xf32, #tpu.memory_space<hbm>>) dst(%dma_wait3A_2146 : memref<64x128xf32, #tpu.memory_space<vmem>>)
        %jit3A_2150 = arith.constant 11 : i32
        %eq3A_2151 = arith.constant 0 : i32
        %eq3A_2152 = arith.cmpi eq, %jit3A_2150, %eq3A_2151 : i32
        %jit3A_2153 = arith.constant 1 : i32
        %select_n3A_2154 = arith.select %eq3A_2152, %jit3A_2153, %jit3A_2150 : i32
        %rem3A_2155 = arith.remsi %sub3A_2096, %select_n3A_2154 : i32
        %ne3A_2156 = arith.constant 0 : i32
        %ne3A_2157 = arith.cmpi ne, %rem3A_2155, %ne3A_2156 : i32
        %lt3A_2158 = arith.constant 0 : i32
        %lt3A_2159 = arith.cmpi slt, %rem3A_2155, %lt3A_2158 : i32
        %lt3A_2160 = arith.constant 0 : i32
        %lt3A_2161 = arith.cmpi slt, %select_n3A_2154, %lt3A_2160 : i32
        %ne3A_2162 = arith.xori %lt3A_2159, %lt3A_2161 : i1
        %and3A_2163 = arith.andi %ne3A_2162, %ne3A_2157 : i1
        %add3A_2164 = arith.addi %rem3A_2155, %select_n3A_2154 : i32
        %select_n3A_2165 = arith.select %and3A_2163, %add3A_2164, %rem3A_2155 : i32
        %add3A_2166 = arith.constant 0 : i32
        %add3A_2167 = vector.broadcast %add3A_2166 : i32 to vector<16xi32>
        %add3A_2168 = arith.addi %iota3A, %add3A_2167 : vector<16xi32>
        %gather3A_2169 = arith.constant 0 : i32
        %gather3A_2170 = arith.constant 0 : i32
        %gather3A_2171 = tpu.memref_slice %arg7[%select_n3A_2165, %gather3A_2169, %gather3A_2170] : memref<11x64x128xf32, #tpu.memory_space<vmem>> -> memref<1x64x128xf32, #tpu.memory_space<vmem>>
        %gather3A_2172 = tpu.memref_squeeze %gather3A_2171 : memref<1x64x128xf32, #tpu.memory_space<vmem>> -> memref<64x128xf32, #tpu.memory_space<vmem>>
        %gather3A_2173 = tpu.vector_load_idx %gather3A_2172[%add3A_2168, %broadcast_in_dim3A_2101] : memref<64x128xf32, #tpu.memory_space<vmem>>[vector<16xi32>, vector<16xi32>], vector<16xf32>,
        %mul3A_2174 = arith.constant 64 : i32
        %mul3A_2175 = arith.muli %sub3A_2096, %mul3A_2174 : i32
        %add3A_2176 = arith.constant 0 : i32
        %add3A_2177 = arith.addi %mul3A_2175, %add3A_2176 : i32
        %swap3A_2178 = arith.index_cast %add3A_2177 : i32 to index
        %swap3A_2179 = tpu.vector_load %arg8[%swap3A_2178] {strides = array<i32>} : memref<32768xf32, #tpu.memory_space<vmem>>, vector<16xf32>,
        tpu.vector_store %arg8[%swap3A_2178], %gather3A_2173 {strides = array<i32>} : memref<32768xf32, #tpu.memory_space<vmem>>, vector<16xf32>,
        %jit3A_2180 = arith.constant 11 : i32
        %eq3A_2181 = arith.constant 0 : i32
        %eq3A_2182 = arith.cmpi eq, %jit3A_2180, %eq3A_2181 : i32
        %jit3A_2183 = arith.constant 1 : i32
        %select_n3A_2184 = arith.select %eq3A_2182, %jit3A_2183, %jit3A_2180 : i32
        %rem3A_2185 = arith.remsi %sub3A_2096, %select_n3A_2184 : i32
        %ne3A_2186 = arith.constant 0 : i32
        %ne3A_2187 = arith.cmpi ne, %rem3A_2185, %ne3A_2186 : i32
        %lt3A_2188 = arith.constant 0 : i32
        %lt3A_2189 = arith.cmpi slt, %rem3A_2185, %lt3A_2188 : i32
        %lt3A_2190 = arith.constant 0 : i32
        %lt3A_2191 = arith.cmpi slt, %select_n3A_2184, %lt3A_2190 : i32
        %ne3A_2192 = arith.xori %lt3A_2189, %lt3A_2191 : i1
        %and3A_2193 = arith.andi %ne3A_2192, %ne3A_2187 : i1
        %add3A_2194 = arith.addi %rem3A_2185, %select_n3A_2184 : i32
        %select_n3A_2195 = arith.select %and3A_2193, %add3A_2194, %rem3A_2185 : i32
        %add3A_2196 = arith.constant 16 : i32
        %add3A_2197 = vector.broadcast %add3A_2196 : i32 to vector<16xi32>
        %add3A_2198 = arith.addi %iota3A, %add3A_2197 : vector<16xi32>
        %gather3A_2199 = arith.constant 0 : i32
        %gather3A_2200 = arith.constant 0 : i32
        %gather3A_2201 = tpu.memref_slice %arg7[%select_n3A_2195, %gather3A_2199, %gather3A_2200] : memref<11x64x128xf32, #tpu.memory_space<vmem>> -> memref<1x64x128xf32, #tpu.memory_space<vmem>>
        %gather3A_2202 = tpu.memref_squeeze %gather3A_2201 : memref<1x64x128xf32, #tpu.memory_space<vmem>> -> memref<64x128xf32, #tpu.memory_space<vmem>>
        %gather3A_2203 = tpu.vector_load_idx %gather3A_2202[%add3A_2198, %broadcast_in_dim3A_2101] : memref<64x128xf32, #tpu.memory_space<vmem>>[vector<16xi32>, vector<16xi32>], vector<16xf32>,
        %mul3A_2204 = arith.constant 64 : i32
        %mul3A_2205 = arith.muli %sub3A_2096, %mul3A_2204 : i32
        %add3A_2206 = arith.constant 16 : i32
        %add3A_2207 = arith.addi %mul3A_2205, %add3A_2206 : i32
        %swap3A_2208 = arith.index_cast %add3A_2207 : i32 to index
        %swap3A_2209 = tpu.vector_load %arg8[%swap3A_2208] {strides = array<i32>} : memref<32768xf32, #tpu.memory_space<vmem>>, vector<16xf32>,
        tpu.vector_store %arg8[%swap3A_2208], %gather3A_2203 {strides = array<i32>} : memref<32768xf32, #tpu.memory_space<vmem>>, vector<16xf32>,
        %jit3A_2210 = arith.constant 11 : i32
        %eq3A_2211 = arith.constant 0 : i32
        %eq3A_2212 = arith.cmpi eq, %jit3A_2210, %eq3A_2211 : i32
        %jit3A_2213 = arith.constant 1 : i32
        %select_n3A_2214 = arith.select %eq3A_2212, %jit3A_2213, %jit3A_2210 : i32
        %rem3A_2215 = arith.remsi %sub3A_2096, %select_n3A_2214 : i32
        %ne3A_2216 = arith.constant 0 : i32
        %ne3A_2217 = arith.cmpi ne, %rem3A_2215, %ne3A_2216 : i32
        %lt3A_2218 = arith.constant 0 : i32
        %lt3A_2219 = arith.cmpi slt, %rem3A_2215, %lt3A_2218 : i32
        %lt3A_2220 = arith.constant 0 : i32
        %lt3A_2221 = arith.cmpi slt, %select_n3A_2214, %lt3A_2220 : i32
        %ne3A_2222 = arith.xori %lt3A_2219, %lt3A_2221 : i1
        %and3A_2223 = arith.andi %ne3A_2222, %ne3A_2217 : i1
        %add3A_2224 = arith.addi %rem3A_2215, %select_n3A_2214 : i32
        %select_n3A_2225 = arith.select %and3A_2223, %add3A_2224, %rem3A_2215 : i32
        %add3A_2226 = arith.constant 32 : i32
        %add3A_2227 = vector.broadcast %add3A_2226 : i32 to vector<16xi32>
        %add3A_2228 = arith.addi %iota3A, %add3A_2227 : vector<16xi32>
        %gather3A_2229 = arith.constant 0 : i32
        %gather3A_2230 = arith.constant 0 : i32
        %gather3A_2231 = tpu.memref_slice %arg7[%select_n3A_2225, %gather3A_2229, %gather3A_2230] : memref<11x64x128xf32, #tpu.memory_space<vmem>> -> memref<1x64x128xf32, #tpu.memory_space<vmem>>
        %gather3A_2232 = tpu.memref_squeeze %gather3A_2231 : memref<1x64x128xf32, #tpu.memory_space<vmem>> -> memref<64x128xf32, #tpu.memory_space<vmem>>
        %gather3A_2233 = tpu.vector_load_idx %gather3A_2232[%add3A_2228, %broadcast_in_dim3A_2101] : memref<64x128xf32, #tpu.memory_space<vmem>>[vector<16xi32>, vector<16xi32>], vector<16xf32>,
        %mul3A_2234 = arith.constant 64 : i32
        %mul3A_2235 = arith.muli %sub3A_2096, %mul3A_2234 : i32
        %add3A_2236 = arith.constant 32 : i32
        %add3A_2237 = arith.addi %mul3A_2235, %add3A_2236 : i32
        %swap3A_2238 = arith.index_cast %add3A_2237 : i32 to index
        %swap3A_2239 = tpu.vector_load %arg8[%swap3A_2238] {strides = array<i32>} : memref<32768xf32, #tpu.memory_space<vmem>>, vector<16xf32>,
        tpu.vector_store %arg8[%swap3A_2238], %gather3A_2233 {strides = array<i32>} : memref<32768xf32, #tpu.memory_space<vmem>>, vector<16xf32>,
        %jit3A_2240 = arith.constant 11 : i32
        %eq3A_2241 = arith.constant 0 : i32
        %eq3A_2242 = arith.cmpi eq, %jit3A_2240, %eq3A_2241 : i32
        %jit3A_2243 = arith.constant 1 : i32
        %select_n3A_2244 = arith.select %eq3A_2242, %jit3A_2243, %jit3A_2240 : i32
        %rem3A_2245 = arith.remsi %sub3A_2096, %select_n3A_2244 : i32
        %ne3A_2246 = arith.constant 0 : i32
        %ne3A_2247 = arith.cmpi ne, %rem3A_2245, %ne3A_2246 : i32
        %lt3A_2248 = arith.constant 0 : i32
        %lt3A_2249 = arith.cmpi slt, %rem3A_2245, %lt3A_2248 : i32
        %lt3A_2250 = arith.constant 0 : i32
        %lt3A_2251 = arith.cmpi slt, %select_n3A_2244, %lt3A_2250 : i32
        %ne3A_2252 = arith.xori %lt3A_2249, %lt3A_2251 : i1
        %and3A_2253 = arith.andi %ne3A_2252, %ne3A_2247 : i1
        %add3A_2254 = arith.addi %rem3A_2245, %select_n3A_2244 : i32
        %select_n3A_2255 = arith.select %and3A_2253, %add3A_2254, %rem3A_2245 : i32
        %add3A_2256 = arith.constant 48 : i32
        %add3A_2257 = vector.broadcast %add3A_2256 : i32 to vector<16xi32>
        %add3A_2258 = arith.addi %iota3A, %add3A_2257 : vector<16xi32>
        %gather3A_2259 = arith.constant 0 : i32
        %gather3A_2260 = arith.constant 0 : i32
        %gather3A_2261 = tpu.memref_slice %arg7[%select_n3A_2255, %gather3A_2259, %gather3A_2260] : memref<11x64x128xf32, #tpu.memory_space<vmem>> -> memref<1x64x128xf32, #tpu.memory_space<vmem>>
        %gather3A_2262 = tpu.memref_squeeze %gather3A_2261 : memref<1x64x128xf32, #tpu.memory_space<vmem>> -> memref<64x128xf32, #tpu.memory_space<vmem>>
        %gather3A_2263 = tpu.vector_load_idx %gather3A_2262[%add3A_2258, %broadcast_in_dim3A_2101] : memref<64x128xf32, #tpu.memory_space<vmem>>[vector<16xi32>, vector<16xi32>], vector<16xf32>,
        %mul3A_2264 = arith.constant 64 : i32
        %mul3A_2265 = arith.muli %sub3A_2096, %mul3A_2264 : i32
        %add3A_2266 = arith.constant 48 : i32
        %add3A_2267 = arith.addi %mul3A_2265, %add3A_2266 : i32
        %swap3A_2268 = arith.index_cast %add3A_2267 : i32 to index
        %swap3A_2269 = tpu.vector_load %arg8[%swap3A_2268] {strides = array<i32>} : memref<32768xf32, #tpu.memory_space<vmem>>, vector<16xf32>,
        tpu.vector_store %arg8[%swap3A_2268], %gather3A_2263 {strides = array<i32>} : memref<32768xf32, #tpu.memory_space<vmem>>, vector<16xf32>,
      } else {
      }
      %mul3A_805 = arith.constant 16 : i32
      %mul3A_806 = arith.muli %scan3A_674, %mul3A_805 : i32
      %add3A_807 = arith.constant 5 : i32
      %add3A_808 = arith.addi %mul3A_806, %add3A_807 : i32
      %slice3A_809 = vector.extract_strided_slice %get3A_678 {offsets = [5], sizes = [1], strides = [1]} : vector<16xi32> to vector<1xi32>
      %squeeze3A_810 = vector.extract %slice3A_809[0] : i32 from vector<1xi32>
      %shift_right_arithmetic3A_811 = arith.constant 7 : i32
      %shift_right_arithmetic3A_812 = arith.shrsi %squeeze3A_810, %shift_right_arithmetic3A_811 : i32
      %mul3A_813 = arith.constant 128 : i32
      %mul3A_814 = arith.muli %shift_right_arithmetic3A_812, %mul3A_813 : i32
      %lt3A_815 = arith.constant 999936 : i32
      %lt3A_816 = arith.cmpi slt, %squeeze3A_810, %lt3A_815 : i32
      %convert_element_type3A_817 = arith.extui %lt3A_816 : i1 to i32
      %cond3A_818 = arith.constant 0 : i32
      %cond3A_819 = arith.cmpi ne, %convert_element_type3A_817, %cond3A_818 : i32
      scf.if %cond3A_819 {
        %jit3A_2095 = arith.constant 11 : i32
        %eq3A_2096 = arith.constant 0 : i32
        %eq3A_2097 = arith.cmpi eq, %jit3A_2095, %eq3A_2096 : i32
        %jit3A_2098 = arith.constant 1 : i32
        %select_n3A_2099 = arith.select %eq3A_2097, %jit3A_2098, %jit3A_2095 : i32
        %rem3A_2100 = arith.remsi %add3A_808, %select_n3A_2099 : i32
        %ne3A_2101 = arith.constant 0 : i32
        %ne3A_2102 = arith.cmpi ne, %rem3A_2100, %ne3A_2101 : i32
        %lt3A_2103 = arith.constant 0 : i32
        %lt3A_2104 = arith.cmpi slt, %rem3A_2100, %lt3A_2103 : i32
        %lt3A_2105 = arith.constant 0 : i32
        %lt3A_2106 = arith.cmpi slt, %select_n3A_2099, %lt3A_2105 : i32
        %ne3A_2107 = arith.xori %lt3A_2104, %lt3A_2106 : i1
        %and3A_2108 = arith.andi %ne3A_2107, %ne3A_2102 : i1
        %add3A_2109 = arith.addi %rem3A_2100, %select_n3A_2099 : i32
        %select_n3A_2110 = arith.select %and3A_2108, %add3A_2109, %rem3A_2100 : i32
        %jit3A_2111 = arith.constant 11 : i32
        %eq3A_2112 = arith.constant 0 : i32
        %eq3A_2113 = arith.cmpi eq, %jit3A_2111, %eq3A_2112 : i32
        %jit3A_2114 = arith.constant 1 : i32
        %select_n3A_2115 = arith.select %eq3A_2113, %jit3A_2114, %jit3A_2111 : i32
        %rem3A_2116 = arith.remsi %add3A_808, %select_n3A_2115 : i32
        %ne3A_2117 = arith.constant 0 : i32
        %ne3A_2118 = arith.cmpi ne, %rem3A_2116, %ne3A_2117 : i32
        %lt3A_2119 = arith.constant 0 : i32
        %lt3A_2120 = arith.cmpi slt, %rem3A_2116, %lt3A_2119 : i32
        %lt3A_2121 = arith.constant 0 : i32
        %lt3A_2122 = arith.cmpi slt, %select_n3A_2115, %lt3A_2121 : i32
        %ne3A_2123 = arith.xori %lt3A_2120, %lt3A_2122 : i1
        %and3A_2124 = arith.andi %ne3A_2123, %ne3A_2118 : i1
        %add3A_2125 = arith.addi %rem3A_2116, %select_n3A_2115 : i32
        %select_n3A_2126 = arith.select %and3A_2124, %add3A_2125, %rem3A_2116 : i32
        %dma_start3A = arith.constant 0 : i32
        %dma_start3A_2127 = arith.constant 0 : i32
        %dma_start3A_2128 = tpu.memref_slice %arg7[%select_n3A_2110, %dma_start3A, %dma_start3A_2127] : memref<11x64x128xf32, #tpu.memory_space<vmem>> -> memref<1x64x128xf32, #tpu.memory_space<vmem>>
        %dma_start3A_2129 = tpu.memref_squeeze %dma_start3A_2128 : memref<1x64x128xf32, #tpu.memory_space<vmem>> -> memref<64x128xf32, #tpu.memory_space<vmem>>
        %dma_start3A_2130 = arith.constant 0 : i32
        %dma_start3A_2131 = tpu.memref_slice %arg2[%dma_start3A_2130, %mul3A_814] : memref<64x1000000xf32, #tpu.memory_space<hbm>> -> memref<64x128xf32, #tpu.memory_space<hbm>>
        %dma_start3A_2132 = tpu.memref_slice %arg9[%select_n3A_2126] : memref<11x!tpu.dma_semaphore, #tpu.memory_space<semaphore_mem>> -> memref<1x!tpu.dma_semaphore, #tpu.memory_space<semaphore_mem>>
        %dma_start3A_2133 = tpu.memref_squeeze %dma_start3A_2132 : memref<1x!tpu.dma_semaphore, #tpu.memory_space<semaphore_mem>> -> memref<!tpu.dma_semaphore, #tpu.memory_space<semaphore_mem>>
        %dma_start3A_2134 = arith.constant 0 : i32
        %dma_start3A_2135 = arith.constant 0 : i32
        %dma_start3A_2136 = tpu.memref_slice %arg7[%select_n3A_2110, %dma_start3A_2134, %dma_start3A_2135] : memref<11x64x128xf32, #tpu.memory_space<vmem>> -> memref<1x64x128xf32, #tpu.memory_space<vmem>>
        %dma_start3A_2137 = tpu.memref_squeeze %dma_start3A_2136 : memref<1x64x128xf32, #tpu.memory_space<vmem>> -> memref<64x128xf32, #tpu.memory_space<vmem>>
        %dma_start3A_2138 = arith.constant 0 : i32
        %dma_start3A_2139 = tpu.memref_slice %arg2[%dma_start3A_2138, %mul3A_814] : memref<64x1000000xf32, #tpu.memory_space<hbm>> -> memref<64x128xf32, #tpu.memory_space<hbm>>
        tpu.enqueue_dma source(%dma_start3A_2139 : memref<64x128xf32, #tpu.memory_space<hbm>>) target(%dma_start3A_2137 : memref<64x128xf32, #tpu.memory_space<vmem>>) target_semaphore(%dma_start3A_2133 : memref<!tpu.dma_semaphore, #tpu.memory_space<semaphore_mem>>)
      } else {
      }
      %ge3A_820 = arith.constant 999936 : i32
      %ge3A_821 = arith.cmpi sge, %squeeze3A_810, %ge3A_820 : i32
      %convert_element_type3A_822 = arith.extui %ge3A_821 : i1 to i32
      %cond3A_823 = arith.constant 0 : i32
      %cond3A_824 = arith.cmpi ne, %convert_element_type3A_822, %cond3A_823 : i32
      scf.if %cond3A_824 {
        %jit3A_2095 = arith.constant 11 : i32
        %eq3A_2096 = arith.constant 0 : i32
        %eq3A_2097 = arith.cmpi eq, %jit3A_2095, %eq3A_2096 : i32
        %jit3A_2098 = arith.constant 1 : i32
        %select_n3A_2099 = arith.select %eq3A_2097, %jit3A_2098, %jit3A_2095 : i32
        %rem3A_2100 = arith.remsi %add3A_808, %select_n3A_2099 : i32
        %ne3A_2101 = arith.constant 0 : i32
        %ne3A_2102 = arith.cmpi ne, %rem3A_2100, %ne3A_2101 : i32
        %lt3A_2103 = arith.constant 0 : i32
        %lt3A_2104 = arith.cmpi slt, %rem3A_2100, %lt3A_2103 : i32
        %lt3A_2105 = arith.constant 0 : i32
        %lt3A_2106 = arith.cmpi slt, %select_n3A_2099, %lt3A_2105 : i32
        %ne3A_2107 = arith.xori %lt3A_2104, %lt3A_2106 : i1
        %and3A_2108 = arith.andi %ne3A_2107, %ne3A_2102 : i1
        %add3A_2109 = arith.addi %rem3A_2100, %select_n3A_2099 : i32
        %select_n3A_2110 = arith.select %and3A_2108, %add3A_2109, %rem3A_2100 : i32
        %jit3A_2111 = arith.constant 11 : i32
        %eq3A_2112 = arith.constant 0 : i32
        %eq3A_2113 = arith.cmpi eq, %jit3A_2111, %eq3A_2112 : i32
        %jit3A_2114 = arith.constant 1 : i32
        %select_n3A_2115 = arith.select %eq3A_2113, %jit3A_2114, %jit3A_2111 : i32
        %rem3A_2116 = arith.remsi %add3A_808, %select_n3A_2115 : i32
        %ne3A_2117 = arith.constant 0 : i32
        %ne3A_2118 = arith.cmpi ne, %rem3A_2116, %ne3A_2117 : i32
        %lt3A_2119 = arith.constant 0 : i32
        %lt3A_2120 = arith.cmpi slt, %rem3A_2116, %lt3A_2119 : i32
        %lt3A_2121 = arith.constant 0 : i32
        %lt3A_2122 = arith.cmpi slt, %select_n3A_2115, %lt3A_2121 : i32
        %ne3A_2123 = arith.xori %lt3A_2120, %lt3A_2122 : i1
        %and3A_2124 = arith.andi %ne3A_2123, %ne3A_2118 : i1
        %add3A_2125 = arith.addi %rem3A_2116, %select_n3A_2115 : i32
        %select_n3A_2126 = arith.select %and3A_2124, %add3A_2125, %rem3A_2116 : i32
        %dma_start3A = arith.constant 0 : i32
        %dma_start3A_2127 = arith.constant 0 : i32
        %dma_start3A_2128 = tpu.memref_slice %arg7[%select_n3A_2110, %dma_start3A, %dma_start3A_2127] : memref<11x64x128xf32, #tpu.memory_space<vmem>> -> memref<1x64x128xf32, #tpu.memory_space<vmem>>
        %dma_start3A_2129 = tpu.memref_squeeze %dma_start3A_2128 : memref<1x64x128xf32, #tpu.memory_space<vmem>> -> memref<64x128xf32, #tpu.memory_space<vmem>>
        %dma_start3A_2130 = tpu.memref_slice %arg9[%select_n3A_2126] : memref<11x!tpu.dma_semaphore, #tpu.memory_space<semaphore_mem>> -> memref<1x!tpu.dma_semaphore, #tpu.memory_space<semaphore_mem>>
        %dma_start3A_2131 = tpu.memref_squeeze %dma_start3A_2130 : memref<1x!tpu.dma_semaphore, #tpu.memory_space<semaphore_mem>> -> memref<!tpu.dma_semaphore, #tpu.memory_space<semaphore_mem>>
        %dma_start3A_2132 = arith.constant 0 : i32
        %dma_start3A_2133 = arith.constant 0 : i32
        %dma_start3A_2134 = tpu.memref_slice %arg7[%select_n3A_2110, %dma_start3A_2132, %dma_start3A_2133] : memref<11x64x128xf32, #tpu.memory_space<vmem>> -> memref<1x64x128xf32, #tpu.memory_space<vmem>>
        %dma_start3A_2135 = tpu.memref_squeeze %dma_start3A_2134 : memref<1x64x128xf32, #tpu.memory_space<vmem>> -> memref<64x128xf32, #tpu.memory_space<vmem>>
        tpu.enqueue_dma source(%arg3 : memref<64x128xf32, #tpu.memory_space<hbm>>) target(%dma_start3A_2135 : memref<64x128xf32, #tpu.memory_space<vmem>>) target_semaphore(%dma_start3A_2131 : memref<!tpu.dma_semaphore, #tpu.memory_space<semaphore_mem>>)
      } else {
      }
      %ge3A_825 = arith.constant 1 : i32
      %ge3A_826 = arith.cmpi sge, %scan3A_674, %ge3A_825 : i32
      %convert_element_type3A_827 = arith.extui %ge3A_826 : i1 to i32
      %cond3A_828 = arith.constant 0 : i32
      %cond3A_829 = arith.cmpi ne, %convert_element_type3A_827, %cond3A_828 : i32
      scf.if %cond3A_829 {
        %sub3A_2095 = arith.constant 10 : i32
        %sub3A_2096 = arith.subi %add3A_808, %sub3A_2095 : i32
        %slice3A_2097 = vector.extract_strided_slice %get3A_684 {offsets = [11], sizes = [1], strides = [1]} : vector<16xi32> to vector<1xi32>
        %squeeze3A_2098 = vector.extract %slice3A_2097[0] : i32 from vector<1xi32>
        %and3A_2099 = arith.constant 127 : i32
        %and3A_2100 = arith.andi %squeeze3A_2098, %and3A_2099 : i32
        %broadcast_in_dim3A_2101 = vector.broadcast %and3A_2100 : i32 to vector<16xi32>
        %jit3A_2102 = arith.constant 11 : i32
        %eq3A_2103 = arith.constant 0 : i32
        %eq3A_2104 = arith.cmpi eq, %jit3A_2102, %eq3A_2103 : i32
        %jit3A_2105 = arith.constant 1 : i32
        %select_n3A_2106 = arith.select %eq3A_2104, %jit3A_2105, %jit3A_2102 : i32
        %rem3A_2107 = arith.remsi %sub3A_2096, %select_n3A_2106 : i32
        %ne3A_2108 = arith.constant 0 : i32
        %ne3A_2109 = arith.cmpi ne, %rem3A_2107, %ne3A_2108 : i32
        %lt3A_2110 = arith.constant 0 : i32
        %lt3A_2111 = arith.cmpi slt, %rem3A_2107, %lt3A_2110 : i32
        %lt3A_2112 = arith.constant 0 : i32
        %lt3A_2113 = arith.cmpi slt, %select_n3A_2106, %lt3A_2112 : i32
        %ne3A_2114 = arith.xori %lt3A_2111, %lt3A_2113 : i1
        %and3A_2115 = arith.andi %ne3A_2114, %ne3A_2109 : i1
        %add3A_2116 = arith.addi %rem3A_2107, %select_n3A_2106 : i32
        %select_n3A_2117 = arith.select %and3A_2115, %add3A_2116, %rem3A_2107 : i32
        %jit3A_2118 = arith.constant 11 : i32
        %eq3A_2119 = arith.constant 0 : i32
        %eq3A_2120 = arith.cmpi eq, %jit3A_2118, %eq3A_2119 : i32
        %jit3A_2121 = arith.constant 1 : i32
        %select_n3A_2122 = arith.select %eq3A_2120, %jit3A_2121, %jit3A_2118 : i32
        %rem3A_2123 = arith.remsi %sub3A_2096, %select_n3A_2122 : i32
        %ne3A_2124 = arith.constant 0 : i32
        %ne3A_2125 = arith.cmpi ne, %rem3A_2123, %ne3A_2124 : i32
        %lt3A_2126 = arith.constant 0 : i32
        %lt3A_2127 = arith.cmpi slt, %rem3A_2123, %lt3A_2126 : i32
        %lt3A_2128 = arith.constant 0 : i32
        %lt3A_2129 = arith.cmpi slt, %select_n3A_2122, %lt3A_2128 : i32
        %ne3A_2130 = arith.xori %lt3A_2127, %lt3A_2129 : i1
        %and3A_2131 = arith.andi %ne3A_2130, %ne3A_2125 : i1
        %add3A_2132 = arith.addi %rem3A_2123, %select_n3A_2122 : i32
        %select_n3A_2133 = arith.select %and3A_2131, %add3A_2132, %rem3A_2123 : i32
        %dma_wait3A_2134 = arith.constant 0 : i32
        %dma_wait3A_2135 = arith.constant 0 : i32
        %dma_wait3A_2136 = tpu.memref_slice %arg7[%select_n3A_2117, %dma_wait3A_2134, %dma_wait3A_2135] : memref<11x64x128xf32, #tpu.memory_space<vmem>> -> memref<1x64x128xf32, #tpu.memory_space<vmem>>
        %dma_wait3A_2137 = tpu.memref_squeeze %dma_wait3A_2136 : memref<1x64x128xf32, #tpu.memory_space<vmem>> -> memref<64x128xf32, #tpu.memory_space<vmem>>
        %dma_wait3A_2138 = arith.constant 0 : i32
        %dma_wait3A_2139 = arith.constant 0 : i32
        %dma_wait3A_2140 = tpu.memref_slice %arg2[%dma_wait3A_2138, %dma_wait3A_2139] : memref<64x1000000xf32, #tpu.memory_space<hbm>> -> memref<64x128xf32, #tpu.memory_space<hbm>>
        %dma_wait3A_2141 = tpu.memref_slice %arg9[%select_n3A_2133] : memref<11x!tpu.dma_semaphore, #tpu.memory_space<semaphore_mem>> -> memref<1x!tpu.dma_semaphore, #tpu.memory_space<semaphore_mem>>
        %dma_wait3A_2142 = tpu.memref_squeeze %dma_wait3A_2141 : memref<1x!tpu.dma_semaphore, #tpu.memory_space<semaphore_mem>> -> memref<!tpu.dma_semaphore, #tpu.memory_space<semaphore_mem>>
        %dma_wait3A_2143 = arith.constant 0 : i32
        %dma_wait3A_2144 = arith.constant 0 : i32
        %dma_wait3A_2145 = tpu.memref_slice %arg7[%select_n3A_2117, %dma_wait3A_2143, %dma_wait3A_2144] : memref<11x64x128xf32, #tpu.memory_space<vmem>> -> memref<1x64x128xf32, #tpu.memory_space<vmem>>
        %dma_wait3A_2146 = tpu.memref_squeeze %dma_wait3A_2145 : memref<1x64x128xf32, #tpu.memory_space<vmem>> -> memref<64x128xf32, #tpu.memory_space<vmem>>
        %dma_wait3A_2147 = arith.constant 0 : i32
        %dma_wait3A_2148 = arith.constant 0 : i32
        %dma_wait3A_2149 = tpu.memref_slice %arg2[%dma_wait3A_2147, %dma_wait3A_2148] : memref<64x1000000xf32, #tpu.memory_space<hbm>> -> memref<64x128xf32, #tpu.memory_space<hbm>>
        tpu.wait_dma2 semaphore(%dma_wait3A_2142 : memref<!tpu.dma_semaphore, #tpu.memory_space<semaphore_mem>>) src(%dma_wait3A_2149 : memref<64x128xf32, #tpu.memory_space<hbm>>) dst(%dma_wait3A_2146 : memref<64x128xf32, #tpu.memory_space<vmem>>)
        %jit3A_2150 = arith.constant 11 : i32
        %eq3A_2151 = arith.constant 0 : i32
        %eq3A_2152 = arith.cmpi eq, %jit3A_2150, %eq3A_2151 : i32
        %jit3A_2153 = arith.constant 1 : i32
        %select_n3A_2154 = arith.select %eq3A_2152, %jit3A_2153, %jit3A_2150 : i32
        %rem3A_2155 = arith.remsi %sub3A_2096, %select_n3A_2154 : i32
        %ne3A_2156 = arith.constant 0 : i32
        %ne3A_2157 = arith.cmpi ne, %rem3A_2155, %ne3A_2156 : i32
        %lt3A_2158 = arith.constant 0 : i32
        %lt3A_2159 = arith.cmpi slt, %rem3A_2155, %lt3A_2158 : i32
        %lt3A_2160 = arith.constant 0 : i32
        %lt3A_2161 = arith.cmpi slt, %select_n3A_2154, %lt3A_2160 : i32
        %ne3A_2162 = arith.xori %lt3A_2159, %lt3A_2161 : i1
        %and3A_2163 = arith.andi %ne3A_2162, %ne3A_2157 : i1
        %add3A_2164 = arith.addi %rem3A_2155, %select_n3A_2154 : i32
        %select_n3A_2165 = arith.select %and3A_2163, %add3A_2164, %rem3A_2155 : i32
        %add3A_2166 = arith.constant 0 : i32
        %add3A_2167 = vector.broadcast %add3A_2166 : i32 to vector<16xi32>
        %add3A_2168 = arith.addi %iota3A, %add3A_2167 : vector<16xi32>
        %gather3A_2169 = arith.constant 0 : i32
        %gather3A_2170 = arith.constant 0 : i32
        %gather3A_2171 = tpu.memref_slice %arg7[%select_n3A_2165, %gather3A_2169, %gather3A_2170] : memref<11x64x128xf32, #tpu.memory_space<vmem>> -> memref<1x64x128xf32, #tpu.memory_space<vmem>>
        %gather3A_2172 = tpu.memref_squeeze %gather3A_2171 : memref<1x64x128xf32, #tpu.memory_space<vmem>> -> memref<64x128xf32, #tpu.memory_space<vmem>>
        %gather3A_2173 = tpu.vector_load_idx %gather3A_2172[%add3A_2168, %broadcast_in_dim3A_2101] : memref<64x128xf32, #tpu.memory_space<vmem>>[vector<16xi32>, vector<16xi32>], vector<16xf32>,
        %mul3A_2174 = arith.constant 64 : i32
        %mul3A_2175 = arith.muli %sub3A_2096, %mul3A_2174 : i32
        %add3A_2176 = arith.constant 0 : i32
        %add3A_2177 = arith.addi %mul3A_2175, %add3A_2176 : i32
        %swap3A_2178 = arith.index_cast %add3A_2177 : i32 to index
        %swap3A_2179 = tpu.vector_load %arg8[%swap3A_2178] {strides = array<i32>} : memref<32768xf32, #tpu.memory_space<vmem>>, vector<16xf32>,
        tpu.vector_store %arg8[%swap3A_2178], %gather3A_2173 {strides = array<i32>} : memref<32768xf32, #tpu.memory_space<vmem>>, vector<16xf32>,
        %jit3A_2180 = arith.constant 11 : i32
        %eq3A_2181 = arith.constant 0 : i32
        %eq3A_2182 = arith.cmpi eq, %jit3A_2180, %eq3A_2181 : i32
        %jit3A_2183 = arith.constant 1 : i32
        %select_n3A_2184 = arith.select %eq3A_2182, %jit3A_2183, %jit3A_2180 : i32
        %rem3A_2185 = arith.remsi %sub3A_2096, %select_n3A_2184 : i32
        %ne3A_2186 = arith.constant 0 : i32
        %ne3A_2187 = arith.cmpi ne, %rem3A_2185, %ne3A_2186 : i32
        %lt3A_2188 = arith.constant 0 : i32
        %lt3A_2189 = arith.cmpi slt, %rem3A_2185, %lt3A_2188 : i32
        %lt3A_2190 = arith.constant 0 : i32
        %lt3A_2191 = arith.cmpi slt, %select_n3A_2184, %lt3A_2190 : i32
        %ne3A_2192 = arith.xori %lt3A_2189, %lt3A_2191 : i1
        %and3A_2193 = arith.andi %ne3A_2192, %ne3A_2187 : i1
        %add3A_2194 = arith.addi %rem3A_2185, %select_n3A_2184 : i32
        %select_n3A_2195 = arith.select %and3A_2193, %add3A_2194, %rem3A_2185 : i32
        %add3A_2196 = arith.constant 16 : i32
        %add3A_2197 = vector.broadcast %add3A_2196 : i32 to vector<16xi32>
        %add3A_2198 = arith.addi %iota3A, %add3A_2197 : vector<16xi32>
        %gather3A_2199 = arith.constant 0 : i32
        %gather3A_2200 = arith.constant 0 : i32
        %gather3A_2201 = tpu.memref_slice %arg7[%select_n3A_2195, %gather3A_2199, %gather3A_2200] : memref<11x64x128xf32, #tpu.memory_space<vmem>> -> memref<1x64x128xf32, #tpu.memory_space<vmem>>
        %gather3A_2202 = tpu.memref_squeeze %gather3A_2201 : memref<1x64x128xf32, #tpu.memory_space<vmem>> -> memref<64x128xf32, #tpu.memory_space<vmem>>
        %gather3A_2203 = tpu.vector_load_idx %gather3A_2202[%add3A_2198, %broadcast_in_dim3A_2101] : memref<64x128xf32, #tpu.memory_space<vmem>>[vector<16xi32>, vector<16xi32>], vector<16xf32>,
        %mul3A_2204 = arith.constant 64 : i32
        %mul3A_2205 = arith.muli %sub3A_2096, %mul3A_2204 : i32
        %add3A_2206 = arith.constant 16 : i32
        %add3A_2207 = arith.addi %mul3A_2205, %add3A_2206 : i32
        %swap3A_2208 = arith.index_cast %add3A_2207 : i32 to index
        %swap3A_2209 = tpu.vector_load %arg8[%swap3A_2208] {strides = array<i32>} : memref<32768xf32, #tpu.memory_space<vmem>>, vector<16xf32>,
        tpu.vector_store %arg8[%swap3A_2208], %gather3A_2203 {strides = array<i32>} : memref<32768xf32, #tpu.memory_space<vmem>>, vector<16xf32>,
        %jit3A_2210 = arith.constant 11 : i32
        %eq3A_2211 = arith.constant 0 : i32
        %eq3A_2212 = arith.cmpi eq, %jit3A_2210, %eq3A_2211 : i32
        %jit3A_2213 = arith.constant 1 : i32
        %select_n3A_2214 = arith.select %eq3A_2212, %jit3A_2213, %jit3A_2210 : i32
        %rem3A_2215 = arith.remsi %sub3A_2096, %select_n3A_2214 : i32
        %ne3A_2216 = arith.constant 0 : i32
        %ne3A_2217 = arith.cmpi ne, %rem3A_2215, %ne3A_2216 : i32
        %lt3A_2218 = arith.constant 0 : i32
        %lt3A_2219 = arith.cmpi slt, %rem3A_2215, %lt3A_2218 : i32
        %lt3A_2220 = arith.constant 0 : i32
        %lt3A_2221 = arith.cmpi slt, %select_n3A_2214, %lt3A_2220 : i32
        %ne3A_2222 = arith.xori %lt3A_2219, %lt3A_2221 : i1
        %and3A_2223 = arith.andi %ne3A_2222, %ne3A_2217 : i1
        %add3A_2224 = arith.addi %rem3A_2215, %select_n3A_2214 : i32
        %select_n3A_2225 = arith.select %and3A_2223, %add3A_2224, %rem3A_2215 : i32
        %add3A_2226 = arith.constant 32 : i32
        %add3A_2227 = vector.broadcast %add3A_2226 : i32 to vector<16xi32>
        %add3A_2228 = arith.addi %iota3A, %add3A_2227 : vector<16xi32>
        %gather3A_2229 = arith.constant 0 : i32
        %gather3A_2230 = arith.constant 0 : i32
        %gather3A_2231 = tpu.memref_slice %arg7[%select_n3A_2225, %gather3A_2229, %gather3A_2230] : memref<11x64x128xf32, #tpu.memory_space<vmem>> -> memref<1x64x128xf32, #tpu.memory_space<vmem>>
        %gather3A_2232 = tpu.memref_squeeze %gather3A_2231 : memref<1x64x128xf32, #tpu.memory_space<vmem>> -> memref<64x128xf32, #tpu.memory_space<vmem>>
        %gather3A_2233 = tpu.vector_load_idx %gather3A_2232[%add3A_2228, %broadcast_in_dim3A_2101] : memref<64x128xf32, #tpu.memory_space<vmem>>[vector<16xi32>, vector<16xi32>], vector<16xf32>,
        %mul3A_2234 = arith.constant 64 : i32
        %mul3A_2235 = arith.muli %sub3A_2096, %mul3A_2234 : i32
        %add3A_2236 = arith.constant 32 : i32
        %add3A_2237 = arith.addi %mul3A_2235, %add3A_2236 : i32
        %swap3A_2238 = arith.index_cast %add3A_2237 : i32 to index
        %swap3A_2239 = tpu.vector_load %arg8[%swap3A_2238] {strides = array<i32>} : memref<32768xf32, #tpu.memory_space<vmem>>, vector<16xf32>,
        tpu.vector_store %arg8[%swap3A_2238], %gather3A_2233 {strides = array<i32>} : memref<32768xf32, #tpu.memory_space<vmem>>, vector<16xf32>,
        %jit3A_2240 = arith.constant 11 : i32
        %eq3A_2241 = arith.constant 0 : i32
        %eq3A_2242 = arith.cmpi eq, %jit3A_2240, %eq3A_2241 : i32
        %jit3A_2243 = arith.constant 1 : i32
        %select_n3A_2244 = arith.select %eq3A_2242, %jit3A_2243, %jit3A_2240 : i32
        %rem3A_2245 = arith.remsi %sub3A_2096, %select_n3A_2244 : i32
        %ne3A_2246 = arith.constant 0 : i32
        %ne3A_2247 = arith.cmpi ne, %rem3A_2245, %ne3A_2246 : i32
        %lt3A_2248 = arith.constant 0 : i32
        %lt3A_2249 = arith.cmpi slt, %rem3A_2245, %lt3A_2248 : i32
        %lt3A_2250 = arith.constant 0 : i32
        %lt3A_2251 = arith.cmpi slt, %select_n3A_2244, %lt3A_2250 : i32
        %ne3A_2252 = arith.xori %lt3A_2249, %lt3A_2251 : i1
        %and3A_2253 = arith.andi %ne3A_2252, %ne3A_2247 : i1
        %add3A_2254 = arith.addi %rem3A_2245, %select_n3A_2244 : i32
        %select_n3A_2255 = arith.select %and3A_2253, %add3A_2254, %rem3A_2245 : i32
        %add3A_2256 = arith.constant 48 : i32
        %add3A_2257 = vector.broadcast %add3A_2256 : i32 to vector<16xi32>
        %add3A_2258 = arith.addi %iota3A, %add3A_2257 : vector<16xi32>
        %gather3A_2259 = arith.constant 0 : i32
        %gather3A_2260 = arith.constant 0 : i32
        %gather3A_2261 = tpu.memref_slice %arg7[%select_n3A_2255, %gather3A_2259, %gather3A_2260] : memref<11x64x128xf32, #tpu.memory_space<vmem>> -> memref<1x64x128xf32, #tpu.memory_space<vmem>>
        %gather3A_2262 = tpu.memref_squeeze %gather3A_2261 : memref<1x64x128xf32, #tpu.memory_space<vmem>> -> memref<64x128xf32, #tpu.memory_space<vmem>>
        %gather3A_2263 = tpu.vector_load_idx %gather3A_2262[%add3A_2258, %broadcast_in_dim3A_2101] : memref<64x128xf32, #tpu.memory_space<vmem>>[vector<16xi32>, vector<16xi32>], vector<16xf32>,
        %mul3A_2264 = arith.constant 64 : i32
        %mul3A_2265 = arith.muli %sub3A_2096, %mul3A_2264 : i32
        %add3A_2266 = arith.constant 48 : i32
        %add3A_2267 = arith.addi %mul3A_2265, %add3A_2266 : i32
        %swap3A_2268 = arith.index_cast %add3A_2267 : i32 to index
        %swap3A_2269 = tpu.vector_load %arg8[%swap3A_2268] {strides = array<i32>} : memref<32768xf32, #tpu.memory_space<vmem>>, vector<16xf32>,
        tpu.vector_store %arg8[%swap3A_2268], %gather3A_2263 {strides = array<i32>} : memref<32768xf32, #tpu.memory_space<vmem>>, vector<16xf32>,
      } else {
      }
      %mul3A_830 = arith.constant 16 : i32
      %mul3A_831 = arith.muli %scan3A_674, %mul3A_830 : i32
      %add3A_832 = arith.constant 6 : i32
      %add3A_833 = arith.addi %mul3A_831, %add3A_832 : i32
      %slice3A_834 = vector.extract_strided_slice %get3A_678 {offsets = [6], sizes = [1], strides = [1]} : vector<16xi32> to vector<1xi32>
      %squeeze3A_835 = vector.extract %slice3A_834[0] : i32 from vector<1xi32>
      %shift_right_arithmetic3A_836 = arith.constant 7 : i32
      %shift_right_arithmetic3A_837 = arith.shrsi %squeeze3A_835, %shift_right_arithmetic3A_836 : i32
      %mul3A_838 = arith.constant 128 : i32
      %mul3A_839 = arith.muli %shift_right_arithmetic3A_837, %mul3A_838 : i32
      %lt3A_840 = arith.constant 999936 : i32
      %lt3A_841 = arith.cmpi slt, %squeeze3A_835, %lt3A_840 : i32
      %convert_element_type3A_842 = arith.extui %lt3A_841 : i1 to i32
      %cond3A_843 = arith.constant 0 : i32
      %cond3A_844 = arith.cmpi ne, %convert_element_type3A_842, %cond3A_843 : i32
      scf.if %cond3A_844 {
        %jit3A_2095 = arith.constant 11 : i32
        %eq3A_2096 = arith.constant 0 : i32
        %eq3A_2097 = arith.cmpi eq, %jit3A_2095, %eq3A_2096 : i32
        %jit3A_2098 = arith.constant 1 : i32
        %select_n3A_2099 = arith.select %eq3A_2097, %jit3A_2098, %jit3A_2095 : i32
        %rem3A_2100 = arith.remsi %add3A_833, %select_n3A_2099 : i32
        %ne3A_2101 = arith.constant 0 : i32
        %ne3A_2102 = arith.cmpi ne, %rem3A_2100, %ne3A_2101 : i32
        %lt3A_2103 = arith.constant 0 : i32
        %lt3A_2104 = arith.cmpi slt, %rem3A_2100, %lt3A_2103 : i32
        %lt3A_2105 = arith.constant 0 : i32
        %lt3A_2106 = arith.cmpi slt, %select_n3A_2099, %lt3A_2105 : i32
        %ne3A_2107 = arith.xori %lt3A_2104, %lt3A_2106 : i1
        %and3A_2108 = arith.andi %ne3A_2107, %ne3A_2102 : i1
        %add3A_2109 = arith.addi %rem3A_2100, %select_n3A_2099 : i32
        %select_n3A_2110 = arith.select %and3A_2108, %add3A_2109, %rem3A_2100 : i32
        %jit3A_2111 = arith.constant 11 : i32
        %eq3A_2112 = arith.constant 0 : i32
        %eq3A_2113 = arith.cmpi eq, %jit3A_2111, %eq3A_2112 : i32
        %jit3A_2114 = arith.constant 1 : i32
        %select_n3A_2115 = arith.select %eq3A_2113, %jit3A_2114, %jit3A_2111 : i32
        %rem3A_2116 = arith.remsi %add3A_833, %select_n3A_2115 : i32
        %ne3A_2117 = arith.constant 0 : i32
        %ne3A_2118 = arith.cmpi ne, %rem3A_2116, %ne3A_2117 : i32
        %lt3A_2119 = arith.constant 0 : i32
        %lt3A_2120 = arith.cmpi slt, %rem3A_2116, %lt3A_2119 : i32
        %lt3A_2121 = arith.constant 0 : i32
        %lt3A_2122 = arith.cmpi slt, %select_n3A_2115, %lt3A_2121 : i32
        %ne3A_2123 = arith.xori %lt3A_2120, %lt3A_2122 : i1
        %and3A_2124 = arith.andi %ne3A_2123, %ne3A_2118 : i1
        %add3A_2125 = arith.addi %rem3A_2116, %select_n3A_2115 : i32
        %select_n3A_2126 = arith.select %and3A_2124, %add3A_2125, %rem3A_2116 : i32
        %dma_start3A = arith.constant 0 : i32
        %dma_start3A_2127 = arith.constant 0 : i32
        %dma_start3A_2128 = tpu.memref_slice %arg7[%select_n3A_2110, %dma_start3A, %dma_start3A_2127] : memref<11x64x128xf32, #tpu.memory_space<vmem>> -> memref<1x64x128xf32, #tpu.memory_space<vmem>>
        %dma_start3A_2129 = tpu.memref_squeeze %dma_start3A_2128 : memref<1x64x128xf32, #tpu.memory_space<vmem>> -> memref<64x128xf32, #tpu.memory_space<vmem>>
        %dma_start3A_2130 = arith.constant 0 : i32
        %dma_start3A_2131 = tpu.memref_slice %arg2[%dma_start3A_2130, %mul3A_839] : memref<64x1000000xf32, #tpu.memory_space<hbm>> -> memref<64x128xf32, #tpu.memory_space<hbm>>
        %dma_start3A_2132 = tpu.memref_slice %arg9[%select_n3A_2126] : memref<11x!tpu.dma_semaphore, #tpu.memory_space<semaphore_mem>> -> memref<1x!tpu.dma_semaphore, #tpu.memory_space<semaphore_mem>>
        %dma_start3A_2133 = tpu.memref_squeeze %dma_start3A_2132 : memref<1x!tpu.dma_semaphore, #tpu.memory_space<semaphore_mem>> -> memref<!tpu.dma_semaphore, #tpu.memory_space<semaphore_mem>>
        %dma_start3A_2134 = arith.constant 0 : i32
        %dma_start3A_2135 = arith.constant 0 : i32
        %dma_start3A_2136 = tpu.memref_slice %arg7[%select_n3A_2110, %dma_start3A_2134, %dma_start3A_2135] : memref<11x64x128xf32, #tpu.memory_space<vmem>> -> memref<1x64x128xf32, #tpu.memory_space<vmem>>
        %dma_start3A_2137 = tpu.memref_squeeze %dma_start3A_2136 : memref<1x64x128xf32, #tpu.memory_space<vmem>> -> memref<64x128xf32, #tpu.memory_space<vmem>>
        %dma_start3A_2138 = arith.constant 0 : i32
        %dma_start3A_2139 = tpu.memref_slice %arg2[%dma_start3A_2138, %mul3A_839] : memref<64x1000000xf32, #tpu.memory_space<hbm>> -> memref<64x128xf32, #tpu.memory_space<hbm>>
        tpu.enqueue_dma source(%dma_start3A_2139 : memref<64x128xf32, #tpu.memory_space<hbm>>) target(%dma_start3A_2137 : memref<64x128xf32, #tpu.memory_space<vmem>>) target_semaphore(%dma_start3A_2133 : memref<!tpu.dma_semaphore, #tpu.memory_space<semaphore_mem>>)
      } else {
      }
      %ge3A_845 = arith.constant 999936 : i32
      %ge3A_846 = arith.cmpi sge, %squeeze3A_835, %ge3A_845 : i32
      %convert_element_type3A_847 = arith.extui %ge3A_846 : i1 to i32
      %cond3A_848 = arith.constant 0 : i32
      %cond3A_849 = arith.cmpi ne, %convert_element_type3A_847, %cond3A_848 : i32
      scf.if %cond3A_849 {
        %jit3A_2095 = arith.constant 11 : i32
        %eq3A_2096 = arith.constant 0 : i32
        %eq3A_2097 = arith.cmpi eq, %jit3A_2095, %eq3A_2096 : i32
        %jit3A_2098 = arith.constant 1 : i32
        %select_n3A_2099 = arith.select %eq3A_2097, %jit3A_2098, %jit3A_2095 : i32
        %rem3A_2100 = arith.remsi %add3A_833, %select_n3A_2099 : i32
        %ne3A_2101 = arith.constant 0 : i32
        %ne3A_2102 = arith.cmpi ne, %rem3A_2100, %ne3A_2101 : i32
        %lt3A_2103 = arith.constant 0 : i32
        %lt3A_2104 = arith.cmpi slt, %rem3A_2100, %lt3A_2103 : i32
        %lt3A_2105 = arith.constant 0 : i32
        %lt3A_2106 = arith.cmpi slt, %select_n3A_2099, %lt3A_2105 : i32
        %ne3A_2107 = arith.xori %lt3A_2104, %lt3A_2106 : i1
        %and3A_2108 = arith.andi %ne3A_2107, %ne3A_2102 : i1
        %add3A_2109 = arith.addi %rem3A_2100, %select_n3A_2099 : i32
        %select_n3A_2110 = arith.select %and3A_2108, %add3A_2109, %rem3A_2100 : i32
        %jit3A_2111 = arith.constant 11 : i32
        %eq3A_2112 = arith.constant 0 : i32
        %eq3A_2113 = arith.cmpi eq, %jit3A_2111, %eq3A_2112 : i32
        %jit3A_2114 = arith.constant 1 : i32
        %select_n3A_2115 = arith.select %eq3A_2113, %jit3A_2114, %jit3A_2111 : i32
        %rem3A_2116 = arith.remsi %add3A_833, %select_n3A_2115 : i32
        %ne3A_2117 = arith.constant 0 : i32
        %ne3A_2118 = arith.cmpi ne, %rem3A_2116, %ne3A_2117 : i32
        %lt3A_2119 = arith.constant 0 : i32
        %lt3A_2120 = arith.cmpi slt, %rem3A_2116, %lt3A_2119 : i32
        %lt3A_2121 = arith.constant 0 : i32
        %lt3A_2122 = arith.cmpi slt, %select_n3A_2115, %lt3A_2121 : i32
        %ne3A_2123 = arith.xori %lt3A_2120, %lt3A_2122 : i1
        %and3A_2124 = arith.andi %ne3A_2123, %ne3A_2118 : i1
        %add3A_2125 = arith.addi %rem3A_2116, %select_n3A_2115 : i32
        %select_n3A_2126 = arith.select %and3A_2124, %add3A_2125, %rem3A_2116 : i32
        %dma_start3A = arith.constant 0 : i32
        %dma_start3A_2127 = arith.constant 0 : i32
        %dma_start3A_2128 = tpu.memref_slice %arg7[%select_n3A_2110, %dma_start3A, %dma_start3A_2127] : memref<11x64x128xf32, #tpu.memory_space<vmem>> -> memref<1x64x128xf32, #tpu.memory_space<vmem>>
        %dma_start3A_2129 = tpu.memref_squeeze %dma_start3A_2128 : memref<1x64x128xf32, #tpu.memory_space<vmem>> -> memref<64x128xf32, #tpu.memory_space<vmem>>
        %dma_start3A_2130 = tpu.memref_slice %arg9[%select_n3A_2126] : memref<11x!tpu.dma_semaphore, #tpu.memory_space<semaphore_mem>> -> memref<1x!tpu.dma_semaphore, #tpu.memory_space<semaphore_mem>>
        %dma_start3A_2131 = tpu.memref_squeeze %dma_start3A_2130 : memref<1x!tpu.dma_semaphore, #tpu.memory_space<semaphore_mem>> -> memref<!tpu.dma_semaphore, #tpu.memory_space<semaphore_mem>>
        %dma_start3A_2132 = arith.constant 0 : i32
        %dma_start3A_2133 = arith.constant 0 : i32
        %dma_start3A_2134 = tpu.memref_slice %arg7[%select_n3A_2110, %dma_start3A_2132, %dma_start3A_2133] : memref<11x64x128xf32, #tpu.memory_space<vmem>> -> memref<1x64x128xf32, #tpu.memory_space<vmem>>
        %dma_start3A_2135 = tpu.memref_squeeze %dma_start3A_2134 : memref<1x64x128xf32, #tpu.memory_space<vmem>> -> memref<64x128xf32, #tpu.memory_space<vmem>>
        tpu.enqueue_dma source(%arg3 : memref<64x128xf32, #tpu.memory_space<hbm>>) target(%dma_start3A_2135 : memref<64x128xf32, #tpu.memory_space<vmem>>) target_semaphore(%dma_start3A_2131 : memref<!tpu.dma_semaphore, #tpu.memory_space<semaphore_mem>>)
      } else {
      }
      %ge3A_850 = arith.constant 1 : i32
      %ge3A_851 = arith.cmpi sge, %scan3A_674, %ge3A_850 : i32
      %convert_element_type3A_852 = arith.extui %ge3A_851 : i1 to i32
      %cond3A_853 = arith.constant 0 : i32
      %cond3A_854 = arith.cmpi ne, %convert_element_type3A_852, %cond3A_853 : i32
      scf.if %cond3A_854 {
        %sub3A_2095 = arith.constant 10 : i32
        %sub3A_2096 = arith.subi %add3A_833, %sub3A_2095 : i32
        %slice3A_2097 = vector.extract_strided_slice %get3A_684 {offsets = [12], sizes = [1], strides = [1]} : vector<16xi32> to vector<1xi32>
        %squeeze3A_2098 = vector.extract %slice3A_2097[0] : i32 from vector<1xi32>
        %and3A_2099 = arith.constant 127 : i32
        %and3A_2100 = arith.andi %squeeze3A_2098, %and3A_2099 : i32
        %broadcast_in_dim3A_2101 = vector.broadcast %and3A_2100 : i32 to vector<16xi32>
        %jit3A_2102 = arith.constant 11 : i32
        %eq3A_2103 = arith.constant 0 : i32
        %eq3A_2104 = arith.cmpi eq, %jit3A_2102, %eq3A_2103 : i32
        %jit3A_2105 = arith.constant 1 : i32
        %select_n3A_2106 = arith.select %eq3A_2104, %jit3A_2105, %jit3A_2102 : i32
        %rem3A_2107 = arith.remsi %sub3A_2096, %select_n3A_2106 : i32
        %ne3A_2108 = arith.constant 0 : i32
        %ne3A_2109 = arith.cmpi ne, %rem3A_2107, %ne3A_2108 : i32
        %lt3A_2110 = arith.constant 0 : i32
        %lt3A_2111 = arith.cmpi slt, %rem3A_2107, %lt3A_2110 : i32
        %lt3A_2112 = arith.constant 0 : i32
        %lt3A_2113 = arith.cmpi slt, %select_n3A_2106, %lt3A_2112 : i32
        %ne3A_2114 = arith.xori %lt3A_2111, %lt3A_2113 : i1
        %and3A_2115 = arith.andi %ne3A_2114, %ne3A_2109 : i1
        %add3A_2116 = arith.addi %rem3A_2107, %select_n3A_2106 : i32
        %select_n3A_2117 = arith.select %and3A_2115, %add3A_2116, %rem3A_2107 : i32
        %jit3A_2118 = arith.constant 11 : i32
        %eq3A_2119 = arith.constant 0 : i32
        %eq3A_2120 = arith.cmpi eq, %jit3A_2118, %eq3A_2119 : i32
        %jit3A_2121 = arith.constant 1 : i32
        %select_n3A_2122 = arith.select %eq3A_2120, %jit3A_2121, %jit3A_2118 : i32
        %rem3A_2123 = arith.remsi %sub3A_2096, %select_n3A_2122 : i32
        %ne3A_2124 = arith.constant 0 : i32
        %ne3A_2125 = arith.cmpi ne, %rem3A_2123, %ne3A_2124 : i32
        %lt3A_2126 = arith.constant 0 : i32
        %lt3A_2127 = arith.cmpi slt, %rem3A_2123, %lt3A_2126 : i32
        %lt3A_2128 = arith.constant 0 : i32
        %lt3A_2129 = arith.cmpi slt, %select_n3A_2122, %lt3A_2128 : i32
        %ne3A_2130 = arith.xori %lt3A_2127, %lt3A_2129 : i1
        %and3A_2131 = arith.andi %ne3A_2130, %ne3A_2125 : i1
        %add3A_2132 = arith.addi %rem3A_2123, %select_n3A_2122 : i32
        %select_n3A_2133 = arith.select %and3A_2131, %add3A_2132, %rem3A_2123 : i32
        %dma_wait3A_2134 = arith.constant 0 : i32
        %dma_wait3A_2135 = arith.constant 0 : i32
        %dma_wait3A_2136 = tpu.memref_slice %arg7[%select_n3A_2117, %dma_wait3A_2134, %dma_wait3A_2135] : memref<11x64x128xf32, #tpu.memory_space<vmem>> -> memref<1x64x128xf32, #tpu.memory_space<vmem>>
        %dma_wait3A_2137 = tpu.memref_squeeze %dma_wait3A_2136 : memref<1x64x128xf32, #tpu.memory_space<vmem>> -> memref<64x128xf32, #tpu.memory_space<vmem>>
        %dma_wait3A_2138 = arith.constant 0 : i32
        %dma_wait3A_2139 = arith.constant 0 : i32
        %dma_wait3A_2140 = tpu.memref_slice %arg2[%dma_wait3A_2138, %dma_wait3A_2139] : memref<64x1000000xf32, #tpu.memory_space<hbm>> -> memref<64x128xf32, #tpu.memory_space<hbm>>
        %dma_wait3A_2141 = tpu.memref_slice %arg9[%select_n3A_2133] : memref<11x!tpu.dma_semaphore, #tpu.memory_space<semaphore_mem>> -> memref<1x!tpu.dma_semaphore, #tpu.memory_space<semaphore_mem>>
        %dma_wait3A_2142 = tpu.memref_squeeze %dma_wait3A_2141 : memref<1x!tpu.dma_semaphore, #tpu.memory_space<semaphore_mem>> -> memref<!tpu.dma_semaphore, #tpu.memory_space<semaphore_mem>>
        %dma_wait3A_2143 = arith.constant 0 : i32
        %dma_wait3A_2144 = arith.constant 0 : i32
        %dma_wait3A_2145 = tpu.memref_slice %arg7[%select_n3A_2117, %dma_wait3A_2143, %dma_wait3A_2144] : memref<11x64x128xf32, #tpu.memory_space<vmem>> -> memref<1x64x128xf32, #tpu.memory_space<vmem>>
        %dma_wait3A_2146 = tpu.memref_squeeze %dma_wait3A_2145 : memref<1x64x128xf32, #tpu.memory_space<vmem>> -> memref<64x128xf32, #tpu.memory_space<vmem>>
        %dma_wait3A_2147 = arith.constant 0 : i32
        %dma_wait3A_2148 = arith.constant 0 : i32
        %dma_wait3A_2149 = tpu.memref_slice %arg2[%dma_wait3A_2147, %dma_wait3A_2148] : memref<64x1000000xf32, #tpu.memory_space<hbm>> -> memref<64x128xf32, #tpu.memory_space<hbm>>
        tpu.wait_dma2 semaphore(%dma_wait3A_2142 : memref<!tpu.dma_semaphore, #tpu.memory_space<semaphore_mem>>) src(%dma_wait3A_2149 : memref<64x128xf32, #tpu.memory_space<hbm>>) dst(%dma_wait3A_2146 : memref<64x128xf32, #tpu.memory_space<vmem>>)
        %jit3A_2150 = arith.constant 11 : i32
        %eq3A_2151 = arith.constant 0 : i32
        %eq3A_2152 = arith.cmpi eq, %jit3A_2150, %eq3A_2151 : i32
        %jit3A_2153 = arith.constant 1 : i32
        %select_n3A_2154 = arith.select %eq3A_2152, %jit3A_2153, %jit3A_2150 : i32
        %rem3A_2155 = arith.remsi %sub3A_2096, %select_n3A_2154 : i32
        %ne3A_2156 = arith.constant 0 : i32
        %ne3A_2157 = arith.cmpi ne, %rem3A_2155, %ne3A_2156 : i32
        %lt3A_2158 = arith.constant 0 : i32
        %lt3A_2159 = arith.cmpi slt, %rem3A_2155, %lt3A_2158 : i32
        %lt3A_2160 = arith.constant 0 : i32
        %lt3A_2161 = arith.cmpi slt, %select_n3A_2154, %lt3A_2160 : i32
        %ne3A_2162 = arith.xori %lt3A_2159, %lt3A_2161 : i1
        %and3A_2163 = arith.andi %ne3A_2162, %ne3A_2157 : i1
        %add3A_2164 = arith.addi %rem3A_2155, %select_n3A_2154 : i32
        %select_n3A_2165 = arith.select %and3A_2163, %add3A_2164, %rem3A_2155 : i32
        %add3A_2166 = arith.constant 0 : i32
        %add3A_2167 = vector.broadcast %add3A_2166 : i32 to vector<16xi32>
        %add3A_2168 = arith.addi %iota3A, %add3A_2167 : vector<16xi32>
        %gather3A_2169 = arith.constant 0 : i32
        %gather3A_2170 = arith.constant 0 : i32
        %gather3A_2171 = tpu.memref_slice %arg7[%select_n3A_2165, %gather3A_2169, %gather3A_2170] : memref<11x64x128xf32, #tpu.memory_space<vmem>> -> memref<1x64x128xf32, #tpu.memory_space<vmem>>
        %gather3A_2172 = tpu.memref_squeeze %gather3A_2171 : memref<1x64x128xf32, #tpu.memory_space<vmem>> -> memref<64x128xf32, #tpu.memory_space<vmem>>
        %gather3A_2173 = tpu.vector_load_idx %gather3A_2172[%add3A_2168, %broadcast_in_dim3A_2101] : memref<64x128xf32, #tpu.memory_space<vmem>>[vector<16xi32>, vector<16xi32>], vector<16xf32>,
        %mul3A_2174 = arith.constant 64 : i32
        %mul3A_2175 = arith.muli %sub3A_2096, %mul3A_2174 : i32
        %add3A_2176 = arith.constant 0 : i32
        %add3A_2177 = arith.addi %mul3A_2175, %add3A_2176 : i32
        %swap3A_2178 = arith.index_cast %add3A_2177 : i32 to index
        %swap3A_2179 = tpu.vector_load %arg8[%swap3A_2178] {strides = array<i32>} : memref<32768xf32, #tpu.memory_space<vmem>>, vector<16xf32>,
        tpu.vector_store %arg8[%swap3A_2178], %gather3A_2173 {strides = array<i32>} : memref<32768xf32, #tpu.memory_space<vmem>>, vector<16xf32>,
        %jit3A_2180 = arith.constant 11 : i32
        %eq3A_2181 = arith.constant 0 : i32
        %eq3A_2182 = arith.cmpi eq, %jit3A_2180, %eq3A_2181 : i32
        %jit3A_2183 = arith.constant 1 : i32
        %select_n3A_2184 = arith.select %eq3A_2182, %jit3A_2183, %jit3A_2180 : i32
        %rem3A_2185 = arith.remsi %sub3A_2096, %select_n3A_2184 : i32
        %ne3A_2186 = arith.constant 0 : i32
        %ne3A_2187 = arith.cmpi ne, %rem3A_2185, %ne3A_2186 : i32
        %lt3A_2188 = arith.constant 0 : i32
        %lt3A_2189 = arith.cmpi slt, %rem3A_2185, %lt3A_2188 : i32
        %lt3A_2190 = arith.constant 0 : i32
        %lt3A_2191 = arith.cmpi slt, %select_n3A_2184, %lt3A_2190 : i32
        %ne3A_2192 = arith.xori %lt3A_2189, %lt3A_2191 : i1
        %and3A_2193 = arith.andi %ne3A_2192, %ne3A_2187 : i1
        %add3A_2194 = arith.addi %rem3A_2185, %select_n3A_2184 : i32
        %select_n3A_2195 = arith.select %and3A_2193, %add3A_2194, %rem3A_2185 : i32
        %add3A_2196 = arith.constant 16 : i32
        %add3A_2197 = vector.broadcast %add3A_2196 : i32 to vector<16xi32>
        %add3A_2198 = arith.addi %iota3A, %add3A_2197 : vector<16xi32>
        %gather3A_2199 = arith.constant 0 : i32
        %gather3A_2200 = arith.constant 0 : i32
        %gather3A_2201 = tpu.memref_slice %arg7[%select_n3A_2195, %gather3A_2199, %gather3A_2200] : memref<11x64x128xf32, #tpu.memory_space<vmem>> -> memref<1x64x128xf32, #tpu.memory_space<vmem>>
        %gather3A_2202 = tpu.memref_squeeze %gather3A_2201 : memref<1x64x128xf32, #tpu.memory_space<vmem>> -> memref<64x128xf32, #tpu.memory_space<vmem>>
        %gather3A_2203 = tpu.vector_load_idx %gather3A_2202[%add3A_2198, %broadcast_in_dim3A_2101] : memref<64x128xf32, #tpu.memory_space<vmem>>[vector<16xi32>, vector<16xi32>], vector<16xf32>,
        %mul3A_2204 = arith.constant 64 : i32
        %mul3A_2205 = arith.muli %sub3A_2096, %mul3A_2204 : i32
        %add3A_2206 = arith.constant 16 : i32
        %add3A_2207 = arith.addi %mul3A_2205, %add3A_2206 : i32
        %swap3A_2208 = arith.index_cast %add3A_2207 : i32 to index
        %swap3A_2209 = tpu.vector_load %arg8[%swap3A_2208] {strides = array<i32>} : memref<32768xf32, #tpu.memory_space<vmem>>, vector<16xf32>,
        tpu.vector_store %arg8[%swap3A_2208], %gather3A_2203 {strides = array<i32>} : memref<32768xf32, #tpu.memory_space<vmem>>, vector<16xf32>,
        %jit3A_2210 = arith.constant 11 : i32
        %eq3A_2211 = arith.constant 0 : i32
        %eq3A_2212 = arith.cmpi eq, %jit3A_2210, %eq3A_2211 : i32
        %jit3A_2213 = arith.constant 1 : i32
        %select_n3A_2214 = arith.select %eq3A_2212, %jit3A_2213, %jit3A_2210 : i32
        %rem3A_2215 = arith.remsi %sub3A_2096, %select_n3A_2214 : i32
        %ne3A_2216 = arith.constant 0 : i32
        %ne3A_2217 = arith.cmpi ne, %rem3A_2215, %ne3A_2216 : i32
        %lt3A_2218 = arith.constant 0 : i32
        %lt3A_2219 = arith.cmpi slt, %rem3A_2215, %lt3A_2218 : i32
        %lt3A_2220 = arith.constant 0 : i32
        %lt3A_2221 = arith.cmpi slt, %select_n3A_2214, %lt3A_2220 : i32
        %ne3A_2222 = arith.xori %lt3A_2219, %lt3A_2221 : i1
        %and3A_2223 = arith.andi %ne3A_2222, %ne3A_2217 : i1
        %add3A_2224 = arith.addi %rem3A_2215, %select_n3A_2214 : i32
        %select_n3A_2225 = arith.select %and3A_2223, %add3A_2224, %rem3A_2215 : i32
        %add3A_2226 = arith.constant 32 : i32
        %add3A_2227 = vector.broadcast %add3A_2226 : i32 to vector<16xi32>
        %add3A_2228 = arith.addi %iota3A, %add3A_2227 : vector<16xi32>
        %gather3A_2229 = arith.constant 0 : i32
        %gather3A_2230 = arith.constant 0 : i32
        %gather3A_2231 = tpu.memref_slice %arg7[%select_n3A_2225, %gather3A_2229, %gather3A_2230] : memref<11x64x128xf32, #tpu.memory_space<vmem>> -> memref<1x64x128xf32, #tpu.memory_space<vmem>>
        %gather3A_2232 = tpu.memref_squeeze %gather3A_2231 : memref<1x64x128xf32, #tpu.memory_space<vmem>> -> memref<64x128xf32, #tpu.memory_space<vmem>>
        %gather3A_2233 = tpu.vector_load_idx %gather3A_2232[%add3A_2228, %broadcast_in_dim3A_2101] : memref<64x128xf32, #tpu.memory_space<vmem>>[vector<16xi32>, vector<16xi32>], vector<16xf32>,
        %mul3A_2234 = arith.constant 64 : i32
        %mul3A_2235 = arith.muli %sub3A_2096, %mul3A_2234 : i32
        %add3A_2236 = arith.constant 32 : i32
        %add3A_2237 = arith.addi %mul3A_2235, %add3A_2236 : i32
        %swap3A_2238 = arith.index_cast %add3A_2237 : i32 to index
        %swap3A_2239 = tpu.vector_load %arg8[%swap3A_2238] {strides = array<i32>} : memref<32768xf32, #tpu.memory_space<vmem>>, vector<16xf32>,
        tpu.vector_store %arg8[%swap3A_2238], %gather3A_2233 {strides = array<i32>} : memref<32768xf32, #tpu.memory_space<vmem>>, vector<16xf32>,
        %jit3A_2240 = arith.constant 11 : i32
        %eq3A_2241 = arith.constant 0 : i32
        %eq3A_2242 = arith.cmpi eq, %jit3A_2240, %eq3A_2241 : i32
        %jit3A_2243 = arith.constant 1 : i32
        %select_n3A_2244 = arith.select %eq3A_2242, %jit3A_2243, %jit3A_2240 : i32
        %rem3A_2245 = arith.remsi %sub3A_2096, %select_n3A_2244 : i32
        %ne3A_2246 = arith.constant 0 : i32
        %ne3A_2247 = arith.cmpi ne, %rem3A_2245, %ne3A_2246 : i32
        %lt3A_2248 = arith.constant 0 : i32
        %lt3A_2249 = arith.cmpi slt, %rem3A_2245, %lt3A_2248 : i32
        %lt3A_2250 = arith.constant 0 : i32
        %lt3A_2251 = arith.cmpi slt, %select_n3A_2244, %lt3A_2250 : i32
        %ne3A_2252 = arith.xori %lt3A_2249, %lt3A_2251 : i1
        %and3A_2253 = arith.andi %ne3A_2252, %ne3A_2247 : i1
        %add3A_2254 = arith.addi %rem3A_2245, %select_n3A_2244 : i32
        %select_n3A_2255 = arith.select %and3A_2253, %add3A_2254, %rem3A_2245 : i32
        %add3A_2256 = arith.constant 48 : i32
        %add3A_2257 = vector.broadcast %add3A_2256 : i32 to vector<16xi32>
        %add3A_2258 = arith.addi %iota3A, %add3A_2257 : vector<16xi32>
        %gather3A_2259 = arith.constant 0 : i32
        %gather3A_2260 = arith.constant 0 : i32
        %gather3A_2261 = tpu.memref_slice %arg7[%select_n3A_2255, %gather3A_2259, %gather3A_2260] : memref<11x64x128xf32, #tpu.memory_space<vmem>> -> memref<1x64x128xf32, #tpu.memory_space<vmem>>
        %gather3A_2262 = tpu.memref_squeeze %gather3A_2261 : memref<1x64x128xf32, #tpu.memory_space<vmem>> -> memref<64x128xf32, #tpu.memory_space<vmem>>
        %gather3A_2263 = tpu.vector_load_idx %gather3A_2262[%add3A_2258, %broadcast_in_dim3A_2101] : memref<64x128xf32, #tpu.memory_space<vmem>>[vector<16xi32>, vector<16xi32>], vector<16xf32>,
        %mul3A_2264 = arith.constant 64 : i32
        %mul3A_2265 = arith.muli %sub3A_2096, %mul3A_2264 : i32
        %add3A_2266 = arith.constant 48 : i32
        %add3A_2267 = arith.addi %mul3A_2265, %add3A_2266 : i32
        %swap3A_2268 = arith.index_cast %add3A_2267 : i32 to index
        %swap3A_2269 = tpu.vector_load %arg8[%swap3A_2268] {strides = array<i32>} : memref<32768xf32, #tpu.memory_space<vmem>>, vector<16xf32>,
        tpu.vector_store %arg8[%swap3A_2268], %gather3A_2263 {strides = array<i32>} : memref<32768xf32, #tpu.memory_space<vmem>>, vector<16xf32>,
      } else {
      }
      %mul3A_855 = arith.constant 16 : i32
      %mul3A_856 = arith.muli %scan3A_674, %mul3A_855 : i32
      %add3A_857 = arith.constant 7 : i32
      %add3A_858 = arith.addi %mul3A_856, %add3A_857 : i32
      %slice3A_859 = vector.extract_strided_slice %get3A_678 {offsets = [7], sizes = [1], strides = [1]} : vector<16xi32> to vector<1xi32>
      %squeeze3A_860 = vector.extract %slice3A_859[0] : i32 from vector<1xi32>
      %shift_right_arithmetic3A_861 = arith.constant 7 : i32
      %shift_right_arithmetic3A_862 = arith.shrsi %squeeze3A_860, %shift_right_arithmetic3A_861 : i32
      %mul3A_863 = arith.constant 128 : i32
      %mul3A_864 = arith.muli %shift_right_arithmetic3A_862, %mul3A_863 : i32
      %lt3A_865 = arith.constant 999936 : i32
      %lt3A_866 = arith.cmpi slt, %squeeze3A_860, %lt3A_865 : i32
      %convert_element_type3A_867 = arith.extui %lt3A_866 : i1 to i32
      %cond3A_868 = arith.constant 0 : i32
      %cond3A_869 = arith.cmpi ne, %convert_element_type3A_867, %cond3A_868 : i32
      scf.if %cond3A_869 {
        %jit3A_2095 = arith.constant 11 : i32
        %eq3A_2096 = arith.constant 0 : i32
        %eq3A_2097 = arith.cmpi eq, %jit3A_2095, %eq3A_2096 : i32
        %jit3A_2098 = arith.constant 1 : i32
        %select_n3A_2099 = arith.select %eq3A_2097, %jit3A_2098, %jit3A_2095 : i32
        %rem3A_2100 = arith.remsi %add3A_858, %select_n3A_2099 : i32
        %ne3A_2101 = arith.constant 0 : i32
        %ne3A_2102 = arith.cmpi ne, %rem3A_2100, %ne3A_2101 : i32
        %lt3A_2103 = arith.constant 0 : i32
        %lt3A_2104 = arith.cmpi slt, %rem3A_2100, %lt3A_2103 : i32
        %lt3A_2105 = arith.constant 0 : i32
        %lt3A_2106 = arith.cmpi slt, %select_n3A_2099, %lt3A_2105 : i32
        %ne3A_2107 = arith.xori %lt3A_2104, %lt3A_2106 : i1
        %and3A_2108 = arith.andi %ne3A_2107, %ne3A_2102 : i1
        %add3A_2109 = arith.addi %rem3A_2100, %select_n3A_2099 : i32
        %select_n3A_2110 = arith.select %and3A_2108, %add3A_2109, %rem3A_2100 : i32
        %jit3A_2111 = arith.constant 11 : i32
        %eq3A_2112 = arith.constant 0 : i32
        %eq3A_2113 = arith.cmpi eq, %jit3A_2111, %eq3A_2112 : i32
        %jit3A_2114 = arith.constant 1 : i32
        %select_n3A_2115 = arith.select %eq3A_2113, %jit3A_2114, %jit3A_2111 : i32
        %rem3A_2116 = arith.remsi %add3A_858, %select_n3A_2115 : i32
        %ne3A_2117 = arith.constant 0 : i32
        %ne3A_2118 = arith.cmpi ne, %rem3A_2116, %ne3A_2117 : i32
        %lt3A_2119 = arith.constant 0 : i32
        %lt3A_2120 = arith.cmpi slt, %rem3A_2116, %lt3A_2119 : i32
        %lt3A_2121 = arith.constant 0 : i32
        %lt3A_2122 = arith.cmpi slt, %select_n3A_2115, %lt3A_2121 : i32
        %ne3A_2123 = arith.xori %lt3A_2120, %lt3A_2122 : i1
        %and3A_2124 = arith.andi %ne3A_2123, %ne3A_2118 : i1
        %add3A_2125 = arith.addi %rem3A_2116, %select_n3A_2115 : i32
        %select_n3A_2126 = arith.select %and3A_2124, %add3A_2125, %rem3A_2116 : i32
        %dma_start3A = arith.constant 0 : i32
        %dma_start3A_2127 = arith.constant 0 : i32
        %dma_start3A_2128 = tpu.memref_slice %arg7[%select_n3A_2110, %dma_start3A, %dma_start3A_2127] : memref<11x64x128xf32, #tpu.memory_space<vmem>> -> memref<1x64x128xf32, #tpu.memory_space<vmem>>
        %dma_start3A_2129 = tpu.memref_squeeze %dma_start3A_2128 : memref<1x64x128xf32, #tpu.memory_space<vmem>> -> memref<64x128xf32, #tpu.memory_space<vmem>>
        %dma_start3A_2130 = arith.constant 0 : i32
        %dma_start3A_2131 = tpu.memref_slice %arg2[%dma_start3A_2130, %mul3A_864] : memref<64x1000000xf32, #tpu.memory_space<hbm>> -> memref<64x128xf32, #tpu.memory_space<hbm>>
        %dma_start3A_2132 = tpu.memref_slice %arg9[%select_n3A_2126] : memref<11x!tpu.dma_semaphore, #tpu.memory_space<semaphore_mem>> -> memref<1x!tpu.dma_semaphore, #tpu.memory_space<semaphore_mem>>
        %dma_start3A_2133 = tpu.memref_squeeze %dma_start3A_2132 : memref<1x!tpu.dma_semaphore, #tpu.memory_space<semaphore_mem>> -> memref<!tpu.dma_semaphore, #tpu.memory_space<semaphore_mem>>
        %dma_start3A_2134 = arith.constant 0 : i32
        %dma_start3A_2135 = arith.constant 0 : i32
        %dma_start3A_2136 = tpu.memref_slice %arg7[%select_n3A_2110, %dma_start3A_2134, %dma_start3A_2135] : memref<11x64x128xf32, #tpu.memory_space<vmem>> -> memref<1x64x128xf32, #tpu.memory_space<vmem>>
        %dma_start3A_2137 = tpu.memref_squeeze %dma_start3A_2136 : memref<1x64x128xf32, #tpu.memory_space<vmem>> -> memref<64x128xf32, #tpu.memory_space<vmem>>
        %dma_start3A_2138 = arith.constant 0 : i32
        %dma_start3A_2139 = tpu.memref_slice %arg2[%dma_start3A_2138, %mul3A_864] : memref<64x1000000xf32, #tpu.memory_space<hbm>> -> memref<64x128xf32, #tpu.memory_space<hbm>>
        tpu.enqueue_dma source(%dma_start3A_2139 : memref<64x128xf32, #tpu.memory_space<hbm>>) target(%dma_start3A_2137 : memref<64x128xf32, #tpu.memory_space<vmem>>) target_semaphore(%dma_start3A_2133 : memref<!tpu.dma_semaphore, #tpu.memory_space<semaphore_mem>>)
      } else {
      }
      %ge3A_870 = arith.constant 999936 : i32
      %ge3A_871 = arith.cmpi sge, %squeeze3A_860, %ge3A_870 : i32
      %convert_element_type3A_872 = arith.extui %ge3A_871 : i1 to i32
      %cond3A_873 = arith.constant 0 : i32
      %cond3A_874 = arith.cmpi ne, %convert_element_type3A_872, %cond3A_873 : i32
      scf.if %cond3A_874 {
        %jit3A_2095 = arith.constant 11 : i32
        %eq3A_2096 = arith.constant 0 : i32
        %eq3A_2097 = arith.cmpi eq, %jit3A_2095, %eq3A_2096 : i32
        %jit3A_2098 = arith.constant 1 : i32
        %select_n3A_2099 = arith.select %eq3A_2097, %jit3A_2098, %jit3A_2095 : i32
        %rem3A_2100 = arith.remsi %add3A_858, %select_n3A_2099 : i32
        %ne3A_2101 = arith.constant 0 : i32
        %ne3A_2102 = arith.cmpi ne, %rem3A_2100, %ne3A_2101 : i32
        %lt3A_2103 = arith.constant 0 : i32
        %lt3A_2104 = arith.cmpi slt, %rem3A_2100, %lt3A_2103 : i32
        %lt3A_2105 = arith.constant 0 : i32
        %lt3A_2106 = arith.cmpi slt, %select_n3A_2099, %lt3A_2105 : i32
        %ne3A_2107 = arith.xori %lt3A_2104, %lt3A_2106 : i1
        %and3A_2108 = arith.andi %ne3A_2107, %ne3A_2102 : i1
        %add3A_2109 = arith.addi %rem3A_2100, %select_n3A_2099 : i32
        %select_n3A_2110 = arith.select %and3A_2108, %add3A_2109, %rem3A_2100 : i32
        %jit3A_2111 = arith.constant 11 : i32
        %eq3A_2112 = arith.constant 0 : i32
        %eq3A_2113 = arith.cmpi eq, %jit3A_2111, %eq3A_2112 : i32
        %jit3A_2114 = arith.constant 1 : i32
        %select_n3A_2115 = arith.select %eq3A_2113, %jit3A_2114, %jit3A_2111 : i32
        %rem3A_2116 = arith.remsi %add3A_858, %select_n3A_2115 : i32
        %ne3A_2117 = arith.constant 0 : i32
        %ne3A_2118 = arith.cmpi ne, %rem3A_2116, %ne3A_2117 : i32
        %lt3A_2119 = arith.constant 0 : i32
        %lt3A_2120 = arith.cmpi slt, %rem3A_2116, %lt3A_2119 : i32
        %lt3A_2121 = arith.constant 0 : i32
        %lt3A_2122 = arith.cmpi slt, %select_n3A_2115, %lt3A_2121 : i32
        %ne3A_2123 = arith.xori %lt3A_2120, %lt3A_2122 : i1
        %and3A_2124 = arith.andi %ne3A_2123, %ne3A_2118 : i1
        %add3A_2125 = arith.addi %rem3A_2116, %select_n3A_2115 : i32
        %select_n3A_2126 = arith.select %and3A_2124, %add3A_2125, %rem3A_2116 : i32
        %dma_start3A = arith.constant 0 : i32
        %dma_start3A_2127 = arith.constant 0 : i32
        %dma_start3A_2128 = tpu.memref_slice %arg7[%select_n3A_2110, %dma_start3A, %dma_start3A_2127] : memref<11x64x128xf32, #tpu.memory_space<vmem>> -> memref<1x64x128xf32, #tpu.memory_space<vmem>>
        %dma_start3A_2129 = tpu.memref_squeeze %dma_start3A_2128 : memref<1x64x128xf32, #tpu.memory_space<vmem>> -> memref<64x128xf32, #tpu.memory_space<vmem>>
        %dma_start3A_2130 = tpu.memref_slice %arg9[%select_n3A_2126] : memref<11x!tpu.dma_semaphore, #tpu.memory_space<semaphore_mem>> -> memref<1x!tpu.dma_semaphore, #tpu.memory_space<semaphore_mem>>
        %dma_start3A_2131 = tpu.memref_squeeze %dma_start3A_2130 : memref<1x!tpu.dma_semaphore, #tpu.memory_space<semaphore_mem>> -> memref<!tpu.dma_semaphore, #tpu.memory_space<semaphore_mem>>
        %dma_start3A_2132 = arith.constant 0 : i32
        %dma_start3A_2133 = arith.constant 0 : i32
        %dma_start3A_2134 = tpu.memref_slice %arg7[%select_n3A_2110, %dma_start3A_2132, %dma_start3A_2133] : memref<11x64x128xf32, #tpu.memory_space<vmem>> -> memref<1x64x128xf32, #tpu.memory_space<vmem>>
        %dma_start3A_2135 = tpu.memref_squeeze %dma_start3A_2134 : memref<1x64x128xf32, #tpu.memory_space<vmem>> -> memref<64x128xf32, #tpu.memory_space<vmem>>
        tpu.enqueue_dma source(%arg3 : memref<64x128xf32, #tpu.memory_space<hbm>>) target(%dma_start3A_2135 : memref<64x128xf32, #tpu.memory_space<vmem>>) target_semaphore(%dma_start3A_2131 : memref<!tpu.dma_semaphore, #tpu.memory_space<semaphore_mem>>)
      } else {
      }
      %ge3A_875 = arith.constant 1 : i32
      %ge3A_876 = arith.cmpi sge, %scan3A_674, %ge3A_875 : i32
      %convert_element_type3A_877 = arith.extui %ge3A_876 : i1 to i32
      %cond3A_878 = arith.constant 0 : i32
      %cond3A_879 = arith.cmpi ne, %convert_element_type3A_877, %cond3A_878 : i32
      scf.if %cond3A_879 {
        %sub3A_2095 = arith.constant 10 : i32
        %sub3A_2096 = arith.subi %add3A_858, %sub3A_2095 : i32
        %slice3A_2097 = vector.extract_strided_slice %get3A_684 {offsets = [13], sizes = [1], strides = [1]} : vector<16xi32> to vector<1xi32>
        %squeeze3A_2098 = vector.extract %slice3A_2097[0] : i32 from vector<1xi32>
        %and3A_2099 = arith.constant 127 : i32
        %and3A_2100 = arith.andi %squeeze3A_2098, %and3A_2099 : i32
        %broadcast_in_dim3A_2101 = vector.broadcast %and3A_2100 : i32 to vector<16xi32>
        %jit3A_2102 = arith.constant 11 : i32
        %eq3A_2103 = arith.constant 0 : i32
        %eq3A_2104 = arith.cmpi eq, %jit3A_2102, %eq3A_2103 : i32
        %jit3A_2105 = arith.constant 1 : i32
        %select_n3A_2106 = arith.select %eq3A_2104, %jit3A_2105, %jit3A_2102 : i32
        %rem3A_2107 = arith.remsi %sub3A_2096, %select_n3A_2106 : i32
        %ne3A_2108 = arith.constant 0 : i32
        %ne3A_2109 = arith.cmpi ne, %rem3A_2107, %ne3A_2108 : i32
        %lt3A_2110 = arith.constant 0 : i32
        %lt3A_2111 = arith.cmpi slt, %rem3A_2107, %lt3A_2110 : i32
        %lt3A_2112 = arith.constant 0 : i32
        %lt3A_2113 = arith.cmpi slt, %select_n3A_2106, %lt3A_2112 : i32
        %ne3A_2114 = arith.xori %lt3A_2111, %lt3A_2113 : i1
        %and3A_2115 = arith.andi %ne3A_2114, %ne3A_2109 : i1
        %add3A_2116 = arith.addi %rem3A_2107, %select_n3A_2106 : i32
        %select_n3A_2117 = arith.select %and3A_2115, %add3A_2116, %rem3A_2107 : i32
        %jit3A_2118 = arith.constant 11 : i32
        %eq3A_2119 = arith.constant 0 : i32
        %eq3A_2120 = arith.cmpi eq, %jit3A_2118, %eq3A_2119 : i32
        %jit3A_2121 = arith.constant 1 : i32
        %select_n3A_2122 = arith.select %eq3A_2120, %jit3A_2121, %jit3A_2118 : i32
        %rem3A_2123 = arith.remsi %sub3A_2096, %select_n3A_2122 : i32
        %ne3A_2124 = arith.constant 0 : i32
        %ne3A_2125 = arith.cmpi ne, %rem3A_2123, %ne3A_2124 : i32
        %lt3A_2126 = arith.constant 0 : i32
        %lt3A_2127 = arith.cmpi slt, %rem3A_2123, %lt3A_2126 : i32
        %lt3A_2128 = arith.constant 0 : i32
        %lt3A_2129 = arith.cmpi slt, %select_n3A_2122, %lt3A_2128 : i32
        %ne3A_2130 = arith.xori %lt3A_2127, %lt3A_2129 : i1
        %and3A_2131 = arith.andi %ne3A_2130, %ne3A_2125 : i1
        %add3A_2132 = arith.addi %rem3A_2123, %select_n3A_2122 : i32
        %select_n3A_2133 = arith.select %and3A_2131, %add3A_2132, %rem3A_2123 : i32
        %dma_wait3A_2134 = arith.constant 0 : i32
        %dma_wait3A_2135 = arith.constant 0 : i32
        %dma_wait3A_2136 = tpu.memref_slice %arg7[%select_n3A_2117, %dma_wait3A_2134, %dma_wait3A_2135] : memref<11x64x128xf32, #tpu.memory_space<vmem>> -> memref<1x64x128xf32, #tpu.memory_space<vmem>>
        %dma_wait3A_2137 = tpu.memref_squeeze %dma_wait3A_2136 : memref<1x64x128xf32, #tpu.memory_space<vmem>> -> memref<64x128xf32, #tpu.memory_space<vmem>>
        %dma_wait3A_2138 = arith.constant 0 : i32
        %dma_wait3A_2139 = arith.constant 0 : i32
        %dma_wait3A_2140 = tpu.memref_slice %arg2[%dma_wait3A_2138, %dma_wait3A_2139] : memref<64x1000000xf32, #tpu.memory_space<hbm>> -> memref<64x128xf32, #tpu.memory_space<hbm>>
        %dma_wait3A_2141 = tpu.memref_slice %arg9[%select_n3A_2133] : memref<11x!tpu.dma_semaphore, #tpu.memory_space<semaphore_mem>> -> memref<1x!tpu.dma_semaphore, #tpu.memory_space<semaphore_mem>>
        %dma_wait3A_2142 = tpu.memref_squeeze %dma_wait3A_2141 : memref<1x!tpu.dma_semaphore, #tpu.memory_space<semaphore_mem>> -> memref<!tpu.dma_semaphore, #tpu.memory_space<semaphore_mem>>
        %dma_wait3A_2143 = arith.constant 0 : i32
        %dma_wait3A_2144 = arith.constant 0 : i32
        %dma_wait3A_2145 = tpu.memref_slice %arg7[%select_n3A_2117, %dma_wait3A_2143, %dma_wait3A_2144] : memref<11x64x128xf32, #tpu.memory_space<vmem>> -> memref<1x64x128xf32, #tpu.memory_space<vmem>>
        %dma_wait3A_2146 = tpu.memref_squeeze %dma_wait3A_2145 : memref<1x64x128xf32, #tpu.memory_space<vmem>> -> memref<64x128xf32, #tpu.memory_space<vmem>>
        %dma_wait3A_2147 = arith.constant 0 : i32
        %dma_wait3A_2148 = arith.constant 0 : i32
        %dma_wait3A_2149 = tpu.memref_slice %arg2[%dma_wait3A_2147, %dma_wait3A_2148] : memref<64x1000000xf32, #tpu.memory_space<hbm>> -> memref<64x128xf32, #tpu.memory_space<hbm>>
        tpu.wait_dma2 semaphore(%dma_wait3A_2142 : memref<!tpu.dma_semaphore, #tpu.memory_space<semaphore_mem>>) src(%dma_wait3A_2149 : memref<64x128xf32, #tpu.memory_space<hbm>>) dst(%dma_wait3A_2146 : memref<64x128xf32, #tpu.memory_space<vmem>>)
        %jit3A_2150 = arith.constant 11 : i32
        %eq3A_2151 = arith.constant 0 : i32
        %eq3A_2152 = arith.cmpi eq, %jit3A_2150, %eq3A_2151 : i32
        %jit3A_2153 = arith.constant 1 : i32
        %select_n3A_2154 = arith.select %eq3A_2152, %jit3A_2153, %jit3A_2150 : i32
        %rem3A_2155 = arith.remsi %sub3A_2096, %select_n3A_2154 : i32
        %ne3A_2156 = arith.constant 0 : i32
        %ne3A_2157 = arith.cmpi ne, %rem3A_2155, %ne3A_2156 : i32
        %lt3A_2158 = arith.constant 0 : i32
        %lt3A_2159 = arith.cmpi slt, %rem3A_2155, %lt3A_2158 : i32
        %lt3A_2160 = arith.constant 0 : i32
        %lt3A_2161 = arith.cmpi slt, %select_n3A_2154, %lt3A_2160 : i32
        %ne3A_2162 = arith.xori %lt3A_2159, %lt3A_2161 : i1
        %and3A_2163 = arith.andi %ne3A_2162, %ne3A_2157 : i1
        %add3A_2164 = arith.addi %rem3A_2155, %select_n3A_2154 : i32
        %select_n3A_2165 = arith.select %and3A_2163, %add3A_2164, %rem3A_2155 : i32
        %add3A_2166 = arith.constant 0 : i32
        %add3A_2167 = vector.broadcast %add3A_2166 : i32 to vector<16xi32>
        %add3A_2168 = arith.addi %iota3A, %add3A_2167 : vector<16xi32>
        %gather3A_2169 = arith.constant 0 : i32
        %gather3A_2170 = arith.constant 0 : i32
        %gather3A_2171 = tpu.memref_slice %arg7[%select_n3A_2165, %gather3A_2169, %gather3A_2170] : memref<11x64x128xf32, #tpu.memory_space<vmem>> -> memref<1x64x128xf32, #tpu.memory_space<vmem>>
        %gather3A_2172 = tpu.memref_squeeze %gather3A_2171 : memref<1x64x128xf32, #tpu.memory_space<vmem>> -> memref<64x128xf32, #tpu.memory_space<vmem>>
        %gather3A_2173 = tpu.vector_load_idx %gather3A_2172[%add3A_2168, %broadcast_in_dim3A_2101] : memref<64x128xf32, #tpu.memory_space<vmem>>[vector<16xi32>, vector<16xi32>], vector<16xf32>,
        %mul3A_2174 = arith.constant 64 : i32
        %mul3A_2175 = arith.muli %sub3A_2096, %mul3A_2174 : i32
        %add3A_2176 = arith.constant 0 : i32
        %add3A_2177 = arith.addi %mul3A_2175, %add3A_2176 : i32
        %swap3A_2178 = arith.index_cast %add3A_2177 : i32 to index
        %swap3A_2179 = tpu.vector_load %arg8[%swap3A_2178] {strides = array<i32>} : memref<32768xf32, #tpu.memory_space<vmem>>, vector<16xf32>,
        tpu.vector_store %arg8[%swap3A_2178], %gather3A_2173 {strides = array<i32>} : memref<32768xf32, #tpu.memory_space<vmem>>, vector<16xf32>,
        %jit3A_2180 = arith.constant 11 : i32
        %eq3A_2181 = arith.constant 0 : i32
        %eq3A_2182 = arith.cmpi eq, %jit3A_2180, %eq3A_2181 : i32
        %jit3A_2183 = arith.constant 1 : i32
        %select_n3A_2184 = arith.select %eq3A_2182, %jit3A_2183, %jit3A_2180 : i32
        %rem3A_2185 = arith.remsi %sub3A_2096, %select_n3A_2184 : i32
        %ne3A_2186 = arith.constant 0 : i32
        %ne3A_2187 = arith.cmpi ne, %rem3A_2185, %ne3A_2186 : i32
        %lt3A_2188 = arith.constant 0 : i32
        %lt3A_2189 = arith.cmpi slt, %rem3A_2185, %lt3A_2188 : i32
        %lt3A_2190 = arith.constant 0 : i32
        %lt3A_2191 = arith.cmpi slt, %select_n3A_2184, %lt3A_2190 : i32
        %ne3A_2192 = arith.xori %lt3A_2189, %lt3A_2191 : i1
        %and3A_2193 = arith.andi %ne3A_2192, %ne3A_2187 : i1
        %add3A_2194 = arith.addi %rem3A_2185, %select_n3A_2184 : i32
        %select_n3A_2195 = arith.select %and3A_2193, %add3A_2194, %rem3A_2185 : i32
        %add3A_2196 = arith.constant 16 : i32
        %add3A_2197 = vector.broadcast %add3A_2196 : i32 to vector<16xi32>
        %add3A_2198 = arith.addi %iota3A, %add3A_2197 : vector<16xi32>
        %gather3A_2199 = arith.constant 0 : i32
        %gather3A_2200 = arith.constant 0 : i32
        %gather3A_2201 = tpu.memref_slice %arg7[%select_n3A_2195, %gather3A_2199, %gather3A_2200] : memref<11x64x128xf32, #tpu.memory_space<vmem>> -> memref<1x64x128xf32, #tpu.memory_space<vmem>>
        %gather3A_2202 = tpu.memref_squeeze %gather3A_2201 : memref<1x64x128xf32, #tpu.memory_space<vmem>> -> memref<64x128xf32, #tpu.memory_space<vmem>>
        %gather3A_2203 = tpu.vector_load_idx %gather3A_2202[%add3A_2198, %broadcast_in_dim3A_2101] : memref<64x128xf32, #tpu.memory_space<vmem>>[vector<16xi32>, vector<16xi32>], vector<16xf32>,
        %mul3A_2204 = arith.constant 64 : i32
        %mul3A_2205 = arith.muli %sub3A_2096, %mul3A_2204 : i32
        %add3A_2206 = arith.constant 16 : i32
        %add3A_2207 = arith.addi %mul3A_2205, %add3A_2206 : i32
        %swap3A_2208 = arith.index_cast %add3A_2207 : i32 to index
        %swap3A_2209 = tpu.vector_load %arg8[%swap3A_2208] {strides = array<i32>} : memref<32768xf32, #tpu.memory_space<vmem>>, vector<16xf32>,
        tpu.vector_store %arg8[%swap3A_2208], %gather3A_2203 {strides = array<i32>} : memref<32768xf32, #tpu.memory_space<vmem>>, vector<16xf32>,
        %jit3A_2210 = arith.constant 11 : i32
        %eq3A_2211 = arith.constant 0 : i32
        %eq3A_2212 = arith.cmpi eq, %jit3A_2210, %eq3A_2211 : i32
        %jit3A_2213 = arith.constant 1 : i32
        %select_n3A_2214 = arith.select %eq3A_2212, %jit3A_2213, %jit3A_2210 : i32
        %rem3A_2215 = arith.remsi %sub3A_2096, %select_n3A_2214 : i32
        %ne3A_2216 = arith.constant 0 : i32
        %ne3A_2217 = arith.cmpi ne, %rem3A_2215, %ne3A_2216 : i32
        %lt3A_2218 = arith.constant 0 : i32
        %lt3A_2219 = arith.cmpi slt, %rem3A_2215, %lt3A_2218 : i32
        %lt3A_2220 = arith.constant 0 : i32
        %lt3A_2221 = arith.cmpi slt, %select_n3A_2214, %lt3A_2220 : i32
        %ne3A_2222 = arith.xori %lt3A_2219, %lt3A_2221 : i1
        %and3A_2223 = arith.andi %ne3A_2222, %ne3A_2217 : i1
        %add3A_2224 = arith.addi %rem3A_2215, %select_n3A_2214 : i32
        %select_n3A_2225 = arith.select %and3A_2223, %add3A_2224, %rem3A_2215 : i32
        %add3A_2226 = arith.constant 32 : i32
        %add3A_2227 = vector.broadcast %add3A_2226 : i32 to vector<16xi32>
        %add3A_2228 = arith.addi %iota3A, %add3A_2227 : vector<16xi32>
        %gather3A_2229 = arith.constant 0 : i32
        %gather3A_2230 = arith.constant 0 : i32
        %gather3A_2231 = tpu.memref_slice %arg7[%select_n3A_2225, %gather3A_2229, %gather3A_2230] : memref<11x64x128xf32, #tpu.memory_space<vmem>> -> memref<1x64x128xf32, #tpu.memory_space<vmem>>
        %gather3A_2232 = tpu.memref_squeeze %gather3A_2231 : memref<1x64x128xf32, #tpu.memory_space<vmem>> -> memref<64x128xf32, #tpu.memory_space<vmem>>
        %gather3A_2233 = tpu.vector_load_idx %gather3A_2232[%add3A_2228, %broadcast_in_dim3A_2101] : memref<64x128xf32, #tpu.memory_space<vmem>>[vector<16xi32>, vector<16xi32>], vector<16xf32>,
        %mul3A_2234 = arith.constant 64 : i32
        %mul3A_2235 = arith.muli %sub3A_2096, %mul3A_2234 : i32
        %add3A_2236 = arith.constant 32 : i32
        %add3A_2237 = arith.addi %mul3A_2235, %add3A_2236 : i32
        %swap3A_2238 = arith.index_cast %add3A_2237 : i32 to index
        %swap3A_2239 = tpu.vector_load %arg8[%swap3A_2238] {strides = array<i32>} : memref<32768xf32, #tpu.memory_space<vmem>>, vector<16xf32>,
        tpu.vector_store %arg8[%swap3A_2238], %gather3A_2233 {strides = array<i32>} : memref<32768xf32, #tpu.memory_space<vmem>>, vector<16xf32>,
        %jit3A_2240 = arith.constant 11 : i32
        %eq3A_2241 = arith.constant 0 : i32
        %eq3A_2242 = arith.cmpi eq, %jit3A_2240, %eq3A_2241 : i32
        %jit3A_2243 = arith.constant 1 : i32
        %select_n3A_2244 = arith.select %eq3A_2242, %jit3A_2243, %jit3A_2240 : i32
        %rem3A_2245 = arith.remsi %sub3A_2096, %select_n3A_2244 : i32
        %ne3A_2246 = arith.constant 0 : i32
        %ne3A_2247 = arith.cmpi ne, %rem3A_2245, %ne3A_2246 : i32
        %lt3A_2248 = arith.constant 0 : i32
        %lt3A_2249 = arith.cmpi slt, %rem3A_2245, %lt3A_2248 : i32
        %lt3A_2250 = arith.constant 0 : i32
        %lt3A_2251 = arith.cmpi slt, %select_n3A_2244, %lt3A_2250 : i32
        %ne3A_2252 = arith.xori %lt3A_2249, %lt3A_2251 : i1
        %and3A_2253 = arith.andi %ne3A_2252, %ne3A_2247 : i1
        %add3A_2254 = arith.addi %rem3A_2245, %select_n3A_2244 : i32
        %select_n3A_2255 = arith.select %and3A_2253, %add3A_2254, %rem3A_2245 : i32
        %add3A_2256 = arith.constant 48 : i32
        %add3A_2257 = vector.broadcast %add3A_2256 : i32 to vector<16xi32>
        %add3A_2258 = arith.addi %iota3A, %add3A_2257 : vector<16xi32>
        %gather3A_2259 = arith.constant 0 : i32
        %gather3A_2260 = arith.constant 0 : i32
        %gather3A_2261 = tpu.memref_slice %arg7[%select_n3A_2255, %gather3A_2259, %gather3A_2260] : memref<11x64x128xf32, #tpu.memory_space<vmem>> -> memref<1x64x128xf32, #tpu.memory_space<vmem>>
        %gather3A_2262 = tpu.memref_squeeze %gather3A_2261 : memref<1x64x128xf32, #tpu.memory_space<vmem>> -> memref<64x128xf32, #tpu.memory_space<vmem>>
        %gather3A_2263 = tpu.vector_load_idx %gather3A_2262[%add3A_2258, %broadcast_in_dim3A_2101] : memref<64x128xf32, #tpu.memory_space<vmem>>[vector<16xi32>, vector<16xi32>], vector<16xf32>,
        %mul3A_2264 = arith.constant 64 : i32
        %mul3A_2265 = arith.muli %sub3A_2096, %mul3A_2264 : i32
        %add3A_2266 = arith.constant 48 : i32
        %add3A_2267 = arith.addi %mul3A_2265, %add3A_2266 : i32
        %swap3A_2268 = arith.index_cast %add3A_2267 : i32 to index
        %swap3A_2269 = tpu.vector_load %arg8[%swap3A_2268] {strides = array<i32>} : memref<32768xf32, #tpu.memory_space<vmem>>, vector<16xf32>,
        tpu.vector_store %arg8[%swap3A_2268], %gather3A_2263 {strides = array<i32>} : memref<32768xf32, #tpu.memory_space<vmem>>, vector<16xf32>,
      } else {
      }
      %mul3A_880 = arith.constant 16 : i32
      %mul3A_881 = arith.muli %scan3A_674, %mul3A_880 : i32
      %add3A_882 = arith.constant 8 : i32
      %add3A_883 = arith.addi %mul3A_881, %add3A_882 : i32
      %slice3A_884 = vector.extract_strided_slice %get3A_678 {offsets = [8], sizes = [1], strides = [1]} : vector<16xi32> to vector<1xi32>
      %squeeze3A_885 = vector.extract %slice3A_884[0] : i32 from vector<1xi32>
      %shift_right_arithmetic3A_886 = arith.constant 7 : i32
      %shift_right_arithmetic3A_887 = arith.shrsi %squeeze3A_885, %shift_right_arithmetic3A_886 : i32
      %mul3A_888 = arith.constant 128 : i32
      %mul3A_889 = arith.muli %shift_right_arithmetic3A_887, %mul3A_888 : i32
      %lt3A_890 = arith.constant 999936 : i32
      %lt3A_891 = arith.cmpi slt, %squeeze3A_885, %lt3A_890 : i32
      %convert_element_type3A_892 = arith.extui %lt3A_891 : i1 to i32
      %cond3A_893 = arith.constant 0 : i32
      %cond3A_894 = arith.cmpi ne, %convert_element_type3A_892, %cond3A_893 : i32
      scf.if %cond3A_894 {
        %jit3A_2095 = arith.constant 11 : i32
        %eq3A_2096 = arith.constant 0 : i32
        %eq3A_2097 = arith.cmpi eq, %jit3A_2095, %eq3A_2096 : i32
        %jit3A_2098 = arith.constant 1 : i32
        %select_n3A_2099 = arith.select %eq3A_2097, %jit3A_2098, %jit3A_2095 : i32
        %rem3A_2100 = arith.remsi %add3A_883, %select_n3A_2099 : i32
        %ne3A_2101 = arith.constant 0 : i32
        %ne3A_2102 = arith.cmpi ne, %rem3A_2100, %ne3A_2101 : i32
        %lt3A_2103 = arith.constant 0 : i32
        %lt3A_2104 = arith.cmpi slt, %rem3A_2100, %lt3A_2103 : i32
        %lt3A_2105 = arith.constant 0 : i32
        %lt3A_2106 = arith.cmpi slt, %select_n3A_2099, %lt3A_2105 : i32
        %ne3A_2107 = arith.xori %lt3A_2104, %lt3A_2106 : i1
        %and3A_2108 = arith.andi %ne3A_2107, %ne3A_2102 : i1
        %add3A_2109 = arith.addi %rem3A_2100, %select_n3A_2099 : i32
        %select_n3A_2110 = arith.select %and3A_2108, %add3A_2109, %rem3A_2100 : i32
        %jit3A_2111 = arith.constant 11 : i32
        %eq3A_2112 = arith.constant 0 : i32
        %eq3A_2113 = arith.cmpi eq, %jit3A_2111, %eq3A_2112 : i32
        %jit3A_2114 = arith.constant 1 : i32
        %select_n3A_2115 = arith.select %eq3A_2113, %jit3A_2114, %jit3A_2111 : i32
        %rem3A_2116 = arith.remsi %add3A_883, %select_n3A_2115 : i32
        %ne3A_2117 = arith.constant 0 : i32
        %ne3A_2118 = arith.cmpi ne, %rem3A_2116, %ne3A_2117 : i32
        %lt3A_2119 = arith.constant 0 : i32
        %lt3A_2120 = arith.cmpi slt, %rem3A_2116, %lt3A_2119 : i32
        %lt3A_2121 = arith.constant 0 : i32
        %lt3A_2122 = arith.cmpi slt, %select_n3A_2115, %lt3A_2121 : i32
        %ne3A_2123 = arith.xori %lt3A_2120, %lt3A_2122 : i1
        %and3A_2124 = arith.andi %ne3A_2123, %ne3A_2118 : i1
        %add3A_2125 = arith.addi %rem3A_2116, %select_n3A_2115 : i32
        %select_n3A_2126 = arith.select %and3A_2124, %add3A_2125, %rem3A_2116 : i32
        %dma_start3A = arith.constant 0 : i32
        %dma_start3A_2127 = arith.constant 0 : i32
        %dma_start3A_2128 = tpu.memref_slice %arg7[%select_n3A_2110, %dma_start3A, %dma_start3A_2127] : memref<11x64x128xf32, #tpu.memory_space<vmem>> -> memref<1x64x128xf32, #tpu.memory_space<vmem>>
        %dma_start3A_2129 = tpu.memref_squeeze %dma_start3A_2128 : memref<1x64x128xf32, #tpu.memory_space<vmem>> -> memref<64x128xf32, #tpu.memory_space<vmem>>
        %dma_start3A_2130 = arith.constant 0 : i32
        %dma_start3A_2131 = tpu.memref_slice %arg2[%dma_start3A_2130, %mul3A_889] : memref<64x1000000xf32, #tpu.memory_space<hbm>> -> memref<64x128xf32, #tpu.memory_space<hbm>>
        %dma_start3A_2132 = tpu.memref_slice %arg9[%select_n3A_2126] : memref<11x!tpu.dma_semaphore, #tpu.memory_space<semaphore_mem>> -> memref<1x!tpu.dma_semaphore, #tpu.memory_space<semaphore_mem>>
        %dma_start3A_2133 = tpu.memref_squeeze %dma_start3A_2132 : memref<1x!tpu.dma_semaphore, #tpu.memory_space<semaphore_mem>> -> memref<!tpu.dma_semaphore, #tpu.memory_space<semaphore_mem>>
        %dma_start3A_2134 = arith.constant 0 : i32
        %dma_start3A_2135 = arith.constant 0 : i32
        %dma_start3A_2136 = tpu.memref_slice %arg7[%select_n3A_2110, %dma_start3A_2134, %dma_start3A_2135] : memref<11x64x128xf32, #tpu.memory_space<vmem>> -> memref<1x64x128xf32, #tpu.memory_space<vmem>>
        %dma_start3A_2137 = tpu.memref_squeeze %dma_start3A_2136 : memref<1x64x128xf32, #tpu.memory_space<vmem>> -> memref<64x128xf32, #tpu.memory_space<vmem>>
        %dma_start3A_2138 = arith.constant 0 : i32
        %dma_start3A_2139 = tpu.memref_slice %arg2[%dma_start3A_2138, %mul3A_889] : memref<64x1000000xf32, #tpu.memory_space<hbm>> -> memref<64x128xf32, #tpu.memory_space<hbm>>
        tpu.enqueue_dma source(%dma_start3A_2139 : memref<64x128xf32, #tpu.memory_space<hbm>>) target(%dma_start3A_2137 : memref<64x128xf32, #tpu.memory_space<vmem>>) target_semaphore(%dma_start3A_2133 : memref<!tpu.dma_semaphore, #tpu.memory_space<semaphore_mem>>)
      } else {
      }
      %ge3A_895 = arith.constant 999936 : i32
      %ge3A_896 = arith.cmpi sge, %squeeze3A_885, %ge3A_895 : i32
      %convert_element_type3A_897 = arith.extui %ge3A_896 : i1 to i32
      %cond3A_898 = arith.constant 0 : i32
      %cond3A_899 = arith.cmpi ne, %convert_element_type3A_897, %cond3A_898 : i32
      scf.if %cond3A_899 {
        %jit3A_2095 = arith.constant 11 : i32
        %eq3A_2096 = arith.constant 0 : i32
        %eq3A_2097 = arith.cmpi eq, %jit3A_2095, %eq3A_2096 : i32
        %jit3A_2098 = arith.constant 1 : i32
        %select_n3A_2099 = arith.select %eq3A_2097, %jit3A_2098, %jit3A_2095 : i32
        %rem3A_2100 = arith.remsi %add3A_883, %select_n3A_2099 : i32
        %ne3A_2101 = arith.constant 0 : i32
        %ne3A_2102 = arith.cmpi ne, %rem3A_2100, %ne3A_2101 : i32
        %lt3A_2103 = arith.constant 0 : i32
        %lt3A_2104 = arith.cmpi slt, %rem3A_2100, %lt3A_2103 : i32
        %lt3A_2105 = arith.constant 0 : i32
        %lt3A_2106 = arith.cmpi slt, %select_n3A_2099, %lt3A_2105 : i32
        %ne3A_2107 = arith.xori %lt3A_2104, %lt3A_2106 : i1
        %and3A_2108 = arith.andi %ne3A_2107, %ne3A_2102 : i1
        %add3A_2109 = arith.addi %rem3A_2100, %select_n3A_2099 : i32
        %select_n3A_2110 = arith.select %and3A_2108, %add3A_2109, %rem3A_2100 : i32
        %jit3A_2111 = arith.constant 11 : i32
        %eq3A_2112 = arith.constant 0 : i32
        %eq3A_2113 = arith.cmpi eq, %jit3A_2111, %eq3A_2112 : i32
        %jit3A_2114 = arith.constant 1 : i32
        %select_n3A_2115 = arith.select %eq3A_2113, %jit3A_2114, %jit3A_2111 : i32
        %rem3A_2116 = arith.remsi %add3A_883, %select_n3A_2115 : i32
        %ne3A_2117 = arith.constant 0 : i32
        %ne3A_2118 = arith.cmpi ne, %rem3A_2116, %ne3A_2117 : i32
        %lt3A_2119 = arith.constant 0 : i32
        %lt3A_2120 = arith.cmpi slt, %rem3A_2116, %lt3A_2119 : i32
        %lt3A_2121 = arith.constant 0 : i32
        %lt3A_2122 = arith.cmpi slt, %select_n3A_2115, %lt3A_2121 : i32
        %ne3A_2123 = arith.xori %lt3A_2120, %lt3A_2122 : i1
        %and3A_2124 = arith.andi %ne3A_2123, %ne3A_2118 : i1
        %add3A_2125 = arith.addi %rem3A_2116, %select_n3A_2115 : i32
        %select_n3A_2126 = arith.select %and3A_2124, %add3A_2125, %rem3A_2116 : i32
        %dma_start3A = arith.constant 0 : i32
        %dma_start3A_2127 = arith.constant 0 : i32
        %dma_start3A_2128 = tpu.memref_slice %arg7[%select_n3A_2110, %dma_start3A, %dma_start3A_2127] : memref<11x64x128xf32, #tpu.memory_space<vmem>> -> memref<1x64x128xf32, #tpu.memory_space<vmem>>
        %dma_start3A_2129 = tpu.memref_squeeze %dma_start3A_2128 : memref<1x64x128xf32, #tpu.memory_space<vmem>> -> memref<64x128xf32, #tpu.memory_space<vmem>>
        %dma_start3A_2130 = tpu.memref_slice %arg9[%select_n3A_2126] : memref<11x!tpu.dma_semaphore, #tpu.memory_space<semaphore_mem>> -> memref<1x!tpu.dma_semaphore, #tpu.memory_space<semaphore_mem>>
        %dma_start3A_2131 = tpu.memref_squeeze %dma_start3A_2130 : memref<1x!tpu.dma_semaphore, #tpu.memory_space<semaphore_mem>> -> memref<!tpu.dma_semaphore, #tpu.memory_space<semaphore_mem>>
        %dma_start3A_2132 = arith.constant 0 : i32
        %dma_start3A_2133 = arith.constant 0 : i32
        %dma_start3A_2134 = tpu.memref_slice %arg7[%select_n3A_2110, %dma_start3A_2132, %dma_start3A_2133] : memref<11x64x128xf32, #tpu.memory_space<vmem>> -> memref<1x64x128xf32, #tpu.memory_space<vmem>>
        %dma_start3A_2135 = tpu.memref_squeeze %dma_start3A_2134 : memref<1x64x128xf32, #tpu.memory_space<vmem>> -> memref<64x128xf32, #tpu.memory_space<vmem>>
        tpu.enqueue_dma source(%arg3 : memref<64x128xf32, #tpu.memory_space<hbm>>) target(%dma_start3A_2135 : memref<64x128xf32, #tpu.memory_space<vmem>>) target_semaphore(%dma_start3A_2131 : memref<!tpu.dma_semaphore, #tpu.memory_space<semaphore_mem>>)
      } else {
      }
      %ge3A_900 = arith.constant 1 : i32
      %ge3A_901 = arith.cmpi sge, %scan3A_674, %ge3A_900 : i32
      %convert_element_type3A_902 = arith.extui %ge3A_901 : i1 to i32
      %cond3A_903 = arith.constant 0 : i32
      %cond3A_904 = arith.cmpi ne, %convert_element_type3A_902, %cond3A_903 : i32
      scf.if %cond3A_904 {
        %sub3A_2095 = arith.constant 10 : i32
        %sub3A_2096 = arith.subi %add3A_883, %sub3A_2095 : i32
        %slice3A_2097 = vector.extract_strided_slice %get3A_684 {offsets = [14], sizes = [1], strides = [1]} : vector<16xi32> to vector<1xi32>
        %squeeze3A_2098 = vector.extract %slice3A_2097[0] : i32 from vector<1xi32>
        %and3A_2099 = arith.constant 127 : i32
        %and3A_2100 = arith.andi %squeeze3A_2098, %and3A_2099 : i32
        %broadcast_in_dim3A_2101 = vector.broadcast %and3A_2100 : i32 to vector<16xi32>
        %jit3A_2102 = arith.constant 11 : i32
        %eq3A_2103 = arith.constant 0 : i32
        %eq3A_2104 = arith.cmpi eq, %jit3A_2102, %eq3A_2103 : i32
        %jit3A_2105 = arith.constant 1 : i32
        %select_n3A_2106 = arith.select %eq3A_2104, %jit3A_2105, %jit3A_2102 : i32
        %rem3A_2107 = arith.remsi %sub3A_2096, %select_n3A_2106 : i32
        %ne3A_2108 = arith.constant 0 : i32
        %ne3A_2109 = arith.cmpi ne, %rem3A_2107, %ne3A_2108 : i32
        %lt3A_2110 = arith.constant 0 : i32
        %lt3A_2111 = arith.cmpi slt, %rem3A_2107, %lt3A_2110 : i32
        %lt3A_2112 = arith.constant 0 : i32
        %lt3A_2113 = arith.cmpi slt, %select_n3A_2106, %lt3A_2112 : i32
        %ne3A_2114 = arith.xori %lt3A_2111, %lt3A_2113 : i1
        %and3A_2115 = arith.andi %ne3A_2114, %ne3A_2109 : i1
        %add3A_2116 = arith.addi %rem3A_2107, %select_n3A_2106 : i32
        %select_n3A_2117 = arith.select %and3A_2115, %add3A_2116, %rem3A_2107 : i32
        %jit3A_2118 = arith.constant 11 : i32
        %eq3A_2119 = arith.constant 0 : i32
        %eq3A_2120 = arith.cmpi eq, %jit3A_2118, %eq3A_2119 : i32
        %jit3A_2121 = arith.constant 1 : i32
        %select_n3A_2122 = arith.select %eq3A_2120, %jit3A_2121, %jit3A_2118 : i32
        %rem3A_2123 = arith.remsi %sub3A_2096, %select_n3A_2122 : i32
        %ne3A_2124 = arith.constant 0 : i32
        %ne3A_2125 = arith.cmpi ne, %rem3A_2123, %ne3A_2124 : i32
        %lt3A_2126 = arith.constant 0 : i32
        %lt3A_2127 = arith.cmpi slt, %rem3A_2123, %lt3A_2126 : i32
        %lt3A_2128 = arith.constant 0 : i32
        %lt3A_2129 = arith.cmpi slt, %select_n3A_2122, %lt3A_2128 : i32
        %ne3A_2130 = arith.xori %lt3A_2127, %lt3A_2129 : i1
        %and3A_2131 = arith.andi %ne3A_2130, %ne3A_2125 : i1
        %add3A_2132 = arith.addi %rem3A_2123, %select_n3A_2122 : i32
        %select_n3A_2133 = arith.select %and3A_2131, %add3A_2132, %rem3A_2123 : i32
        %dma_wait3A_2134 = arith.constant 0 : i32
        %dma_wait3A_2135 = arith.constant 0 : i32
        %dma_wait3A_2136 = tpu.memref_slice %arg7[%select_n3A_2117, %dma_wait3A_2134, %dma_wait3A_2135] : memref<11x64x128xf32, #tpu.memory_space<vmem>> -> memref<1x64x128xf32, #tpu.memory_space<vmem>>
        %dma_wait3A_2137 = tpu.memref_squeeze %dma_wait3A_2136 : memref<1x64x128xf32, #tpu.memory_space<vmem>> -> memref<64x128xf32, #tpu.memory_space<vmem>>
        %dma_wait3A_2138 = arith.constant 0 : i32
        %dma_wait3A_2139 = arith.constant 0 : i32
        %dma_wait3A_2140 = tpu.memref_slice %arg2[%dma_wait3A_2138, %dma_wait3A_2139] : memref<64x1000000xf32, #tpu.memory_space<hbm>> -> memref<64x128xf32, #tpu.memory_space<hbm>>
        %dma_wait3A_2141 = tpu.memref_slice %arg9[%select_n3A_2133] : memref<11x!tpu.dma_semaphore, #tpu.memory_space<semaphore_mem>> -> memref<1x!tpu.dma_semaphore, #tpu.memory_space<semaphore_mem>>
        %dma_wait3A_2142 = tpu.memref_squeeze %dma_wait3A_2141 : memref<1x!tpu.dma_semaphore, #tpu.memory_space<semaphore_mem>> -> memref<!tpu.dma_semaphore, #tpu.memory_space<semaphore_mem>>
        %dma_wait3A_2143 = arith.constant 0 : i32
        %dma_wait3A_2144 = arith.constant 0 : i32
        %dma_wait3A_2145 = tpu.memref_slice %arg7[%select_n3A_2117, %dma_wait3A_2143, %dma_wait3A_2144] : memref<11x64x128xf32, #tpu.memory_space<vmem>> -> memref<1x64x128xf32, #tpu.memory_space<vmem>>
        %dma_wait3A_2146 = tpu.memref_squeeze %dma_wait3A_2145 : memref<1x64x128xf32, #tpu.memory_space<vmem>> -> memref<64x128xf32, #tpu.memory_space<vmem>>
        %dma_wait3A_2147 = arith.constant 0 : i32
        %dma_wait3A_2148 = arith.constant 0 : i32
        %dma_wait3A_2149 = tpu.memref_slice %arg2[%dma_wait3A_2147, %dma_wait3A_2148] : memref<64x1000000xf32, #tpu.memory_space<hbm>> -> memref<64x128xf32, #tpu.memory_space<hbm>>
        tpu.wait_dma2 semaphore(%dma_wait3A_2142 : memref<!tpu.dma_semaphore, #tpu.memory_space<semaphore_mem>>) src(%dma_wait3A_2149 : memref<64x128xf32, #tpu.memory_space<hbm>>) dst(%dma_wait3A_2146 : memref<64x128xf32, #tpu.memory_space<vmem>>)
        %jit3A_2150 = arith.constant 11 : i32
        %eq3A_2151 = arith.constant 0 : i32
        %eq3A_2152 = arith.cmpi eq, %jit3A_2150, %eq3A_2151 : i32
        %jit3A_2153 = arith.constant 1 : i32
        %select_n3A_2154 = arith.select %eq3A_2152, %jit3A_2153, %jit3A_2150 : i32
        %rem3A_2155 = arith.remsi %sub3A_2096, %select_n3A_2154 : i32
        %ne3A_2156 = arith.constant 0 : i32
        %ne3A_2157 = arith.cmpi ne, %rem3A_2155, %ne3A_2156 : i32
        %lt3A_2158 = arith.constant 0 : i32
        %lt3A_2159 = arith.cmpi slt, %rem3A_2155, %lt3A_2158 : i32
        %lt3A_2160 = arith.constant 0 : i32
        %lt3A_2161 = arith.cmpi slt, %select_n3A_2154, %lt3A_2160 : i32
        %ne3A_2162 = arith.xori %lt3A_2159, %lt3A_2161 : i1
        %and3A_2163 = arith.andi %ne3A_2162, %ne3A_2157 : i1
        %add3A_2164 = arith.addi %rem3A_2155, %select_n3A_2154 : i32
        %select_n3A_2165 = arith.select %and3A_2163, %add3A_2164, %rem3A_2155 : i32
        %add3A_2166 = arith.constant 0 : i32
        %add3A_2167 = vector.broadcast %add3A_2166 : i32 to vector<16xi32>
        %add3A_2168 = arith.addi %iota3A, %add3A_2167 : vector<16xi32>
        %gather3A_2169 = arith.constant 0 : i32
        %gather3A_2170 = arith.constant 0 : i32
        %gather3A_2171 = tpu.memref_slice %arg7[%select_n3A_2165, %gather3A_2169, %gather3A_2170] : memref<11x64x128xf32, #tpu.memory_space<vmem>> -> memref<1x64x128xf32, #tpu.memory_space<vmem>>
        %gather3A_2172 = tpu.memref_squeeze %gather3A_2171 : memref<1x64x128xf32, #tpu.memory_space<vmem>> -> memref<64x128xf32, #tpu.memory_space<vmem>>
        %gather3A_2173 = tpu.vector_load_idx %gather3A_2172[%add3A_2168, %broadcast_in_dim3A_2101] : memref<64x128xf32, #tpu.memory_space<vmem>>[vector<16xi32>, vector<16xi32>], vector<16xf32>,
        %mul3A_2174 = arith.constant 64 : i32
        %mul3A_2175 = arith.muli %sub3A_2096, %mul3A_2174 : i32
        %add3A_2176 = arith.constant 0 : i32
        %add3A_2177 = arith.addi %mul3A_2175, %add3A_2176 : i32
        %swap3A_2178 = arith.index_cast %add3A_2177 : i32 to index
        %swap3A_2179 = tpu.vector_load %arg8[%swap3A_2178] {strides = array<i32>} : memref<32768xf32, #tpu.memory_space<vmem>>, vector<16xf32>,
        tpu.vector_store %arg8[%swap3A_2178], %gather3A_2173 {strides = array<i32>} : memref<32768xf32, #tpu.memory_space<vmem>>, vector<16xf32>,
        %jit3A_2180 = arith.constant 11 : i32
        %eq3A_2181 = arith.constant 0 : i32
        %eq3A_2182 = arith.cmpi eq, %jit3A_2180, %eq3A_2181 : i32
        %jit3A_2183 = arith.constant 1 : i32
        %select_n3A_2184 = arith.select %eq3A_2182, %jit3A_2183, %jit3A_2180 : i32
        %rem3A_2185 = arith.remsi %sub3A_2096, %select_n3A_2184 : i32
        %ne3A_2186 = arith.constant 0 : i32
        %ne3A_2187 = arith.cmpi ne, %rem3A_2185, %ne3A_2186 : i32
        %lt3A_2188 = arith.constant 0 : i32
        %lt3A_2189 = arith.cmpi slt, %rem3A_2185, %lt3A_2188 : i32
        %lt3A_2190 = arith.constant 0 : i32
        %lt3A_2191 = arith.cmpi slt, %select_n3A_2184, %lt3A_2190 : i32
        %ne3A_2192 = arith.xori %lt3A_2189, %lt3A_2191 : i1
        %and3A_2193 = arith.andi %ne3A_2192, %ne3A_2187 : i1
        %add3A_2194 = arith.addi %rem3A_2185, %select_n3A_2184 : i32
        %select_n3A_2195 = arith.select %and3A_2193, %add3A_2194, %rem3A_2185 : i32
        %add3A_2196 = arith.constant 16 : i32
        %add3A_2197 = vector.broadcast %add3A_2196 : i32 to vector<16xi32>
        %add3A_2198 = arith.addi %iota3A, %add3A_2197 : vector<16xi32>
        %gather3A_2199 = arith.constant 0 : i32
        %gather3A_2200 = arith.constant 0 : i32
        %gather3A_2201 = tpu.memref_slice %arg7[%select_n3A_2195, %gather3A_2199, %gather3A_2200] : memref<11x64x128xf32, #tpu.memory_space<vmem>> -> memref<1x64x128xf32, #tpu.memory_space<vmem>>
        %gather3A_2202 = tpu.memref_squeeze %gather3A_2201 : memref<1x64x128xf32, #tpu.memory_space<vmem>> -> memref<64x128xf32, #tpu.memory_space<vmem>>
        %gather3A_2203 = tpu.vector_load_idx %gather3A_2202[%add3A_2198, %broadcast_in_dim3A_2101] : memref<64x128xf32, #tpu.memory_space<vmem>>[vector<16xi32>, vector<16xi32>], vector<16xf32>,
        %mul3A_2204 = arith.constant 64 : i32
        %mul3A_2205 = arith.muli %sub3A_2096, %mul3A_2204 : i32
        %add3A_2206 = arith.constant 16 : i32
        %add3A_2207 = arith.addi %mul3A_2205, %add3A_2206 : i32
        %swap3A_2208 = arith.index_cast %add3A_2207 : i32 to index
        %swap3A_2209 = tpu.vector_load %arg8[%swap3A_2208] {strides = array<i32>} : memref<32768xf32, #tpu.memory_space<vmem>>, vector<16xf32>,
        tpu.vector_store %arg8[%swap3A_2208], %gather3A_2203 {strides = array<i32>} : memref<32768xf32, #tpu.memory_space<vmem>>, vector<16xf32>,
        %jit3A_2210 = arith.constant 11 : i32
        %eq3A_2211 = arith.constant 0 : i32
        %eq3A_2212 = arith.cmpi eq, %jit3A_2210, %eq3A_2211 : i32
        %jit3A_2213 = arith.constant 1 : i32
        %select_n3A_2214 = arith.select %eq3A_2212, %jit3A_2213, %jit3A_2210 : i32
        %rem3A_2215 = arith.remsi %sub3A_2096, %select_n3A_2214 : i32
        %ne3A_2216 = arith.constant 0 : i32
        %ne3A_2217 = arith.cmpi ne, %rem3A_2215, %ne3A_2216 : i32
        %lt3A_2218 = arith.constant 0 : i32
        %lt3A_2219 = arith.cmpi slt, %rem3A_2215, %lt3A_2218 : i32
        %lt3A_2220 = arith.constant 0 : i32
        %lt3A_2221 = arith.cmpi slt, %select_n3A_2214, %lt3A_2220 : i32
        %ne3A_2222 = arith.xori %lt3A_2219, %lt3A_2221 : i1
        %and3A_2223 = arith.andi %ne3A_2222, %ne3A_2217 : i1
        %add3A_2224 = arith.addi %rem3A_2215, %select_n3A_2214 : i32
        %select_n3A_2225 = arith.select %and3A_2223, %add3A_2224, %rem3A_2215 : i32
        %add3A_2226 = arith.constant 32 : i32
        %add3A_2227 = vector.broadcast %add3A_2226 : i32 to vector<16xi32>
        %add3A_2228 = arith.addi %iota3A, %add3A_2227 : vector<16xi32>
        %gather3A_2229 = arith.constant 0 : i32
        %gather3A_2230 = arith.constant 0 : i32
        %gather3A_2231 = tpu.memref_slice %arg7[%select_n3A_2225, %gather3A_2229, %gather3A_2230] : memref<11x64x128xf32, #tpu.memory_space<vmem>> -> memref<1x64x128xf32, #tpu.memory_space<vmem>>
        %gather3A_2232 = tpu.memref_squeeze %gather3A_2231 : memref<1x64x128xf32, #tpu.memory_space<vmem>> -> memref<64x128xf32, #tpu.memory_space<vmem>>
        %gather3A_2233 = tpu.vector_load_idx %gather3A_2232[%add3A_2228, %broadcast_in_dim3A_2101] : memref<64x128xf32, #tpu.memory_space<vmem>>[vector<16xi32>, vector<16xi32>], vector<16xf32>,
        %mul3A_2234 = arith.constant 64 : i32
        %mul3A_2235 = arith.muli %sub3A_2096, %mul3A_2234 : i32
        %add3A_2236 = arith.constant 32 : i32
        %add3A_2237 = arith.addi %mul3A_2235, %add3A_2236 : i32
        %swap3A_2238 = arith.index_cast %add3A_2237 : i32 to index
        %swap3A_2239 = tpu.vector_load %arg8[%swap3A_2238] {strides = array<i32>} : memref<32768xf32, #tpu.memory_space<vmem>>, vector<16xf32>,
        tpu.vector_store %arg8[%swap3A_2238], %gather3A_2233 {strides = array<i32>} : memref<32768xf32, #tpu.memory_space<vmem>>, vector<16xf32>,
        %jit3A_2240 = arith.constant 11 : i32
        %eq3A_2241 = arith.constant 0 : i32
        %eq3A_2242 = arith.cmpi eq, %jit3A_2240, %eq3A_2241 : i32
        %jit3A_2243 = arith.constant 1 : i32
        %select_n3A_2244 = arith.select %eq3A_2242, %jit3A_2243, %jit3A_2240 : i32
        %rem3A_2245 = arith.remsi %sub3A_2096, %select_n3A_2244 : i32
        %ne3A_2246 = arith.constant 0 : i32
        %ne3A_2247 = arith.cmpi ne, %rem3A_2245, %ne3A_2246 : i32
        %lt3A_2248 = arith.constant 0 : i32
        %lt3A_2249 = arith.cmpi slt, %rem3A_2245, %lt3A_2248 : i32
        %lt3A_2250 = arith.constant 0 : i32
        %lt3A_2251 = arith.cmpi slt, %select_n3A_2244, %lt3A_2250 : i32
        %ne3A_2252 = arith.xori %lt3A_2249, %lt3A_2251 : i1
        %and3A_2253 = arith.andi %ne3A_2252, %ne3A_2247 : i1
        %add3A_2254 = arith.addi %rem3A_2245, %select_n3A_2244 : i32
        %select_n3A_2255 = arith.select %and3A_2253, %add3A_2254, %rem3A_2245 : i32
        %add3A_2256 = arith.constant 48 : i32
        %add3A_2257 = vector.broadcast %add3A_2256 : i32 to vector<16xi32>
        %add3A_2258 = arith.addi %iota3A, %add3A_2257 : vector<16xi32>
        %gather3A_2259 = arith.constant 0 : i32
        %gather3A_2260 = arith.constant 0 : i32
        %gather3A_2261 = tpu.memref_slice %arg7[%select_n3A_2255, %gather3A_2259, %gather3A_2260] : memref<11x64x128xf32, #tpu.memory_space<vmem>> -> memref<1x64x128xf32, #tpu.memory_space<vmem>>
        %gather3A_2262 = tpu.memref_squeeze %gather3A_2261 : memref<1x64x128xf32, #tpu.memory_space<vmem>> -> memref<64x128xf32, #tpu.memory_space<vmem>>
        %gather3A_2263 = tpu.vector_load_idx %gather3A_2262[%add3A_2258, %broadcast_in_dim3A_2101] : memref<64x128xf32, #tpu.memory_space<vmem>>[vector<16xi32>, vector<16xi32>], vector<16xf32>,
        %mul3A_2264 = arith.constant 64 : i32
        %mul3A_2265 = arith.muli %sub3A_2096, %mul3A_2264 : i32
        %add3A_2266 = arith.constant 48 : i32
        %add3A_2267 = arith.addi %mul3A_2265, %add3A_2266 : i32
        %swap3A_2268 = arith.index_cast %add3A_2267 : i32 to index
        %swap3A_2269 = tpu.vector_load %arg8[%swap3A_2268] {strides = array<i32>} : memref<32768xf32, #tpu.memory_space<vmem>>, vector<16xf32>,
        tpu.vector_store %arg8[%swap3A_2268], %gather3A_2263 {strides = array<i32>} : memref<32768xf32, #tpu.memory_space<vmem>>, vector<16xf32>,
      } else {
      }
      %mul3A_905 = arith.constant 16 : i32
      %mul3A_906 = arith.muli %scan3A_674, %mul3A_905 : i32
      %add3A_907 = arith.constant 9 : i32
      %add3A_908 = arith.addi %mul3A_906, %add3A_907 : i32
      %slice3A_909 = vector.extract_strided_slice %get3A_678 {offsets = [9], sizes = [1], strides = [1]} : vector<16xi32> to vector<1xi32>
      %squeeze3A_910 = vector.extract %slice3A_909[0] : i32 from vector<1xi32>
      %shift_right_arithmetic3A_911 = arith.constant 7 : i32
      %shift_right_arithmetic3A_912 = arith.shrsi %squeeze3A_910, %shift_right_arithmetic3A_911 : i32
      %mul3A_913 = arith.constant 128 : i32
      %mul3A_914 = arith.muli %shift_right_arithmetic3A_912, %mul3A_913 : i32
      %lt3A_915 = arith.constant 999936 : i32
      %lt3A_916 = arith.cmpi slt, %squeeze3A_910, %lt3A_915 : i32
      %convert_element_type3A_917 = arith.extui %lt3A_916 : i1 to i32
      %cond3A_918 = arith.constant 0 : i32
      %cond3A_919 = arith.cmpi ne, %convert_element_type3A_917, %cond3A_918 : i32
      scf.if %cond3A_919 {
        %jit3A_2095 = arith.constant 11 : i32
        %eq3A_2096 = arith.constant 0 : i32
        %eq3A_2097 = arith.cmpi eq, %jit3A_2095, %eq3A_2096 : i32
        %jit3A_2098 = arith.constant 1 : i32
        %select_n3A_2099 = arith.select %eq3A_2097, %jit3A_2098, %jit3A_2095 : i32
        %rem3A_2100 = arith.remsi %add3A_908, %select_n3A_2099 : i32
        %ne3A_2101 = arith.constant 0 : i32
        %ne3A_2102 = arith.cmpi ne, %rem3A_2100, %ne3A_2101 : i32
        %lt3A_2103 = arith.constant 0 : i32
        %lt3A_2104 = arith.cmpi slt, %rem3A_2100, %lt3A_2103 : i32
        %lt3A_2105 = arith.constant 0 : i32
        %lt3A_2106 = arith.cmpi slt, %select_n3A_2099, %lt3A_2105 : i32
        %ne3A_2107 = arith.xori %lt3A_2104, %lt3A_2106 : i1
        %and3A_2108 = arith.andi %ne3A_2107, %ne3A_2102 : i1
        %add3A_2109 = arith.addi %rem3A_2100, %select_n3A_2099 : i32
        %select_n3A_2110 = arith.select %and3A_2108, %add3A_2109, %rem3A_2100 : i32
        %jit3A_2111 = arith.constant 11 : i32
        %eq3A_2112 = arith.constant 0 : i32
        %eq3A_2113 = arith.cmpi eq, %jit3A_2111, %eq3A_2112 : i32
        %jit3A_2114 = arith.constant 1 : i32
        %select_n3A_2115 = arith.select %eq3A_2113, %jit3A_2114, %jit3A_2111 : i32
        %rem3A_2116 = arith.remsi %add3A_908, %select_n3A_2115 : i32
        %ne3A_2117 = arith.constant 0 : i32
        %ne3A_2118 = arith.cmpi ne, %rem3A_2116, %ne3A_2117 : i32
        %lt3A_2119 = arith.constant 0 : i32
        %lt3A_2120 = arith.cmpi slt, %rem3A_2116, %lt3A_2119 : i32
        %lt3A_2121 = arith.constant 0 : i32
        %lt3A_2122 = arith.cmpi slt, %select_n3A_2115, %lt3A_2121 : i32
        %ne3A_2123 = arith.xori %lt3A_2120, %lt3A_2122 : i1
        %and3A_2124 = arith.andi %ne3A_2123, %ne3A_2118 : i1
        %add3A_2125 = arith.addi %rem3A_2116, %select_n3A_2115 : i32
        %select_n3A_2126 = arith.select %and3A_2124, %add3A_2125, %rem3A_2116 : i32
        %dma_start3A = arith.constant 0 : i32
        %dma_start3A_2127 = arith.constant 0 : i32
        %dma_start3A_2128 = tpu.memref_slice %arg7[%select_n3A_2110, %dma_start3A, %dma_start3A_2127] : memref<11x64x128xf32, #tpu.memory_space<vmem>> -> memref<1x64x128xf32, #tpu.memory_space<vmem>>
        %dma_start3A_2129 = tpu.memref_squeeze %dma_start3A_2128 : memref<1x64x128xf32, #tpu.memory_space<vmem>> -> memref<64x128xf32, #tpu.memory_space<vmem>>
        %dma_start3A_2130 = arith.constant 0 : i32
        %dma_start3A_2131 = tpu.memref_slice %arg2[%dma_start3A_2130, %mul3A_914] : memref<64x1000000xf32, #tpu.memory_space<hbm>> -> memref<64x128xf32, #tpu.memory_space<hbm>>
        %dma_start3A_2132 = tpu.memref_slice %arg9[%select_n3A_2126] : memref<11x!tpu.dma_semaphore, #tpu.memory_space<semaphore_mem>> -> memref<1x!tpu.dma_semaphore, #tpu.memory_space<semaphore_mem>>
        %dma_start3A_2133 = tpu.memref_squeeze %dma_start3A_2132 : memref<1x!tpu.dma_semaphore, #tpu.memory_space<semaphore_mem>> -> memref<!tpu.dma_semaphore, #tpu.memory_space<semaphore_mem>>
        %dma_start3A_2134 = arith.constant 0 : i32
        %dma_start3A_2135 = arith.constant 0 : i32
        %dma_start3A_2136 = tpu.memref_slice %arg7[%select_n3A_2110, %dma_start3A_2134, %dma_start3A_2135] : memref<11x64x128xf32, #tpu.memory_space<vmem>> -> memref<1x64x128xf32, #tpu.memory_space<vmem>>
        %dma_start3A_2137 = tpu.memref_squeeze %dma_start3A_2136 : memref<1x64x128xf32, #tpu.memory_space<vmem>> -> memref<64x128xf32, #tpu.memory_space<vmem>>
        %dma_start3A_2138 = arith.constant 0 : i32
        %dma_start3A_2139 = tpu.memref_slice %arg2[%dma_start3A_2138, %mul3A_914] : memref<64x1000000xf32, #tpu.memory_space<hbm>> -> memref<64x128xf32, #tpu.memory_space<hbm>>
        tpu.enqueue_dma source(%dma_start3A_2139 : memref<64x128xf32, #tpu.memory_space<hbm>>) target(%dma_start3A_2137 : memref<64x128xf32, #tpu.memory_space<vmem>>) target_semaphore(%dma_start3A_2133 : memref<!tpu.dma_semaphore, #tpu.memory_space<semaphore_mem>>)
      } else {
      }
      %ge3A_920 = arith.constant 999936 : i32
      %ge3A_921 = arith.cmpi sge, %squeeze3A_910, %ge3A_920 : i32
      %convert_element_type3A_922 = arith.extui %ge3A_921 : i1 to i32
      %cond3A_923 = arith.constant 0 : i32
      %cond3A_924 = arith.cmpi ne, %convert_element_type3A_922, %cond3A_923 : i32
      scf.if %cond3A_924 {
        %jit3A_2095 = arith.constant 11 : i32
        %eq3A_2096 = arith.constant 0 : i32
        %eq3A_2097 = arith.cmpi eq, %jit3A_2095, %eq3A_2096 : i32
        %jit3A_2098 = arith.constant 1 : i32
        %select_n3A_2099 = arith.select %eq3A_2097, %jit3A_2098, %jit3A_2095 : i32
        %rem3A_2100 = arith.remsi %add3A_908, %select_n3A_2099 : i32
        %ne3A_2101 = arith.constant 0 : i32
        %ne3A_2102 = arith.cmpi ne, %rem3A_2100, %ne3A_2101 : i32
        %lt3A_2103 = arith.constant 0 : i32
        %lt3A_2104 = arith.cmpi slt, %rem3A_2100, %lt3A_2103 : i32
        %lt3A_2105 = arith.constant 0 : i32
        %lt3A_2106 = arith.cmpi slt, %select_n3A_2099, %lt3A_2105 : i32
        %ne3A_2107 = arith.xori %lt3A_2104, %lt3A_2106 : i1
        %and3A_2108 = arith.andi %ne3A_2107, %ne3A_2102 : i1
        %add3A_2109 = arith.addi %rem3A_2100, %select_n3A_2099 : i32
        %select_n3A_2110 = arith.select %and3A_2108, %add3A_2109, %rem3A_2100 : i32
        %jit3A_2111 = arith.constant 11 : i32
        %eq3A_2112 = arith.constant 0 : i32
        %eq3A_2113 = arith.cmpi eq, %jit3A_2111, %eq3A_2112 : i32
        %jit3A_2114 = arith.constant 1 : i32
        %select_n3A_2115 = arith.select %eq3A_2113, %jit3A_2114, %jit3A_2111 : i32
        %rem3A_2116 = arith.remsi %add3A_908, %select_n3A_2115 : i32
        %ne3A_2117 = arith.constant 0 : i32
        %ne3A_2118 = arith.cmpi ne, %rem3A_2116, %ne3A_2117 : i32
        %lt3A_2119 = arith.constant 0 : i32
        %lt3A_2120 = arith.cmpi slt, %rem3A_2116, %lt3A_2119 : i32
        %lt3A_2121 = arith.constant 0 : i32
        %lt3A_2122 = arith.cmpi slt, %select_n3A_2115, %lt3A_2121 : i32
        %ne3A_2123 = arith.xori %lt3A_2120, %lt3A_2122 : i1
        %and3A_2124 = arith.andi %ne3A_2123, %ne3A_2118 : i1
        %add3A_2125 = arith.addi %rem3A_2116, %select_n3A_2115 : i32
        %select_n3A_2126 = arith.select %and3A_2124, %add3A_2125, %rem3A_2116 : i32
        %dma_start3A = arith.constant 0 : i32
        %dma_start3A_2127 = arith.constant 0 : i32
        %dma_start3A_2128 = tpu.memref_slice %arg7[%select_n3A_2110, %dma_start3A, %dma_start3A_2127] : memref<11x64x128xf32, #tpu.memory_space<vmem>> -> memref<1x64x128xf32, #tpu.memory_space<vmem>>
        %dma_start3A_2129 = tpu.memref_squeeze %dma_start3A_2128 : memref<1x64x128xf32, #tpu.memory_space<vmem>> -> memref<64x128xf32, #tpu.memory_space<vmem>>
        %dma_start3A_2130 = tpu.memref_slice %arg9[%select_n3A_2126] : memref<11x!tpu.dma_semaphore, #tpu.memory_space<semaphore_mem>> -> memref<1x!tpu.dma_semaphore, #tpu.memory_space<semaphore_mem>>
        %dma_start3A_2131 = tpu.memref_squeeze %dma_start3A_2130 : memref<1x!tpu.dma_semaphore, #tpu.memory_space<semaphore_mem>> -> memref<!tpu.dma_semaphore, #tpu.memory_space<semaphore_mem>>
        %dma_start3A_2132 = arith.constant 0 : i32
        %dma_start3A_2133 = arith.constant 0 : i32
        %dma_start3A_2134 = tpu.memref_slice %arg7[%select_n3A_2110, %dma_start3A_2132, %dma_start3A_2133] : memref<11x64x128xf32, #tpu.memory_space<vmem>> -> memref<1x64x128xf32, #tpu.memory_space<vmem>>
        %dma_start3A_2135 = tpu.memref_squeeze %dma_start3A_2134 : memref<1x64x128xf32, #tpu.memory_space<vmem>> -> memref<64x128xf32, #tpu.memory_space<vmem>>
        tpu.enqueue_dma source(%arg3 : memref<64x128xf32, #tpu.memory_space<hbm>>) target(%dma_start3A_2135 : memref<64x128xf32, #tpu.memory_space<vmem>>) target_semaphore(%dma_start3A_2131 : memref<!tpu.dma_semaphore, #tpu.memory_space<semaphore_mem>>)
      } else {
      }
      %ge3A_925 = arith.constant 1 : i32
      %ge3A_926 = arith.cmpi sge, %scan3A_674, %ge3A_925 : i32
      %convert_element_type3A_927 = arith.extui %ge3A_926 : i1 to i32
      %cond3A_928 = arith.constant 0 : i32
      %cond3A_929 = arith.cmpi ne, %convert_element_type3A_927, %cond3A_928 : i32
      scf.if %cond3A_929 {
        %sub3A_2095 = arith.constant 10 : i32
        %sub3A_2096 = arith.subi %add3A_908, %sub3A_2095 : i32
        %slice3A_2097 = vector.extract_strided_slice %get3A_684 {offsets = [15], sizes = [1], strides = [1]} : vector<16xi32> to vector<1xi32>
        %squeeze3A_2098 = vector.extract %slice3A_2097[0] : i32 from vector<1xi32>
        %and3A_2099 = arith.constant 127 : i32
        %and3A_2100 = arith.andi %squeeze3A_2098, %and3A_2099 : i32
        %broadcast_in_dim3A_2101 = vector.broadcast %and3A_2100 : i32 to vector<16xi32>
        %jit3A_2102 = arith.constant 11 : i32
        %eq3A_2103 = arith.constant 0 : i32
        %eq3A_2104 = arith.cmpi eq, %jit3A_2102, %eq3A_2103 : i32
        %jit3A_2105 = arith.constant 1 : i32
        %select_n3A_2106 = arith.select %eq3A_2104, %jit3A_2105, %jit3A_2102 : i32
        %rem3A_2107 = arith.remsi %sub3A_2096, %select_n3A_2106 : i32
        %ne3A_2108 = arith.constant 0 : i32
        %ne3A_2109 = arith.cmpi ne, %rem3A_2107, %ne3A_2108 : i32
        %lt3A_2110 = arith.constant 0 : i32
        %lt3A_2111 = arith.cmpi slt, %rem3A_2107, %lt3A_2110 : i32
        %lt3A_2112 = arith.constant 0 : i32
        %lt3A_2113 = arith.cmpi slt, %select_n3A_2106, %lt3A_2112 : i32
        %ne3A_2114 = arith.xori %lt3A_2111, %lt3A_2113 : i1
        %and3A_2115 = arith.andi %ne3A_2114, %ne3A_2109 : i1
        %add3A_2116 = arith.addi %rem3A_2107, %select_n3A_2106 : i32
        %select_n3A_2117 = arith.select %and3A_2115, %add3A_2116, %rem3A_2107 : i32
        %jit3A_2118 = arith.constant 11 : i32
        %eq3A_2119 = arith.constant 0 : i32
        %eq3A_2120 = arith.cmpi eq, %jit3A_2118, %eq3A_2119 : i32
        %jit3A_2121 = arith.constant 1 : i32
        %select_n3A_2122 = arith.select %eq3A_2120, %jit3A_2121, %jit3A_2118 : i32
        %rem3A_2123 = arith.remsi %sub3A_2096, %select_n3A_2122 : i32
        %ne3A_2124 = arith.constant 0 : i32
        %ne3A_2125 = arith.cmpi ne, %rem3A_2123, %ne3A_2124 : i32
        %lt3A_2126 = arith.constant 0 : i32
        %lt3A_2127 = arith.cmpi slt, %rem3A_2123, %lt3A_2126 : i32
        %lt3A_2128 = arith.constant 0 : i32
        %lt3A_2129 = arith.cmpi slt, %select_n3A_2122, %lt3A_2128 : i32
        %ne3A_2130 = arith.xori %lt3A_2127, %lt3A_2129 : i1
        %and3A_2131 = arith.andi %ne3A_2130, %ne3A_2125 : i1
        %add3A_2132 = arith.addi %rem3A_2123, %select_n3A_2122 : i32
        %select_n3A_2133 = arith.select %and3A_2131, %add3A_2132, %rem3A_2123 : i32
        %dma_wait3A_2134 = arith.constant 0 : i32
        %dma_wait3A_2135 = arith.constant 0 : i32
        %dma_wait3A_2136 = tpu.memref_slice %arg7[%select_n3A_2117, %dma_wait3A_2134, %dma_wait3A_2135] : memref<11x64x128xf32, #tpu.memory_space<vmem>> -> memref<1x64x128xf32, #tpu.memory_space<vmem>>
        %dma_wait3A_2137 = tpu.memref_squeeze %dma_wait3A_2136 : memref<1x64x128xf32, #tpu.memory_space<vmem>> -> memref<64x128xf32, #tpu.memory_space<vmem>>
        %dma_wait3A_2138 = arith.constant 0 : i32
        %dma_wait3A_2139 = arith.constant 0 : i32
        %dma_wait3A_2140 = tpu.memref_slice %arg2[%dma_wait3A_2138, %dma_wait3A_2139] : memref<64x1000000xf32, #tpu.memory_space<hbm>> -> memref<64x128xf32, #tpu.memory_space<hbm>>
        %dma_wait3A_2141 = tpu.memref_slice %arg9[%select_n3A_2133] : memref<11x!tpu.dma_semaphore, #tpu.memory_space<semaphore_mem>> -> memref<1x!tpu.dma_semaphore, #tpu.memory_space<semaphore_mem>>
        %dma_wait3A_2142 = tpu.memref_squeeze %dma_wait3A_2141 : memref<1x!tpu.dma_semaphore, #tpu.memory_space<semaphore_mem>> -> memref<!tpu.dma_semaphore, #tpu.memory_space<semaphore_mem>>
        %dma_wait3A_2143 = arith.constant 0 : i32
        %dma_wait3A_2144 = arith.constant 0 : i32
        %dma_wait3A_2145 = tpu.memref_slice %arg7[%select_n3A_2117, %dma_wait3A_2143, %dma_wait3A_2144] : memref<11x64x128xf32, #tpu.memory_space<vmem>> -> memref<1x64x128xf32, #tpu.memory_space<vmem>>
        %dma_wait3A_2146 = tpu.memref_squeeze %dma_wait3A_2145 : memref<1x64x128xf32, #tpu.memory_space<vmem>> -> memref<64x128xf32, #tpu.memory_space<vmem>>
        %dma_wait3A_2147 = arith.constant 0 : i32
        %dma_wait3A_2148 = arith.constant 0 : i32
        %dma_wait3A_2149 = tpu.memref_slice %arg2[%dma_wait3A_2147, %dma_wait3A_2148] : memref<64x1000000xf32, #tpu.memory_space<hbm>> -> memref<64x128xf32, #tpu.memory_space<hbm>>
        tpu.wait_dma2 semaphore(%dma_wait3A_2142 : memref<!tpu.dma_semaphore, #tpu.memory_space<semaphore_mem>>) src(%dma_wait3A_2149 : memref<64x128xf32, #tpu.memory_space<hbm>>) dst(%dma_wait3A_2146 : memref<64x128xf32, #tpu.memory_space<vmem>>)
        %jit3A_2150 = arith.constant 11 : i32
        %eq3A_2151 = arith.constant 0 : i32
        %eq3A_2152 = arith.cmpi eq, %jit3A_2150, %eq3A_2151 : i32
        %jit3A_2153 = arith.constant 1 : i32
        %select_n3A_2154 = arith.select %eq3A_2152, %jit3A_2153, %jit3A_2150 : i32
        %rem3A_2155 = arith.remsi %sub3A_2096, %select_n3A_2154 : i32
        %ne3A_2156 = arith.constant 0 : i32
        %ne3A_2157 = arith.cmpi ne, %rem3A_2155, %ne3A_2156 : i32
        %lt3A_2158 = arith.constant 0 : i32
        %lt3A_2159 = arith.cmpi slt, %rem3A_2155, %lt3A_2158 : i32
        %lt3A_2160 = arith.constant 0 : i32
        %lt3A_2161 = arith.cmpi slt, %select_n3A_2154, %lt3A_2160 : i32
        %ne3A_2162 = arith.xori %lt3A_2159, %lt3A_2161 : i1
        %and3A_2163 = arith.andi %ne3A_2162, %ne3A_2157 : i1
        %add3A_2164 = arith.addi %rem3A_2155, %select_n3A_2154 : i32
        %select_n3A_2165 = arith.select %and3A_2163, %add3A_2164, %rem3A_2155 : i32
        %add3A_2166 = arith.constant 0 : i32
        %add3A_2167 = vector.broadcast %add3A_2166 : i32 to vector<16xi32>
        %add3A_2168 = arith.addi %iota3A, %add3A_2167 : vector<16xi32>
        %gather3A_2169 = arith.constant 0 : i32
        %gather3A_2170 = arith.constant 0 : i32
        %gather3A_2171 = tpu.memref_slice %arg7[%select_n3A_2165, %gather3A_2169, %gather3A_2170] : memref<11x64x128xf32, #tpu.memory_space<vmem>> -> memref<1x64x128xf32, #tpu.memory_space<vmem>>
        %gather3A_2172 = tpu.memref_squeeze %gather3A_2171 : memref<1x64x128xf32, #tpu.memory_space<vmem>> -> memref<64x128xf32, #tpu.memory_space<vmem>>
        %gather3A_2173 = tpu.vector_load_idx %gather3A_2172[%add3A_2168, %broadcast_in_dim3A_2101] : memref<64x128xf32, #tpu.memory_space<vmem>>[vector<16xi32>, vector<16xi32>], vector<16xf32>,
        %mul3A_2174 = arith.constant 64 : i32
        %mul3A_2175 = arith.muli %sub3A_2096, %mul3A_2174 : i32
        %add3A_2176 = arith.constant 0 : i32
        %add3A_2177 = arith.addi %mul3A_2175, %add3A_2176 : i32
        %swap3A_2178 = arith.index_cast %add3A_2177 : i32 to index
        %swap3A_2179 = tpu.vector_load %arg8[%swap3A_2178] {strides = array<i32>} : memref<32768xf32, #tpu.memory_space<vmem>>, vector<16xf32>,
        tpu.vector_store %arg8[%swap3A_2178], %gather3A_2173 {strides = array<i32>} : memref<32768xf32, #tpu.memory_space<vmem>>, vector<16xf32>,
        %jit3A_2180 = arith.constant 11 : i32
        %eq3A_2181 = arith.constant 0 : i32
        %eq3A_2182 = arith.cmpi eq, %jit3A_2180, %eq3A_2181 : i32
        %jit3A_2183 = arith.constant 1 : i32
        %select_n3A_2184 = arith.select %eq3A_2182, %jit3A_2183, %jit3A_2180 : i32
        %rem3A_2185 = arith.remsi %sub3A_2096, %select_n3A_2184 : i32
        %ne3A_2186 = arith.constant 0 : i32
        %ne3A_2187 = arith.cmpi ne, %rem3A_2185, %ne3A_2186 : i32
        %lt3A_2188 = arith.constant 0 : i32
        %lt3A_2189 = arith.cmpi slt, %rem3A_2185, %lt3A_2188 : i32
        %lt3A_2190 = arith.constant 0 : i32
        %lt3A_2191 = arith.cmpi slt, %select_n3A_2184, %lt3A_2190 : i32
        %ne3A_2192 = arith.xori %lt3A_2189, %lt3A_2191 : i1
        %and3A_2193 = arith.andi %ne3A_2192, %ne3A_2187 : i1
        %add3A_2194 = arith.addi %rem3A_2185, %select_n3A_2184 : i32
        %select_n3A_2195 = arith.select %and3A_2193, %add3A_2194, %rem3A_2185 : i32
        %add3A_2196 = arith.constant 16 : i32
        %add3A_2197 = vector.broadcast %add3A_2196 : i32 to vector<16xi32>
        %add3A_2198 = arith.addi %iota3A, %add3A_2197 : vector<16xi32>
        %gather3A_2199 = arith.constant 0 : i32
        %gather3A_2200 = arith.constant 0 : i32
        %gather3A_2201 = tpu.memref_slice %arg7[%select_n3A_2195, %gather3A_2199, %gather3A_2200] : memref<11x64x128xf32, #tpu.memory_space<vmem>> -> memref<1x64x128xf32, #tpu.memory_space<vmem>>
        %gather3A_2202 = tpu.memref_squeeze %gather3A_2201 : memref<1x64x128xf32, #tpu.memory_space<vmem>> -> memref<64x128xf32, #tpu.memory_space<vmem>>
        %gather3A_2203 = tpu.vector_load_idx %gather3A_2202[%add3A_2198, %broadcast_in_dim3A_2101] : memref<64x128xf32, #tpu.memory_space<vmem>>[vector<16xi32>, vector<16xi32>], vector<16xf32>,
        %mul3A_2204 = arith.constant 64 : i32
        %mul3A_2205 = arith.muli %sub3A_2096, %mul3A_2204 : i32
        %add3A_2206 = arith.constant 16 : i32
        %add3A_2207 = arith.addi %mul3A_2205, %add3A_2206 : i32
        %swap3A_2208 = arith.index_cast %add3A_2207 : i32 to index
        %swap3A_2209 = tpu.vector_load %arg8[%swap3A_2208] {strides = array<i32>} : memref<32768xf32, #tpu.memory_space<vmem>>, vector<16xf32>,
        tpu.vector_store %arg8[%swap3A_2208], %gather3A_2203 {strides = array<i32>} : memref<32768xf32, #tpu.memory_space<vmem>>, vector<16xf32>,
        %jit3A_2210 = arith.constant 11 : i32
        %eq3A_2211 = arith.constant 0 : i32
        %eq3A_2212 = arith.cmpi eq, %jit3A_2210, %eq3A_2211 : i32
        %jit3A_2213 = arith.constant 1 : i32
        %select_n3A_2214 = arith.select %eq3A_2212, %jit3A_2213, %jit3A_2210 : i32
        %rem3A_2215 = arith.remsi %sub3A_2096, %select_n3A_2214 : i32
        %ne3A_2216 = arith.constant 0 : i32
        %ne3A_2217 = arith.cmpi ne, %rem3A_2215, %ne3A_2216 : i32
        %lt3A_2218 = arith.constant 0 : i32
        %lt3A_2219 = arith.cmpi slt, %rem3A_2215, %lt3A_2218 : i32
        %lt3A_2220 = arith.constant 0 : i32
        %lt3A_2221 = arith.cmpi slt, %select_n3A_2214, %lt3A_2220 : i32
        %ne3A_2222 = arith.xori %lt3A_2219, %lt3A_2221 : i1
        %and3A_2223 = arith.andi %ne3A_2222, %ne3A_2217 : i1
        %add3A_2224 = arith.addi %rem3A_2215, %select_n3A_2214 : i32
        %select_n3A_2225 = arith.select %and3A_2223, %add3A_2224, %rem3A_2215 : i32
        %add3A_2226 = arith.constant 32 : i32
        %add3A_2227 = vector.broadcast %add3A_2226 : i32 to vector<16xi32>
        %add3A_2228 = arith.addi %iota3A, %add3A_2227 : vector<16xi32>
        %gather3A_2229 = arith.constant 0 : i32
        %gather3A_2230 = arith.constant 0 : i32
        %gather3A_2231 = tpu.memref_slice %arg7[%select_n3A_2225, %gather3A_2229, %gather3A_2230] : memref<11x64x128xf32, #tpu.memory_space<vmem>> -> memref<1x64x128xf32, #tpu.memory_space<vmem>>
        %gather3A_2232 = tpu.memref_squeeze %gather3A_2231 : memref<1x64x128xf32, #tpu.memory_space<vmem>> -> memref<64x128xf32, #tpu.memory_space<vmem>>
        %gather3A_2233 = tpu.vector_load_idx %gather3A_2232[%add3A_2228, %broadcast_in_dim3A_2101] : memref<64x128xf32, #tpu.memory_space<vmem>>[vector<16xi32>, vector<16xi32>], vector<16xf32>,
        %mul3A_2234 = arith.constant 64 : i32
        %mul3A_2235 = arith.muli %sub3A_2096, %mul3A_2234 : i32
        %add3A_2236 = arith.constant 32 : i32
        %add3A_2237 = arith.addi %mul3A_2235, %add3A_2236 : i32
        %swap3A_2238 = arith.index_cast %add3A_2237 : i32 to index
        %swap3A_2239 = tpu.vector_load %arg8[%swap3A_2238] {strides = array<i32>} : memref<32768xf32, #tpu.memory_space<vmem>>, vector<16xf32>,
        tpu.vector_store %arg8[%swap3A_2238], %gather3A_2233 {strides = array<i32>} : memref<32768xf32, #tpu.memory_space<vmem>>, vector<16xf32>,
        %jit3A_2240 = arith.constant 11 : i32
        %eq3A_2241 = arith.constant 0 : i32
        %eq3A_2242 = arith.cmpi eq, %jit3A_2240, %eq3A_2241 : i32
        %jit3A_2243 = arith.constant 1 : i32
        %select_n3A_2244 = arith.select %eq3A_2242, %jit3A_2243, %jit3A_2240 : i32
        %rem3A_2245 = arith.remsi %sub3A_2096, %select_n3A_2244 : i32
        %ne3A_2246 = arith.constant 0 : i32
        %ne3A_2247 = arith.cmpi ne, %rem3A_2245, %ne3A_2246 : i32
        %lt3A_2248 = arith.constant 0 : i32
        %lt3A_2249 = arith.cmpi slt, %rem3A_2245, %lt3A_2248 : i32
        %lt3A_2250 = arith.constant 0 : i32
        %lt3A_2251 = arith.cmpi slt, %select_n3A_2244, %lt3A_2250 : i32
        %ne3A_2252 = arith.xori %lt3A_2249, %lt3A_2251 : i1
        %and3A_2253 = arith.andi %ne3A_2252, %ne3A_2247 : i1
        %add3A_2254 = arith.addi %rem3A_2245, %select_n3A_2244 : i32
        %select_n3A_2255 = arith.select %and3A_2253, %add3A_2254, %rem3A_2245 : i32
        %add3A_2256 = arith.constant 48 : i32
        %add3A_2257 = vector.broadcast %add3A_2256 : i32 to vector<16xi32>
        %add3A_2258 = arith.addi %iota3A, %add3A_2257 : vector<16xi32>
        %gather3A_2259 = arith.constant 0 : i32
        %gather3A_2260 = arith.constant 0 : i32
        %gather3A_2261 = tpu.memref_slice %arg7[%select_n3A_2255, %gather3A_2259, %gather3A_2260] : memref<11x64x128xf32, #tpu.memory_space<vmem>> -> memref<1x64x128xf32, #tpu.memory_space<vmem>>
        %gather3A_2262 = tpu.memref_squeeze %gather3A_2261 : memref<1x64x128xf32, #tpu.memory_space<vmem>> -> memref<64x128xf32, #tpu.memory_space<vmem>>
        %gather3A_2263 = tpu.vector_load_idx %gather3A_2262[%add3A_2258, %broadcast_in_dim3A_2101] : memref<64x128xf32, #tpu.memory_space<vmem>>[vector<16xi32>, vector<16xi32>], vector<16xf32>,
        %mul3A_2264 = arith.constant 64 : i32
        %mul3A_2265 = arith.muli %sub3A_2096, %mul3A_2264 : i32
        %add3A_2266 = arith.constant 48 : i32
        %add3A_2267 = arith.addi %mul3A_2265, %add3A_2266 : i32
        %swap3A_2268 = arith.index_cast %add3A_2267 : i32 to index
        %swap3A_2269 = tpu.vector_load %arg8[%swap3A_2268] {strides = array<i32>} : memref<32768xf32, #tpu.memory_space<vmem>>, vector<16xf32>,
        tpu.vector_store %arg8[%swap3A_2268], %gather3A_2263 {strides = array<i32>} : memref<32768xf32, #tpu.memory_space<vmem>>, vector<16xf32>,
      } else {
      }
      %mul3A_930 = arith.constant 16 : i32
      %mul3A_931 = arith.muli %scan3A_674, %mul3A_930 : i32
      %add3A_932 = arith.constant 10 : i32
      %add3A_933 = arith.addi %mul3A_931, %add3A_932 : i32
      %slice3A_934 = vector.extract_strided_slice %get3A_678 {offsets = [10], sizes = [1], strides = [1]} : vector<16xi32> to vector<1xi32>
      %squeeze3A_935 = vector.extract %slice3A_934[0] : i32 from vector<1xi32>
      %shift_right_arithmetic3A_936 = arith.constant 7 : i32
      %shift_right_arithmetic3A_937 = arith.shrsi %squeeze3A_935, %shift_right_arithmetic3A_936 : i32
      %mul3A_938 = arith.constant 128 : i32
      %mul3A_939 = arith.muli %shift_right_arithmetic3A_937, %mul3A_938 : i32
      %lt3A_940 = arith.constant 999936 : i32
      %lt3A_941 = arith.cmpi slt, %squeeze3A_935, %lt3A_940 : i32
      %convert_element_type3A_942 = arith.extui %lt3A_941 : i1 to i32
      %cond3A_943 = arith.constant 0 : i32
      %cond3A_944 = arith.cmpi ne, %convert_element_type3A_942, %cond3A_943 : i32
      scf.if %cond3A_944 {
        %jit3A_2095 = arith.constant 11 : i32
        %eq3A_2096 = arith.constant 0 : i32
        %eq3A_2097 = arith.cmpi eq, %jit3A_2095, %eq3A_2096 : i32
        %jit3A_2098 = arith.constant 1 : i32
        %select_n3A_2099 = arith.select %eq3A_2097, %jit3A_2098, %jit3A_2095 : i32
        %rem3A_2100 = arith.remsi %add3A_933, %select_n3A_2099 : i32
        %ne3A_2101 = arith.constant 0 : i32
        %ne3A_2102 = arith.cmpi ne, %rem3A_2100, %ne3A_2101 : i32
        %lt3A_2103 = arith.constant 0 : i32
        %lt3A_2104 = arith.cmpi slt, %rem3A_2100, %lt3A_2103 : i32
        %lt3A_2105 = arith.constant 0 : i32
        %lt3A_2106 = arith.cmpi slt, %select_n3A_2099, %lt3A_2105 : i32
        %ne3A_2107 = arith.xori %lt3A_2104, %lt3A_2106 : i1
        %and3A_2108 = arith.andi %ne3A_2107, %ne3A_2102 : i1
        %add3A_2109 = arith.addi %rem3A_2100, %select_n3A_2099 : i32
        %select_n3A_2110 = arith.select %and3A_2108, %add3A_2109, %rem3A_2100 : i32
        %jit3A_2111 = arith.constant 11 : i32
        %eq3A_2112 = arith.constant 0 : i32
        %eq3A_2113 = arith.cmpi eq, %jit3A_2111, %eq3A_2112 : i32
        %jit3A_2114 = arith.constant 1 : i32
        %select_n3A_2115 = arith.select %eq3A_2113, %jit3A_2114, %jit3A_2111 : i32
        %rem3A_2116 = arith.remsi %add3A_933, %select_n3A_2115 : i32
        %ne3A_2117 = arith.constant 0 : i32
        %ne3A_2118 = arith.cmpi ne, %rem3A_2116, %ne3A_2117 : i32
        %lt3A_2119 = arith.constant 0 : i32
        %lt3A_2120 = arith.cmpi slt, %rem3A_2116, %lt3A_2119 : i32
        %lt3A_2121 = arith.constant 0 : i32
        %lt3A_2122 = arith.cmpi slt, %select_n3A_2115, %lt3A_2121 : i32
        %ne3A_2123 = arith.xori %lt3A_2120, %lt3A_2122 : i1
        %and3A_2124 = arith.andi %ne3A_2123, %ne3A_2118 : i1
        %add3A_2125 = arith.addi %rem3A_2116, %select_n3A_2115 : i32
        %select_n3A_2126 = arith.select %and3A_2124, %add3A_2125, %rem3A_2116 : i32
        %dma_start3A = arith.constant 0 : i32
        %dma_start3A_2127 = arith.constant 0 : i32
        %dma_start3A_2128 = tpu.memref_slice %arg7[%select_n3A_2110, %dma_start3A, %dma_start3A_2127] : memref<11x64x128xf32, #tpu.memory_space<vmem>> -> memref<1x64x128xf32, #tpu.memory_space<vmem>>
        %dma_start3A_2129 = tpu.memref_squeeze %dma_start3A_2128 : memref<1x64x128xf32, #tpu.memory_space<vmem>> -> memref<64x128xf32, #tpu.memory_space<vmem>>
        %dma_start3A_2130 = arith.constant 0 : i32
        %dma_start3A_2131 = tpu.memref_slice %arg2[%dma_start3A_2130, %mul3A_939] : memref<64x1000000xf32, #tpu.memory_space<hbm>> -> memref<64x128xf32, #tpu.memory_space<hbm>>
        %dma_start3A_2132 = tpu.memref_slice %arg9[%select_n3A_2126] : memref<11x!tpu.dma_semaphore, #tpu.memory_space<semaphore_mem>> -> memref<1x!tpu.dma_semaphore, #tpu.memory_space<semaphore_mem>>
        %dma_start3A_2133 = tpu.memref_squeeze %dma_start3A_2132 : memref<1x!tpu.dma_semaphore, #tpu.memory_space<semaphore_mem>> -> memref<!tpu.dma_semaphore, #tpu.memory_space<semaphore_mem>>
        %dma_start3A_2134 = arith.constant 0 : i32
        %dma_start3A_2135 = arith.constant 0 : i32
        %dma_start3A_2136 = tpu.memref_slice %arg7[%select_n3A_2110, %dma_start3A_2134, %dma_start3A_2135] : memref<11x64x128xf32, #tpu.memory_space<vmem>> -> memref<1x64x128xf32, #tpu.memory_space<vmem>>
        %dma_start3A_2137 = tpu.memref_squeeze %dma_start3A_2136 : memref<1x64x128xf32, #tpu.memory_space<vmem>> -> memref<64x128xf32, #tpu.memory_space<vmem>>
        %dma_start3A_2138 = arith.constant 0 : i32
        %dma_start3A_2139 = tpu.memref_slice %arg2[%dma_start3A_2138, %mul3A_939] : memref<64x1000000xf32, #tpu.memory_space<hbm>> -> memref<64x128xf32, #tpu.memory_space<hbm>>
        tpu.enqueue_dma source(%dma_start3A_2139 : memref<64x128xf32, #tpu.memory_space<hbm>>) target(%dma_start3A_2137 : memref<64x128xf32, #tpu.memory_space<vmem>>) target_semaphore(%dma_start3A_2133 : memref<!tpu.dma_semaphore, #tpu.memory_space<semaphore_mem>>)
      } else {
      }
      %ge3A_945 = arith.constant 999936 : i32
      %ge3A_946 = arith.cmpi sge, %squeeze3A_935, %ge3A_945 : i32
      %convert_element_type3A_947 = arith.extui %ge3A_946 : i1 to i32
      %cond3A_948 = arith.constant 0 : i32
      %cond3A_949 = arith.cmpi ne, %convert_element_type3A_947, %cond3A_948 : i32
      scf.if %cond3A_949 {
        %jit3A_2095 = arith.constant 11 : i32
        %eq3A_2096 = arith.constant 0 : i32
        %eq3A_2097 = arith.cmpi eq, %jit3A_2095, %eq3A_2096 : i32
        %jit3A_2098 = arith.constant 1 : i32
        %select_n3A_2099 = arith.select %eq3A_2097, %jit3A_2098, %jit3A_2095 : i32
        %rem3A_2100 = arith.remsi %add3A_933, %select_n3A_2099 : i32
        %ne3A_2101 = arith.constant 0 : i32
        %ne3A_2102 = arith.cmpi ne, %rem3A_2100, %ne3A_2101 : i32
        %lt3A_2103 = arith.constant 0 : i32
        %lt3A_2104 = arith.cmpi slt, %rem3A_2100, %lt3A_2103 : i32
        %lt3A_2105 = arith.constant 0 : i32
        %lt3A_2106 = arith.cmpi slt, %select_n3A_2099, %lt3A_2105 : i32
        %ne3A_2107 = arith.xori %lt3A_2104, %lt3A_2106 : i1
        %and3A_2108 = arith.andi %ne3A_2107, %ne3A_2102 : i1
        %add3A_2109 = arith.addi %rem3A_2100, %select_n3A_2099 : i32
        %select_n3A_2110 = arith.select %and3A_2108, %add3A_2109, %rem3A_2100 : i32
        %jit3A_2111 = arith.constant 11 : i32
        %eq3A_2112 = arith.constant 0 : i32
        %eq3A_2113 = arith.cmpi eq, %jit3A_2111, %eq3A_2112 : i32
        %jit3A_2114 = arith.constant 1 : i32
        %select_n3A_2115 = arith.select %eq3A_2113, %jit3A_2114, %jit3A_2111 : i32
        %rem3A_2116 = arith.remsi %add3A_933, %select_n3A_2115 : i32
        %ne3A_2117 = arith.constant 0 : i32
        %ne3A_2118 = arith.cmpi ne, %rem3A_2116, %ne3A_2117 : i32
        %lt3A_2119 = arith.constant 0 : i32
        %lt3A_2120 = arith.cmpi slt, %rem3A_2116, %lt3A_2119 : i32
        %lt3A_2121 = arith.constant 0 : i32
        %lt3A_2122 = arith.cmpi slt, %select_n3A_2115, %lt3A_2121 : i32
        %ne3A_2123 = arith.xori %lt3A_2120, %lt3A_2122 : i1
        %and3A_2124 = arith.andi %ne3A_2123, %ne3A_2118 : i1
        %add3A_2125 = arith.addi %rem3A_2116, %select_n3A_2115 : i32
        %select_n3A_2126 = arith.select %and3A_2124, %add3A_2125, %rem3A_2116 : i32
        %dma_start3A = arith.constant 0 : i32
        %dma_start3A_2127 = arith.constant 0 : i32
        %dma_start3A_2128 = tpu.memref_slice %arg7[%select_n3A_2110, %dma_start3A, %dma_start3A_2127] : memref<11x64x128xf32, #tpu.memory_space<vmem>> -> memref<1x64x128xf32, #tpu.memory_space<vmem>>
        %dma_start3A_2129 = tpu.memref_squeeze %dma_start3A_2128 : memref<1x64x128xf32, #tpu.memory_space<vmem>> -> memref<64x128xf32, #tpu.memory_space<vmem>>
        %dma_start3A_2130 = tpu.memref_slice %arg9[%select_n3A_2126] : memref<11x!tpu.dma_semaphore, #tpu.memory_space<semaphore_mem>> -> memref<1x!tpu.dma_semaphore, #tpu.memory_space<semaphore_mem>>
        %dma_start3A_2131 = tpu.memref_squeeze %dma_start3A_2130 : memref<1x!tpu.dma_semaphore, #tpu.memory_space<semaphore_mem>> -> memref<!tpu.dma_semaphore, #tpu.memory_space<semaphore_mem>>
        %dma_start3A_2132 = arith.constant 0 : i32
        %dma_start3A_2133 = arith.constant 0 : i32
        %dma_start3A_2134 = tpu.memref_slice %arg7[%select_n3A_2110, %dma_start3A_2132, %dma_start3A_2133] : memref<11x64x128xf32, #tpu.memory_space<vmem>> -> memref<1x64x128xf32, #tpu.memory_space<vmem>>
        %dma_start3A_2135 = tpu.memref_squeeze %dma_start3A_2134 : memref<1x64x128xf32, #tpu.memory_space<vmem>> -> memref<64x128xf32, #tpu.memory_space<vmem>>
        tpu.enqueue_dma source(%arg3 : memref<64x128xf32, #tpu.memory_space<hbm>>) target(%dma_start3A_2135 : memref<64x128xf32, #tpu.memory_space<vmem>>) target_semaphore(%dma_start3A_2131 : memref<!tpu.dma_semaphore, #tpu.memory_space<semaphore_mem>>)
      } else {
      }
      %sub3A_950 = arith.constant 10 : i32
      %sub3A_951 = arith.subi %add3A_933, %sub3A_950 : i32
      %slice3A_952 = vector.extract_strided_slice %get3A_678 {offsets = [0], sizes = [1], strides = [1]} : vector<16xi32> to vector<1xi32>
      %squeeze3A_953 = vector.extract %slice3A_952[0] : i32 from vector<1xi32>
      %and3A_954 = arith.constant 127 : i32
      %and3A_955 = arith.andi %squeeze3A_953, %and3A_954 : i32
      %broadcast_in_dim3A_956 = vector.broadcast %and3A_955 : i32 to vector<16xi32>
      %jit3A = arith.constant 11 : i32
      %eq3A = arith.constant 0 : i32
      %eq3A_957 = arith.cmpi eq, %jit3A, %eq3A : i32
      %jit3A_958 = arith.constant 1 : i32
      %select_n3A = arith.select %eq3A_957, %jit3A_958, %jit3A : i32
      %rem3A = arith.remsi %sub3A_951, %select_n3A : i32
      %ne3A = arith.constant 0 : i32
      %ne3A_959 = arith.cmpi ne, %rem3A, %ne3A : i32
      %lt3A_960 = arith.constant 0 : i32
      %lt3A_961 = arith.cmpi slt, %rem3A, %lt3A_960 : i32
      %lt3A_962 = arith.constant 0 : i32
      %lt3A_963 = arith.cmpi slt, %select_n3A, %lt3A_962 : i32
      %ne3A_964 = arith.xori %lt3A_961, %lt3A_963 : i1
      %and3A_965 = arith.andi %ne3A_964, %ne3A_959 : i1
      %add3A_966 = arith.addi %rem3A, %select_n3A : i32
      %select_n3A_967 = arith.select %and3A_965, %add3A_966, %rem3A : i32
      %jit3A_968 = arith.constant 11 : i32
      %eq3A_969 = arith.constant 0 : i32
      %eq3A_970 = arith.cmpi eq, %jit3A_968, %eq3A_969 : i32
      %jit3A_971 = arith.constant 1 : i32
      %select_n3A_972 = arith.select %eq3A_970, %jit3A_971, %jit3A_968 : i32
      %rem3A_973 = arith.remsi %sub3A_951, %select_n3A_972 : i32
      %ne3A_974 = arith.constant 0 : i32
      %ne3A_975 = arith.cmpi ne, %rem3A_973, %ne3A_974 : i32
      %lt3A_976 = arith.constant 0 : i32
      %lt3A_977 = arith.cmpi slt, %rem3A_973, %lt3A_976 : i32
      %lt3A_978 = arith.constant 0 : i32
      %lt3A_979 = arith.cmpi slt, %select_n3A_972, %lt3A_978 : i32
      %ne3A_980 = arith.xori %lt3A_977, %lt3A_979 : i1
      %and3A_981 = arith.andi %ne3A_980, %ne3A_975 : i1
      %add3A_982 = arith.addi %rem3A_973, %select_n3A_972 : i32
      %select_n3A_983 = arith.select %and3A_981, %add3A_982, %rem3A_973 : i32
      %dma_wait3A_984 = arith.constant 0 : i32
      %dma_wait3A_985 = arith.constant 0 : i32
      %dma_wait3A_986 = tpu.memref_slice %arg7[%select_n3A_967, %dma_wait3A_984, %dma_wait3A_985] : memref<11x64x128xf32, #tpu.memory_space<vmem>> -> memref<1x64x128xf32, #tpu.memory_space<vmem>>
      %dma_wait3A_987 = tpu.memref_squeeze %dma_wait3A_986 : memref<1x64x128xf32, #tpu.memory_space<vmem>> -> memref<64x128xf32, #tpu.memory_space<vmem>>
      %dma_wait3A_988 = arith.constant 0 : i32
      %dma_wait3A_989 = arith.constant 0 : i32
      %dma_wait3A_990 = tpu.memref_slice %arg2[%dma_wait3A_988, %dma_wait3A_989] : memref<64x1000000xf32, #tpu.memory_space<hbm>> -> memref<64x128xf32, #tpu.memory_space<hbm>>
      %dma_wait3A_991 = tpu.memref_slice %arg9[%select_n3A_983] : memref<11x!tpu.dma_semaphore, #tpu.memory_space<semaphore_mem>> -> memref<1x!tpu.dma_semaphore, #tpu.memory_space<semaphore_mem>>
      %dma_wait3A_992 = tpu.memref_squeeze %dma_wait3A_991 : memref<1x!tpu.dma_semaphore, #tpu.memory_space<semaphore_mem>> -> memref<!tpu.dma_semaphore, #tpu.memory_space<semaphore_mem>>
      %dma_wait3A_993 = arith.constant 0 : i32
      %dma_wait3A_994 = arith.constant 0 : i32
      %dma_wait3A_995 = tpu.memref_slice %arg7[%select_n3A_967, %dma_wait3A_993, %dma_wait3A_994] : memref<11x64x128xf32, #tpu.memory_space<vmem>> -> memref<1x64x128xf32, #tpu.memory_space<vmem>>
      %dma_wait3A_996 = tpu.memref_squeeze %dma_wait3A_995 : memref<1x64x128xf32, #tpu.memory_space<vmem>> -> memref<64x128xf32, #tpu.memory_space<vmem>>
      %dma_wait3A_997 = arith.constant 0 : i32
      %dma_wait3A_998 = arith.constant 0 : i32
      %dma_wait3A_999 = tpu.memref_slice %arg2[%dma_wait3A_997, %dma_wait3A_998] : memref<64x1000000xf32, #tpu.memory_space<hbm>> -> memref<64x128xf32, #tpu.memory_space<hbm>>
      tpu.wait_dma2 semaphore(%dma_wait3A_992 : memref<!tpu.dma_semaphore, #tpu.memory_space<semaphore_mem>>) src(%dma_wait3A_999 : memref<64x128xf32, #tpu.memory_space<hbm>>) dst(%dma_wait3A_996 : memref<64x128xf32, #tpu.memory_space<vmem>>)
      %jit3A_1000 = arith.constant 11 : i32
      %eq3A_1001 = arith.constant 0 : i32
      %eq3A_1002 = arith.cmpi eq, %jit3A_1000, %eq3A_1001 : i32
      %jit3A_1003 = arith.constant 1 : i32
      %select_n3A_1004 = arith.select %eq3A_1002, %jit3A_1003, %jit3A_1000 : i32
      %rem3A_1005 = arith.remsi %sub3A_951, %select_n3A_1004 : i32
      %ne3A_1006 = arith.constant 0 : i32
      %ne3A_1007 = arith.cmpi ne, %rem3A_1005, %ne3A_1006 : i32
      %lt3A_1008 = arith.constant 0 : i32
      %lt3A_1009 = arith.cmpi slt, %rem3A_1005, %lt3A_1008 : i32
      %lt3A_1010 = arith.constant 0 : i32
      %lt3A_1011 = arith.cmpi slt, %select_n3A_1004, %lt3A_1010 : i32
      %ne3A_1012 = arith.xori %lt3A_1009, %lt3A_1011 : i1
      %and3A_1013 = arith.andi %ne3A_1012, %ne3A_1007 : i1
      %add3A_1014 = arith.addi %rem3A_1005, %select_n3A_1004 : i32
      %select_n3A_1015 = arith.select %and3A_1013, %add3A_1014, %rem3A_1005 : i32
      %add3A_1016 = arith.constant 0 : i32
      %add3A_1017 = vector.broadcast %add3A_1016 : i32 to vector<16xi32>
      %add3A_1018 = arith.addi %iota3A, %add3A_1017 : vector<16xi32>
      %gather3A_1019 = arith.constant 0 : i32
      %gather3A_1020 = arith.constant 0 : i32
      %gather3A_1021 = tpu.memref_slice %arg7[%select_n3A_1015, %gather3A_1019, %gather3A_1020] : memref<11x64x128xf32, #tpu.memory_space<vmem>> -> memref<1x64x128xf32, #tpu.memory_space<vmem>>
      %gather3A_1022 = tpu.memref_squeeze %gather3A_1021 : memref<1x64x128xf32, #tpu.memory_space<vmem>> -> memref<64x128xf32, #tpu.memory_space<vmem>>
      %gather3A_1023 = tpu.vector_load_idx %gather3A_1022[%add3A_1018, %broadcast_in_dim3A_956] : memref<64x128xf32, #tpu.memory_space<vmem>>[vector<16xi32>, vector<16xi32>], vector<16xf32>,
      %mul3A_1024 = arith.constant 64 : i32
      %mul3A_1025 = arith.muli %sub3A_951, %mul3A_1024 : i32
      %add3A_1026 = arith.constant 0 : i32
      %add3A_1027 = arith.addi %mul3A_1025, %add3A_1026 : i32
      %swap3A_1028 = arith.index_cast %add3A_1027 : i32 to index
      %swap3A_1029 = tpu.vector_load %arg8[%swap3A_1028] {strides = array<i32>} : memref<32768xf32, #tpu.memory_space<vmem>>, vector<16xf32>,
      tpu.vector_store %arg8[%swap3A_1028], %gather3A_1023 {strides = array<i32>} : memref<32768xf32, #tpu.memory_space<vmem>>, vector<16xf32>,
      %jit3A_1030 = arith.constant 11 : i32
      %eq3A_1031 = arith.constant 0 : i32
      %eq3A_1032 = arith.cmpi eq, %jit3A_1030, %eq3A_1031 : i32
      %jit3A_1033 = arith.constant 1 : i32
      %select_n3A_1034 = arith.select %eq3A_1032, %jit3A_1033, %jit3A_1030 : i32
      %rem3A_1035 = arith.remsi %sub3A_951, %select_n3A_1034 : i32
      %ne3A_1036 = arith.constant 0 : i32
      %ne3A_1037 = arith.cmpi ne, %rem3A_1035, %ne3A_1036 : i32
      %lt3A_1038 = arith.constant 0 : i32
      %lt3A_1039 = arith.cmpi slt, %rem3A_1035, %lt3A_1038 : i32
      %lt3A_1040 = arith.constant 0 : i32
      %lt3A_1041 = arith.cmpi slt, %select_n3A_1034, %lt3A_1040 : i32
      %ne3A_1042 = arith.xori %lt3A_1039, %lt3A_1041 : i1
      %and3A_1043 = arith.andi %ne3A_1042, %ne3A_1037 : i1
      %add3A_1044 = arith.addi %rem3A_1035, %select_n3A_1034 : i32
      %select_n3A_1045 = arith.select %and3A_1043, %add3A_1044, %rem3A_1035 : i32
      %add3A_1046 = arith.constant 16 : i32
      %add3A_1047 = vector.broadcast %add3A_1046 : i32 to vector<16xi32>
      %add3A_1048 = arith.addi %iota3A, %add3A_1047 : vector<16xi32>
      %gather3A_1049 = arith.constant 0 : i32
      %gather3A_1050 = arith.constant 0 : i32
      %gather3A_1051 = tpu.memref_slice %arg7[%select_n3A_1045, %gather3A_1049, %gather3A_1050] : memref<11x64x128xf32, #tpu.memory_space<vmem>> -> memref<1x64x128xf32, #tpu.memory_space<vmem>>
      %gather3A_1052 = tpu.memref_squeeze %gather3A_1051 : memref<1x64x128xf32, #tpu.memory_space<vmem>> -> memref<64x128xf32, #tpu.memory_space<vmem>>
      %gather3A_1053 = tpu.vector_load_idx %gather3A_1052[%add3A_1048, %broadcast_in_dim3A_956] : memref<64x128xf32, #tpu.memory_space<vmem>>[vector<16xi32>, vector<16xi32>], vector<16xf32>,
      %mul3A_1054 = arith.constant 64 : i32
      %mul3A_1055 = arith.muli %sub3A_951, %mul3A_1054 : i32
      %add3A_1056 = arith.constant 16 : i32
      %add3A_1057 = arith.addi %mul3A_1055, %add3A_1056 : i32
      %swap3A_1058 = arith.index_cast %add3A_1057 : i32 to index
      %swap3A_1059 = tpu.vector_load %arg8[%swap3A_1058] {strides = array<i32>} : memref<32768xf32, #tpu.memory_space<vmem>>, vector<16xf32>,
      tpu.vector_store %arg8[%swap3A_1058], %gather3A_1053 {strides = array<i32>} : memref<32768xf32, #tpu.memory_space<vmem>>, vector<16xf32>,
      %jit3A_1060 = arith.constant 11 : i32
      %eq3A_1061 = arith.constant 0 : i32
      %eq3A_1062 = arith.cmpi eq, %jit3A_1060, %eq3A_1061 : i32
      %jit3A_1063 = arith.constant 1 : i32
      %select_n3A_1064 = arith.select %eq3A_1062, %jit3A_1063, %jit3A_1060 : i32
      %rem3A_1065 = arith.remsi %sub3A_951, %select_n3A_1064 : i32
      %ne3A_1066 = arith.constant 0 : i32
      %ne3A_1067 = arith.cmpi ne, %rem3A_1065, %ne3A_1066 : i32
      %lt3A_1068 = arith.constant 0 : i32
      %lt3A_1069 = arith.cmpi slt, %rem3A_1065, %lt3A_1068 : i32
      %lt3A_1070 = arith.constant 0 : i32
      %lt3A_1071 = arith.cmpi slt, %select_n3A_1064, %lt3A_1070 : i32
      %ne3A_1072 = arith.xori %lt3A_1069, %lt3A_1071 : i1
      %and3A_1073 = arith.andi %ne3A_1072, %ne3A_1067 : i1
      %add3A_1074 = arith.addi %rem3A_1065, %select_n3A_1064 : i32
      %select_n3A_1075 = arith.select %and3A_1073, %add3A_1074, %rem3A_1065 : i32
      %add3A_1076 = arith.constant 32 : i32
      %add3A_1077 = vector.broadcast %add3A_1076 : i32 to vector<16xi32>
      %add3A_1078 = arith.addi %iota3A, %add3A_1077 : vector<16xi32>
      %gather3A_1079 = arith.constant 0 : i32
      %gather3A_1080 = arith.constant 0 : i32
      %gather3A_1081 = tpu.memref_slice %arg7[%select_n3A_1075, %gather3A_1079, %gather3A_1080] : memref<11x64x128xf32, #tpu.memory_space<vmem>> -> memref<1x64x128xf32, #tpu.memory_space<vmem>>
      %gather3A_1082 = tpu.memref_squeeze %gather3A_1081 : memref<1x64x128xf32, #tpu.memory_space<vmem>> -> memref<64x128xf32, #tpu.memory_space<vmem>>
      %gather3A_1083 = tpu.vector_load_idx %gather3A_1082[%add3A_1078, %broadcast_in_dim3A_956] : memref<64x128xf32, #tpu.memory_space<vmem>>[vector<16xi32>, vector<16xi32>], vector<16xf32>,
      %mul3A_1084 = arith.constant 64 : i32
      %mul3A_1085 = arith.muli %sub3A_951, %mul3A_1084 : i32
      %add3A_1086 = arith.constant 32 : i32
      %add3A_1087 = arith.addi %mul3A_1085, %add3A_1086 : i32
      %swap3A_1088 = arith.index_cast %add3A_1087 : i32 to index
      %swap3A_1089 = tpu.vector_load %arg8[%swap3A_1088] {strides = array<i32>} : memref<32768xf32, #tpu.memory_space<vmem>>, vector<16xf32>,
      tpu.vector_store %arg8[%swap3A_1088], %gather3A_1083 {strides = array<i32>} : memref<32768xf32, #tpu.memory_space<vmem>>, vector<16xf32>,
      %jit3A_1090 = arith.constant 11 : i32
      %eq3A_1091 = arith.constant 0 : i32
      %eq3A_1092 = arith.cmpi eq, %jit3A_1090, %eq3A_1091 : i32
      %jit3A_1093 = arith.constant 1 : i32
      %select_n3A_1094 = arith.select %eq3A_1092, %jit3A_1093, %jit3A_1090 : i32
      %rem3A_1095 = arith.remsi %sub3A_951, %select_n3A_1094 : i32
      %ne3A_1096 = arith.constant 0 : i32
      %ne3A_1097 = arith.cmpi ne, %rem3A_1095, %ne3A_1096 : i32
      %lt3A_1098 = arith.constant 0 : i32
      %lt3A_1099 = arith.cmpi slt, %rem3A_1095, %lt3A_1098 : i32
      %lt3A_1100 = arith.constant 0 : i32
      %lt3A_1101 = arith.cmpi slt, %select_n3A_1094, %lt3A_1100 : i32
      %ne3A_1102 = arith.xori %lt3A_1099, %lt3A_1101 : i1
      %and3A_1103 = arith.andi %ne3A_1102, %ne3A_1097 : i1
      %add3A_1104 = arith.addi %rem3A_1095, %select_n3A_1094 : i32
      %select_n3A_1105 = arith.select %and3A_1103, %add3A_1104, %rem3A_1095 : i32
      %add3A_1106 = arith.constant 48 : i32
      %add3A_1107 = vector.broadcast %add3A_1106 : i32 to vector<16xi32>
      %add3A_1108 = arith.addi %iota3A, %add3A_1107 : vector<16xi32>
      %gather3A_1109 = arith.constant 0 : i32
      %gather3A_1110 = arith.constant 0 : i32
      %gather3A_1111 = tpu.memref_slice %arg7[%select_n3A_1105, %gather3A_1109, %gather3A_1110] : memref<11x64x128xf32, #tpu.memory_space<vmem>> -> memref<1x64x128xf32, #tpu.memory_space<vmem>>
      %gather3A_1112 = tpu.memref_squeeze %gather3A_1111 : memref<1x64x128xf32, #tpu.memory_space<vmem>> -> memref<64x128xf32, #tpu.memory_space<vmem>>
      %gather3A_1113 = tpu.vector_load_idx %gather3A_1112[%add3A_1108, %broadcast_in_dim3A_956] : memref<64x128xf32, #tpu.memory_space<vmem>>[vector<16xi32>, vector<16xi32>], vector<16xf32>,
      %mul3A_1114 = arith.constant 64 : i32
      %mul3A_1115 = arith.muli %sub3A_951, %mul3A_1114 : i32
      %add3A_1116 = arith.constant 48 : i32
      %add3A_1117 = arith.addi %mul3A_1115, %add3A_1116 : i32
      %swap3A_1118 = arith.index_cast %add3A_1117 : i32 to index
      %swap3A_1119 = tpu.vector_load %arg8[%swap3A_1118] {strides = array<i32>} : memref<32768xf32, #tpu.memory_space<vmem>>, vector<16xf32>,
      tpu.vector_store %arg8[%swap3A_1118], %gather3A_1113 {strides = array<i32>} : memref<32768xf32, #tpu.memory_space<vmem>>, vector<16xf32>,
      %mul3A_1120 = arith.constant 16 : i32
      %mul3A_1121 = arith.muli %scan3A_674, %mul3A_1120 : i32
      %add3A_1122 = arith.constant 11 : i32
      %add3A_1123 = arith.addi %mul3A_1121, %add3A_1122 : i32
      %slice3A_1124 = vector.extract_strided_slice %get3A_678 {offsets = [11], sizes = [1], strides = [1]} : vector<16xi32> to vector<1xi32>
      %squeeze3A_1125 = vector.extract %slice3A_1124[0] : i32 from vector<1xi32>
      %shift_right_arithmetic3A_1126 = arith.constant 7 : i32
      %shift_right_arithmetic3A_1127 = arith.shrsi %squeeze3A_1125, %shift_right_arithmetic3A_1126 : i32
      %mul3A_1128 = arith.constant 128 : i32
      %mul3A_1129 = arith.muli %shift_right_arithmetic3A_1127, %mul3A_1128 : i32
      %lt3A_1130 = arith.constant 999936 : i32
      %lt3A_1131 = arith.cmpi slt, %squeeze3A_1125, %lt3A_1130 : i32
      %convert_element_type3A_1132 = arith.extui %lt3A_1131 : i1 to i32
      %cond3A_1133 = arith.constant 0 : i32
      %cond3A_1134 = arith.cmpi ne, %convert_element_type3A_1132, %cond3A_1133 : i32
      scf.if %cond3A_1134 {
        %jit3A_2095 = arith.constant 11 : i32
        %eq3A_2096 = arith.constant 0 : i32
        %eq3A_2097 = arith.cmpi eq, %jit3A_2095, %eq3A_2096 : i32
        %jit3A_2098 = arith.constant 1 : i32
        %select_n3A_2099 = arith.select %eq3A_2097, %jit3A_2098, %jit3A_2095 : i32
        %rem3A_2100 = arith.remsi %add3A_1123, %select_n3A_2099 : i32
        %ne3A_2101 = arith.constant 0 : i32
        %ne3A_2102 = arith.cmpi ne, %rem3A_2100, %ne3A_2101 : i32
        %lt3A_2103 = arith.constant 0 : i32
        %lt3A_2104 = arith.cmpi slt, %rem3A_2100, %lt3A_2103 : i32
        %lt3A_2105 = arith.constant 0 : i32
        %lt3A_2106 = arith.cmpi slt, %select_n3A_2099, %lt3A_2105 : i32
        %ne3A_2107 = arith.xori %lt3A_2104, %lt3A_2106 : i1
        %and3A_2108 = arith.andi %ne3A_2107, %ne3A_2102 : i1
        %add3A_2109 = arith.addi %rem3A_2100, %select_n3A_2099 : i32
        %select_n3A_2110 = arith.select %and3A_2108, %add3A_2109, %rem3A_2100 : i32
        %jit3A_2111 = arith.constant 11 : i32
        %eq3A_2112 = arith.constant 0 : i32
        %eq3A_2113 = arith.cmpi eq, %jit3A_2111, %eq3A_2112 : i32
        %jit3A_2114 = arith.constant 1 : i32
        %select_n3A_2115 = arith.select %eq3A_2113, %jit3A_2114, %jit3A_2111 : i32
        %rem3A_2116 = arith.remsi %add3A_1123, %select_n3A_2115 : i32
        %ne3A_2117 = arith.constant 0 : i32
        %ne3A_2118 = arith.cmpi ne, %rem3A_2116, %ne3A_2117 : i32
        %lt3A_2119 = arith.constant 0 : i32
        %lt3A_2120 = arith.cmpi slt, %rem3A_2116, %lt3A_2119 : i32
        %lt3A_2121 = arith.constant 0 : i32
        %lt3A_2122 = arith.cmpi slt, %select_n3A_2115, %lt3A_2121 : i32
        %ne3A_2123 = arith.xori %lt3A_2120, %lt3A_2122 : i1
        %and3A_2124 = arith.andi %ne3A_2123, %ne3A_2118 : i1
        %add3A_2125 = arith.addi %rem3A_2116, %select_n3A_2115 : i32
        %select_n3A_2126 = arith.select %and3A_2124, %add3A_2125, %rem3A_2116 : i32
        %dma_start3A = arith.constant 0 : i32
        %dma_start3A_2127 = arith.constant 0 : i32
        %dma_start3A_2128 = tpu.memref_slice %arg7[%select_n3A_2110, %dma_start3A, %dma_start3A_2127] : memref<11x64x128xf32, #tpu.memory_space<vmem>> -> memref<1x64x128xf32, #tpu.memory_space<vmem>>
        %dma_start3A_2129 = tpu.memref_squeeze %dma_start3A_2128 : memref<1x64x128xf32, #tpu.memory_space<vmem>> -> memref<64x128xf32, #tpu.memory_space<vmem>>
        %dma_start3A_2130 = arith.constant 0 : i32
        %dma_start3A_2131 = tpu.memref_slice %arg2[%dma_start3A_2130, %mul3A_1129] : memref<64x1000000xf32, #tpu.memory_space<hbm>> -> memref<64x128xf32, #tpu.memory_space<hbm>>
        %dma_start3A_2132 = tpu.memref_slice %arg9[%select_n3A_2126] : memref<11x!tpu.dma_semaphore, #tpu.memory_space<semaphore_mem>> -> memref<1x!tpu.dma_semaphore, #tpu.memory_space<semaphore_mem>>
        %dma_start3A_2133 = tpu.memref_squeeze %dma_start3A_2132 : memref<1x!tpu.dma_semaphore, #tpu.memory_space<semaphore_mem>> -> memref<!tpu.dma_semaphore, #tpu.memory_space<semaphore_mem>>
        %dma_start3A_2134 = arith.constant 0 : i32
        %dma_start3A_2135 = arith.constant 0 : i32
        %dma_start3A_2136 = tpu.memref_slice %arg7[%select_n3A_2110, %dma_start3A_2134, %dma_start3A_2135] : memref<11x64x128xf32, #tpu.memory_space<vmem>> -> memref<1x64x128xf32, #tpu.memory_space<vmem>>
        %dma_start3A_2137 = tpu.memref_squeeze %dma_start3A_2136 : memref<1x64x128xf32, #tpu.memory_space<vmem>> -> memref<64x128xf32, #tpu.memory_space<vmem>>
        %dma_start3A_2138 = arith.constant 0 : i32
        %dma_start3A_2139 = tpu.memref_slice %arg2[%dma_start3A_2138, %mul3A_1129] : memref<64x1000000xf32, #tpu.memory_space<hbm>> -> memref<64x128xf32, #tpu.memory_space<hbm>>
        tpu.enqueue_dma source(%dma_start3A_2139 : memref<64x128xf32, #tpu.memory_space<hbm>>) target(%dma_start3A_2137 : memref<64x128xf32, #tpu.memory_space<vmem>>) target_semaphore(%dma_start3A_2133 : memref<!tpu.dma_semaphore, #tpu.memory_space<semaphore_mem>>)
      } else {
      }
      %ge3A_1135 = arith.constant 999936 : i32
      %ge3A_1136 = arith.cmpi sge, %squeeze3A_1125, %ge3A_1135 : i32
      %convert_element_type3A_1137 = arith.extui %ge3A_1136 : i1 to i32
      %cond3A_1138 = arith.constant 0 : i32
      %cond3A_1139 = arith.cmpi ne, %convert_element_type3A_1137, %cond3A_1138 : i32
      scf.if %cond3A_1139 {
        %jit3A_2095 = arith.constant 11 : i32
        %eq3A_2096 = arith.constant 0 : i32
        %eq3A_2097 = arith.cmpi eq, %jit3A_2095, %eq3A_2096 : i32
        %jit3A_2098 = arith.constant 1 : i32
        %select_n3A_2099 = arith.select %eq3A_2097, %jit3A_2098, %jit3A_2095 : i32
        %rem3A_2100 = arith.remsi %add3A_1123, %select_n3A_2099 : i32
        %ne3A_2101 = arith.constant 0 : i32
        %ne3A_2102 = arith.cmpi ne, %rem3A_2100, %ne3A_2101 : i32
        %lt3A_2103 = arith.constant 0 : i32
        %lt3A_2104 = arith.cmpi slt, %rem3A_2100, %lt3A_2103 : i32
        %lt3A_2105 = arith.constant 0 : i32
        %lt3A_2106 = arith.cmpi slt, %select_n3A_2099, %lt3A_2105 : i32
        %ne3A_2107 = arith.xori %lt3A_2104, %lt3A_2106 : i1
        %and3A_2108 = arith.andi %ne3A_2107, %ne3A_2102 : i1
        %add3A_2109 = arith.addi %rem3A_2100, %select_n3A_2099 : i32
        %select_n3A_2110 = arith.select %and3A_2108, %add3A_2109, %rem3A_2100 : i32
        %jit3A_2111 = arith.constant 11 : i32
        %eq3A_2112 = arith.constant 0 : i32
        %eq3A_2113 = arith.cmpi eq, %jit3A_2111, %eq3A_2112 : i32
        %jit3A_2114 = arith.constant 1 : i32
        %select_n3A_2115 = arith.select %eq3A_2113, %jit3A_2114, %jit3A_2111 : i32
        %rem3A_2116 = arith.remsi %add3A_1123, %select_n3A_2115 : i32
        %ne3A_2117 = arith.constant 0 : i32
        %ne3A_2118 = arith.cmpi ne, %rem3A_2116, %ne3A_2117 : i32
        %lt3A_2119 = arith.constant 0 : i32
        %lt3A_2120 = arith.cmpi slt, %rem3A_2116, %lt3A_2119 : i32
        %lt3A_2121 = arith.constant 0 : i32
        %lt3A_2122 = arith.cmpi slt, %select_n3A_2115, %lt3A_2121 : i32
        %ne3A_2123 = arith.xori %lt3A_2120, %lt3A_2122 : i1
        %and3A_2124 = arith.andi %ne3A_2123, %ne3A_2118 : i1
        %add3A_2125 = arith.addi %rem3A_2116, %select_n3A_2115 : i32
        %select_n3A_2126 = arith.select %and3A_2124, %add3A_2125, %rem3A_2116 : i32
        %dma_start3A = arith.constant 0 : i32
        %dma_start3A_2127 = arith.constant 0 : i32
        %dma_start3A_2128 = tpu.memref_slice %arg7[%select_n3A_2110, %dma_start3A, %dma_start3A_2127] : memref<11x64x128xf32, #tpu.memory_space<vmem>> -> memref<1x64x128xf32, #tpu.memory_space<vmem>>
        %dma_start3A_2129 = tpu.memref_squeeze %dma_start3A_2128 : memref<1x64x128xf32, #tpu.memory_space<vmem>> -> memref<64x128xf32, #tpu.memory_space<vmem>>
        %dma_start3A_2130 = tpu.memref_slice %arg9[%select_n3A_2126] : memref<11x!tpu.dma_semaphore, #tpu.memory_space<semaphore_mem>> -> memref<1x!tpu.dma_semaphore, #tpu.memory_space<semaphore_mem>>
        %dma_start3A_2131 = tpu.memref_squeeze %dma_start3A_2130 : memref<1x!tpu.dma_semaphore, #tpu.memory_space<semaphore_mem>> -> memref<!tpu.dma_semaphore, #tpu.memory_space<semaphore_mem>>
        %dma_start3A_2132 = arith.constant 0 : i32
        %dma_start3A_2133 = arith.constant 0 : i32
        %dma_start3A_2134 = tpu.memref_slice %arg7[%select_n3A_2110, %dma_start3A_2132, %dma_start3A_2133] : memref<11x64x128xf32, #tpu.memory_space<vmem>> -> memref<1x64x128xf32, #tpu.memory_space<vmem>>
        %dma_start3A_2135 = tpu.memref_squeeze %dma_start3A_2134 : memref<1x64x128xf32, #tpu.memory_space<vmem>> -> memref<64x128xf32, #tpu.memory_space<vmem>>
        tpu.enqueue_dma source(%arg3 : memref<64x128xf32, #tpu.memory_space<hbm>>) target(%dma_start3A_2135 : memref<64x128xf32, #tpu.memory_space<vmem>>) target_semaphore(%dma_start3A_2131 : memref<!tpu.dma_semaphore, #tpu.memory_space<semaphore_mem>>)
      } else {
      }
      %sub3A_1140 = arith.constant 10 : i32
      %sub3A_1141 = arith.subi %add3A_1123, %sub3A_1140 : i32
      %slice3A_1142 = vector.extract_strided_slice %get3A_678 {offsets = [1], sizes = [1], strides = [1]} : vector<16xi32> to vector<1xi32>
      %squeeze3A_1143 = vector.extract %slice3A_1142[0] : i32 from vector<1xi32>
      %and3A_1144 = arith.constant 127 : i32
      %and3A_1145 = arith.andi %squeeze3A_1143, %and3A_1144 : i32
      %broadcast_in_dim3A_1146 = vector.broadcast %and3A_1145 : i32 to vector<16xi32>
      %jit3A_1147 = arith.constant 11 : i32
      %eq3A_1148 = arith.constant 0 : i32
      %eq3A_1149 = arith.cmpi eq, %jit3A_1147, %eq3A_1148 : i32
      %jit3A_1150 = arith.constant 1 : i32
      %select_n3A_1151 = arith.select %eq3A_1149, %jit3A_1150, %jit3A_1147 : i32
      %rem3A_1152 = arith.remsi %sub3A_1141, %select_n3A_1151 : i32
      %ne3A_1153 = arith.constant 0 : i32
      %ne3A_1154 = arith.cmpi ne, %rem3A_1152, %ne3A_1153 : i32
      %lt3A_1155 = arith.constant 0 : i32
      %lt3A_1156 = arith.cmpi slt, %rem3A_1152, %lt3A_1155 : i32
      %lt3A_1157 = arith.constant 0 : i32
      %lt3A_1158 = arith.cmpi slt, %select_n3A_1151, %lt3A_1157 : i32
      %ne3A_1159 = arith.xori %lt3A_1156, %lt3A_1158 : i1
      %and3A_1160 = arith.andi %ne3A_1159, %ne3A_1154 : i1
      %add3A_1161 = arith.addi %rem3A_1152, %select_n3A_1151 : i32
      %select_n3A_1162 = arith.select %and3A_1160, %add3A_1161, %rem3A_1152 : i32
      %jit3A_1163 = arith.constant 11 : i32
      %eq3A_1164 = arith.constant 0 : i32
      %eq3A_1165 = arith.cmpi eq, %jit3A_1163, %eq3A_1164 : i32
      %jit3A_1166 = arith.constant 1 : i32
      %select_n3A_1167 = arith.select %eq3A_1165, %jit3A_1166, %jit3A_1163 : i32
      %rem3A_1168 = arith.remsi %sub3A_1141, %select_n3A_1167 : i32
      %ne3A_1169 = arith.constant 0 : i32
      %ne3A_1170 = arith.cmpi ne, %rem3A_1168, %ne3A_1169 : i32
      %lt3A_1171 = arith.constant 0 : i32
      %lt3A_1172 = arith.cmpi slt, %rem3A_1168, %lt3A_1171 : i32
      %lt3A_1173 = arith.constant 0 : i32
      %lt3A_1174 = arith.cmpi slt, %select_n3A_1167, %lt3A_1173 : i32
      %ne3A_1175 = arith.xori %lt3A_1172, %lt3A_1174 : i1
      %and3A_1176 = arith.andi %ne3A_1175, %ne3A_1170 : i1
      %add3A_1177 = arith.addi %rem3A_1168, %select_n3A_1167 : i32
      %select_n3A_1178 = arith.select %and3A_1176, %add3A_1177, %rem3A_1168 : i32
      %dma_wait3A_1179 = arith.constant 0 : i32
      %dma_wait3A_1180 = arith.constant 0 : i32
      %dma_wait3A_1181 = tpu.memref_slice %arg7[%select_n3A_1162, %dma_wait3A_1179, %dma_wait3A_1180] : memref<11x64x128xf32, #tpu.memory_space<vmem>> -> memref<1x64x128xf32, #tpu.memory_space<vmem>>
      %dma_wait3A_1182 = tpu.memref_squeeze %dma_wait3A_1181 : memref<1x64x128xf32, #tpu.memory_space<vmem>> -> memref<64x128xf32, #tpu.memory_space<vmem>>
      %dma_wait3A_1183 = arith.constant 0 : i32
      %dma_wait3A_1184 = arith.constant 0 : i32
      %dma_wait3A_1185 = tpu.memref_slice %arg2[%dma_wait3A_1183, %dma_wait3A_1184] : memref<64x1000000xf32, #tpu.memory_space<hbm>> -> memref<64x128xf32, #tpu.memory_space<hbm>>
      %dma_wait3A_1186 = tpu.memref_slice %arg9[%select_n3A_1178] : memref<11x!tpu.dma_semaphore, #tpu.memory_space<semaphore_mem>> -> memref<1x!tpu.dma_semaphore, #tpu.memory_space<semaphore_mem>>
      %dma_wait3A_1187 = tpu.memref_squeeze %dma_wait3A_1186 : memref<1x!tpu.dma_semaphore, #tpu.memory_space<semaphore_mem>> -> memref<!tpu.dma_semaphore, #tpu.memory_space<semaphore_mem>>
      %dma_wait3A_1188 = arith.constant 0 : i32
      %dma_wait3A_1189 = arith.constant 0 : i32
      %dma_wait3A_1190 = tpu.memref_slice %arg7[%select_n3A_1162, %dma_wait3A_1188, %dma_wait3A_1189] : memref<11x64x128xf32, #tpu.memory_space<vmem>> -> memref<1x64x128xf32, #tpu.memory_space<vmem>>
      %dma_wait3A_1191 = tpu.memref_squeeze %dma_wait3A_1190 : memref<1x64x128xf32, #tpu.memory_space<vmem>> -> memref<64x128xf32, #tpu.memory_space<vmem>>
      %dma_wait3A_1192 = arith.constant 0 : i32
      %dma_wait3A_1193 = arith.constant 0 : i32
      %dma_wait3A_1194 = tpu.memref_slice %arg2[%dma_wait3A_1192, %dma_wait3A_1193] : memref<64x1000000xf32, #tpu.memory_space<hbm>> -> memref<64x128xf32, #tpu.memory_space<hbm>>
      tpu.wait_dma2 semaphore(%dma_wait3A_1187 : memref<!tpu.dma_semaphore, #tpu.memory_space<semaphore_mem>>) src(%dma_wait3A_1194 : memref<64x128xf32, #tpu.memory_space<hbm>>) dst(%dma_wait3A_1191 : memref<64x128xf32, #tpu.memory_space<vmem>>)
      %jit3A_1195 = arith.constant 11 : i32
      %eq3A_1196 = arith.constant 0 : i32
      %eq3A_1197 = arith.cmpi eq, %jit3A_1195, %eq3A_1196 : i32
      %jit3A_1198 = arith.constant 1 : i32
      %select_n3A_1199 = arith.select %eq3A_1197, %jit3A_1198, %jit3A_1195 : i32
      %rem3A_1200 = arith.remsi %sub3A_1141, %select_n3A_1199 : i32
      %ne3A_1201 = arith.constant 0 : i32
      %ne3A_1202 = arith.cmpi ne, %rem3A_1200, %ne3A_1201 : i32
      %lt3A_1203 = arith.constant 0 : i32
      %lt3A_1204 = arith.cmpi slt, %rem3A_1200, %lt3A_1203 : i32
      %lt3A_1205 = arith.constant 0 : i32
      %lt3A_1206 = arith.cmpi slt, %select_n3A_1199, %lt3A_1205 : i32
      %ne3A_1207 = arith.xori %lt3A_1204, %lt3A_1206 : i1
      %and3A_1208 = arith.andi %ne3A_1207, %ne3A_1202 : i1
      %add3A_1209 = arith.addi %rem3A_1200, %select_n3A_1199 : i32
      %select_n3A_1210 = arith.select %and3A_1208, %add3A_1209, %rem3A_1200 : i32
      %add3A_1211 = arith.constant 0 : i32
      %add3A_1212 = vector.broadcast %add3A_1211 : i32 to vector<16xi32>
      %add3A_1213 = arith.addi %iota3A, %add3A_1212 : vector<16xi32>
      %gather3A_1214 = arith.constant 0 : i32
      %gather3A_1215 = arith.constant 0 : i32
      %gather3A_1216 = tpu.memref_slice %arg7[%select_n3A_1210, %gather3A_1214, %gather3A_1215] : memref<11x64x128xf32, #tpu.memory_space<vmem>> -> memref<1x64x128xf32, #tpu.memory_space<vmem>>
      %gather3A_1217 = tpu.memref_squeeze %gather3A_1216 : memref<1x64x128xf32, #tpu.memory_space<vmem>> -> memref<64x128xf32, #tpu.memory_space<vmem>>
      %gather3A_1218 = tpu.vector_load_idx %gather3A_1217[%add3A_1213, %broadcast_in_dim3A_1146] : memref<64x128xf32, #tpu.memory_space<vmem>>[vector<16xi32>, vector<16xi32>], vector<16xf32>,
      %mul3A_1219 = arith.constant 64 : i32
      %mul3A_1220 = arith.muli %sub3A_1141, %mul3A_1219 : i32
      %add3A_1221 = arith.constant 0 : i32
      %add3A_1222 = arith.addi %mul3A_1220, %add3A_1221 : i32
      %swap3A_1223 = arith.index_cast %add3A_1222 : i32 to index
      %swap3A_1224 = tpu.vector_load %arg8[%swap3A_1223] {strides = array<i32>} : memref<32768xf32, #tpu.memory_space<vmem>>, vector<16xf32>,
      tpu.vector_store %arg8[%swap3A_1223], %gather3A_1218 {strides = array<i32>} : memref<32768xf32, #tpu.memory_space<vmem>>, vector<16xf32>,
      %jit3A_1225 = arith.constant 11 : i32
      %eq3A_1226 = arith.constant 0 : i32
      %eq3A_1227 = arith.cmpi eq, %jit3A_1225, %eq3A_1226 : i32
      %jit3A_1228 = arith.constant 1 : i32
      %select_n3A_1229 = arith.select %eq3A_1227, %jit3A_1228, %jit3A_1225 : i32
      %rem3A_1230 = arith.remsi %sub3A_1141, %select_n3A_1229 : i32
      %ne3A_1231 = arith.constant 0 : i32
      %ne3A_1232 = arith.cmpi ne, %rem3A_1230, %ne3A_1231 : i32
      %lt3A_1233 = arith.constant 0 : i32
      %lt3A_1234 = arith.cmpi slt, %rem3A_1230, %lt3A_1233 : i32
      %lt3A_1235 = arith.constant 0 : i32
      %lt3A_1236 = arith.cmpi slt, %select_n3A_1229, %lt3A_1235 : i32
      %ne3A_1237 = arith.xori %lt3A_1234, %lt3A_1236 : i1
      %and3A_1238 = arith.andi %ne3A_1237, %ne3A_1232 : i1
      %add3A_1239 = arith.addi %rem3A_1230, %select_n3A_1229 : i32
      %select_n3A_1240 = arith.select %and3A_1238, %add3A_1239, %rem3A_1230 : i32
      %add3A_1241 = arith.constant 16 : i32
      %add3A_1242 = vector.broadcast %add3A_1241 : i32 to vector<16xi32>
      %add3A_1243 = arith.addi %iota3A, %add3A_1242 : vector<16xi32>
      %gather3A_1244 = arith.constant 0 : i32
      %gather3A_1245 = arith.constant 0 : i32
      %gather3A_1246 = tpu.memref_slice %arg7[%select_n3A_1240, %gather3A_1244, %gather3A_1245] : memref<11x64x128xf32, #tpu.memory_space<vmem>> -> memref<1x64x128xf32, #tpu.memory_space<vmem>>
      %gather3A_1247 = tpu.memref_squeeze %gather3A_1246 : memref<1x64x128xf32, #tpu.memory_space<vmem>> -> memref<64x128xf32, #tpu.memory_space<vmem>>
      %gather3A_1248 = tpu.vector_load_idx %gather3A_1247[%add3A_1243, %broadcast_in_dim3A_1146] : memref<64x128xf32, #tpu.memory_space<vmem>>[vector<16xi32>, vector<16xi32>], vector<16xf32>,
      %mul3A_1249 = arith.constant 64 : i32
      %mul3A_1250 = arith.muli %sub3A_1141, %mul3A_1249 : i32
      %add3A_1251 = arith.constant 16 : i32
      %add3A_1252 = arith.addi %mul3A_1250, %add3A_1251 : i32
      %swap3A_1253 = arith.index_cast %add3A_1252 : i32 to index
      %swap3A_1254 = tpu.vector_load %arg8[%swap3A_1253] {strides = array<i32>} : memref<32768xf32, #tpu.memory_space<vmem>>, vector<16xf32>,
      tpu.vector_store %arg8[%swap3A_1253], %gather3A_1248 {strides = array<i32>} : memref<32768xf32, #tpu.memory_space<vmem>>, vector<16xf32>,
      %jit3A_1255 = arith.constant 11 : i32
      %eq3A_1256 = arith.constant 0 : i32
      %eq3A_1257 = arith.cmpi eq, %jit3A_1255, %eq3A_1256 : i32
      %jit3A_1258 = arith.constant 1 : i32
      %select_n3A_1259 = arith.select %eq3A_1257, %jit3A_1258, %jit3A_1255 : i32
      %rem3A_1260 = arith.remsi %sub3A_1141, %select_n3A_1259 : i32
      %ne3A_1261 = arith.constant 0 : i32
      %ne3A_1262 = arith.cmpi ne, %rem3A_1260, %ne3A_1261 : i32
      %lt3A_1263 = arith.constant 0 : i32
      %lt3A_1264 = arith.cmpi slt, %rem3A_1260, %lt3A_1263 : i32
      %lt3A_1265 = arith.constant 0 : i32
      %lt3A_1266 = arith.cmpi slt, %select_n3A_1259, %lt3A_1265 : i32
      %ne3A_1267 = arith.xori %lt3A_1264, %lt3A_1266 : i1
      %and3A_1268 = arith.andi %ne3A_1267, %ne3A_1262 : i1
      %add3A_1269 = arith.addi %rem3A_1260, %select_n3A_1259 : i32
      %select_n3A_1270 = arith.select %and3A_1268, %add3A_1269, %rem3A_1260 : i32
      %add3A_1271 = arith.constant 32 : i32
      %add3A_1272 = vector.broadcast %add3A_1271 : i32 to vector<16xi32>
      %add3A_1273 = arith.addi %iota3A, %add3A_1272 : vector<16xi32>
      %gather3A_1274 = arith.constant 0 : i32
      %gather3A_1275 = arith.constant 0 : i32
      %gather3A_1276 = tpu.memref_slice %arg7[%select_n3A_1270, %gather3A_1274, %gather3A_1275] : memref<11x64x128xf32, #tpu.memory_space<vmem>> -> memref<1x64x128xf32, #tpu.memory_space<vmem>>
      %gather3A_1277 = tpu.memref_squeeze %gather3A_1276 : memref<1x64x128xf32, #tpu.memory_space<vmem>> -> memref<64x128xf32, #tpu.memory_space<vmem>>
      %gather3A_1278 = tpu.vector_load_idx %gather3A_1277[%add3A_1273, %broadcast_in_dim3A_1146] : memref<64x128xf32, #tpu.memory_space<vmem>>[vector<16xi32>, vector<16xi32>], vector<16xf32>,
      %mul3A_1279 = arith.constant 64 : i32
      %mul3A_1280 = arith.muli %sub3A_1141, %mul3A_1279 : i32
      %add3A_1281 = arith.constant 32 : i32
      %add3A_1282 = arith.addi %mul3A_1280, %add3A_1281 : i32
      %swap3A_1283 = arith.index_cast %add3A_1282 : i32 to index
      %swap3A_1284 = tpu.vector_load %arg8[%swap3A_1283] {strides = array<i32>} : memref<32768xf32, #tpu.memory_space<vmem>>, vector<16xf32>,
      tpu.vector_store %arg8[%swap3A_1283], %gather3A_1278 {strides = array<i32>} : memref<32768xf32, #tpu.memory_space<vmem>>, vector<16xf32>,
      %jit3A_1285 = arith.constant 11 : i32
      %eq3A_1286 = arith.constant 0 : i32
      %eq3A_1287 = arith.cmpi eq, %jit3A_1285, %eq3A_1286 : i32
      %jit3A_1288 = arith.constant 1 : i32
      %select_n3A_1289 = arith.select %eq3A_1287, %jit3A_1288, %jit3A_1285 : i32
      %rem3A_1290 = arith.remsi %sub3A_1141, %select_n3A_1289 : i32
      %ne3A_1291 = arith.constant 0 : i32
      %ne3A_1292 = arith.cmpi ne, %rem3A_1290, %ne3A_1291 : i32
      %lt3A_1293 = arith.constant 0 : i32
      %lt3A_1294 = arith.cmpi slt, %rem3A_1290, %lt3A_1293 : i32
      %lt3A_1295 = arith.constant 0 : i32
      %lt3A_1296 = arith.cmpi slt, %select_n3A_1289, %lt3A_1295 : i32
      %ne3A_1297 = arith.xori %lt3A_1294, %lt3A_1296 : i1
      %and3A_1298 = arith.andi %ne3A_1297, %ne3A_1292 : i1
      %add3A_1299 = arith.addi %rem3A_1290, %select_n3A_1289 : i32
      %select_n3A_1300 = arith.select %and3A_1298, %add3A_1299, %rem3A_1290 : i32
      %add3A_1301 = arith.constant 48 : i32
      %add3A_1302 = vector.broadcast %add3A_1301 : i32 to vector<16xi32>
      %add3A_1303 = arith.addi %iota3A, %add3A_1302 : vector<16xi32>
      %gather3A_1304 = arith.constant 0 : i32
      %gather3A_1305 = arith.constant 0 : i32
      %gather3A_1306 = tpu.memref_slice %arg7[%select_n3A_1300, %gather3A_1304, %gather3A_1305] : memref<11x64x128xf32, #tpu.memory_space<vmem>> -> memref<1x64x128xf32, #tpu.memory_space<vmem>>
      %gather3A_1307 = tpu.memref_squeeze %gather3A_1306 : memref<1x64x128xf32, #tpu.memory_space<vmem>> -> memref<64x128xf32, #tpu.memory_space<vmem>>
      %gather3A_1308 = tpu.vector_load_idx %gather3A_1307[%add3A_1303, %broadcast_in_dim3A_1146] : memref<64x128xf32, #tpu.memory_space<vmem>>[vector<16xi32>, vector<16xi32>], vector<16xf32>,
      %mul3A_1309 = arith.constant 64 : i32
      %mul3A_1310 = arith.muli %sub3A_1141, %mul3A_1309 : i32
      %add3A_1311 = arith.constant 48 : i32
      %add3A_1312 = arith.addi %mul3A_1310, %add3A_1311 : i32
      %swap3A_1313 = arith.index_cast %add3A_1312 : i32 to index
      %swap3A_1314 = tpu.vector_load %arg8[%swap3A_1313] {strides = array<i32>} : memref<32768xf32, #tpu.memory_space<vmem>>, vector<16xf32>,
      tpu.vector_store %arg8[%swap3A_1313], %gather3A_1308 {strides = array<i32>} : memref<32768xf32, #tpu.memory_space<vmem>>, vector<16xf32>,
      %mul3A_1315 = arith.constant 16 : i32
      %mul3A_1316 = arith.muli %scan3A_674, %mul3A_1315 : i32
      %add3A_1317 = arith.constant 12 : i32
      %add3A_1318 = arith.addi %mul3A_1316, %add3A_1317 : i32
      %slice3A_1319 = vector.extract_strided_slice %get3A_678 {offsets = [12], sizes = [1], strides = [1]} : vector<16xi32> to vector<1xi32>
      %squeeze3A_1320 = vector.extract %slice3A_1319[0] : i32 from vector<1xi32>
      %shift_right_arithmetic3A_1321 = arith.constant 7 : i32
      %shift_right_arithmetic3A_1322 = arith.shrsi %squeeze3A_1320, %shift_right_arithmetic3A_1321 : i32
      %mul3A_1323 = arith.constant 128 : i32
      %mul3A_1324 = arith.muli %shift_right_arithmetic3A_1322, %mul3A_1323 : i32
      %lt3A_1325 = arith.constant 999936 : i32
      %lt3A_1326 = arith.cmpi slt, %squeeze3A_1320, %lt3A_1325 : i32
      %convert_element_type3A_1327 = arith.extui %lt3A_1326 : i1 to i32
      %cond3A_1328 = arith.constant 0 : i32
      %cond3A_1329 = arith.cmpi ne, %convert_element_type3A_1327, %cond3A_1328 : i32
      scf.if %cond3A_1329 {
        %jit3A_2095 = arith.constant 11 : i32
        %eq3A_2096 = arith.constant 0 : i32
        %eq3A_2097 = arith.cmpi eq, %jit3A_2095, %eq3A_2096 : i32
        %jit3A_2098 = arith.constant 1 : i32
        %select_n3A_2099 = arith.select %eq3A_2097, %jit3A_2098, %jit3A_2095 : i32
        %rem3A_2100 = arith.remsi %add3A_1318, %select_n3A_2099 : i32
        %ne3A_2101 = arith.constant 0 : i32
        %ne3A_2102 = arith.cmpi ne, %rem3A_2100, %ne3A_2101 : i32
        %lt3A_2103 = arith.constant 0 : i32
        %lt3A_2104 = arith.cmpi slt, %rem3A_2100, %lt3A_2103 : i32
        %lt3A_2105 = arith.constant 0 : i32
        %lt3A_2106 = arith.cmpi slt, %select_n3A_2099, %lt3A_2105 : i32
        %ne3A_2107 = arith.xori %lt3A_2104, %lt3A_2106 : i1
        %and3A_2108 = arith.andi %ne3A_2107, %ne3A_2102 : i1
        %add3A_2109 = arith.addi %rem3A_2100, %select_n3A_2099 : i32
        %select_n3A_2110 = arith.select %and3A_2108, %add3A_2109, %rem3A_2100 : i32
        %jit3A_2111 = arith.constant 11 : i32
        %eq3A_2112 = arith.constant 0 : i32
        %eq3A_2113 = arith.cmpi eq, %jit3A_2111, %eq3A_2112 : i32
        %jit3A_2114 = arith.constant 1 : i32
        %select_n3A_2115 = arith.select %eq3A_2113, %jit3A_2114, %jit3A_2111 : i32
        %rem3A_2116 = arith.remsi %add3A_1318, %select_n3A_2115 : i32
        %ne3A_2117 = arith.constant 0 : i32
        %ne3A_2118 = arith.cmpi ne, %rem3A_2116, %ne3A_2117 : i32
        %lt3A_2119 = arith.constant 0 : i32
        %lt3A_2120 = arith.cmpi slt, %rem3A_2116, %lt3A_2119 : i32
        %lt3A_2121 = arith.constant 0 : i32
        %lt3A_2122 = arith.cmpi slt, %select_n3A_2115, %lt3A_2121 : i32
        %ne3A_2123 = arith.xori %lt3A_2120, %lt3A_2122 : i1
        %and3A_2124 = arith.andi %ne3A_2123, %ne3A_2118 : i1
        %add3A_2125 = arith.addi %rem3A_2116, %select_n3A_2115 : i32
        %select_n3A_2126 = arith.select %and3A_2124, %add3A_2125, %rem3A_2116 : i32
        %dma_start3A = arith.constant 0 : i32
        %dma_start3A_2127 = arith.constant 0 : i32
        %dma_start3A_2128 = tpu.memref_slice %arg7[%select_n3A_2110, %dma_start3A, %dma_start3A_2127] : memref<11x64x128xf32, #tpu.memory_space<vmem>> -> memref<1x64x128xf32, #tpu.memory_space<vmem>>
        %dma_start3A_2129 = tpu.memref_squeeze %dma_start3A_2128 : memref<1x64x128xf32, #tpu.memory_space<vmem>> -> memref<64x128xf32, #tpu.memory_space<vmem>>
        %dma_start3A_2130 = arith.constant 0 : i32
        %dma_start3A_2131 = tpu.memref_slice %arg2[%dma_start3A_2130, %mul3A_1324] : memref<64x1000000xf32, #tpu.memory_space<hbm>> -> memref<64x128xf32, #tpu.memory_space<hbm>>
        %dma_start3A_2132 = tpu.memref_slice %arg9[%select_n3A_2126] : memref<11x!tpu.dma_semaphore, #tpu.memory_space<semaphore_mem>> -> memref<1x!tpu.dma_semaphore, #tpu.memory_space<semaphore_mem>>
        %dma_start3A_2133 = tpu.memref_squeeze %dma_start3A_2132 : memref<1x!tpu.dma_semaphore, #tpu.memory_space<semaphore_mem>> -> memref<!tpu.dma_semaphore, #tpu.memory_space<semaphore_mem>>
        %dma_start3A_2134 = arith.constant 0 : i32
        %dma_start3A_2135 = arith.constant 0 : i32
        %dma_start3A_2136 = tpu.memref_slice %arg7[%select_n3A_2110, %dma_start3A_2134, %dma_start3A_2135] : memref<11x64x128xf32, #tpu.memory_space<vmem>> -> memref<1x64x128xf32, #tpu.memory_space<vmem>>
        %dma_start3A_2137 = tpu.memref_squeeze %dma_start3A_2136 : memref<1x64x128xf32, #tpu.memory_space<vmem>> -> memref<64x128xf32, #tpu.memory_space<vmem>>
        %dma_start3A_2138 = arith.constant 0 : i32
        %dma_start3A_2139 = tpu.memref_slice %arg2[%dma_start3A_2138, %mul3A_1324] : memref<64x1000000xf32, #tpu.memory_space<hbm>> -> memref<64x128xf32, #tpu.memory_space<hbm>>
        tpu.enqueue_dma source(%dma_start3A_2139 : memref<64x128xf32, #tpu.memory_space<hbm>>) target(%dma_start3A_2137 : memref<64x128xf32, #tpu.memory_space<vmem>>) target_semaphore(%dma_start3A_2133 : memref<!tpu.dma_semaphore, #tpu.memory_space<semaphore_mem>>)
      } else {
      }
      %ge3A_1330 = arith.constant 999936 : i32
      %ge3A_1331 = arith.cmpi sge, %squeeze3A_1320, %ge3A_1330 : i32
      %convert_element_type3A_1332 = arith.extui %ge3A_1331 : i1 to i32
      %cond3A_1333 = arith.constant 0 : i32
      %cond3A_1334 = arith.cmpi ne, %convert_element_type3A_1332, %cond3A_1333 : i32
      scf.if %cond3A_1334 {
        %jit3A_2095 = arith.constant 11 : i32
        %eq3A_2096 = arith.constant 0 : i32
        %eq3A_2097 = arith.cmpi eq, %jit3A_2095, %eq3A_2096 : i32
        %jit3A_2098 = arith.constant 1 : i32
        %select_n3A_2099 = arith.select %eq3A_2097, %jit3A_2098, %jit3A_2095 : i32
        %rem3A_2100 = arith.remsi %add3A_1318, %select_n3A_2099 : i32
        %ne3A_2101 = arith.constant 0 : i32
        %ne3A_2102 = arith.cmpi ne, %rem3A_2100, %ne3A_2101 : i32
        %lt3A_2103 = arith.constant 0 : i32
        %lt3A_2104 = arith.cmpi slt, %rem3A_2100, %lt3A_2103 : i32
        %lt3A_2105 = arith.constant 0 : i32
        %lt3A_2106 = arith.cmpi slt, %select_n3A_2099, %lt3A_2105 : i32
        %ne3A_2107 = arith.xori %lt3A_2104, %lt3A_2106 : i1
        %and3A_2108 = arith.andi %ne3A_2107, %ne3A_2102 : i1
        %add3A_2109 = arith.addi %rem3A_2100, %select_n3A_2099 : i32
        %select_n3A_2110 = arith.select %and3A_2108, %add3A_2109, %rem3A_2100 : i32
        %jit3A_2111 = arith.constant 11 : i32
        %eq3A_2112 = arith.constant 0 : i32
        %eq3A_2113 = arith.cmpi eq, %jit3A_2111, %eq3A_2112 : i32
        %jit3A_2114 = arith.constant 1 : i32
        %select_n3A_2115 = arith.select %eq3A_2113, %jit3A_2114, %jit3A_2111 : i32
        %rem3A_2116 = arith.remsi %add3A_1318, %select_n3A_2115 : i32
        %ne3A_2117 = arith.constant 0 : i32
        %ne3A_2118 = arith.cmpi ne, %rem3A_2116, %ne3A_2117 : i32
        %lt3A_2119 = arith.constant 0 : i32
        %lt3A_2120 = arith.cmpi slt, %rem3A_2116, %lt3A_2119 : i32
        %lt3A_2121 = arith.constant 0 : i32
        %lt3A_2122 = arith.cmpi slt, %select_n3A_2115, %lt3A_2121 : i32
        %ne3A_2123 = arith.xori %lt3A_2120, %lt3A_2122 : i1
        %and3A_2124 = arith.andi %ne3A_2123, %ne3A_2118 : i1
        %add3A_2125 = arith.addi %rem3A_2116, %select_n3A_2115 : i32
        %select_n3A_2126 = arith.select %and3A_2124, %add3A_2125, %rem3A_2116 : i32
        %dma_start3A = arith.constant 0 : i32
        %dma_start3A_2127 = arith.constant 0 : i32
        %dma_start3A_2128 = tpu.memref_slice %arg7[%select_n3A_2110, %dma_start3A, %dma_start3A_2127] : memref<11x64x128xf32, #tpu.memory_space<vmem>> -> memref<1x64x128xf32, #tpu.memory_space<vmem>>
        %dma_start3A_2129 = tpu.memref_squeeze %dma_start3A_2128 : memref<1x64x128xf32, #tpu.memory_space<vmem>> -> memref<64x128xf32, #tpu.memory_space<vmem>>
        %dma_start3A_2130 = tpu.memref_slice %arg9[%select_n3A_2126] : memref<11x!tpu.dma_semaphore, #tpu.memory_space<semaphore_mem>> -> memref<1x!tpu.dma_semaphore, #tpu.memory_space<semaphore_mem>>
        %dma_start3A_2131 = tpu.memref_squeeze %dma_start3A_2130 : memref<1x!tpu.dma_semaphore, #tpu.memory_space<semaphore_mem>> -> memref<!tpu.dma_semaphore, #tpu.memory_space<semaphore_mem>>
        %dma_start3A_2132 = arith.constant 0 : i32
        %dma_start3A_2133 = arith.constant 0 : i32
        %dma_start3A_2134 = tpu.memref_slice %arg7[%select_n3A_2110, %dma_start3A_2132, %dma_start3A_2133] : memref<11x64x128xf32, #tpu.memory_space<vmem>> -> memref<1x64x128xf32, #tpu.memory_space<vmem>>
        %dma_start3A_2135 = tpu.memref_squeeze %dma_start3A_2134 : memref<1x64x128xf32, #tpu.memory_space<vmem>> -> memref<64x128xf32, #tpu.memory_space<vmem>>
        tpu.enqueue_dma source(%arg3 : memref<64x128xf32, #tpu.memory_space<hbm>>) target(%dma_start3A_2135 : memref<64x128xf32, #tpu.memory_space<vmem>>) target_semaphore(%dma_start3A_2131 : memref<!tpu.dma_semaphore, #tpu.memory_space<semaphore_mem>>)
      } else {
      }
      %sub3A_1335 = arith.constant 10 : i32
      %sub3A_1336 = arith.subi %add3A_1318, %sub3A_1335 : i32
      %slice3A_1337 = vector.extract_strided_slice %get3A_678 {offsets = [2], sizes = [1], strides = [1]} : vector<16xi32> to vector<1xi32>
      %squeeze3A_1338 = vector.extract %slice3A_1337[0] : i32 from vector<1xi32>
      %and3A_1339 = arith.constant 127 : i32
      %and3A_1340 = arith.andi %squeeze3A_1338, %and3A_1339 : i32
      %broadcast_in_dim3A_1341 = vector.broadcast %and3A_1340 : i32 to vector<16xi32>
      %jit3A_1342 = arith.constant 11 : i32
      %eq3A_1343 = arith.constant 0 : i32
      %eq3A_1344 = arith.cmpi eq, %jit3A_1342, %eq3A_1343 : i32
      %jit3A_1345 = arith.constant 1 : i32
      %select_n3A_1346 = arith.select %eq3A_1344, %jit3A_1345, %jit3A_1342 : i32
      %rem3A_1347 = arith.remsi %sub3A_1336, %select_n3A_1346 : i32
      %ne3A_1348 = arith.constant 0 : i32
      %ne3A_1349 = arith.cmpi ne, %rem3A_1347, %ne3A_1348 : i32
      %lt3A_1350 = arith.constant 0 : i32
      %lt3A_1351 = arith.cmpi slt, %rem3A_1347, %lt3A_1350 : i32
      %lt3A_1352 = arith.constant 0 : i32
      %lt3A_1353 = arith.cmpi slt, %select_n3A_1346, %lt3A_1352 : i32
      %ne3A_1354 = arith.xori %lt3A_1351, %lt3A_1353 : i1
      %and3A_1355 = arith.andi %ne3A_1354, %ne3A_1349 : i1
      %add3A_1356 = arith.addi %rem3A_1347, %select_n3A_1346 : i32
      %select_n3A_1357 = arith.select %and3A_1355, %add3A_1356, %rem3A_1347 : i32
      %jit3A_1358 = arith.constant 11 : i32
      %eq3A_1359 = arith.constant 0 : i32
      %eq3A_1360 = arith.cmpi eq, %jit3A_1358, %eq3A_1359 : i32
      %jit3A_1361 = arith.constant 1 : i32
      %select_n3A_1362 = arith.select %eq3A_1360, %jit3A_1361, %jit3A_1358 : i32
      %rem3A_1363 = arith.remsi %sub3A_1336, %select_n3A_1362 : i32
      %ne3A_1364 = arith.constant 0 : i32
      %ne3A_1365 = arith.cmpi ne, %rem3A_1363, %ne3A_1364 : i32
      %lt3A_1366 = arith.constant 0 : i32
      %lt3A_1367 = arith.cmpi slt, %rem3A_1363, %lt3A_1366 : i32
      %lt3A_1368 = arith.constant 0 : i32
      %lt3A_1369 = arith.cmpi slt, %select_n3A_1362, %lt3A_1368 : i32
      %ne3A_1370 = arith.xori %lt3A_1367, %lt3A_1369 : i1
      %and3A_1371 = arith.andi %ne3A_1370, %ne3A_1365 : i1
      %add3A_1372 = arith.addi %rem3A_1363, %select_n3A_1362 : i32
      %select_n3A_1373 = arith.select %and3A_1371, %add3A_1372, %rem3A_1363 : i32
      %dma_wait3A_1374 = arith.constant 0 : i32
      %dma_wait3A_1375 = arith.constant 0 : i32
      %dma_wait3A_1376 = tpu.memref_slice %arg7[%select_n3A_1357, %dma_wait3A_1374, %dma_wait3A_1375] : memref<11x64x128xf32, #tpu.memory_space<vmem>> -> memref<1x64x128xf32, #tpu.memory_space<vmem>>
      %dma_wait3A_1377 = tpu.memref_squeeze %dma_wait3A_1376 : memref<1x64x128xf32, #tpu.memory_space<vmem>> -> memref<64x128xf32, #tpu.memory_space<vmem>>
      %dma_wait3A_1378 = arith.constant 0 : i32
      %dma_wait3A_1379 = arith.constant 0 : i32
      %dma_wait3A_1380 = tpu.memref_slice %arg2[%dma_wait3A_1378, %dma_wait3A_1379] : memref<64x1000000xf32, #tpu.memory_space<hbm>> -> memref<64x128xf32, #tpu.memory_space<hbm>>
      %dma_wait3A_1381 = tpu.memref_slice %arg9[%select_n3A_1373] : memref<11x!tpu.dma_semaphore, #tpu.memory_space<semaphore_mem>> -> memref<1x!tpu.dma_semaphore, #tpu.memory_space<semaphore_mem>>
      %dma_wait3A_1382 = tpu.memref_squeeze %dma_wait3A_1381 : memref<1x!tpu.dma_semaphore, #tpu.memory_space<semaphore_mem>> -> memref<!tpu.dma_semaphore, #tpu.memory_space<semaphore_mem>>
      %dma_wait3A_1383 = arith.constant 0 : i32
      %dma_wait3A_1384 = arith.constant 0 : i32
      %dma_wait3A_1385 = tpu.memref_slice %arg7[%select_n3A_1357, %dma_wait3A_1383, %dma_wait3A_1384] : memref<11x64x128xf32, #tpu.memory_space<vmem>> -> memref<1x64x128xf32, #tpu.memory_space<vmem>>
      %dma_wait3A_1386 = tpu.memref_squeeze %dma_wait3A_1385 : memref<1x64x128xf32, #tpu.memory_space<vmem>> -> memref<64x128xf32, #tpu.memory_space<vmem>>
      %dma_wait3A_1387 = arith.constant 0 : i32
      %dma_wait3A_1388 = arith.constant 0 : i32
      %dma_wait3A_1389 = tpu.memref_slice %arg2[%dma_wait3A_1387, %dma_wait3A_1388] : memref<64x1000000xf32, #tpu.memory_space<hbm>> -> memref<64x128xf32, #tpu.memory_space<hbm>>
      tpu.wait_dma2 semaphore(%dma_wait3A_1382 : memref<!tpu.dma_semaphore, #tpu.memory_space<semaphore_mem>>) src(%dma_wait3A_1389 : memref<64x128xf32, #tpu.memory_space<hbm>>) dst(%dma_wait3A_1386 : memref<64x128xf32, #tpu.memory_space<vmem>>)
      %jit3A_1390 = arith.constant 11 : i32
      %eq3A_1391 = arith.constant 0 : i32
      %eq3A_1392 = arith.cmpi eq, %jit3A_1390, %eq3A_1391 : i32
      %jit3A_1393 = arith.constant 1 : i32
      %select_n3A_1394 = arith.select %eq3A_1392, %jit3A_1393, %jit3A_1390 : i32
      %rem3A_1395 = arith.remsi %sub3A_1336, %select_n3A_1394 : i32
      %ne3A_1396 = arith.constant 0 : i32
      %ne3A_1397 = arith.cmpi ne, %rem3A_1395, %ne3A_1396 : i32
      %lt3A_1398 = arith.constant 0 : i32
      %lt3A_1399 = arith.cmpi slt, %rem3A_1395, %lt3A_1398 : i32
      %lt3A_1400 = arith.constant 0 : i32
      %lt3A_1401 = arith.cmpi slt, %select_n3A_1394, %lt3A_1400 : i32
      %ne3A_1402 = arith.xori %lt3A_1399, %lt3A_1401 : i1
      %and3A_1403 = arith.andi %ne3A_1402, %ne3A_1397 : i1
      %add3A_1404 = arith.addi %rem3A_1395, %select_n3A_1394 : i32
      %select_n3A_1405 = arith.select %and3A_1403, %add3A_1404, %rem3A_1395 : i32
      %add3A_1406 = arith.constant 0 : i32
      %add3A_1407 = vector.broadcast %add3A_1406 : i32 to vector<16xi32>
      %add3A_1408 = arith.addi %iota3A, %add3A_1407 : vector<16xi32>
      %gather3A_1409 = arith.constant 0 : i32
      %gather3A_1410 = arith.constant 0 : i32
      %gather3A_1411 = tpu.memref_slice %arg7[%select_n3A_1405, %gather3A_1409, %gather3A_1410] : memref<11x64x128xf32, #tpu.memory_space<vmem>> -> memref<1x64x128xf32, #tpu.memory_space<vmem>>
      %gather3A_1412 = tpu.memref_squeeze %gather3A_1411 : memref<1x64x128xf32, #tpu.memory_space<vmem>> -> memref<64x128xf32, #tpu.memory_space<vmem>>
      %gather3A_1413 = tpu.vector_load_idx %gather3A_1412[%add3A_1408, %broadcast_in_dim3A_1341] : memref<64x128xf32, #tpu.memory_space<vmem>>[vector<16xi32>, vector<16xi32>], vector<16xf32>,
      %mul3A_1414 = arith.constant 64 : i32
      %mul3A_1415 = arith.muli %sub3A_1336, %mul3A_1414 : i32
      %add3A_1416 = arith.constant 0 : i32
      %add3A_1417 = arith.addi %mul3A_1415, %add3A_1416 : i32
      %swap3A_1418 = arith.index_cast %add3A_1417 : i32 to index
      %swap3A_1419 = tpu.vector_load %arg8[%swap3A_1418] {strides = array<i32>} : memref<32768xf32, #tpu.memory_space<vmem>>, vector<16xf32>,
      tpu.vector_store %arg8[%swap3A_1418], %gather3A_1413 {strides = array<i32>} : memref<32768xf32, #tpu.memory_space<vmem>>, vector<16xf32>,
      %jit3A_1420 = arith.constant 11 : i32
      %eq3A_1421 = arith.constant 0 : i32
      %eq3A_1422 = arith.cmpi eq, %jit3A_1420, %eq3A_1421 : i32
      %jit3A_1423 = arith.constant 1 : i32
      %select_n3A_1424 = arith.select %eq3A_1422, %jit3A_1423, %jit3A_1420 : i32
      %rem3A_1425 = arith.remsi %sub3A_1336, %select_n3A_1424 : i32
      %ne3A_1426 = arith.constant 0 : i32
      %ne3A_1427 = arith.cmpi ne, %rem3A_1425, %ne3A_1426 : i32
      %lt3A_1428 = arith.constant 0 : i32
      %lt3A_1429 = arith.cmpi slt, %rem3A_1425, %lt3A_1428 : i32
      %lt3A_1430 = arith.constant 0 : i32
      %lt3A_1431 = arith.cmpi slt, %select_n3A_1424, %lt3A_1430 : i32
      %ne3A_1432 = arith.xori %lt3A_1429, %lt3A_1431 : i1
      %and3A_1433 = arith.andi %ne3A_1432, %ne3A_1427 : i1
      %add3A_1434 = arith.addi %rem3A_1425, %select_n3A_1424 : i32
      %select_n3A_1435 = arith.select %and3A_1433, %add3A_1434, %rem3A_1425 : i32
      %add3A_1436 = arith.constant 16 : i32
      %add3A_1437 = vector.broadcast %add3A_1436 : i32 to vector<16xi32>
      %add3A_1438 = arith.addi %iota3A, %add3A_1437 : vector<16xi32>
      %gather3A_1439 = arith.constant 0 : i32
      %gather3A_1440 = arith.constant 0 : i32
      %gather3A_1441 = tpu.memref_slice %arg7[%select_n3A_1435, %gather3A_1439, %gather3A_1440] : memref<11x64x128xf32, #tpu.memory_space<vmem>> -> memref<1x64x128xf32, #tpu.memory_space<vmem>>
      %gather3A_1442 = tpu.memref_squeeze %gather3A_1441 : memref<1x64x128xf32, #tpu.memory_space<vmem>> -> memref<64x128xf32, #tpu.memory_space<vmem>>
      %gather3A_1443 = tpu.vector_load_idx %gather3A_1442[%add3A_1438, %broadcast_in_dim3A_1341] : memref<64x128xf32, #tpu.memory_space<vmem>>[vector<16xi32>, vector<16xi32>], vector<16xf32>,
      %mul3A_1444 = arith.constant 64 : i32
      %mul3A_1445 = arith.muli %sub3A_1336, %mul3A_1444 : i32
      %add3A_1446 = arith.constant 16 : i32
      %add3A_1447 = arith.addi %mul3A_1445, %add3A_1446 : i32
      %swap3A_1448 = arith.index_cast %add3A_1447 : i32 to index
      %swap3A_1449 = tpu.vector_load %arg8[%swap3A_1448] {strides = array<i32>} : memref<32768xf32, #tpu.memory_space<vmem>>, vector<16xf32>,
      tpu.vector_store %arg8[%swap3A_1448], %gather3A_1443 {strides = array<i32>} : memref<32768xf32, #tpu.memory_space<vmem>>, vector<16xf32>,
      %jit3A_1450 = arith.constant 11 : i32
      %eq3A_1451 = arith.constant 0 : i32
      %eq3A_1452 = arith.cmpi eq, %jit3A_1450, %eq3A_1451 : i32
      %jit3A_1453 = arith.constant 1 : i32
      %select_n3A_1454 = arith.select %eq3A_1452, %jit3A_1453, %jit3A_1450 : i32
      %rem3A_1455 = arith.remsi %sub3A_1336, %select_n3A_1454 : i32
      %ne3A_1456 = arith.constant 0 : i32
      %ne3A_1457 = arith.cmpi ne, %rem3A_1455, %ne3A_1456 : i32
      %lt3A_1458 = arith.constant 0 : i32
      %lt3A_1459 = arith.cmpi slt, %rem3A_1455, %lt3A_1458 : i32
      %lt3A_1460 = arith.constant 0 : i32
      %lt3A_1461 = arith.cmpi slt, %select_n3A_1454, %lt3A_1460 : i32
      %ne3A_1462 = arith.xori %lt3A_1459, %lt3A_1461 : i1
      %and3A_1463 = arith.andi %ne3A_1462, %ne3A_1457 : i1
      %add3A_1464 = arith.addi %rem3A_1455, %select_n3A_1454 : i32
      %select_n3A_1465 = arith.select %and3A_1463, %add3A_1464, %rem3A_1455 : i32
      %add3A_1466 = arith.constant 32 : i32
      %add3A_1467 = vector.broadcast %add3A_1466 : i32 to vector<16xi32>
      %add3A_1468 = arith.addi %iota3A, %add3A_1467 : vector<16xi32>
      %gather3A_1469 = arith.constant 0 : i32
      %gather3A_1470 = arith.constant 0 : i32
      %gather3A_1471 = tpu.memref_slice %arg7[%select_n3A_1465, %gather3A_1469, %gather3A_1470] : memref<11x64x128xf32, #tpu.memory_space<vmem>> -> memref<1x64x128xf32, #tpu.memory_space<vmem>>
      %gather3A_1472 = tpu.memref_squeeze %gather3A_1471 : memref<1x64x128xf32, #tpu.memory_space<vmem>> -> memref<64x128xf32, #tpu.memory_space<vmem>>
      %gather3A_1473 = tpu.vector_load_idx %gather3A_1472[%add3A_1468, %broadcast_in_dim3A_1341] : memref<64x128xf32, #tpu.memory_space<vmem>>[vector<16xi32>, vector<16xi32>], vector<16xf32>,
      %mul3A_1474 = arith.constant 64 : i32
      %mul3A_1475 = arith.muli %sub3A_1336, %mul3A_1474 : i32
      %add3A_1476 = arith.constant 32 : i32
      %add3A_1477 = arith.addi %mul3A_1475, %add3A_1476 : i32
      %swap3A_1478 = arith.index_cast %add3A_1477 : i32 to index
      %swap3A_1479 = tpu.vector_load %arg8[%swap3A_1478] {strides = array<i32>} : memref<32768xf32, #tpu.memory_space<vmem>>, vector<16xf32>,
      tpu.vector_store %arg8[%swap3A_1478], %gather3A_1473 {strides = array<i32>} : memref<32768xf32, #tpu.memory_space<vmem>>, vector<16xf32>,
      %jit3A_1480 = arith.constant 11 : i32
      %eq3A_1481 = arith.constant 0 : i32
      %eq3A_1482 = arith.cmpi eq, %jit3A_1480, %eq3A_1481 : i32
      %jit3A_1483 = arith.constant 1 : i32
      %select_n3A_1484 = arith.select %eq3A_1482, %jit3A_1483, %jit3A_1480 : i32
      %rem3A_1485 = arith.remsi %sub3A_1336, %select_n3A_1484 : i32
      %ne3A_1486 = arith.constant 0 : i32
      %ne3A_1487 = arith.cmpi ne, %rem3A_1485, %ne3A_1486 : i32
      %lt3A_1488 = arith.constant 0 : i32
      %lt3A_1489 = arith.cmpi slt, %rem3A_1485, %lt3A_1488 : i32
      %lt3A_1490 = arith.constant 0 : i32
      %lt3A_1491 = arith.cmpi slt, %select_n3A_1484, %lt3A_1490 : i32
      %ne3A_1492 = arith.xori %lt3A_1489, %lt3A_1491 : i1
      %and3A_1493 = arith.andi %ne3A_1492, %ne3A_1487 : i1
      %add3A_1494 = arith.addi %rem3A_1485, %select_n3A_1484 : i32
      %select_n3A_1495 = arith.select %and3A_1493, %add3A_1494, %rem3A_1485 : i32
      %add3A_1496 = arith.constant 48 : i32
      %add3A_1497 = vector.broadcast %add3A_1496 : i32 to vector<16xi32>
      %add3A_1498 = arith.addi %iota3A, %add3A_1497 : vector<16xi32>
      %gather3A_1499 = arith.constant 0 : i32
      %gather3A_1500 = arith.constant 0 : i32
      %gather3A_1501 = tpu.memref_slice %arg7[%select_n3A_1495, %gather3A_1499, %gather3A_1500] : memref<11x64x128xf32, #tpu.memory_space<vmem>> -> memref<1x64x128xf32, #tpu.memory_space<vmem>>
      %gather3A_1502 = tpu.memref_squeeze %gather3A_1501 : memref<1x64x128xf32, #tpu.memory_space<vmem>> -> memref<64x128xf32, #tpu.memory_space<vmem>>
      %gather3A_1503 = tpu.vector_load_idx %gather3A_1502[%add3A_1498, %broadcast_in_dim3A_1341] : memref<64x128xf32, #tpu.memory_space<vmem>>[vector<16xi32>, vector<16xi32>], vector<16xf32>,
      %mul3A_1504 = arith.constant 64 : i32
      %mul3A_1505 = arith.muli %sub3A_1336, %mul3A_1504 : i32
      %add3A_1506 = arith.constant 48 : i32
      %add3A_1507 = arith.addi %mul3A_1505, %add3A_1506 : i32
      %swap3A_1508 = arith.index_cast %add3A_1507 : i32 to index
      %swap3A_1509 = tpu.vector_load %arg8[%swap3A_1508] {strides = array<i32>} : memref<32768xf32, #tpu.memory_space<vmem>>, vector<16xf32>,
      tpu.vector_store %arg8[%swap3A_1508], %gather3A_1503 {strides = array<i32>} : memref<32768xf32, #tpu.memory_space<vmem>>, vector<16xf32>,
      %mul3A_1510 = arith.constant 16 : i32
      %mul3A_1511 = arith.muli %scan3A_674, %mul3A_1510 : i32
      %add3A_1512 = arith.constant 13 : i32
      %add3A_1513 = arith.addi %mul3A_1511, %add3A_1512 : i32
      %slice3A_1514 = vector.extract_strided_slice %get3A_678 {offsets = [13], sizes = [1], strides = [1]} : vector<16xi32> to vector<1xi32>
      %squeeze3A_1515 = vector.extract %slice3A_1514[0] : i32 from vector<1xi32>
      %shift_right_arithmetic3A_1516 = arith.constant 7 : i32
      %shift_right_arithmetic3A_1517 = arith.shrsi %squeeze3A_1515, %shift_right_arithmetic3A_1516 : i32
      %mul3A_1518 = arith.constant 128 : i32
      %mul3A_1519 = arith.muli %shift_right_arithmetic3A_1517, %mul3A_1518 : i32
      %lt3A_1520 = arith.constant 999936 : i32
      %lt3A_1521 = arith.cmpi slt, %squeeze3A_1515, %lt3A_1520 : i32
      %convert_element_type3A_1522 = arith.extui %lt3A_1521 : i1 to i32
      %cond3A_1523 = arith.constant 0 : i32
      %cond3A_1524 = arith.cmpi ne, %convert_element_type3A_1522, %cond3A_1523 : i32
      scf.if %cond3A_1524 {
        %jit3A_2095 = arith.constant 11 : i32
        %eq3A_2096 = arith.constant 0 : i32
        %eq3A_2097 = arith.cmpi eq, %jit3A_2095, %eq3A_2096 : i32
        %jit3A_2098 = arith.constant 1 : i32
        %select_n3A_2099 = arith.select %eq3A_2097, %jit3A_2098, %jit3A_2095 : i32
        %rem3A_2100 = arith.remsi %add3A_1513, %select_n3A_2099 : i32
        %ne3A_2101 = arith.constant 0 : i32
        %ne3A_2102 = arith.cmpi ne, %rem3A_2100, %ne3A_2101 : i32
        %lt3A_2103 = arith.constant 0 : i32
        %lt3A_2104 = arith.cmpi slt, %rem3A_2100, %lt3A_2103 : i32
        %lt3A_2105 = arith.constant 0 : i32
        %lt3A_2106 = arith.cmpi slt, %select_n3A_2099, %lt3A_2105 : i32
        %ne3A_2107 = arith.xori %lt3A_2104, %lt3A_2106 : i1
        %and3A_2108 = arith.andi %ne3A_2107, %ne3A_2102 : i1
        %add3A_2109 = arith.addi %rem3A_2100, %select_n3A_2099 : i32
        %select_n3A_2110 = arith.select %and3A_2108, %add3A_2109, %rem3A_2100 : i32
        %jit3A_2111 = arith.constant 11 : i32
        %eq3A_2112 = arith.constant 0 : i32
        %eq3A_2113 = arith.cmpi eq, %jit3A_2111, %eq3A_2112 : i32
        %jit3A_2114 = arith.constant 1 : i32
        %select_n3A_2115 = arith.select %eq3A_2113, %jit3A_2114, %jit3A_2111 : i32
        %rem3A_2116 = arith.remsi %add3A_1513, %select_n3A_2115 : i32
        %ne3A_2117 = arith.constant 0 : i32
        %ne3A_2118 = arith.cmpi ne, %rem3A_2116, %ne3A_2117 : i32
        %lt3A_2119 = arith.constant 0 : i32
        %lt3A_2120 = arith.cmpi slt, %rem3A_2116, %lt3A_2119 : i32
        %lt3A_2121 = arith.constant 0 : i32
        %lt3A_2122 = arith.cmpi slt, %select_n3A_2115, %lt3A_2121 : i32
        %ne3A_2123 = arith.xori %lt3A_2120, %lt3A_2122 : i1
        %and3A_2124 = arith.andi %ne3A_2123, %ne3A_2118 : i1
        %add3A_2125 = arith.addi %rem3A_2116, %select_n3A_2115 : i32
        %select_n3A_2126 = arith.select %and3A_2124, %add3A_2125, %rem3A_2116 : i32
        %dma_start3A = arith.constant 0 : i32
        %dma_start3A_2127 = arith.constant 0 : i32
        %dma_start3A_2128 = tpu.memref_slice %arg7[%select_n3A_2110, %dma_start3A, %dma_start3A_2127] : memref<11x64x128xf32, #tpu.memory_space<vmem>> -> memref<1x64x128xf32, #tpu.memory_space<vmem>>
        %dma_start3A_2129 = tpu.memref_squeeze %dma_start3A_2128 : memref<1x64x128xf32, #tpu.memory_space<vmem>> -> memref<64x128xf32, #tpu.memory_space<vmem>>
        %dma_start3A_2130 = arith.constant 0 : i32
        %dma_start3A_2131 = tpu.memref_slice %arg2[%dma_start3A_2130, %mul3A_1519] : memref<64x1000000xf32, #tpu.memory_space<hbm>> -> memref<64x128xf32, #tpu.memory_space<hbm>>
        %dma_start3A_2132 = tpu.memref_slice %arg9[%select_n3A_2126] : memref<11x!tpu.dma_semaphore, #tpu.memory_space<semaphore_mem>> -> memref<1x!tpu.dma_semaphore, #tpu.memory_space<semaphore_mem>>
        %dma_start3A_2133 = tpu.memref_squeeze %dma_start3A_2132 : memref<1x!tpu.dma_semaphore, #tpu.memory_space<semaphore_mem>> -> memref<!tpu.dma_semaphore, #tpu.memory_space<semaphore_mem>>
        %dma_start3A_2134 = arith.constant 0 : i32
        %dma_start3A_2135 = arith.constant 0 : i32
        %dma_start3A_2136 = tpu.memref_slice %arg7[%select_n3A_2110, %dma_start3A_2134, %dma_start3A_2135] : memref<11x64x128xf32, #tpu.memory_space<vmem>> -> memref<1x64x128xf32, #tpu.memory_space<vmem>>
        %dma_start3A_2137 = tpu.memref_squeeze %dma_start3A_2136 : memref<1x64x128xf32, #tpu.memory_space<vmem>> -> memref<64x128xf32, #tpu.memory_space<vmem>>
        %dma_start3A_2138 = arith.constant 0 : i32
        %dma_start3A_2139 = tpu.memref_slice %arg2[%dma_start3A_2138, %mul3A_1519] : memref<64x1000000xf32, #tpu.memory_space<hbm>> -> memref<64x128xf32, #tpu.memory_space<hbm>>
        tpu.enqueue_dma source(%dma_start3A_2139 : memref<64x128xf32, #tpu.memory_space<hbm>>) target(%dma_start3A_2137 : memref<64x128xf32, #tpu.memory_space<vmem>>) target_semaphore(%dma_start3A_2133 : memref<!tpu.dma_semaphore, #tpu.memory_space<semaphore_mem>>)
      } else {
      }
      %ge3A_1525 = arith.constant 999936 : i32
      %ge3A_1526 = arith.cmpi sge, %squeeze3A_1515, %ge3A_1525 : i32
      %convert_element_type3A_1527 = arith.extui %ge3A_1526 : i1 to i32
      %cond3A_1528 = arith.constant 0 : i32
      %cond3A_1529 = arith.cmpi ne, %convert_element_type3A_1527, %cond3A_1528 : i32
      scf.if %cond3A_1529 {
        %jit3A_2095 = arith.constant 11 : i32
        %eq3A_2096 = arith.constant 0 : i32
        %eq3A_2097 = arith.cmpi eq, %jit3A_2095, %eq3A_2096 : i32
        %jit3A_2098 = arith.constant 1 : i32
        %select_n3A_2099 = arith.select %eq3A_2097, %jit3A_2098, %jit3A_2095 : i32
        %rem3A_2100 = arith.remsi %add3A_1513, %select_n3A_2099 : i32
        %ne3A_2101 = arith.constant 0 : i32
        %ne3A_2102 = arith.cmpi ne, %rem3A_2100, %ne3A_2101 : i32
        %lt3A_2103 = arith.constant 0 : i32
        %lt3A_2104 = arith.cmpi slt, %rem3A_2100, %lt3A_2103 : i32
        %lt3A_2105 = arith.constant 0 : i32
        %lt3A_2106 = arith.cmpi slt, %select_n3A_2099, %lt3A_2105 : i32
        %ne3A_2107 = arith.xori %lt3A_2104, %lt3A_2106 : i1
        %and3A_2108 = arith.andi %ne3A_2107, %ne3A_2102 : i1
        %add3A_2109 = arith.addi %rem3A_2100, %select_n3A_2099 : i32
        %select_n3A_2110 = arith.select %and3A_2108, %add3A_2109, %rem3A_2100 : i32
        %jit3A_2111 = arith.constant 11 : i32
        %eq3A_2112 = arith.constant 0 : i32
        %eq3A_2113 = arith.cmpi eq, %jit3A_2111, %eq3A_2112 : i32
        %jit3A_2114 = arith.constant 1 : i32
        %select_n3A_2115 = arith.select %eq3A_2113, %jit3A_2114, %jit3A_2111 : i32
        %rem3A_2116 = arith.remsi %add3A_1513, %select_n3A_2115 : i32
        %ne3A_2117 = arith.constant 0 : i32
        %ne3A_2118 = arith.cmpi ne, %rem3A_2116, %ne3A_2117 : i32
        %lt3A_2119 = arith.constant 0 : i32
        %lt3A_2120 = arith.cmpi slt, %rem3A_2116, %lt3A_2119 : i32
        %lt3A_2121 = arith.constant 0 : i32
        %lt3A_2122 = arith.cmpi slt, %select_n3A_2115, %lt3A_2121 : i32
        %ne3A_2123 = arith.xori %lt3A_2120, %lt3A_2122 : i1
        %and3A_2124 = arith.andi %ne3A_2123, %ne3A_2118 : i1
        %add3A_2125 = arith.addi %rem3A_2116, %select_n3A_2115 : i32
        %select_n3A_2126 = arith.select %and3A_2124, %add3A_2125, %rem3A_2116 : i32
        %dma_start3A = arith.constant 0 : i32
        %dma_start3A_2127 = arith.constant 0 : i32
        %dma_start3A_2128 = tpu.memref_slice %arg7[%select_n3A_2110, %dma_start3A, %dma_start3A_2127] : memref<11x64x128xf32, #tpu.memory_space<vmem>> -> memref<1x64x128xf32, #tpu.memory_space<vmem>>
        %dma_start3A_2129 = tpu.memref_squeeze %dma_start3A_2128 : memref<1x64x128xf32, #tpu.memory_space<vmem>> -> memref<64x128xf32, #tpu.memory_space<vmem>>
        %dma_start3A_2130 = tpu.memref_slice %arg9[%select_n3A_2126] : memref<11x!tpu.dma_semaphore, #tpu.memory_space<semaphore_mem>> -> memref<1x!tpu.dma_semaphore, #tpu.memory_space<semaphore_mem>>
        %dma_start3A_2131 = tpu.memref_squeeze %dma_start3A_2130 : memref<1x!tpu.dma_semaphore, #tpu.memory_space<semaphore_mem>> -> memref<!tpu.dma_semaphore, #tpu.memory_space<semaphore_mem>>
        %dma_start3A_2132 = arith.constant 0 : i32
        %dma_start3A_2133 = arith.constant 0 : i32
        %dma_start3A_2134 = tpu.memref_slice %arg7[%select_n3A_2110, %dma_start3A_2132, %dma_start3A_2133] : memref<11x64x128xf32, #tpu.memory_space<vmem>> -> memref<1x64x128xf32, #tpu.memory_space<vmem>>
        %dma_start3A_2135 = tpu.memref_squeeze %dma_start3A_2134 : memref<1x64x128xf32, #tpu.memory_space<vmem>> -> memref<64x128xf32, #tpu.memory_space<vmem>>
        tpu.enqueue_dma source(%arg3 : memref<64x128xf32, #tpu.memory_space<hbm>>) target(%dma_start3A_2135 : memref<64x128xf32, #tpu.memory_space<vmem>>) target_semaphore(%dma_start3A_2131 : memref<!tpu.dma_semaphore, #tpu.memory_space<semaphore_mem>>)
      } else {
      }
      %sub3A_1530 = arith.constant 10 : i32
      %sub3A_1531 = arith.subi %add3A_1513, %sub3A_1530 : i32
      %slice3A_1532 = vector.extract_strided_slice %get3A_678 {offsets = [3], sizes = [1], strides = [1]} : vector<16xi32> to vector<1xi32>
      %squeeze3A_1533 = vector.extract %slice3A_1532[0] : i32 from vector<1xi32>
      %and3A_1534 = arith.constant 127 : i32
      %and3A_1535 = arith.andi %squeeze3A_1533, %and3A_1534 : i32
      %broadcast_in_dim3A_1536 = vector.broadcast %and3A_1535 : i32 to vector<16xi32>
      %jit3A_1537 = arith.constant 11 : i32
      %eq3A_1538 = arith.constant 0 : i32
      %eq3A_1539 = arith.cmpi eq, %jit3A_1537, %eq3A_1538 : i32
      %jit3A_1540 = arith.constant 1 : i32
      %select_n3A_1541 = arith.select %eq3A_1539, %jit3A_1540, %jit3A_1537 : i32
      %rem3A_1542 = arith.remsi %sub3A_1531, %select_n3A_1541 : i32
      %ne3A_1543 = arith.constant 0 : i32
      %ne3A_1544 = arith.cmpi ne, %rem3A_1542, %ne3A_1543 : i32
      %lt3A_1545 = arith.constant 0 : i32
      %lt3A_1546 = arith.cmpi slt, %rem3A_1542, %lt3A_1545 : i32
      %lt3A_1547 = arith.constant 0 : i32
      %lt3A_1548 = arith.cmpi slt, %select_n3A_1541, %lt3A_1547 : i32
      %ne3A_1549 = arith.xori %lt3A_1546, %lt3A_1548 : i1
      %and3A_1550 = arith.andi %ne3A_1549, %ne3A_1544 : i1
      %add3A_1551 = arith.addi %rem3A_1542, %select_n3A_1541 : i32
      %select_n3A_1552 = arith.select %and3A_1550, %add3A_1551, %rem3A_1542 : i32
      %jit3A_1553 = arith.constant 11 : i32
      %eq3A_1554 = arith.constant 0 : i32
      %eq3A_1555 = arith.cmpi eq, %jit3A_1553, %eq3A_1554 : i32
      %jit3A_1556 = arith.constant 1 : i32
      %select_n3A_1557 = arith.select %eq3A_1555, %jit3A_1556, %jit3A_1553 : i32
      %rem3A_1558 = arith.remsi %sub3A_1531, %select_n3A_1557 : i32
      %ne3A_1559 = arith.constant 0 : i32
      %ne3A_1560 = arith.cmpi ne, %rem3A_1558, %ne3A_1559 : i32
      %lt3A_1561 = arith.constant 0 : i32
      %lt3A_1562 = arith.cmpi slt, %rem3A_1558, %lt3A_1561 : i32
      %lt3A_1563 = arith.constant 0 : i32
      %lt3A_1564 = arith.cmpi slt, %select_n3A_1557, %lt3A_1563 : i32
      %ne3A_1565 = arith.xori %lt3A_1562, %lt3A_1564 : i1
      %and3A_1566 = arith.andi %ne3A_1565, %ne3A_1560 : i1
      %add3A_1567 = arith.addi %rem3A_1558, %select_n3A_1557 : i32
      %select_n3A_1568 = arith.select %and3A_1566, %add3A_1567, %rem3A_1558 : i32
      %dma_wait3A_1569 = arith.constant 0 : i32
      %dma_wait3A_1570 = arith.constant 0 : i32
      %dma_wait3A_1571 = tpu.memref_slice %arg7[%select_n3A_1552, %dma_wait3A_1569, %dma_wait3A_1570] : memref<11x64x128xf32, #tpu.memory_space<vmem>> -> memref<1x64x128xf32, #tpu.memory_space<vmem>>
      %dma_wait3A_1572 = tpu.memref_squeeze %dma_wait3A_1571 : memref<1x64x128xf32, #tpu.memory_space<vmem>> -> memref<64x128xf32, #tpu.memory_space<vmem>>
      %dma_wait3A_1573 = arith.constant 0 : i32
      %dma_wait3A_1574 = arith.constant 0 : i32
      %dma_wait3A_1575 = tpu.memref_slice %arg2[%dma_wait3A_1573, %dma_wait3A_1574] : memref<64x1000000xf32, #tpu.memory_space<hbm>> -> memref<64x128xf32, #tpu.memory_space<hbm>>
      %dma_wait3A_1576 = tpu.memref_slice %arg9[%select_n3A_1568] : memref<11x!tpu.dma_semaphore, #tpu.memory_space<semaphore_mem>> -> memref<1x!tpu.dma_semaphore, #tpu.memory_space<semaphore_mem>>
      %dma_wait3A_1577 = tpu.memref_squeeze %dma_wait3A_1576 : memref<1x!tpu.dma_semaphore, #tpu.memory_space<semaphore_mem>> -> memref<!tpu.dma_semaphore, #tpu.memory_space<semaphore_mem>>
      %dma_wait3A_1578 = arith.constant 0 : i32
      %dma_wait3A_1579 = arith.constant 0 : i32
      %dma_wait3A_1580 = tpu.memref_slice %arg7[%select_n3A_1552, %dma_wait3A_1578, %dma_wait3A_1579] : memref<11x64x128xf32, #tpu.memory_space<vmem>> -> memref<1x64x128xf32, #tpu.memory_space<vmem>>
      %dma_wait3A_1581 = tpu.memref_squeeze %dma_wait3A_1580 : memref<1x64x128xf32, #tpu.memory_space<vmem>> -> memref<64x128xf32, #tpu.memory_space<vmem>>
      %dma_wait3A_1582 = arith.constant 0 : i32
      %dma_wait3A_1583 = arith.constant 0 : i32
      %dma_wait3A_1584 = tpu.memref_slice %arg2[%dma_wait3A_1582, %dma_wait3A_1583] : memref<64x1000000xf32, #tpu.memory_space<hbm>> -> memref<64x128xf32, #tpu.memory_space<hbm>>
      tpu.wait_dma2 semaphore(%dma_wait3A_1577 : memref<!tpu.dma_semaphore, #tpu.memory_space<semaphore_mem>>) src(%dma_wait3A_1584 : memref<64x128xf32, #tpu.memory_space<hbm>>) dst(%dma_wait3A_1581 : memref<64x128xf32, #tpu.memory_space<vmem>>)
      %jit3A_1585 = arith.constant 11 : i32
      %eq3A_1586 = arith.constant 0 : i32
      %eq3A_1587 = arith.cmpi eq, %jit3A_1585, %eq3A_1586 : i32
      %jit3A_1588 = arith.constant 1 : i32
      %select_n3A_1589 = arith.select %eq3A_1587, %jit3A_1588, %jit3A_1585 : i32
      %rem3A_1590 = arith.remsi %sub3A_1531, %select_n3A_1589 : i32
      %ne3A_1591 = arith.constant 0 : i32
      %ne3A_1592 = arith.cmpi ne, %rem3A_1590, %ne3A_1591 : i32
      %lt3A_1593 = arith.constant 0 : i32
      %lt3A_1594 = arith.cmpi slt, %rem3A_1590, %lt3A_1593 : i32
      %lt3A_1595 = arith.constant 0 : i32
      %lt3A_1596 = arith.cmpi slt, %select_n3A_1589, %lt3A_1595 : i32
      %ne3A_1597 = arith.xori %lt3A_1594, %lt3A_1596 : i1
      %and3A_1598 = arith.andi %ne3A_1597, %ne3A_1592 : i1
      %add3A_1599 = arith.addi %rem3A_1590, %select_n3A_1589 : i32
      %select_n3A_1600 = arith.select %and3A_1598, %add3A_1599, %rem3A_1590 : i32
      %add3A_1601 = arith.constant 0 : i32
      %add3A_1602 = vector.broadcast %add3A_1601 : i32 to vector<16xi32>
      %add3A_1603 = arith.addi %iota3A, %add3A_1602 : vector<16xi32>
      %gather3A_1604 = arith.constant 0 : i32
      %gather3A_1605 = arith.constant 0 : i32
      %gather3A_1606 = tpu.memref_slice %arg7[%select_n3A_1600, %gather3A_1604, %gather3A_1605] : memref<11x64x128xf32, #tpu.memory_space<vmem>> -> memref<1x64x128xf32, #tpu.memory_space<vmem>>
      %gather3A_1607 = tpu.memref_squeeze %gather3A_1606 : memref<1x64x128xf32, #tpu.memory_space<vmem>> -> memref<64x128xf32, #tpu.memory_space<vmem>>
      %gather3A_1608 = tpu.vector_load_idx %gather3A_1607[%add3A_1603, %broadcast_in_dim3A_1536] : memref<64x128xf32, #tpu.memory_space<vmem>>[vector<16xi32>, vector<16xi32>], vector<16xf32>,
      %mul3A_1609 = arith.constant 64 : i32
      %mul3A_1610 = arith.muli %sub3A_1531, %mul3A_1609 : i32
      %add3A_1611 = arith.constant 0 : i32
      %add3A_1612 = arith.addi %mul3A_1610, %add3A_1611 : i32
      %swap3A_1613 = arith.index_cast %add3A_1612 : i32 to index
      %swap3A_1614 = tpu.vector_load %arg8[%swap3A_1613] {strides = array<i32>} : memref<32768xf32, #tpu.memory_space<vmem>>, vector<16xf32>,
      tpu.vector_store %arg8[%swap3A_1613], %gather3A_1608 {strides = array<i32>} : memref<32768xf32, #tpu.memory_space<vmem>>, vector<16xf32>,
      %jit3A_1615 = arith.constant 11 : i32
      %eq3A_1616 = arith.constant 0 : i32
      %eq3A_1617 = arith.cmpi eq, %jit3A_1615, %eq3A_1616 : i32
      %jit3A_1618 = arith.constant 1 : i32
      %select_n3A_1619 = arith.select %eq3A_1617, %jit3A_1618, %jit3A_1615 : i32
      %rem3A_1620 = arith.remsi %sub3A_1531, %select_n3A_1619 : i32
      %ne3A_1621 = arith.constant 0 : i32
      %ne3A_1622 = arith.cmpi ne, %rem3A_1620, %ne3A_1621 : i32
      %lt3A_1623 = arith.constant 0 : i32
      %lt3A_1624 = arith.cmpi slt, %rem3A_1620, %lt3A_1623 : i32
      %lt3A_1625 = arith.constant 0 : i32
      %lt3A_1626 = arith.cmpi slt, %select_n3A_1619, %lt3A_1625 : i32
      %ne3A_1627 = arith.xori %lt3A_1624, %lt3A_1626 : i1
      %and3A_1628 = arith.andi %ne3A_1627, %ne3A_1622 : i1
      %add3A_1629 = arith.addi %rem3A_1620, %select_n3A_1619 : i32
      %select_n3A_1630 = arith.select %and3A_1628, %add3A_1629, %rem3A_1620 : i32
      %add3A_1631 = arith.constant 16 : i32
      %add3A_1632 = vector.broadcast %add3A_1631 : i32 to vector<16xi32>
      %add3A_1633 = arith.addi %iota3A, %add3A_1632 : vector<16xi32>
      %gather3A_1634 = arith.constant 0 : i32
      %gather3A_1635 = arith.constant 0 : i32
      %gather3A_1636 = tpu.memref_slice %arg7[%select_n3A_1630, %gather3A_1634, %gather3A_1635] : memref<11x64x128xf32, #tpu.memory_space<vmem>> -> memref<1x64x128xf32, #tpu.memory_space<vmem>>
      %gather3A_1637 = tpu.memref_squeeze %gather3A_1636 : memref<1x64x128xf32, #tpu.memory_space<vmem>> -> memref<64x128xf32, #tpu.memory_space<vmem>>
      %gather3A_1638 = tpu.vector_load_idx %gather3A_1637[%add3A_1633, %broadcast_in_dim3A_1536] : memref<64x128xf32, #tpu.memory_space<vmem>>[vector<16xi32>, vector<16xi32>], vector<16xf32>,
      %mul3A_1639 = arith.constant 64 : i32
      %mul3A_1640 = arith.muli %sub3A_1531, %mul3A_1639 : i32
      %add3A_1641 = arith.constant 16 : i32
      %add3A_1642 = arith.addi %mul3A_1640, %add3A_1641 : i32
      %swap3A_1643 = arith.index_cast %add3A_1642 : i32 to index
      %swap3A_1644 = tpu.vector_load %arg8[%swap3A_1643] {strides = array<i32>} : memref<32768xf32, #tpu.memory_space<vmem>>, vector<16xf32>,
      tpu.vector_store %arg8[%swap3A_1643], %gather3A_1638 {strides = array<i32>} : memref<32768xf32, #tpu.memory_space<vmem>>, vector<16xf32>,
      %jit3A_1645 = arith.constant 11 : i32
      %eq3A_1646 = arith.constant 0 : i32
      %eq3A_1647 = arith.cmpi eq, %jit3A_1645, %eq3A_1646 : i32
      %jit3A_1648 = arith.constant 1 : i32
      %select_n3A_1649 = arith.select %eq3A_1647, %jit3A_1648, %jit3A_1645 : i32
      %rem3A_1650 = arith.remsi %sub3A_1531, %select_n3A_1649 : i32
      %ne3A_1651 = arith.constant 0 : i32
      %ne3A_1652 = arith.cmpi ne, %rem3A_1650, %ne3A_1651 : i32
      %lt3A_1653 = arith.constant 0 : i32
      %lt3A_1654 = arith.cmpi slt, %rem3A_1650, %lt3A_1653 : i32
      %lt3A_1655 = arith.constant 0 : i32
      %lt3A_1656 = arith.cmpi slt, %select_n3A_1649, %lt3A_1655 : i32
      %ne3A_1657 = arith.xori %lt3A_1654, %lt3A_1656 : i1
      %and3A_1658 = arith.andi %ne3A_1657, %ne3A_1652 : i1
      %add3A_1659 = arith.addi %rem3A_1650, %select_n3A_1649 : i32
      %select_n3A_1660 = arith.select %and3A_1658, %add3A_1659, %rem3A_1650 : i32
      %add3A_1661 = arith.constant 32 : i32
      %add3A_1662 = vector.broadcast %add3A_1661 : i32 to vector<16xi32>
      %add3A_1663 = arith.addi %iota3A, %add3A_1662 : vector<16xi32>
      %gather3A_1664 = arith.constant 0 : i32
      %gather3A_1665 = arith.constant 0 : i32
      %gather3A_1666 = tpu.memref_slice %arg7[%select_n3A_1660, %gather3A_1664, %gather3A_1665] : memref<11x64x128xf32, #tpu.memory_space<vmem>> -> memref<1x64x128xf32, #tpu.memory_space<vmem>>
      %gather3A_1667 = tpu.memref_squeeze %gather3A_1666 : memref<1x64x128xf32, #tpu.memory_space<vmem>> -> memref<64x128xf32, #tpu.memory_space<vmem>>
      %gather3A_1668 = tpu.vector_load_idx %gather3A_1667[%add3A_1663, %broadcast_in_dim3A_1536] : memref<64x128xf32, #tpu.memory_space<vmem>>[vector<16xi32>, vector<16xi32>], vector<16xf32>,
      %mul3A_1669 = arith.constant 64 : i32
      %mul3A_1670 = arith.muli %sub3A_1531, %mul3A_1669 : i32
      %add3A_1671 = arith.constant 32 : i32
      %add3A_1672 = arith.addi %mul3A_1670, %add3A_1671 : i32
      %swap3A_1673 = arith.index_cast %add3A_1672 : i32 to index
      %swap3A_1674 = tpu.vector_load %arg8[%swap3A_1673] {strides = array<i32>} : memref<32768xf32, #tpu.memory_space<vmem>>, vector<16xf32>,
      tpu.vector_store %arg8[%swap3A_1673], %gather3A_1668 {strides = array<i32>} : memref<32768xf32, #tpu.memory_space<vmem>>, vector<16xf32>,
      %jit3A_1675 = arith.constant 11 : i32
      %eq3A_1676 = arith.constant 0 : i32
      %eq3A_1677 = arith.cmpi eq, %jit3A_1675, %eq3A_1676 : i32
      %jit3A_1678 = arith.constant 1 : i32
      %select_n3A_1679 = arith.select %eq3A_1677, %jit3A_1678, %jit3A_1675 : i32
      %rem3A_1680 = arith.remsi %sub3A_1531, %select_n3A_1679 : i32
      %ne3A_1681 = arith.constant 0 : i32
      %ne3A_1682 = arith.cmpi ne, %rem3A_1680, %ne3A_1681 : i32
      %lt3A_1683 = arith.constant 0 : i32
      %lt3A_1684 = arith.cmpi slt, %rem3A_1680, %lt3A_1683 : i32
      %lt3A_1685 = arith.constant 0 : i32
      %lt3A_1686 = arith.cmpi slt, %select_n3A_1679, %lt3A_1685 : i32
      %ne3A_1687 = arith.xori %lt3A_1684, %lt3A_1686 : i1
      %and3A_1688 = arith.andi %ne3A_1687, %ne3A_1682 : i1
      %add3A_1689 = arith.addi %rem3A_1680, %select_n3A_1679 : i32
      %select_n3A_1690 = arith.select %and3A_1688, %add3A_1689, %rem3A_1680 : i32
      %add3A_1691 = arith.constant 48 : i32
      %add3A_1692 = vector.broadcast %add3A_1691 : i32 to vector<16xi32>
      %add3A_1693 = arith.addi %iota3A, %add3A_1692 : vector<16xi32>
      %gather3A_1694 = arith.constant 0 : i32
      %gather3A_1695 = arith.constant 0 : i32
      %gather3A_1696 = tpu.memref_slice %arg7[%select_n3A_1690, %gather3A_1694, %gather3A_1695] : memref<11x64x128xf32, #tpu.memory_space<vmem>> -> memref<1x64x128xf32, #tpu.memory_space<vmem>>
      %gather3A_1697 = tpu.memref_squeeze %gather3A_1696 : memref<1x64x128xf32, #tpu.memory_space<vmem>> -> memref<64x128xf32, #tpu.memory_space<vmem>>
      %gather3A_1698 = tpu.vector_load_idx %gather3A_1697[%add3A_1693, %broadcast_in_dim3A_1536] : memref<64x128xf32, #tpu.memory_space<vmem>>[vector<16xi32>, vector<16xi32>], vector<16xf32>,
      %mul3A_1699 = arith.constant 64 : i32
      %mul3A_1700 = arith.muli %sub3A_1531, %mul3A_1699 : i32
      %add3A_1701 = arith.constant 48 : i32
      %add3A_1702 = arith.addi %mul3A_1700, %add3A_1701 : i32
      %swap3A_1703 = arith.index_cast %add3A_1702 : i32 to index
      %swap3A_1704 = tpu.vector_load %arg8[%swap3A_1703] {strides = array<i32>} : memref<32768xf32, #tpu.memory_space<vmem>>, vector<16xf32>,
      tpu.vector_store %arg8[%swap3A_1703], %gather3A_1698 {strides = array<i32>} : memref<32768xf32, #tpu.memory_space<vmem>>, vector<16xf32>,
      %mul3A_1705 = arith.constant 16 : i32
      %mul3A_1706 = arith.muli %scan3A_674, %mul3A_1705 : i32
      %add3A_1707 = arith.constant 14 : i32
      %add3A_1708 = arith.addi %mul3A_1706, %add3A_1707 : i32
      %slice3A_1709 = vector.extract_strided_slice %get3A_678 {offsets = [14], sizes = [1], strides = [1]} : vector<16xi32> to vector<1xi32>
      %squeeze3A_1710 = vector.extract %slice3A_1709[0] : i32 from vector<1xi32>
      %shift_right_arithmetic3A_1711 = arith.constant 7 : i32
      %shift_right_arithmetic3A_1712 = arith.shrsi %squeeze3A_1710, %shift_right_arithmetic3A_1711 : i32
      %mul3A_1713 = arith.constant 128 : i32
      %mul3A_1714 = arith.muli %shift_right_arithmetic3A_1712, %mul3A_1713 : i32
      %lt3A_1715 = arith.constant 999936 : i32
      %lt3A_1716 = arith.cmpi slt, %squeeze3A_1710, %lt3A_1715 : i32
      %convert_element_type3A_1717 = arith.extui %lt3A_1716 : i1 to i32
      %cond3A_1718 = arith.constant 0 : i32
      %cond3A_1719 = arith.cmpi ne, %convert_element_type3A_1717, %cond3A_1718 : i32
      scf.if %cond3A_1719 {
        %jit3A_2095 = arith.constant 11 : i32
        %eq3A_2096 = arith.constant 0 : i32
        %eq3A_2097 = arith.cmpi eq, %jit3A_2095, %eq3A_2096 : i32
        %jit3A_2098 = arith.constant 1 : i32
        %select_n3A_2099 = arith.select %eq3A_2097, %jit3A_2098, %jit3A_2095 : i32
        %rem3A_2100 = arith.remsi %add3A_1708, %select_n3A_2099 : i32
        %ne3A_2101 = arith.constant 0 : i32
        %ne3A_2102 = arith.cmpi ne, %rem3A_2100, %ne3A_2101 : i32
        %lt3A_2103 = arith.constant 0 : i32
        %lt3A_2104 = arith.cmpi slt, %rem3A_2100, %lt3A_2103 : i32
        %lt3A_2105 = arith.constant 0 : i32
        %lt3A_2106 = arith.cmpi slt, %select_n3A_2099, %lt3A_2105 : i32
        %ne3A_2107 = arith.xori %lt3A_2104, %lt3A_2106 : i1
        %and3A_2108 = arith.andi %ne3A_2107, %ne3A_2102 : i1
        %add3A_2109 = arith.addi %rem3A_2100, %select_n3A_2099 : i32
        %select_n3A_2110 = arith.select %and3A_2108, %add3A_2109, %rem3A_2100 : i32
        %jit3A_2111 = arith.constant 11 : i32
        %eq3A_2112 = arith.constant 0 : i32
        %eq3A_2113 = arith.cmpi eq, %jit3A_2111, %eq3A_2112 : i32
        %jit3A_2114 = arith.constant 1 : i32
        %select_n3A_2115 = arith.select %eq3A_2113, %jit3A_2114, %jit3A_2111 : i32
        %rem3A_2116 = arith.remsi %add3A_1708, %select_n3A_2115 : i32
        %ne3A_2117 = arith.constant 0 : i32
        %ne3A_2118 = arith.cmpi ne, %rem3A_2116, %ne3A_2117 : i32
        %lt3A_2119 = arith.constant 0 : i32
        %lt3A_2120 = arith.cmpi slt, %rem3A_2116, %lt3A_2119 : i32
        %lt3A_2121 = arith.constant 0 : i32
        %lt3A_2122 = arith.cmpi slt, %select_n3A_2115, %lt3A_2121 : i32
        %ne3A_2123 = arith.xori %lt3A_2120, %lt3A_2122 : i1
        %and3A_2124 = arith.andi %ne3A_2123, %ne3A_2118 : i1
        %add3A_2125 = arith.addi %rem3A_2116, %select_n3A_2115 : i32
        %select_n3A_2126 = arith.select %and3A_2124, %add3A_2125, %rem3A_2116 : i32
        %dma_start3A = arith.constant 0 : i32
        %dma_start3A_2127 = arith.constant 0 : i32
        %dma_start3A_2128 = tpu.memref_slice %arg7[%select_n3A_2110, %dma_start3A, %dma_start3A_2127] : memref<11x64x128xf32, #tpu.memory_space<vmem>> -> memref<1x64x128xf32, #tpu.memory_space<vmem>>
        %dma_start3A_2129 = tpu.memref_squeeze %dma_start3A_2128 : memref<1x64x128xf32, #tpu.memory_space<vmem>> -> memref<64x128xf32, #tpu.memory_space<vmem>>
        %dma_start3A_2130 = arith.constant 0 : i32
        %dma_start3A_2131 = tpu.memref_slice %arg2[%dma_start3A_2130, %mul3A_1714] : memref<64x1000000xf32, #tpu.memory_space<hbm>> -> memref<64x128xf32, #tpu.memory_space<hbm>>
        %dma_start3A_2132 = tpu.memref_slice %arg9[%select_n3A_2126] : memref<11x!tpu.dma_semaphore, #tpu.memory_space<semaphore_mem>> -> memref<1x!tpu.dma_semaphore, #tpu.memory_space<semaphore_mem>>
        %dma_start3A_2133 = tpu.memref_squeeze %dma_start3A_2132 : memref<1x!tpu.dma_semaphore, #tpu.memory_space<semaphore_mem>> -> memref<!tpu.dma_semaphore, #tpu.memory_space<semaphore_mem>>
        %dma_start3A_2134 = arith.constant 0 : i32
        %dma_start3A_2135 = arith.constant 0 : i32
        %dma_start3A_2136 = tpu.memref_slice %arg7[%select_n3A_2110, %dma_start3A_2134, %dma_start3A_2135] : memref<11x64x128xf32, #tpu.memory_space<vmem>> -> memref<1x64x128xf32, #tpu.memory_space<vmem>>
        %dma_start3A_2137 = tpu.memref_squeeze %dma_start3A_2136 : memref<1x64x128xf32, #tpu.memory_space<vmem>> -> memref<64x128xf32, #tpu.memory_space<vmem>>
        %dma_start3A_2138 = arith.constant 0 : i32
        %dma_start3A_2139 = tpu.memref_slice %arg2[%dma_start3A_2138, %mul3A_1714] : memref<64x1000000xf32, #tpu.memory_space<hbm>> -> memref<64x128xf32, #tpu.memory_space<hbm>>
        tpu.enqueue_dma source(%dma_start3A_2139 : memref<64x128xf32, #tpu.memory_space<hbm>>) target(%dma_start3A_2137 : memref<64x128xf32, #tpu.memory_space<vmem>>) target_semaphore(%dma_start3A_2133 : memref<!tpu.dma_semaphore, #tpu.memory_space<semaphore_mem>>)
      } else {
      }
      %ge3A_1720 = arith.constant 999936 : i32
      %ge3A_1721 = arith.cmpi sge, %squeeze3A_1710, %ge3A_1720 : i32
      %convert_element_type3A_1722 = arith.extui %ge3A_1721 : i1 to i32
      %cond3A_1723 = arith.constant 0 : i32
      %cond3A_1724 = arith.cmpi ne, %convert_element_type3A_1722, %cond3A_1723 : i32
      scf.if %cond3A_1724 {
        %jit3A_2095 = arith.constant 11 : i32
        %eq3A_2096 = arith.constant 0 : i32
        %eq3A_2097 = arith.cmpi eq, %jit3A_2095, %eq3A_2096 : i32
        %jit3A_2098 = arith.constant 1 : i32
        %select_n3A_2099 = arith.select %eq3A_2097, %jit3A_2098, %jit3A_2095 : i32
        %rem3A_2100 = arith.remsi %add3A_1708, %select_n3A_2099 : i32
        %ne3A_2101 = arith.constant 0 : i32
        %ne3A_2102 = arith.cmpi ne, %rem3A_2100, %ne3A_2101 : i32
        %lt3A_2103 = arith.constant 0 : i32
        %lt3A_2104 = arith.cmpi slt, %rem3A_2100, %lt3A_2103 : i32
        %lt3A_2105 = arith.constant 0 : i32
        %lt3A_2106 = arith.cmpi slt, %select_n3A_2099, %lt3A_2105 : i32
        %ne3A_2107 = arith.xori %lt3A_2104, %lt3A_2106 : i1
        %and3A_2108 = arith.andi %ne3A_2107, %ne3A_2102 : i1
        %add3A_2109 = arith.addi %rem3A_2100, %select_n3A_2099 : i32
        %select_n3A_2110 = arith.select %and3A_2108, %add3A_2109, %rem3A_2100 : i32
        %jit3A_2111 = arith.constant 11 : i32
        %eq3A_2112 = arith.constant 0 : i32
        %eq3A_2113 = arith.cmpi eq, %jit3A_2111, %eq3A_2112 : i32
        %jit3A_2114 = arith.constant 1 : i32
        %select_n3A_2115 = arith.select %eq3A_2113, %jit3A_2114, %jit3A_2111 : i32
        %rem3A_2116 = arith.remsi %add3A_1708, %select_n3A_2115 : i32
        %ne3A_2117 = arith.constant 0 : i32
        %ne3A_2118 = arith.cmpi ne, %rem3A_2116, %ne3A_2117 : i32
        %lt3A_2119 = arith.constant 0 : i32
        %lt3A_2120 = arith.cmpi slt, %rem3A_2116, %lt3A_2119 : i32
        %lt3A_2121 = arith.constant 0 : i32
        %lt3A_2122 = arith.cmpi slt, %select_n3A_2115, %lt3A_2121 : i32
        %ne3A_2123 = arith.xori %lt3A_2120, %lt3A_2122 : i1
        %and3A_2124 = arith.andi %ne3A_2123, %ne3A_2118 : i1
        %add3A_2125 = arith.addi %rem3A_2116, %select_n3A_2115 : i32
        %select_n3A_2126 = arith.select %and3A_2124, %add3A_2125, %rem3A_2116 : i32
        %dma_start3A = arith.constant 0 : i32
        %dma_start3A_2127 = arith.constant 0 : i32
        %dma_start3A_2128 = tpu.memref_slice %arg7[%select_n3A_2110, %dma_start3A, %dma_start3A_2127] : memref<11x64x128xf32, #tpu.memory_space<vmem>> -> memref<1x64x128xf32, #tpu.memory_space<vmem>>
        %dma_start3A_2129 = tpu.memref_squeeze %dma_start3A_2128 : memref<1x64x128xf32, #tpu.memory_space<vmem>> -> memref<64x128xf32, #tpu.memory_space<vmem>>
        %dma_start3A_2130 = tpu.memref_slice %arg9[%select_n3A_2126] : memref<11x!tpu.dma_semaphore, #tpu.memory_space<semaphore_mem>> -> memref<1x!tpu.dma_semaphore, #tpu.memory_space<semaphore_mem>>
        %dma_start3A_2131 = tpu.memref_squeeze %dma_start3A_2130 : memref<1x!tpu.dma_semaphore, #tpu.memory_space<semaphore_mem>> -> memref<!tpu.dma_semaphore, #tpu.memory_space<semaphore_mem>>
        %dma_start3A_2132 = arith.constant 0 : i32
        %dma_start3A_2133 = arith.constant 0 : i32
        %dma_start3A_2134 = tpu.memref_slice %arg7[%select_n3A_2110, %dma_start3A_2132, %dma_start3A_2133] : memref<11x64x128xf32, #tpu.memory_space<vmem>> -> memref<1x64x128xf32, #tpu.memory_space<vmem>>
        %dma_start3A_2135 = tpu.memref_squeeze %dma_start3A_2134 : memref<1x64x128xf32, #tpu.memory_space<vmem>> -> memref<64x128xf32, #tpu.memory_space<vmem>>
        tpu.enqueue_dma source(%arg3 : memref<64x128xf32, #tpu.memory_space<hbm>>) target(%dma_start3A_2135 : memref<64x128xf32, #tpu.memory_space<vmem>>) target_semaphore(%dma_start3A_2131 : memref<!tpu.dma_semaphore, #tpu.memory_space<semaphore_mem>>)
      } else {
      }
      %sub3A_1725 = arith.constant 10 : i32
      %sub3A_1726 = arith.subi %add3A_1708, %sub3A_1725 : i32
      %slice3A_1727 = vector.extract_strided_slice %get3A_678 {offsets = [4], sizes = [1], strides = [1]} : vector<16xi32> to vector<1xi32>
      %squeeze3A_1728 = vector.extract %slice3A_1727[0] : i32 from vector<1xi32>
      %and3A_1729 = arith.constant 127 : i32
      %and3A_1730 = arith.andi %squeeze3A_1728, %and3A_1729 : i32
      %broadcast_in_dim3A_1731 = vector.broadcast %and3A_1730 : i32 to vector<16xi32>
      %jit3A_1732 = arith.constant 11 : i32
      %eq3A_1733 = arith.constant 0 : i32
      %eq3A_1734 = arith.cmpi eq, %jit3A_1732, %eq3A_1733 : i32
      %jit3A_1735 = arith.constant 1 : i32
      %select_n3A_1736 = arith.select %eq3A_1734, %jit3A_1735, %jit3A_1732 : i32
      %rem3A_1737 = arith.remsi %sub3A_1726, %select_n3A_1736 : i32
      %ne3A_1738 = arith.constant 0 : i32
      %ne3A_1739 = arith.cmpi ne, %rem3A_1737, %ne3A_1738 : i32
      %lt3A_1740 = arith.constant 0 : i32
      %lt3A_1741 = arith.cmpi slt, %rem3A_1737, %lt3A_1740 : i32
      %lt3A_1742 = arith.constant 0 : i32
      %lt3A_1743 = arith.cmpi slt, %select_n3A_1736, %lt3A_1742 : i32
      %ne3A_1744 = arith.xori %lt3A_1741, %lt3A_1743 : i1
      %and3A_1745 = arith.andi %ne3A_1744, %ne3A_1739 : i1
      %add3A_1746 = arith.addi %rem3A_1737, %select_n3A_1736 : i32
      %select_n3A_1747 = arith.select %and3A_1745, %add3A_1746, %rem3A_1737 : i32
      %jit3A_1748 = arith.constant 11 : i32
      %eq3A_1749 = arith.constant 0 : i32
      %eq3A_1750 = arith.cmpi eq, %jit3A_1748, %eq3A_1749 : i32
      %jit3A_1751 = arith.constant 1 : i32
      %select_n3A_1752 = arith.select %eq3A_1750, %jit3A_1751, %jit3A_1748 : i32
      %rem3A_1753 = arith.remsi %sub3A_1726, %select_n3A_1752 : i32
      %ne3A_1754 = arith.constant 0 : i32
      %ne3A_1755 = arith.cmpi ne, %rem3A_1753, %ne3A_1754 : i32
      %lt3A_1756 = arith.constant 0 : i32
      %lt3A_1757 = arith.cmpi slt, %rem3A_1753, %lt3A_1756 : i32
      %lt3A_1758 = arith.constant 0 : i32
      %lt3A_1759 = arith.cmpi slt, %select_n3A_1752, %lt3A_1758 : i32
      %ne3A_1760 = arith.xori %lt3A_1757, %lt3A_1759 : i1
      %and3A_1761 = arith.andi %ne3A_1760, %ne3A_1755 : i1
      %add3A_1762 = arith.addi %rem3A_1753, %select_n3A_1752 : i32
      %select_n3A_1763 = arith.select %and3A_1761, %add3A_1762, %rem3A_1753 : i32
      %dma_wait3A_1764 = arith.constant 0 : i32
      %dma_wait3A_1765 = arith.constant 0 : i32
      %dma_wait3A_1766 = tpu.memref_slice %arg7[%select_n3A_1747, %dma_wait3A_1764, %dma_wait3A_1765] : memref<11x64x128xf32, #tpu.memory_space<vmem>> -> memref<1x64x128xf32, #tpu.memory_space<vmem>>
      %dma_wait3A_1767 = tpu.memref_squeeze %dma_wait3A_1766 : memref<1x64x128xf32, #tpu.memory_space<vmem>> -> memref<64x128xf32, #tpu.memory_space<vmem>>
      %dma_wait3A_1768 = arith.constant 0 : i32
      %dma_wait3A_1769 = arith.constant 0 : i32
      %dma_wait3A_1770 = tpu.memref_slice %arg2[%dma_wait3A_1768, %dma_wait3A_1769] : memref<64x1000000xf32, #tpu.memory_space<hbm>> -> memref<64x128xf32, #tpu.memory_space<hbm>>
      %dma_wait3A_1771 = tpu.memref_slice %arg9[%select_n3A_1763] : memref<11x!tpu.dma_semaphore, #tpu.memory_space<semaphore_mem>> -> memref<1x!tpu.dma_semaphore, #tpu.memory_space<semaphore_mem>>
      %dma_wait3A_1772 = tpu.memref_squeeze %dma_wait3A_1771 : memref<1x!tpu.dma_semaphore, #tpu.memory_space<semaphore_mem>> -> memref<!tpu.dma_semaphore, #tpu.memory_space<semaphore_mem>>
      %dma_wait3A_1773 = arith.constant 0 : i32
      %dma_wait3A_1774 = arith.constant 0 : i32
      %dma_wait3A_1775 = tpu.memref_slice %arg7[%select_n3A_1747, %dma_wait3A_1773, %dma_wait3A_1774] : memref<11x64x128xf32, #tpu.memory_space<vmem>> -> memref<1x64x128xf32, #tpu.memory_space<vmem>>
      %dma_wait3A_1776 = tpu.memref_squeeze %dma_wait3A_1775 : memref<1x64x128xf32, #tpu.memory_space<vmem>> -> memref<64x128xf32, #tpu.memory_space<vmem>>
      %dma_wait3A_1777 = arith.constant 0 : i32
      %dma_wait3A_1778 = arith.constant 0 : i32
      %dma_wait3A_1779 = tpu.memref_slice %arg2[%dma_wait3A_1777, %dma_wait3A_1778] : memref<64x1000000xf32, #tpu.memory_space<hbm>> -> memref<64x128xf32, #tpu.memory_space<hbm>>
      tpu.wait_dma2 semaphore(%dma_wait3A_1772 : memref<!tpu.dma_semaphore, #tpu.memory_space<semaphore_mem>>) src(%dma_wait3A_1779 : memref<64x128xf32, #tpu.memory_space<hbm>>) dst(%dma_wait3A_1776 : memref<64x128xf32, #tpu.memory_space<vmem>>)
      %jit3A_1780 = arith.constant 11 : i32
      %eq3A_1781 = arith.constant 0 : i32
      %eq3A_1782 = arith.cmpi eq, %jit3A_1780, %eq3A_1781 : i32
      %jit3A_1783 = arith.constant 1 : i32
      %select_n3A_1784 = arith.select %eq3A_1782, %jit3A_1783, %jit3A_1780 : i32
      %rem3A_1785 = arith.remsi %sub3A_1726, %select_n3A_1784 : i32
      %ne3A_1786 = arith.constant 0 : i32
      %ne3A_1787 = arith.cmpi ne, %rem3A_1785, %ne3A_1786 : i32
      %lt3A_1788 = arith.constant 0 : i32
      %lt3A_1789 = arith.cmpi slt, %rem3A_1785, %lt3A_1788 : i32
      %lt3A_1790 = arith.constant 0 : i32
      %lt3A_1791 = arith.cmpi slt, %select_n3A_1784, %lt3A_1790 : i32
      %ne3A_1792 = arith.xori %lt3A_1789, %lt3A_1791 : i1
      %and3A_1793 = arith.andi %ne3A_1792, %ne3A_1787 : i1
      %add3A_1794 = arith.addi %rem3A_1785, %select_n3A_1784 : i32
      %select_n3A_1795 = arith.select %and3A_1793, %add3A_1794, %rem3A_1785 : i32
      %add3A_1796 = arith.constant 0 : i32
      %add3A_1797 = vector.broadcast %add3A_1796 : i32 to vector<16xi32>
      %add3A_1798 = arith.addi %iota3A, %add3A_1797 : vector<16xi32>
      %gather3A_1799 = arith.constant 0 : i32
      %gather3A_1800 = arith.constant 0 : i32
      %gather3A_1801 = tpu.memref_slice %arg7[%select_n3A_1795, %gather3A_1799, %gather3A_1800] : memref<11x64x128xf32, #tpu.memory_space<vmem>> -> memref<1x64x128xf32, #tpu.memory_space<vmem>>
      %gather3A_1802 = tpu.memref_squeeze %gather3A_1801 : memref<1x64x128xf32, #tpu.memory_space<vmem>> -> memref<64x128xf32, #tpu.memory_space<vmem>>
      %gather3A_1803 = tpu.vector_load_idx %gather3A_1802[%add3A_1798, %broadcast_in_dim3A_1731] : memref<64x128xf32, #tpu.memory_space<vmem>>[vector<16xi32>, vector<16xi32>], vector<16xf32>,
      %mul3A_1804 = arith.constant 64 : i32
      %mul3A_1805 = arith.muli %sub3A_1726, %mul3A_1804 : i32
      %add3A_1806 = arith.constant 0 : i32
      %add3A_1807 = arith.addi %mul3A_1805, %add3A_1806 : i32
      %swap3A_1808 = arith.index_cast %add3A_1807 : i32 to index
      %swap3A_1809 = tpu.vector_load %arg8[%swap3A_1808] {strides = array<i32>} : memref<32768xf32, #tpu.memory_space<vmem>>, vector<16xf32>,
      tpu.vector_store %arg8[%swap3A_1808], %gather3A_1803 {strides = array<i32>} : memref<32768xf32, #tpu.memory_space<vmem>>, vector<16xf32>,
      %jit3A_1810 = arith.constant 11 : i32
      %eq3A_1811 = arith.constant 0 : i32
      %eq3A_1812 = arith.cmpi eq, %jit3A_1810, %eq3A_1811 : i32
      %jit3A_1813 = arith.constant 1 : i32
      %select_n3A_1814 = arith.select %eq3A_1812, %jit3A_1813, %jit3A_1810 : i32
      %rem3A_1815 = arith.remsi %sub3A_1726, %select_n3A_1814 : i32
      %ne3A_1816 = arith.constant 0 : i32
      %ne3A_1817 = arith.cmpi ne, %rem3A_1815, %ne3A_1816 : i32
      %lt3A_1818 = arith.constant 0 : i32
      %lt3A_1819 = arith.cmpi slt, %rem3A_1815, %lt3A_1818 : i32
      %lt3A_1820 = arith.constant 0 : i32
      %lt3A_1821 = arith.cmpi slt, %select_n3A_1814, %lt3A_1820 : i32
      %ne3A_1822 = arith.xori %lt3A_1819, %lt3A_1821 : i1
      %and3A_1823 = arith.andi %ne3A_1822, %ne3A_1817 : i1
      %add3A_1824 = arith.addi %rem3A_1815, %select_n3A_1814 : i32
      %select_n3A_1825 = arith.select %and3A_1823, %add3A_1824, %rem3A_1815 : i32
      %add3A_1826 = arith.constant 16 : i32
      %add3A_1827 = vector.broadcast %add3A_1826 : i32 to vector<16xi32>
      %add3A_1828 = arith.addi %iota3A, %add3A_1827 : vector<16xi32>
      %gather3A_1829 = arith.constant 0 : i32
      %gather3A_1830 = arith.constant 0 : i32
      %gather3A_1831 = tpu.memref_slice %arg7[%select_n3A_1825, %gather3A_1829, %gather3A_1830] : memref<11x64x128xf32, #tpu.memory_space<vmem>> -> memref<1x64x128xf32, #tpu.memory_space<vmem>>
      %gather3A_1832 = tpu.memref_squeeze %gather3A_1831 : memref<1x64x128xf32, #tpu.memory_space<vmem>> -> memref<64x128xf32, #tpu.memory_space<vmem>>
      %gather3A_1833 = tpu.vector_load_idx %gather3A_1832[%add3A_1828, %broadcast_in_dim3A_1731] : memref<64x128xf32, #tpu.memory_space<vmem>>[vector<16xi32>, vector<16xi32>], vector<16xf32>,
      %mul3A_1834 = arith.constant 64 : i32
      %mul3A_1835 = arith.muli %sub3A_1726, %mul3A_1834 : i32
      %add3A_1836 = arith.constant 16 : i32
      %add3A_1837 = arith.addi %mul3A_1835, %add3A_1836 : i32
      %swap3A_1838 = arith.index_cast %add3A_1837 : i32 to index
      %swap3A_1839 = tpu.vector_load %arg8[%swap3A_1838] {strides = array<i32>} : memref<32768xf32, #tpu.memory_space<vmem>>, vector<16xf32>,
      tpu.vector_store %arg8[%swap3A_1838], %gather3A_1833 {strides = array<i32>} : memref<32768xf32, #tpu.memory_space<vmem>>, vector<16xf32>,
      %jit3A_1840 = arith.constant 11 : i32
      %eq3A_1841 = arith.constant 0 : i32
      %eq3A_1842 = arith.cmpi eq, %jit3A_1840, %eq3A_1841 : i32
      %jit3A_1843 = arith.constant 1 : i32
      %select_n3A_1844 = arith.select %eq3A_1842, %jit3A_1843, %jit3A_1840 : i32
      %rem3A_1845 = arith.remsi %sub3A_1726, %select_n3A_1844 : i32
      %ne3A_1846 = arith.constant 0 : i32
      %ne3A_1847 = arith.cmpi ne, %rem3A_1845, %ne3A_1846 : i32
      %lt3A_1848 = arith.constant 0 : i32
      %lt3A_1849 = arith.cmpi slt, %rem3A_1845, %lt3A_1848 : i32
      %lt3A_1850 = arith.constant 0 : i32
      %lt3A_1851 = arith.cmpi slt, %select_n3A_1844, %lt3A_1850 : i32
      %ne3A_1852 = arith.xori %lt3A_1849, %lt3A_1851 : i1
      %and3A_1853 = arith.andi %ne3A_1852, %ne3A_1847 : i1
      %add3A_1854 = arith.addi %rem3A_1845, %select_n3A_1844 : i32
      %select_n3A_1855 = arith.select %and3A_1853, %add3A_1854, %rem3A_1845 : i32
      %add3A_1856 = arith.constant 32 : i32
      %add3A_1857 = vector.broadcast %add3A_1856 : i32 to vector<16xi32>
      %add3A_1858 = arith.addi %iota3A, %add3A_1857 : vector<16xi32>
      %gather3A_1859 = arith.constant 0 : i32
      %gather3A_1860 = arith.constant 0 : i32
      %gather3A_1861 = tpu.memref_slice %arg7[%select_n3A_1855, %gather3A_1859, %gather3A_1860] : memref<11x64x128xf32, #tpu.memory_space<vmem>> -> memref<1x64x128xf32, #tpu.memory_space<vmem>>
      %gather3A_1862 = tpu.memref_squeeze %gather3A_1861 : memref<1x64x128xf32, #tpu.memory_space<vmem>> -> memref<64x128xf32, #tpu.memory_space<vmem>>
      %gather3A_1863 = tpu.vector_load_idx %gather3A_1862[%add3A_1858, %broadcast_in_dim3A_1731] : memref<64x128xf32, #tpu.memory_space<vmem>>[vector<16xi32>, vector<16xi32>], vector<16xf32>,
      %mul3A_1864 = arith.constant 64 : i32
      %mul3A_1865 = arith.muli %sub3A_1726, %mul3A_1864 : i32
      %add3A_1866 = arith.constant 32 : i32
      %add3A_1867 = arith.addi %mul3A_1865, %add3A_1866 : i32
      %swap3A_1868 = arith.index_cast %add3A_1867 : i32 to index
      %swap3A_1869 = tpu.vector_load %arg8[%swap3A_1868] {strides = array<i32>} : memref<32768xf32, #tpu.memory_space<vmem>>, vector<16xf32>,
      tpu.vector_store %arg8[%swap3A_1868], %gather3A_1863 {strides = array<i32>} : memref<32768xf32, #tpu.memory_space<vmem>>, vector<16xf32>,
      %jit3A_1870 = arith.constant 11 : i32
      %eq3A_1871 = arith.constant 0 : i32
      %eq3A_1872 = arith.cmpi eq, %jit3A_1870, %eq3A_1871 : i32
      %jit3A_1873 = arith.constant 1 : i32
      %select_n3A_1874 = arith.select %eq3A_1872, %jit3A_1873, %jit3A_1870 : i32
      %rem3A_1875 = arith.remsi %sub3A_1726, %select_n3A_1874 : i32
      %ne3A_1876 = arith.constant 0 : i32
      %ne3A_1877 = arith.cmpi ne, %rem3A_1875, %ne3A_1876 : i32
      %lt3A_1878 = arith.constant 0 : i32
      %lt3A_1879 = arith.cmpi slt, %rem3A_1875, %lt3A_1878 : i32
      %lt3A_1880 = arith.constant 0 : i32
      %lt3A_1881 = arith.cmpi slt, %select_n3A_1874, %lt3A_1880 : i32
      %ne3A_1882 = arith.xori %lt3A_1879, %lt3A_1881 : i1
      %and3A_1883 = arith.andi %ne3A_1882, %ne3A_1877 : i1
      %add3A_1884 = arith.addi %rem3A_1875, %select_n3A_1874 : i32
      %select_n3A_1885 = arith.select %and3A_1883, %add3A_1884, %rem3A_1875 : i32
      %add3A_1886 = arith.constant 48 : i32
      %add3A_1887 = vector.broadcast %add3A_1886 : i32 to vector<16xi32>
      %add3A_1888 = arith.addi %iota3A, %add3A_1887 : vector<16xi32>
      %gather3A_1889 = arith.constant 0 : i32
      %gather3A_1890 = arith.constant 0 : i32
      %gather3A_1891 = tpu.memref_slice %arg7[%select_n3A_1885, %gather3A_1889, %gather3A_1890] : memref<11x64x128xf32, #tpu.memory_space<vmem>> -> memref<1x64x128xf32, #tpu.memory_space<vmem>>
      %gather3A_1892 = tpu.memref_squeeze %gather3A_1891 : memref<1x64x128xf32, #tpu.memory_space<vmem>> -> memref<64x128xf32, #tpu.memory_space<vmem>>
      %gather3A_1893 = tpu.vector_load_idx %gather3A_1892[%add3A_1888, %broadcast_in_dim3A_1731] : memref<64x128xf32, #tpu.memory_space<vmem>>[vector<16xi32>, vector<16xi32>], vector<16xf32>,
      %mul3A_1894 = arith.constant 64 : i32
      %mul3A_1895 = arith.muli %sub3A_1726, %mul3A_1894 : i32
      %add3A_1896 = arith.constant 48 : i32
      %add3A_1897 = arith.addi %mul3A_1895, %add3A_1896 : i32
      %swap3A_1898 = arith.index_cast %add3A_1897 : i32 to index
      %swap3A_1899 = tpu.vector_load %arg8[%swap3A_1898] {strides = array<i32>} : memref<32768xf32, #tpu.memory_space<vmem>>, vector<16xf32>,
      tpu.vector_store %arg8[%swap3A_1898], %gather3A_1893 {strides = array<i32>} : memref<32768xf32, #tpu.memory_space<vmem>>, vector<16xf32>,
      %mul3A_1900 = arith.constant 16 : i32
      %mul3A_1901 = arith.muli %scan3A_674, %mul3A_1900 : i32
      %add3A_1902 = arith.constant 15 : i32
      %add3A_1903 = arith.addi %mul3A_1901, %add3A_1902 : i32
      %slice3A_1904 = vector.extract_strided_slice %get3A_678 {offsets = [15], sizes = [1], strides = [1]} : vector<16xi32> to vector<1xi32>
      %squeeze3A_1905 = vector.extract %slice3A_1904[0] : i32 from vector<1xi32>
      %shift_right_arithmetic3A_1906 = arith.constant 7 : i32
      %shift_right_arithmetic3A_1907 = arith.shrsi %squeeze3A_1905, %shift_right_arithmetic3A_1906 : i32
      %mul3A_1908 = arith.constant 128 : i32
      %mul3A_1909 = arith.muli %shift_right_arithmetic3A_1907, %mul3A_1908 : i32
      %lt3A_1910 = arith.constant 999936 : i32
      %lt3A_1911 = arith.cmpi slt, %squeeze3A_1905, %lt3A_1910 : i32
      %convert_element_type3A_1912 = arith.extui %lt3A_1911 : i1 to i32
      %cond3A_1913 = arith.constant 0 : i32
      %cond3A_1914 = arith.cmpi ne, %convert_element_type3A_1912, %cond3A_1913 : i32
      scf.if %cond3A_1914 {
        %jit3A_2095 = arith.constant 11 : i32
        %eq3A_2096 = arith.constant 0 : i32
        %eq3A_2097 = arith.cmpi eq, %jit3A_2095, %eq3A_2096 : i32
        %jit3A_2098 = arith.constant 1 : i32
        %select_n3A_2099 = arith.select %eq3A_2097, %jit3A_2098, %jit3A_2095 : i32
        %rem3A_2100 = arith.remsi %add3A_1903, %select_n3A_2099 : i32
        %ne3A_2101 = arith.constant 0 : i32
        %ne3A_2102 = arith.cmpi ne, %rem3A_2100, %ne3A_2101 : i32
        %lt3A_2103 = arith.constant 0 : i32
        %lt3A_2104 = arith.cmpi slt, %rem3A_2100, %lt3A_2103 : i32
        %lt3A_2105 = arith.constant 0 : i32
        %lt3A_2106 = arith.cmpi slt, %select_n3A_2099, %lt3A_2105 : i32
        %ne3A_2107 = arith.xori %lt3A_2104, %lt3A_2106 : i1
        %and3A_2108 = arith.andi %ne3A_2107, %ne3A_2102 : i1
        %add3A_2109 = arith.addi %rem3A_2100, %select_n3A_2099 : i32
        %select_n3A_2110 = arith.select %and3A_2108, %add3A_2109, %rem3A_2100 : i32
        %jit3A_2111 = arith.constant 11 : i32
        %eq3A_2112 = arith.constant 0 : i32
        %eq3A_2113 = arith.cmpi eq, %jit3A_2111, %eq3A_2112 : i32
        %jit3A_2114 = arith.constant 1 : i32
        %select_n3A_2115 = arith.select %eq3A_2113, %jit3A_2114, %jit3A_2111 : i32
        %rem3A_2116 = arith.remsi %add3A_1903, %select_n3A_2115 : i32
        %ne3A_2117 = arith.constant 0 : i32
        %ne3A_2118 = arith.cmpi ne, %rem3A_2116, %ne3A_2117 : i32
        %lt3A_2119 = arith.constant 0 : i32
        %lt3A_2120 = arith.cmpi slt, %rem3A_2116, %lt3A_2119 : i32
        %lt3A_2121 = arith.constant 0 : i32
        %lt3A_2122 = arith.cmpi slt, %select_n3A_2115, %lt3A_2121 : i32
        %ne3A_2123 = arith.xori %lt3A_2120, %lt3A_2122 : i1
        %and3A_2124 = arith.andi %ne3A_2123, %ne3A_2118 : i1
        %add3A_2125 = arith.addi %rem3A_2116, %select_n3A_2115 : i32
        %select_n3A_2126 = arith.select %and3A_2124, %add3A_2125, %rem3A_2116 : i32
        %dma_start3A = arith.constant 0 : i32
        %dma_start3A_2127 = arith.constant 0 : i32
        %dma_start3A_2128 = tpu.memref_slice %arg7[%select_n3A_2110, %dma_start3A, %dma_start3A_2127] : memref<11x64x128xf32, #tpu.memory_space<vmem>> -> memref<1x64x128xf32, #tpu.memory_space<vmem>>
        %dma_start3A_2129 = tpu.memref_squeeze %dma_start3A_2128 : memref<1x64x128xf32, #tpu.memory_space<vmem>> -> memref<64x128xf32, #tpu.memory_space<vmem>>
        %dma_start3A_2130 = arith.constant 0 : i32
        %dma_start3A_2131 = tpu.memref_slice %arg2[%dma_start3A_2130, %mul3A_1909] : memref<64x1000000xf32, #tpu.memory_space<hbm>> -> memref<64x128xf32, #tpu.memory_space<hbm>>
        %dma_start3A_2132 = tpu.memref_slice %arg9[%select_n3A_2126] : memref<11x!tpu.dma_semaphore, #tpu.memory_space<semaphore_mem>> -> memref<1x!tpu.dma_semaphore, #tpu.memory_space<semaphore_mem>>
        %dma_start3A_2133 = tpu.memref_squeeze %dma_start3A_2132 : memref<1x!tpu.dma_semaphore, #tpu.memory_space<semaphore_mem>> -> memref<!tpu.dma_semaphore, #tpu.memory_space<semaphore_mem>>
        %dma_start3A_2134 = arith.constant 0 : i32
        %dma_start3A_2135 = arith.constant 0 : i32
        %dma_start3A_2136 = tpu.memref_slice %arg7[%select_n3A_2110, %dma_start3A_2134, %dma_start3A_2135] : memref<11x64x128xf32, #tpu.memory_space<vmem>> -> memref<1x64x128xf32, #tpu.memory_space<vmem>>
        %dma_start3A_2137 = tpu.memref_squeeze %dma_start3A_2136 : memref<1x64x128xf32, #tpu.memory_space<vmem>> -> memref<64x128xf32, #tpu.memory_space<vmem>>
        %dma_start3A_2138 = arith.constant 0 : i32
        %dma_start3A_2139 = tpu.memref_slice %arg2[%dma_start3A_2138, %mul3A_1909] : memref<64x1000000xf32, #tpu.memory_space<hbm>> -> memref<64x128xf32, #tpu.memory_space<hbm>>
        tpu.enqueue_dma source(%dma_start3A_2139 : memref<64x128xf32, #tpu.memory_space<hbm>>) target(%dma_start3A_2137 : memref<64x128xf32, #tpu.memory_space<vmem>>) target_semaphore(%dma_start3A_2133 : memref<!tpu.dma_semaphore, #tpu.memory_space<semaphore_mem>>)
      } else {
      }
      %ge3A_1915 = arith.constant 999936 : i32
      %ge3A_1916 = arith.cmpi sge, %squeeze3A_1905, %ge3A_1915 : i32
      %convert_element_type3A_1917 = arith.extui %ge3A_1916 : i1 to i32
      %cond3A_1918 = arith.constant 0 : i32
      %cond3A_1919 = arith.cmpi ne, %convert_element_type3A_1917, %cond3A_1918 : i32
      scf.if %cond3A_1919 {
        %jit3A_2095 = arith.constant 11 : i32
        %eq3A_2096 = arith.constant 0 : i32
        %eq3A_2097 = arith.cmpi eq, %jit3A_2095, %eq3A_2096 : i32
        %jit3A_2098 = arith.constant 1 : i32
        %select_n3A_2099 = arith.select %eq3A_2097, %jit3A_2098, %jit3A_2095 : i32
        %rem3A_2100 = arith.remsi %add3A_1903, %select_n3A_2099 : i32
        %ne3A_2101 = arith.constant 0 : i32
        %ne3A_2102 = arith.cmpi ne, %rem3A_2100, %ne3A_2101 : i32
        %lt3A_2103 = arith.constant 0 : i32
        %lt3A_2104 = arith.cmpi slt, %rem3A_2100, %lt3A_2103 : i32
        %lt3A_2105 = arith.constant 0 : i32
        %lt3A_2106 = arith.cmpi slt, %select_n3A_2099, %lt3A_2105 : i32
        %ne3A_2107 = arith.xori %lt3A_2104, %lt3A_2106 : i1
        %and3A_2108 = arith.andi %ne3A_2107, %ne3A_2102 : i1
        %add3A_2109 = arith.addi %rem3A_2100, %select_n3A_2099 : i32
        %select_n3A_2110 = arith.select %and3A_2108, %add3A_2109, %rem3A_2100 : i32
        %jit3A_2111 = arith.constant 11 : i32
        %eq3A_2112 = arith.constant 0 : i32
        %eq3A_2113 = arith.cmpi eq, %jit3A_2111, %eq3A_2112 : i32
        %jit3A_2114 = arith.constant 1 : i32
        %select_n3A_2115 = arith.select %eq3A_2113, %jit3A_2114, %jit3A_2111 : i32
        %rem3A_2116 = arith.remsi %add3A_1903, %select_n3A_2115 : i32
        %ne3A_2117 = arith.constant 0 : i32
        %ne3A_2118 = arith.cmpi ne, %rem3A_2116, %ne3A_2117 : i32
        %lt3A_2119 = arith.constant 0 : i32
        %lt3A_2120 = arith.cmpi slt, %rem3A_2116, %lt3A_2119 : i32
        %lt3A_2121 = arith.constant 0 : i32
        %lt3A_2122 = arith.cmpi slt, %select_n3A_2115, %lt3A_2121 : i32
        %ne3A_2123 = arith.xori %lt3A_2120, %lt3A_2122 : i1
        %and3A_2124 = arith.andi %ne3A_2123, %ne3A_2118 : i1
        %add3A_2125 = arith.addi %rem3A_2116, %select_n3A_2115 : i32
        %select_n3A_2126 = arith.select %and3A_2124, %add3A_2125, %rem3A_2116 : i32
        %dma_start3A = arith.constant 0 : i32
        %dma_start3A_2127 = arith.constant 0 : i32
        %dma_start3A_2128 = tpu.memref_slice %arg7[%select_n3A_2110, %dma_start3A, %dma_start3A_2127] : memref<11x64x128xf32, #tpu.memory_space<vmem>> -> memref<1x64x128xf32, #tpu.memory_space<vmem>>
        %dma_start3A_2129 = tpu.memref_squeeze %dma_start3A_2128 : memref<1x64x128xf32, #tpu.memory_space<vmem>> -> memref<64x128xf32, #tpu.memory_space<vmem>>
        %dma_start3A_2130 = tpu.memref_slice %arg9[%select_n3A_2126] : memref<11x!tpu.dma_semaphore, #tpu.memory_space<semaphore_mem>> -> memref<1x!tpu.dma_semaphore, #tpu.memory_space<semaphore_mem>>
        %dma_start3A_2131 = tpu.memref_squeeze %dma_start3A_2130 : memref<1x!tpu.dma_semaphore, #tpu.memory_space<semaphore_mem>> -> memref<!tpu.dma_semaphore, #tpu.memory_space<semaphore_mem>>
        %dma_start3A_2132 = arith.constant 0 : i32
        %dma_start3A_2133 = arith.constant 0 : i32
        %dma_start3A_2134 = tpu.memref_slice %arg7[%select_n3A_2110, %dma_start3A_2132, %dma_start3A_2133] : memref<11x64x128xf32, #tpu.memory_space<vmem>> -> memref<1x64x128xf32, #tpu.memory_space<vmem>>
        %dma_start3A_2135 = tpu.memref_squeeze %dma_start3A_2134 : memref<1x64x128xf32, #tpu.memory_space<vmem>> -> memref<64x128xf32, #tpu.memory_space<vmem>>
        tpu.enqueue_dma source(%arg3 : memref<64x128xf32, #tpu.memory_space<hbm>>) target(%dma_start3A_2135 : memref<64x128xf32, #tpu.memory_space<vmem>>) target_semaphore(%dma_start3A_2131 : memref<!tpu.dma_semaphore, #tpu.memory_space<semaphore_mem>>)
      } else {
      }
      %sub3A_1920 = arith.constant 10 : i32
      %sub3A_1921 = arith.subi %add3A_1903, %sub3A_1920 : i32
      %slice3A_1922 = vector.extract_strided_slice %get3A_678 {offsets = [5], sizes = [1], strides = [1]} : vector<16xi32> to vector<1xi32>
      %squeeze3A_1923 = vector.extract %slice3A_1922[0] : i32 from vector<1xi32>
      %and3A_1924 = arith.constant 127 : i32
      %and3A_1925 = arith.andi %squeeze3A_1923, %and3A_1924 : i32
      %broadcast_in_dim3A_1926 = vector.broadcast %and3A_1925 : i32 to vector<16xi32>
      %jit3A_1927 = arith.constant 11 : i32
      %eq3A_1928 = arith.constant 0 : i32
      %eq3A_1929 = arith.cmpi eq, %jit3A_1927, %eq3A_1928 : i32
      %jit3A_1930 = arith.constant 1 : i32
      %select_n3A_1931 = arith.select %eq3A_1929, %jit3A_1930, %jit3A_1927 : i32
      %rem3A_1932 = arith.remsi %sub3A_1921, %select_n3A_1931 : i32
      %ne3A_1933 = arith.constant 0 : i32
      %ne3A_1934 = arith.cmpi ne, %rem3A_1932, %ne3A_1933 : i32
      %lt3A_1935 = arith.constant 0 : i32
      %lt3A_1936 = arith.cmpi slt, %rem3A_1932, %lt3A_1935 : i32
      %lt3A_1937 = arith.constant 0 : i32
      %lt3A_1938 = arith.cmpi slt, %select_n3A_1931, %lt3A_1937 : i32
      %ne3A_1939 = arith.xori %lt3A_1936, %lt3A_1938 : i1
      %and3A_1940 = arith.andi %ne3A_1939, %ne3A_1934 : i1
      %add3A_1941 = arith.addi %rem3A_1932, %select_n3A_1931 : i32
      %select_n3A_1942 = arith.select %and3A_1940, %add3A_1941, %rem3A_1932 : i32
      %jit3A_1943 = arith.constant 11 : i32
      %eq3A_1944 = arith.constant 0 : i32
      %eq3A_1945 = arith.cmpi eq, %jit3A_1943, %eq3A_1944 : i32
      %jit3A_1946 = arith.constant 1 : i32
      %select_n3A_1947 = arith.select %eq3A_1945, %jit3A_1946, %jit3A_1943 : i32
      %rem3A_1948 = arith.remsi %sub3A_1921, %select_n3A_1947 : i32
      %ne3A_1949 = arith.constant 0 : i32
      %ne3A_1950 = arith.cmpi ne, %rem3A_1948, %ne3A_1949 : i32
      %lt3A_1951 = arith.constant 0 : i32
      %lt3A_1952 = arith.cmpi slt, %rem3A_1948, %lt3A_1951 : i32
      %lt3A_1953 = arith.constant 0 : i32
      %lt3A_1954 = arith.cmpi slt, %select_n3A_1947, %lt3A_1953 : i32
      %ne3A_1955 = arith.xori %lt3A_1952, %lt3A_1954 : i1
      %and3A_1956 = arith.andi %ne3A_1955, %ne3A_1950 : i1
      %add3A_1957 = arith.addi %rem3A_1948, %select_n3A_1947 : i32
      %select_n3A_1958 = arith.select %and3A_1956, %add3A_1957, %rem3A_1948 : i32
      %dma_wait3A_1959 = arith.constant 0 : i32
      %dma_wait3A_1960 = arith.constant 0 : i32
      %dma_wait3A_1961 = tpu.memref_slice %arg7[%select_n3A_1942, %dma_wait3A_1959, %dma_wait3A_1960] : memref<11x64x128xf32, #tpu.memory_space<vmem>> -> memref<1x64x128xf32, #tpu.memory_space<vmem>>
      %dma_wait3A_1962 = tpu.memref_squeeze %dma_wait3A_1961 : memref<1x64x128xf32, #tpu.memory_space<vmem>> -> memref<64x128xf32, #tpu.memory_space<vmem>>
      %dma_wait3A_1963 = arith.constant 0 : i32
      %dma_wait3A_1964 = arith.constant 0 : i32
      %dma_wait3A_1965 = tpu.memref_slice %arg2[%dma_wait3A_1963, %dma_wait3A_1964] : memref<64x1000000xf32, #tpu.memory_space<hbm>> -> memref<64x128xf32, #tpu.memory_space<hbm>>
      %dma_wait3A_1966 = tpu.memref_slice %arg9[%select_n3A_1958] : memref<11x!tpu.dma_semaphore, #tpu.memory_space<semaphore_mem>> -> memref<1x!tpu.dma_semaphore, #tpu.memory_space<semaphore_mem>>
      %dma_wait3A_1967 = tpu.memref_squeeze %dma_wait3A_1966 : memref<1x!tpu.dma_semaphore, #tpu.memory_space<semaphore_mem>> -> memref<!tpu.dma_semaphore, #tpu.memory_space<semaphore_mem>>
      %dma_wait3A_1968 = arith.constant 0 : i32
      %dma_wait3A_1969 = arith.constant 0 : i32
      %dma_wait3A_1970 = tpu.memref_slice %arg7[%select_n3A_1942, %dma_wait3A_1968, %dma_wait3A_1969] : memref<11x64x128xf32, #tpu.memory_space<vmem>> -> memref<1x64x128xf32, #tpu.memory_space<vmem>>
      %dma_wait3A_1971 = tpu.memref_squeeze %dma_wait3A_1970 : memref<1x64x128xf32, #tpu.memory_space<vmem>> -> memref<64x128xf32, #tpu.memory_space<vmem>>
      %dma_wait3A_1972 = arith.constant 0 : i32
      %dma_wait3A_1973 = arith.constant 0 : i32
      %dma_wait3A_1974 = tpu.memref_slice %arg2[%dma_wait3A_1972, %dma_wait3A_1973] : memref<64x1000000xf32, #tpu.memory_space<hbm>> -> memref<64x128xf32, #tpu.memory_space<hbm>>
      tpu.wait_dma2 semaphore(%dma_wait3A_1967 : memref<!tpu.dma_semaphore, #tpu.memory_space<semaphore_mem>>) src(%dma_wait3A_1974 : memref<64x128xf32, #tpu.memory_space<hbm>>) dst(%dma_wait3A_1971 : memref<64x128xf32, #tpu.memory_space<vmem>>)
      %jit3A_1975 = arith.constant 11 : i32
      %eq3A_1976 = arith.constant 0 : i32
      %eq3A_1977 = arith.cmpi eq, %jit3A_1975, %eq3A_1976 : i32
      %jit3A_1978 = arith.constant 1 : i32
      %select_n3A_1979 = arith.select %eq3A_1977, %jit3A_1978, %jit3A_1975 : i32
      %rem3A_1980 = arith.remsi %sub3A_1921, %select_n3A_1979 : i32
      %ne3A_1981 = arith.constant 0 : i32
      %ne3A_1982 = arith.cmpi ne, %rem3A_1980, %ne3A_1981 : i32
      %lt3A_1983 = arith.constant 0 : i32
      %lt3A_1984 = arith.cmpi slt, %rem3A_1980, %lt3A_1983 : i32
      %lt3A_1985 = arith.constant 0 : i32
      %lt3A_1986 = arith.cmpi slt, %select_n3A_1979, %lt3A_1985 : i32
      %ne3A_1987 = arith.xori %lt3A_1984, %lt3A_1986 : i1
      %and3A_1988 = arith.andi %ne3A_1987, %ne3A_1982 : i1
      %add3A_1989 = arith.addi %rem3A_1980, %select_n3A_1979 : i32
      %select_n3A_1990 = arith.select %and3A_1988, %add3A_1989, %rem3A_1980 : i32
      %add3A_1991 = arith.constant 0 : i32
      %add3A_1992 = vector.broadcast %add3A_1991 : i32 to vector<16xi32>
      %add3A_1993 = arith.addi %iota3A, %add3A_1992 : vector<16xi32>
      %gather3A_1994 = arith.constant 0 : i32
      %gather3A_1995 = arith.constant 0 : i32
      %gather3A_1996 = tpu.memref_slice %arg7[%select_n3A_1990, %gather3A_1994, %gather3A_1995] : memref<11x64x128xf32, #tpu.memory_space<vmem>> -> memref<1x64x128xf32, #tpu.memory_space<vmem>>
      %gather3A_1997 = tpu.memref_squeeze %gather3A_1996 : memref<1x64x128xf32, #tpu.memory_space<vmem>> -> memref<64x128xf32, #tpu.memory_space<vmem>>
      %gather3A_1998 = tpu.vector_load_idx %gather3A_1997[%add3A_1993, %broadcast_in_dim3A_1926] : memref<64x128xf32, #tpu.memory_space<vmem>>[vector<16xi32>, vector<16xi32>], vector<16xf32>,
      %mul3A_1999 = arith.constant 64 : i32
      %mul3A_2000 = arith.muli %sub3A_1921, %mul3A_1999 : i32
      %add3A_2001 = arith.constant 0 : i32
      %add3A_2002 = arith.addi %mul3A_2000, %add3A_2001 : i32
      %swap3A_2003 = arith.index_cast %add3A_2002 : i32 to index
      %swap3A_2004 = tpu.vector_load %arg8[%swap3A_2003] {strides = array<i32>} : memref<32768xf32, #tpu.memory_space<vmem>>, vector<16xf32>,
      tpu.vector_store %arg8[%swap3A_2003], %gather3A_1998 {strides = array<i32>} : memref<32768xf32, #tpu.memory_space<vmem>>, vector<16xf32>,
      %jit3A_2005 = arith.constant 11 : i32
      %eq3A_2006 = arith.constant 0 : i32
      %eq3A_2007 = arith.cmpi eq, %jit3A_2005, %eq3A_2006 : i32
      %jit3A_2008 = arith.constant 1 : i32
      %select_n3A_2009 = arith.select %eq3A_2007, %jit3A_2008, %jit3A_2005 : i32
      %rem3A_2010 = arith.remsi %sub3A_1921, %select_n3A_2009 : i32
      %ne3A_2011 = arith.constant 0 : i32
      %ne3A_2012 = arith.cmpi ne, %rem3A_2010, %ne3A_2011 : i32
      %lt3A_2013 = arith.constant 0 : i32
      %lt3A_2014 = arith.cmpi slt, %rem3A_2010, %lt3A_2013 : i32
      %lt3A_2015 = arith.constant 0 : i32
      %lt3A_2016 = arith.cmpi slt, %select_n3A_2009, %lt3A_2015 : i32
      %ne3A_2017 = arith.xori %lt3A_2014, %lt3A_2016 : i1
      %and3A_2018 = arith.andi %ne3A_2017, %ne3A_2012 : i1
      %add3A_2019 = arith.addi %rem3A_2010, %select_n3A_2009 : i32
      %select_n3A_2020 = arith.select %and3A_2018, %add3A_2019, %rem3A_2010 : i32
      %add3A_2021 = arith.constant 16 : i32
      %add3A_2022 = vector.broadcast %add3A_2021 : i32 to vector<16xi32>
      %add3A_2023 = arith.addi %iota3A, %add3A_2022 : vector<16xi32>
      %gather3A_2024 = arith.constant 0 : i32
      %gather3A_2025 = arith.constant 0 : i32
      %gather3A_2026 = tpu.memref_slice %arg7[%select_n3A_2020, %gather3A_2024, %gather3A_2025] : memref<11x64x128xf32, #tpu.memory_space<vmem>> -> memref<1x64x128xf32, #tpu.memory_space<vmem>>
      %gather3A_2027 = tpu.memref_squeeze %gather3A_2026 : memref<1x64x128xf32, #tpu.memory_space<vmem>> -> memref<64x128xf32, #tpu.memory_space<vmem>>
      %gather3A_2028 = tpu.vector_load_idx %gather3A_2027[%add3A_2023, %broadcast_in_dim3A_1926] : memref<64x128xf32, #tpu.memory_space<vmem>>[vector<16xi32>, vector<16xi32>], vector<16xf32>,
      %mul3A_2029 = arith.constant 64 : i32
      %mul3A_2030 = arith.muli %sub3A_1921, %mul3A_2029 : i32
      %add3A_2031 = arith.constant 16 : i32
      %add3A_2032 = arith.addi %mul3A_2030, %add3A_2031 : i32
      %swap3A_2033 = arith.index_cast %add3A_2032 : i32 to index
      %swap3A_2034 = tpu.vector_load %arg8[%swap3A_2033] {strides = array<i32>} : memref<32768xf32, #tpu.memory_space<vmem>>, vector<16xf32>,
      tpu.vector_store %arg8[%swap3A_2033], %gather3A_2028 {strides = array<i32>} : memref<32768xf32, #tpu.memory_space<vmem>>, vector<16xf32>,
      %jit3A_2035 = arith.constant 11 : i32
      %eq3A_2036 = arith.constant 0 : i32
      %eq3A_2037 = arith.cmpi eq, %jit3A_2035, %eq3A_2036 : i32
      %jit3A_2038 = arith.constant 1 : i32
      %select_n3A_2039 = arith.select %eq3A_2037, %jit3A_2038, %jit3A_2035 : i32
      %rem3A_2040 = arith.remsi %sub3A_1921, %select_n3A_2039 : i32
      %ne3A_2041 = arith.constant 0 : i32
      %ne3A_2042 = arith.cmpi ne, %rem3A_2040, %ne3A_2041 : i32
      %lt3A_2043 = arith.constant 0 : i32
      %lt3A_2044 = arith.cmpi slt, %rem3A_2040, %lt3A_2043 : i32
      %lt3A_2045 = arith.constant 0 : i32
      %lt3A_2046 = arith.cmpi slt, %select_n3A_2039, %lt3A_2045 : i32
      %ne3A_2047 = arith.xori %lt3A_2044, %lt3A_2046 : i1
      %and3A_2048 = arith.andi %ne3A_2047, %ne3A_2042 : i1
      %add3A_2049 = arith.addi %rem3A_2040, %select_n3A_2039 : i32
      %select_n3A_2050 = arith.select %and3A_2048, %add3A_2049, %rem3A_2040 : i32
      %add3A_2051 = arith.constant 32 : i32
      %add3A_2052 = vector.broadcast %add3A_2051 : i32 to vector<16xi32>
      %add3A_2053 = arith.addi %iota3A, %add3A_2052 : vector<16xi32>
      %gather3A_2054 = arith.constant 0 : i32
      %gather3A_2055 = arith.constant 0 : i32
      %gather3A_2056 = tpu.memref_slice %arg7[%select_n3A_2050, %gather3A_2054, %gather3A_2055] : memref<11x64x128xf32, #tpu.memory_space<vmem>> -> memref<1x64x128xf32, #tpu.memory_space<vmem>>
      %gather3A_2057 = tpu.memref_squeeze %gather3A_2056 : memref<1x64x128xf32, #tpu.memory_space<vmem>> -> memref<64x128xf32, #tpu.memory_space<vmem>>
      %gather3A_2058 = tpu.vector_load_idx %gather3A_2057[%add3A_2053, %broadcast_in_dim3A_1926] : memref<64x128xf32, #tpu.memory_space<vmem>>[vector<16xi32>, vector<16xi32>], vector<16xf32>,
      %mul3A_2059 = arith.constant 64 : i32
      %mul3A_2060 = arith.muli %sub3A_1921, %mul3A_2059 : i32
      %add3A_2061 = arith.constant 32 : i32
      %add3A_2062 = arith.addi %mul3A_2060, %add3A_2061 : i32
      %swap3A_2063 = arith.index_cast %add3A_2062 : i32 to index
      %swap3A_2064 = tpu.vector_load %arg8[%swap3A_2063] {strides = array<i32>} : memref<32768xf32, #tpu.memory_space<vmem>>, vector<16xf32>,
      tpu.vector_store %arg8[%swap3A_2063], %gather3A_2058 {strides = array<i32>} : memref<32768xf32, #tpu.memory_space<vmem>>, vector<16xf32>,
      %jit3A_2065 = arith.constant 11 : i32
      %eq3A_2066 = arith.constant 0 : i32
      %eq3A_2067 = arith.cmpi eq, %jit3A_2065, %eq3A_2066 : i32
      %jit3A_2068 = arith.constant 1 : i32
      %select_n3A_2069 = arith.select %eq3A_2067, %jit3A_2068, %jit3A_2065 : i32
      %rem3A_2070 = arith.remsi %sub3A_1921, %select_n3A_2069 : i32
      %ne3A_2071 = arith.constant 0 : i32
      %ne3A_2072 = arith.cmpi ne, %rem3A_2070, %ne3A_2071 : i32
      %lt3A_2073 = arith.constant 0 : i32
      %lt3A_2074 = arith.cmpi slt, %rem3A_2070, %lt3A_2073 : i32
      %lt3A_2075 = arith.constant 0 : i32
      %lt3A_2076 = arith.cmpi slt, %select_n3A_2069, %lt3A_2075 : i32
      %ne3A_2077 = arith.xori %lt3A_2074, %lt3A_2076 : i1
      %and3A_2078 = arith.andi %ne3A_2077, %ne3A_2072 : i1
      %add3A_2079 = arith.addi %rem3A_2070, %select_n3A_2069 : i32
      %select_n3A_2080 = arith.select %and3A_2078, %add3A_2079, %rem3A_2070 : i32
      %add3A_2081 = arith.constant 48 : i32
      %add3A_2082 = vector.broadcast %add3A_2081 : i32 to vector<16xi32>
      %add3A_2083 = arith.addi %iota3A, %add3A_2082 : vector<16xi32>
      %gather3A_2084 = arith.constant 0 : i32
      %gather3A_2085 = arith.constant 0 : i32
      %gather3A_2086 = tpu.memref_slice %arg7[%select_n3A_2080, %gather3A_2084, %gather3A_2085] : memref<11x64x128xf32, #tpu.memory_space<vmem>> -> memref<1x64x128xf32, #tpu.memory_space<vmem>>
      %gather3A_2087 = tpu.memref_squeeze %gather3A_2086 : memref<1x64x128xf32, #tpu.memory_space<vmem>> -> memref<64x128xf32, #tpu.memory_space<vmem>>
      %gather3A_2088 = tpu.vector_load_idx %gather3A_2087[%add3A_2083, %broadcast_in_dim3A_1926] : memref<64x128xf32, #tpu.memory_space<vmem>>[vector<16xi32>, vector<16xi32>], vector<16xf32>,
      %mul3A_2089 = arith.constant 64 : i32
      %mul3A_2090 = arith.muli %sub3A_1921, %mul3A_2089 : i32
      %add3A_2091 = arith.constant 48 : i32
      %add3A_2092 = arith.addi %mul3A_2090, %add3A_2091 : i32
      %swap3A_2093 = arith.index_cast %add3A_2092 : i32 to index
      %swap3A_2094 = tpu.vector_load %arg8[%swap3A_2093] {strides = array<i32>} : memref<32768xf32, #tpu.memory_space<vmem>>, vector<16xf32>,
      tpu.vector_store %arg8[%swap3A_2093], %gather3A_2088 {strides = array<i32>} : memref<32768xf32, #tpu.memory_space<vmem>>, vector<16xf32>,
    }
    %scan3A_7 = arith.constant 32 : i32
    %get3A = arith.constant 496 : index
    %get3A_8 = tpu.vector_load %arg6[%get3A] {strides = array<i32>} : memref<512xi32, #tpu.memory_space<vmem>>, vector<16xi32>,
    %slice3A = vector.extract_strided_slice %get3A_8 {offsets = [6], sizes = [1], strides = [1]} : vector<16xi32> to vector<1xi32>
    %squeeze3A = vector.extract %slice3A[0] : i32 from vector<1xi32>
    %and3A = arith.constant 127 : i32
    %and3A_9 = arith.andi %squeeze3A, %and3A : i32
    %broadcast_in_dim3A = vector.broadcast %and3A_9 : i32 to vector<16xi32>
    %dma_wait3A = arith.constant 7 : i32
    %dma_wait3A_10 = arith.constant 7 : i32
    %dma_wait3A_11 = arith.constant 0 : i32
    %dma_wait3A_12 = arith.constant 0 : i32
    %dma_wait3A_13 = tpu.memref_slice %arg7[%dma_wait3A, %dma_wait3A_11, %dma_wait3A_12] : memref<11x64x128xf32, #tpu.memory_space<vmem>> -> memref<1x64x128xf32, #tpu.memory_space<vmem>>
    %dma_wait3A_14 = tpu.memref_squeeze %dma_wait3A_13 : memref<1x64x128xf32, #tpu.memory_space<vmem>> -> memref<64x128xf32, #tpu.memory_space<vmem>>
    %dma_wait3A_15 = arith.constant 0 : i32
    %dma_wait3A_16 = arith.constant 0 : i32
    %dma_wait3A_17 = tpu.memref_slice %arg2[%dma_wait3A_15, %dma_wait3A_16] : memref<64x1000000xf32, #tpu.memory_space<hbm>> -> memref<64x128xf32, #tpu.memory_space<hbm>>
    %dma_wait3A_18 = tpu.memref_slice %arg9[%dma_wait3A_10] : memref<11x!tpu.dma_semaphore, #tpu.memory_space<semaphore_mem>> -> memref<1x!tpu.dma_semaphore, #tpu.memory_space<semaphore_mem>>
    %dma_wait3A_19 = tpu.memref_squeeze %dma_wait3A_18 : memref<1x!tpu.dma_semaphore, #tpu.memory_space<semaphore_mem>> -> memref<!tpu.dma_semaphore, #tpu.memory_space<semaphore_mem>>
    %dma_wait3A_20 = arith.constant 0 : i32
    %dma_wait3A_21 = arith.constant 0 : i32
    %dma_wait3A_22 = tpu.memref_slice %arg7[%dma_wait3A, %dma_wait3A_20, %dma_wait3A_21] : memref<11x64x128xf32, #tpu.memory_space<vmem>> -> memref<1x64x128xf32, #tpu.memory_space<vmem>>
    %dma_wait3A_23 = tpu.memref_squeeze %dma_wait3A_22 : memref<1x64x128xf32, #tpu.memory_space<vmem>> -> memref<64x128xf32, #tpu.memory_space<vmem>>
    %dma_wait3A_24 = arith.constant 0 : i32
    %dma_wait3A_25 = arith.constant 0 : i32
    %dma_wait3A_26 = tpu.memref_slice %arg2[%dma_wait3A_24, %dma_wait3A_25] : memref<64x1000000xf32, #tpu.memory_space<hbm>> -> memref<64x128xf32, #tpu.memory_space<hbm>>
    tpu.wait_dma2 semaphore(%dma_wait3A_19 : memref<!tpu.dma_semaphore, #tpu.memory_space<semaphore_mem>>) src(%dma_wait3A_26 : memref<64x128xf32, #tpu.memory_space<hbm>>) dst(%dma_wait3A_23 : memref<64x128xf32, #tpu.memory_space<vmem>>)
    %add3A_27 = arith.constant 0 : i32
    %add3A_28 = vector.broadcast %add3A_27 : i32 to vector<16xi32>
    %add3A_29 = arith.addi %iota3A, %add3A_28 : vector<16xi32>
    %gather3A = arith.constant 7 : i32
    %gather3A_30 = arith.constant 0 : i32
    %gather3A_31 = arith.constant 0 : i32
    %gather3A_32 = tpu.memref_slice %arg7[%gather3A, %gather3A_30, %gather3A_31] : memref<11x64x128xf32, #tpu.memory_space<vmem>> -> memref<1x64x128xf32, #tpu.memory_space<vmem>>
    %gather3A_33 = tpu.memref_squeeze %gather3A_32 : memref<1x64x128xf32, #tpu.memory_space<vmem>> -> memref<64x128xf32, #tpu.memory_space<vmem>>
    %gather3A_34 = tpu.vector_load_idx %gather3A_33[%add3A_29, %broadcast_in_dim3A] : memref<64x128xf32, #tpu.memory_space<vmem>>[vector<16xi32>, vector<16xi32>], vector<16xf32>,
    %swap3A = arith.constant 32128 : index
    %swap3A_35 = tpu.vector_load %arg8[%swap3A] {strides = array<i32>} : memref<32768xf32, #tpu.memory_space<vmem>>, vector<16xf32>,
    tpu.vector_store %arg8[%swap3A], %gather3A_34 {strides = array<i32>} : memref<32768xf32, #tpu.memory_space<vmem>>, vector<16xf32>,
    %add3A_36 = arith.constant 16 : i32
    %add3A_37 = vector.broadcast %add3A_36 : i32 to vector<16xi32>
    %add3A_38 = arith.addi %iota3A, %add3A_37 : vector<16xi32>
    %gather3A_39 = arith.constant 7 : i32
    %gather3A_40 = arith.constant 0 : i32
    %gather3A_41 = arith.constant 0 : i32
    %gather3A_42 = tpu.memref_slice %arg7[%gather3A_39, %gather3A_40, %gather3A_41] : memref<11x64x128xf32, #tpu.memory_space<vmem>> -> memref<1x64x128xf32, #tpu.memory_space<vmem>>
    %gather3A_43 = tpu.memref_squeeze %gather3A_42 : memref<1x64x128xf32, #tpu.memory_space<vmem>> -> memref<64x128xf32, #tpu.memory_space<vmem>>
    %gather3A_44 = tpu.vector_load_idx %gather3A_43[%add3A_38, %broadcast_in_dim3A] : memref<64x128xf32, #tpu.memory_space<vmem>>[vector<16xi32>, vector<16xi32>], vector<16xf32>,
    %swap3A_45 = arith.constant 32144 : index
    %swap3A_46 = tpu.vector_load %arg8[%swap3A_45] {strides = array<i32>} : memref<32768xf32, #tpu.memory_space<vmem>>, vector<16xf32>,
    tpu.vector_store %arg8[%swap3A_45], %gather3A_44 {strides = array<i32>} : memref<32768xf32, #tpu.memory_space<vmem>>, vector<16xf32>,
    %add3A_47 = arith.constant 32 : i32
    %add3A_48 = vector.broadcast %add3A_47 : i32 to vector<16xi32>
    %add3A_49 = arith.addi %iota3A, %add3A_48 : vector<16xi32>
    %gather3A_50 = arith.constant 7 : i32
    %gather3A_51 = arith.constant 0 : i32
    %gather3A_52 = arith.constant 0 : i32
    %gather3A_53 = tpu.memref_slice %arg7[%gather3A_50, %gather3A_51, %gather3A_52] : memref<11x64x128xf32, #tpu.memory_space<vmem>> -> memref<1x64x128xf32, #tpu.memory_space<vmem>>
    %gather3A_54 = tpu.memref_squeeze %gather3A_53 : memref<1x64x128xf32, #tpu.memory_space<vmem>> -> memref<64x128xf32, #tpu.memory_space<vmem>>
    %gather3A_55 = tpu.vector_load_idx %gather3A_54[%add3A_49, %broadcast_in_dim3A] : memref<64x128xf32, #tpu.memory_space<vmem>>[vector<16xi32>, vector<16xi32>], vector<16xf32>,
    %swap3A_56 = arith.constant 32160 : index
    %swap3A_57 = tpu.vector_load %arg8[%swap3A_56] {strides = array<i32>} : memref<32768xf32, #tpu.memory_space<vmem>>, vector<16xf32>,
    tpu.vector_store %arg8[%swap3A_56], %gather3A_55 {strides = array<i32>} : memref<32768xf32, #tpu.memory_space<vmem>>, vector<16xf32>,
    %add3A_58 = arith.constant 48 : i32
    %add3A_59 = vector.broadcast %add3A_58 : i32 to vector<16xi32>
    %add3A_60 = arith.addi %iota3A, %add3A_59 : vector<16xi32>
    %gather3A_61 = arith.constant 7 : i32
    %gather3A_62 = arith.constant 0 : i32
    %gather3A_63 = arith.constant 0 : i32
    %gather3A_64 = tpu.memref_slice %arg7[%gather3A_61, %gather3A_62, %gather3A_63] : memref<11x64x128xf32, #tpu.memory_space<vmem>> -> memref<1x64x128xf32, #tpu.memory_space<vmem>>
    %gather3A_65 = tpu.memref_squeeze %gather3A_64 : memref<1x64x128xf32, #tpu.memory_space<vmem>> -> memref<64x128xf32, #tpu.memory_space<vmem>>
    %gather3A_66 = tpu.vector_load_idx %gather3A_65[%add3A_60, %broadcast_in_dim3A] : memref<64x128xf32, #tpu.memory_space<vmem>>[vector<16xi32>, vector<16xi32>], vector<16xf32>,
    %swap3A_67 = arith.constant 32176 : index
    %swap3A_68 = tpu.vector_load %arg8[%swap3A_67] {strides = array<i32>} : memref<32768xf32, #tpu.memory_space<vmem>>, vector<16xf32>,
    tpu.vector_store %arg8[%swap3A_67], %gather3A_66 {strides = array<i32>} : memref<32768xf32, #tpu.memory_space<vmem>>, vector<16xf32>,
    %slice3A_69 = vector.extract_strided_slice %get3A_8 {offsets = [7], sizes = [1], strides = [1]} : vector<16xi32> to vector<1xi32>
    %squeeze3A_70 = vector.extract %slice3A_69[0] : i32 from vector<1xi32>
    %and3A_71 = arith.constant 127 : i32
    %and3A_72 = arith.andi %squeeze3A_70, %and3A_71 : i32
    %broadcast_in_dim3A_73 = vector.broadcast %and3A_72 : i32 to vector<16xi32>
    %dma_wait3A_74 = arith.constant 8 : i32
    %dma_wait3A_75 = arith.constant 8 : i32
    %dma_wait3A_76 = arith.constant 0 : i32
    %dma_wait3A_77 = arith.constant 0 : i32
    %dma_wait3A_78 = tpu.memref_slice %arg7[%dma_wait3A_74, %dma_wait3A_76, %dma_wait3A_77] : memref<11x64x128xf32, #tpu.memory_space<vmem>> -> memref<1x64x128xf32, #tpu.memory_space<vmem>>
    %dma_wait3A_79 = tpu.memref_squeeze %dma_wait3A_78 : memref<1x64x128xf32, #tpu.memory_space<vmem>> -> memref<64x128xf32, #tpu.memory_space<vmem>>
    %dma_wait3A_80 = arith.constant 0 : i32
    %dma_wait3A_81 = arith.constant 0 : i32
    %dma_wait3A_82 = tpu.memref_slice %arg2[%dma_wait3A_80, %dma_wait3A_81] : memref<64x1000000xf32, #tpu.memory_space<hbm>> -> memref<64x128xf32, #tpu.memory_space<hbm>>
    %dma_wait3A_83 = tpu.memref_slice %arg9[%dma_wait3A_75] : memref<11x!tpu.dma_semaphore, #tpu.memory_space<semaphore_mem>> -> memref<1x!tpu.dma_semaphore, #tpu.memory_space<semaphore_mem>>
    %dma_wait3A_84 = tpu.memref_squeeze %dma_wait3A_83 : memref<1x!tpu.dma_semaphore, #tpu.memory_space<semaphore_mem>> -> memref<!tpu.dma_semaphore, #tpu.memory_space<semaphore_mem>>
    %dma_wait3A_85 = arith.constant 0 : i32
    %dma_wait3A_86 = arith.constant 0 : i32
    %dma_wait3A_87 = tpu.memref_slice %arg7[%dma_wait3A_74, %dma_wait3A_85, %dma_wait3A_86] : memref<11x64x128xf32, #tpu.memory_space<vmem>> -> memref<1x64x128xf32, #tpu.memory_space<vmem>>
    %dma_wait3A_88 = tpu.memref_squeeze %dma_wait3A_87 : memref<1x64x128xf32, #tpu.memory_space<vmem>> -> memref<64x128xf32, #tpu.memory_space<vmem>>
    %dma_wait3A_89 = arith.constant 0 : i32
    %dma_wait3A_90 = arith.constant 0 : i32
    %dma_wait3A_91 = tpu.memref_slice %arg2[%dma_wait3A_89, %dma_wait3A_90] : memref<64x1000000xf32, #tpu.memory_space<hbm>> -> memref<64x128xf32, #tpu.memory_space<hbm>>
    tpu.wait_dma2 semaphore(%dma_wait3A_84 : memref<!tpu.dma_semaphore, #tpu.memory_space<semaphore_mem>>) src(%dma_wait3A_91 : memref<64x128xf32, #tpu.memory_space<hbm>>) dst(%dma_wait3A_88 : memref<64x128xf32, #tpu.memory_space<vmem>>)
    %add3A_92 = arith.constant 0 : i32
    %add3A_93 = vector.broadcast %add3A_92 : i32 to vector<16xi32>
    %add3A_94 = arith.addi %iota3A, %add3A_93 : vector<16xi32>
    %gather3A_95 = arith.constant 8 : i32
    %gather3A_96 = arith.constant 0 : i32
    %gather3A_97 = arith.constant 0 : i32
    %gather3A_98 = tpu.memref_slice %arg7[%gather3A_95, %gather3A_96, %gather3A_97] : memref<11x64x128xf32, #tpu.memory_space<vmem>> -> memref<1x64x128xf32, #tpu.memory_space<vmem>>
    %gather3A_99 = tpu.memref_squeeze %gather3A_98 : memref<1x64x128xf32, #tpu.memory_space<vmem>> -> memref<64x128xf32, #tpu.memory_space<vmem>>
    %gather3A_100 = tpu.vector_load_idx %gather3A_99[%add3A_94, %broadcast_in_dim3A_73] : memref<64x128xf32, #tpu.memory_space<vmem>>[vector<16xi32>, vector<16xi32>], vector<16xf32>,
    %swap3A_101 = arith.constant 32192 : index
    %swap3A_102 = tpu.vector_load %arg8[%swap3A_101] {strides = array<i32>} : memref<32768xf32, #tpu.memory_space<vmem>>, vector<16xf32>,
    tpu.vector_store %arg8[%swap3A_101], %gather3A_100 {strides = array<i32>} : memref<32768xf32, #tpu.memory_space<vmem>>, vector<16xf32>,
    %add3A_103 = arith.constant 16 : i32
    %add3A_104 = vector.broadcast %add3A_103 : i32 to vector<16xi32>
    %add3A_105 = arith.addi %iota3A, %add3A_104 : vector<16xi32>
    %gather3A_106 = arith.constant 8 : i32
    %gather3A_107 = arith.constant 0 : i32
    %gather3A_108 = arith.constant 0 : i32
    %gather3A_109 = tpu.memref_slice %arg7[%gather3A_106, %gather3A_107, %gather3A_108] : memref<11x64x128xf32, #tpu.memory_space<vmem>> -> memref<1x64x128xf32, #tpu.memory_space<vmem>>
    %gather3A_110 = tpu.memref_squeeze %gather3A_109 : memref<1x64x128xf32, #tpu.memory_space<vmem>> -> memref<64x128xf32, #tpu.memory_space<vmem>>
    %gather3A_111 = tpu.vector_load_idx %gather3A_110[%add3A_105, %broadcast_in_dim3A_73] : memref<64x128xf32, #tpu.memory_space<vmem>>[vector<16xi32>, vector<16xi32>], vector<16xf32>,
    %swap3A_112 = arith.constant 32208 : index
    %swap3A_113 = tpu.vector_load %arg8[%swap3A_112] {strides = array<i32>} : memref<32768xf32, #tpu.memory_space<vmem>>, vector<16xf32>,
    tpu.vector_store %arg8[%swap3A_112], %gather3A_111 {strides = array<i32>} : memref<32768xf32, #tpu.memory_space<vmem>>, vector<16xf32>,
    %add3A_114 = arith.constant 32 : i32
    %add3A_115 = vector.broadcast %add3A_114 : i32 to vector<16xi32>
    %add3A_116 = arith.addi %iota3A, %add3A_115 : vector<16xi32>
    %gather3A_117 = arith.constant 8 : i32
    %gather3A_118 = arith.constant 0 : i32
    %gather3A_119 = arith.constant 0 : i32
    %gather3A_120 = tpu.memref_slice %arg7[%gather3A_117, %gather3A_118, %gather3A_119] : memref<11x64x128xf32, #tpu.memory_space<vmem>> -> memref<1x64x128xf32, #tpu.memory_space<vmem>>
    %gather3A_121 = tpu.memref_squeeze %gather3A_120 : memref<1x64x128xf32, #tpu.memory_space<vmem>> -> memref<64x128xf32, #tpu.memory_space<vmem>>
    %gather3A_122 = tpu.vector_load_idx %gather3A_121[%add3A_116, %broadcast_in_dim3A_73] : memref<64x128xf32, #tpu.memory_space<vmem>>[vector<16xi32>, vector<16xi32>], vector<16xf32>,
    %swap3A_123 = arith.constant 32224 : index
    %swap3A_124 = tpu.vector_load %arg8[%swap3A_123] {strides = array<i32>} : memref<32768xf32, #tpu.memory_space<vmem>>, vector<16xf32>,
    tpu.vector_store %arg8[%swap3A_123], %gather3A_122 {strides = array<i32>} : memref<32768xf32, #tpu.memory_space<vmem>>, vector<16xf32>,
    %add3A_125 = arith.constant 48 : i32
    %add3A_126 = vector.broadcast %add3A_125 : i32 to vector<16xi32>
    %add3A_127 = arith.addi %iota3A, %add3A_126 : vector<16xi32>
    %gather3A_128 = arith.constant 8 : i32
    %gather3A_129 = arith.constant 0 : i32
    %gather3A_130 = arith.constant 0 : i32
    %gather3A_131 = tpu.memref_slice %arg7[%gather3A_128, %gather3A_129, %gather3A_130] : memref<11x64x128xf32, #tpu.memory_space<vmem>> -> memref<1x64x128xf32, #tpu.memory_space<vmem>>
    %gather3A_132 = tpu.memref_squeeze %gather3A_131 : memref<1x64x128xf32, #tpu.memory_space<vmem>> -> memref<64x128xf32, #tpu.memory_space<vmem>>
    %gather3A_133 = tpu.vector_load_idx %gather3A_132[%add3A_127, %broadcast_in_dim3A_73] : memref<64x128xf32, #tpu.memory_space<vmem>>[vector<16xi32>, vector<16xi32>], vector<16xf32>,
    %swap3A_134 = arith.constant 32240 : index
    %swap3A_135 = tpu.vector_load %arg8[%swap3A_134] {strides = array<i32>} : memref<32768xf32, #tpu.memory_space<vmem>>, vector<16xf32>,
    tpu.vector_store %arg8[%swap3A_134], %gather3A_133 {strides = array<i32>} : memref<32768xf32, #tpu.memory_space<vmem>>, vector<16xf32>,
    %slice3A_136 = vector.extract_strided_slice %get3A_8 {offsets = [8], sizes = [1], strides = [1]} : vector<16xi32> to vector<1xi32>
    %squeeze3A_137 = vector.extract %slice3A_136[0] : i32 from vector<1xi32>
    %and3A_138 = arith.constant 127 : i32
    %and3A_139 = arith.andi %squeeze3A_137, %and3A_138 : i32
    %broadcast_in_dim3A_140 = vector.broadcast %and3A_139 : i32 to vector<16xi32>
    %dma_wait3A_141 = arith.constant 9 : i32
    %dma_wait3A_142 = arith.constant 9 : i32
    %dma_wait3A_143 = arith.constant 0 : i32
    %dma_wait3A_144 = arith.constant 0 : i32
    %dma_wait3A_145 = tpu.memref_slice %arg7[%dma_wait3A_141, %dma_wait3A_143, %dma_wait3A_144] : memref<11x64x128xf32, #tpu.memory_space<vmem>> -> memref<1x64x128xf32, #tpu.memory_space<vmem>>
    %dma_wait3A_146 = tpu.memref_squeeze %dma_wait3A_145 : memref<1x64x128xf32, #tpu.memory_space<vmem>> -> memref<64x128xf32, #tpu.memory_space<vmem>>
    %dma_wait3A_147 = arith.constant 0 : i32
    %dma_wait3A_148 = arith.constant 0 : i32
    %dma_wait3A_149 = tpu.memref_slice %arg2[%dma_wait3A_147, %dma_wait3A_148] : memref<64x1000000xf32, #tpu.memory_space<hbm>> -> memref<64x128xf32, #tpu.memory_space<hbm>>
    %dma_wait3A_150 = tpu.memref_slice %arg9[%dma_wait3A_142] : memref<11x!tpu.dma_semaphore, #tpu.memory_space<semaphore_mem>> -> memref<1x!tpu.dma_semaphore, #tpu.memory_space<semaphore_mem>>
    %dma_wait3A_151 = tpu.memref_squeeze %dma_wait3A_150 : memref<1x!tpu.dma_semaphore, #tpu.memory_space<semaphore_mem>> -> memref<!tpu.dma_semaphore, #tpu.memory_space<semaphore_mem>>
    %dma_wait3A_152 = arith.constant 0 : i32
    %dma_wait3A_153 = arith.constant 0 : i32
    %dma_wait3A_154 = tpu.memref_slice %arg7[%dma_wait3A_141, %dma_wait3A_152, %dma_wait3A_153] : memref<11x64x128xf32, #tpu.memory_space<vmem>> -> memref<1x64x128xf32, #tpu.memory_space<vmem>>
    %dma_wait3A_155 = tpu.memref_squeeze %dma_wait3A_154 : memref<1x64x128xf32, #tpu.memory_space<vmem>> -> memref<64x128xf32, #tpu.memory_space<vmem>>
    %dma_wait3A_156 = arith.constant 0 : i32
    %dma_wait3A_157 = arith.constant 0 : i32
    %dma_wait3A_158 = tpu.memref_slice %arg2[%dma_wait3A_156, %dma_wait3A_157] : memref<64x1000000xf32, #tpu.memory_space<hbm>> -> memref<64x128xf32, #tpu.memory_space<hbm>>
    tpu.wait_dma2 semaphore(%dma_wait3A_151 : memref<!tpu.dma_semaphore, #tpu.memory_space<semaphore_mem>>) src(%dma_wait3A_158 : memref<64x128xf32, #tpu.memory_space<hbm>>) dst(%dma_wait3A_155 : memref<64x128xf32, #tpu.memory_space<vmem>>)
    %add3A_159 = arith.constant 0 : i32
    %add3A_160 = vector.broadcast %add3A_159 : i32 to vector<16xi32>
    %add3A_161 = arith.addi %iota3A, %add3A_160 : vector<16xi32>
    %gather3A_162 = arith.constant 9 : i32
    %gather3A_163 = arith.constant 0 : i32
    %gather3A_164 = arith.constant 0 : i32
    %gather3A_165 = tpu.memref_slice %arg7[%gather3A_162, %gather3A_163, %gather3A_164] : memref<11x64x128xf32, #tpu.memory_space<vmem>> -> memref<1x64x128xf32, #tpu.memory_space<vmem>>
    %gather3A_166 = tpu.memref_squeeze %gather3A_165 : memref<1x64x128xf32, #tpu.memory_space<vmem>> -> memref<64x128xf32, #tpu.memory_space<vmem>>
    %gather3A_167 = tpu.vector_load_idx %gather3A_166[%add3A_161, %broadcast_in_dim3A_140] : memref<64x128xf32, #tpu.memory_space<vmem>>[vector<16xi32>, vector<16xi32>], vector<16xf32>,
    %swap3A_168 = arith.constant 32256 : index
    %swap3A_169 = tpu.vector_load %arg8[%swap3A_168] {strides = array<i32>} : memref<32768xf32, #tpu.memory_space<vmem>>, vector<16xf32>,
    tpu.vector_store %arg8[%swap3A_168], %gather3A_167 {strides = array<i32>} : memref<32768xf32, #tpu.memory_space<vmem>>, vector<16xf32>,
    %add3A_170 = arith.constant 16 : i32
    %add3A_171 = vector.broadcast %add3A_170 : i32 to vector<16xi32>
    %add3A_172 = arith.addi %iota3A, %add3A_171 : vector<16xi32>
    %gather3A_173 = arith.constant 9 : i32
    %gather3A_174 = arith.constant 0 : i32
    %gather3A_175 = arith.constant 0 : i32
    %gather3A_176 = tpu.memref_slice %arg7[%gather3A_173, %gather3A_174, %gather3A_175] : memref<11x64x128xf32, #tpu.memory_space<vmem>> -> memref<1x64x128xf32, #tpu.memory_space<vmem>>
    %gather3A_177 = tpu.memref_squeeze %gather3A_176 : memref<1x64x128xf32, #tpu.memory_space<vmem>> -> memref<64x128xf32, #tpu.memory_space<vmem>>
    %gather3A_178 = tpu.vector_load_idx %gather3A_177[%add3A_172, %broadcast_in_dim3A_140] : memref<64x128xf32, #tpu.memory_space<vmem>>[vector<16xi32>, vector<16xi32>], vector<16xf32>,
    %swap3A_179 = arith.constant 32272 : index
    %swap3A_180 = tpu.vector_load %arg8[%swap3A_179] {strides = array<i32>} : memref<32768xf32, #tpu.memory_space<vmem>>, vector<16xf32>,
    tpu.vector_store %arg8[%swap3A_179], %gather3A_178 {strides = array<i32>} : memref<32768xf32, #tpu.memory_space<vmem>>, vector<16xf32>,
    %add3A_181 = arith.constant 32 : i32
    %add3A_182 = vector.broadcast %add3A_181 : i32 to vector<16xi32>
    %add3A_183 = arith.addi %iota3A, %add3A_182 : vector<16xi32>
    %gather3A_184 = arith.constant 9 : i32
    %gather3A_185 = arith.constant 0 : i32
    %gather3A_186 = arith.constant 0 : i32
    %gather3A_187 = tpu.memref_slice %arg7[%gather3A_184, %gather3A_185, %gather3A_186] : memref<11x64x128xf32, #tpu.memory_space<vmem>> -> memref<1x64x128xf32, #tpu.memory_space<vmem>>
    %gather3A_188 = tpu.memref_squeeze %gather3A_187 : memref<1x64x128xf32, #tpu.memory_space<vmem>> -> memref<64x128xf32, #tpu.memory_space<vmem>>
    %gather3A_189 = tpu.vector_load_idx %gather3A_188[%add3A_183, %broadcast_in_dim3A_140] : memref<64x128xf32, #tpu.memory_space<vmem>>[vector<16xi32>, vector<16xi32>], vector<16xf32>,
    %swap3A_190 = arith.constant 32288 : index
    %swap3A_191 = tpu.vector_load %arg8[%swap3A_190] {strides = array<i32>} : memref<32768xf32, #tpu.memory_space<vmem>>, vector<16xf32>,
    tpu.vector_store %arg8[%swap3A_190], %gather3A_189 {strides = array<i32>} : memref<32768xf32, #tpu.memory_space<vmem>>, vector<16xf32>,
    %add3A_192 = arith.constant 48 : i32
    %add3A_193 = vector.broadcast %add3A_192 : i32 to vector<16xi32>
    %add3A_194 = arith.addi %iota3A, %add3A_193 : vector<16xi32>
    %gather3A_195 = arith.constant 9 : i32
    %gather3A_196 = arith.constant 0 : i32
    %gather3A_197 = arith.constant 0 : i32
    %gather3A_198 = tpu.memref_slice %arg7[%gather3A_195, %gather3A_196, %gather3A_197] : memref<11x64x128xf32, #tpu.memory_space<vmem>> -> memref<1x64x128xf32, #tpu.memory_space<vmem>>
    %gather3A_199 = tpu.memref_squeeze %gather3A_198 : memref<1x64x128xf32, #tpu.memory_space<vmem>> -> memref<64x128xf32, #tpu.memory_space<vmem>>
    %gather3A_200 = tpu.vector_load_idx %gather3A_199[%add3A_194, %broadcast_in_dim3A_140] : memref<64x128xf32, #tpu.memory_space<vmem>>[vector<16xi32>, vector<16xi32>], vector<16xf32>,
    %swap3A_201 = arith.constant 32304 : index
    %swap3A_202 = tpu.vector_load %arg8[%swap3A_201] {strides = array<i32>} : memref<32768xf32, #tpu.memory_space<vmem>>, vector<16xf32>,
    tpu.vector_store %arg8[%swap3A_201], %gather3A_200 {strides = array<i32>} : memref<32768xf32, #tpu.memory_space<vmem>>, vector<16xf32>,
    %slice3A_203 = vector.extract_strided_slice %get3A_8 {offsets = [9], sizes = [1], strides = [1]} : vector<16xi32> to vector<1xi32>
    %squeeze3A_204 = vector.extract %slice3A_203[0] : i32 from vector<1xi32>
    %and3A_205 = arith.constant 127 : i32
    %and3A_206 = arith.andi %squeeze3A_204, %and3A_205 : i32
    %broadcast_in_dim3A_207 = vector.broadcast %and3A_206 : i32 to vector<16xi32>
    %dma_wait3A_208 = arith.constant 10 : i32
    %dma_wait3A_209 = arith.constant 10 : i32
    %dma_wait3A_210 = arith.constant 0 : i32
    %dma_wait3A_211 = arith.constant 0 : i32
    %dma_wait3A_212 = tpu.memref_slice %arg7[%dma_wait3A_208, %dma_wait3A_210, %dma_wait3A_211] : memref<11x64x128xf32, #tpu.memory_space<vmem>> -> memref<1x64x128xf32, #tpu.memory_space<vmem>>
    %dma_wait3A_213 = tpu.memref_squeeze %dma_wait3A_212 : memref<1x64x128xf32, #tpu.memory_space<vmem>> -> memref<64x128xf32, #tpu.memory_space<vmem>>
    %dma_wait3A_214 = arith.constant 0 : i32
    %dma_wait3A_215 = arith.constant 0 : i32
    %dma_wait3A_216 = tpu.memref_slice %arg2[%dma_wait3A_214, %dma_wait3A_215] : memref<64x1000000xf32, #tpu.memory_space<hbm>> -> memref<64x128xf32, #tpu.memory_space<hbm>>
    %dma_wait3A_217 = tpu.memref_slice %arg9[%dma_wait3A_209] : memref<11x!tpu.dma_semaphore, #tpu.memory_space<semaphore_mem>> -> memref<1x!tpu.dma_semaphore, #tpu.memory_space<semaphore_mem>>
    %dma_wait3A_218 = tpu.memref_squeeze %dma_wait3A_217 : memref<1x!tpu.dma_semaphore, #tpu.memory_space<semaphore_mem>> -> memref<!tpu.dma_semaphore, #tpu.memory_space<semaphore_mem>>
    %dma_wait3A_219 = arith.constant 0 : i32
    %dma_wait3A_220 = arith.constant 0 : i32
    %dma_wait3A_221 = tpu.memref_slice %arg7[%dma_wait3A_208, %dma_wait3A_219, %dma_wait3A_220] : memref<11x64x128xf32, #tpu.memory_space<vmem>> -> memref<1x64x128xf32, #tpu.memory_space<vmem>>
    %dma_wait3A_222 = tpu.memref_squeeze %dma_wait3A_221 : memref<1x64x128xf32, #tpu.memory_space<vmem>> -> memref<64x128xf32, #tpu.memory_space<vmem>>
    %dma_wait3A_223 = arith.constant 0 : i32
    %dma_wait3A_224 = arith.constant 0 : i32
    %dma_wait3A_225 = tpu.memref_slice %arg2[%dma_wait3A_223, %dma_wait3A_224] : memref<64x1000000xf32, #tpu.memory_space<hbm>> -> memref<64x128xf32, #tpu.memory_space<hbm>>
    tpu.wait_dma2 semaphore(%dma_wait3A_218 : memref<!tpu.dma_semaphore, #tpu.memory_space<semaphore_mem>>) src(%dma_wait3A_225 : memref<64x128xf32, #tpu.memory_space<hbm>>) dst(%dma_wait3A_222 : memref<64x128xf32, #tpu.memory_space<vmem>>)
    %add3A_226 = arith.constant 0 : i32
    %add3A_227 = vector.broadcast %add3A_226 : i32 to vector<16xi32>
    %add3A_228 = arith.addi %iota3A, %add3A_227 : vector<16xi32>
    %gather3A_229 = arith.constant 10 : i32
    %gather3A_230 = arith.constant 0 : i32
    %gather3A_231 = arith.constant 0 : i32
    %gather3A_232 = tpu.memref_slice %arg7[%gather3A_229, %gather3A_230, %gather3A_231] : memref<11x64x128xf32, #tpu.memory_space<vmem>> -> memref<1x64x128xf32, #tpu.memory_space<vmem>>
    %gather3A_233 = tpu.memref_squeeze %gather3A_232 : memref<1x64x128xf32, #tpu.memory_space<vmem>> -> memref<64x128xf32, #tpu.memory_space<vmem>>
    %gather3A_234 = tpu.vector_load_idx %gather3A_233[%add3A_228, %broadcast_in_dim3A_207] : memref<64x128xf32, #tpu.memory_space<vmem>>[vector<16xi32>, vector<16xi32>], vector<16xf32>,
    %swap3A_235 = arith.constant 32320 : index
    %swap3A_236 = tpu.vector_load %arg8[%swap3A_235] {strides = array<i32>} : memref<32768xf32, #tpu.memory_space<vmem>>, vector<16xf32>,
    tpu.vector_store %arg8[%swap3A_235], %gather3A_234 {strides = array<i32>} : memref<32768xf32, #tpu.memory_space<vmem>>, vector<16xf32>,
    %add3A_237 = arith.constant 16 : i32
    %add3A_238 = vector.broadcast %add3A_237 : i32 to vector<16xi32>
    %add3A_239 = arith.addi %iota3A, %add3A_238 : vector<16xi32>
    %gather3A_240 = arith.constant 10 : i32
    %gather3A_241 = arith.constant 0 : i32
    %gather3A_242 = arith.constant 0 : i32
    %gather3A_243 = tpu.memref_slice %arg7[%gather3A_240, %gather3A_241, %gather3A_242] : memref<11x64x128xf32, #tpu.memory_space<vmem>> -> memref<1x64x128xf32, #tpu.memory_space<vmem>>
    %gather3A_244 = tpu.memref_squeeze %gather3A_243 : memref<1x64x128xf32, #tpu.memory_space<vmem>> -> memref<64x128xf32, #tpu.memory_space<vmem>>
    %gather3A_245 = tpu.vector_load_idx %gather3A_244[%add3A_239, %broadcast_in_dim3A_207] : memref<64x128xf32, #tpu.memory_space<vmem>>[vector<16xi32>, vector<16xi32>], vector<16xf32>,
    %swap3A_246 = arith.constant 32336 : index
    %swap3A_247 = tpu.vector_load %arg8[%swap3A_246] {strides = array<i32>} : memref<32768xf32, #tpu.memory_space<vmem>>, vector<16xf32>,
    tpu.vector_store %arg8[%swap3A_246], %gather3A_245 {strides = array<i32>} : memref<32768xf32, #tpu.memory_space<vmem>>, vector<16xf32>,
    %add3A_248 = arith.constant 32 : i32
    %add3A_249 = vector.broadcast %add3A_248 : i32 to vector<16xi32>
    %add3A_250 = arith.addi %iota3A, %add3A_249 : vector<16xi32>
    %gather3A_251 = arith.constant 10 : i32
    %gather3A_252 = arith.constant 0 : i32
    %gather3A_253 = arith.constant 0 : i32
    %gather3A_254 = tpu.memref_slice %arg7[%gather3A_251, %gather3A_252, %gather3A_253] : memref<11x64x128xf32, #tpu.memory_space<vmem>> -> memref<1x64x128xf32, #tpu.memory_space<vmem>>
    %gather3A_255 = tpu.memref_squeeze %gather3A_254 : memref<1x64x128xf32, #tpu.memory_space<vmem>> -> memref<64x128xf32, #tpu.memory_space<vmem>>
    %gather3A_256 = tpu.vector_load_idx %gather3A_255[%add3A_250, %broadcast_in_dim3A_207] : memref<64x128xf32, #tpu.memory_space<vmem>>[vector<16xi32>, vector<16xi32>], vector<16xf32>,
    %swap3A_257 = arith.constant 32352 : index
    %swap3A_258 = tpu.vector_load %arg8[%swap3A_257] {strides = array<i32>} : memref<32768xf32, #tpu.memory_space<vmem>>, vector<16xf32>,
    tpu.vector_store %arg8[%swap3A_257], %gather3A_256 {strides = array<i32>} : memref<32768xf32, #tpu.memory_space<vmem>>, vector<16xf32>,
    %add3A_259 = arith.constant 48 : i32
    %add3A_260 = vector.broadcast %add3A_259 : i32 to vector<16xi32>
    %add3A_261 = arith.addi %iota3A, %add3A_260 : vector<16xi32>
    %gather3A_262 = arith.constant 10 : i32
    %gather3A_263 = arith.constant 0 : i32
    %gather3A_264 = arith.constant 0 : i32
    %gather3A_265 = tpu.memref_slice %arg7[%gather3A_262, %gather3A_263, %gather3A_264] : memref<11x64x128xf32, #tpu.memory_space<vmem>> -> memref<1x64x128xf32, #tpu.memory_space<vmem>>
    %gather3A_266 = tpu.memref_squeeze %gather3A_265 : memref<1x64x128xf32, #tpu.memory_space<vmem>> -> memref<64x128xf32, #tpu.memory_space<vmem>>
    %gather3A_267 = tpu.vector_load_idx %gather3A_266[%add3A_261, %broadcast_in_dim3A_207] : memref<64x128xf32, #tpu.memory_space<vmem>>[vector<16xi32>, vector<16xi32>], vector<16xf32>,
    %swap3A_268 = arith.constant 32368 : index
    %swap3A_269 = tpu.vector_load %arg8[%swap3A_268] {strides = array<i32>} : memref<32768xf32, #tpu.memory_space<vmem>>, vector<16xf32>,
    tpu.vector_store %arg8[%swap3A_268], %gather3A_267 {strides = array<i32>} : memref<32768xf32, #tpu.memory_space<vmem>>, vector<16xf32>,
    %slice3A_270 = vector.extract_strided_slice %get3A_8 {offsets = [10], sizes = [1], strides = [1]} : vector<16xi32> to vector<1xi32>
    %squeeze3A_271 = vector.extract %slice3A_270[0] : i32 from vector<1xi32>
    %and3A_272 = arith.constant 127 : i32
    %and3A_273 = arith.andi %squeeze3A_271, %and3A_272 : i32
    %broadcast_in_dim3A_274 = vector.broadcast %and3A_273 : i32 to vector<16xi32>
    %dma_wait3A_275 = arith.constant 0 : i32
    %dma_wait3A_276 = arith.constant 0 : i32
    %dma_wait3A_277 = arith.constant 0 : i32
    %dma_wait3A_278 = arith.constant 0 : i32
    %dma_wait3A_279 = tpu.memref_slice %arg7[%dma_wait3A_275, %dma_wait3A_277, %dma_wait3A_278] : memref<11x64x128xf32, #tpu.memory_space<vmem>> -> memref<1x64x128xf32, #tpu.memory_space<vmem>>
    %dma_wait3A_280 = tpu.memref_squeeze %dma_wait3A_279 : memref<1x64x128xf32, #tpu.memory_space<vmem>> -> memref<64x128xf32, #tpu.memory_space<vmem>>
    %dma_wait3A_281 = arith.constant 0 : i32
    %dma_wait3A_282 = arith.constant 0 : i32
    %dma_wait3A_283 = tpu.memref_slice %arg2[%dma_wait3A_281, %dma_wait3A_282] : memref<64x1000000xf32, #tpu.memory_space<hbm>> -> memref<64x128xf32, #tpu.memory_space<hbm>>
    %dma_wait3A_284 = tpu.memref_slice %arg9[%dma_wait3A_276] : memref<11x!tpu.dma_semaphore, #tpu.memory_space<semaphore_mem>> -> memref<1x!tpu.dma_semaphore, #tpu.memory_space<semaphore_mem>>
    %dma_wait3A_285 = tpu.memref_squeeze %dma_wait3A_284 : memref<1x!tpu.dma_semaphore, #tpu.memory_space<semaphore_mem>> -> memref<!tpu.dma_semaphore, #tpu.memory_space<semaphore_mem>>
    %dma_wait3A_286 = arith.constant 0 : i32
    %dma_wait3A_287 = arith.constant 0 : i32
    %dma_wait3A_288 = tpu.memref_slice %arg7[%dma_wait3A_275, %dma_wait3A_286, %dma_wait3A_287] : memref<11x64x128xf32, #tpu.memory_space<vmem>> -> memref<1x64x128xf32, #tpu.memory_space<vmem>>
    %dma_wait3A_289 = tpu.memref_squeeze %dma_wait3A_288 : memref<1x64x128xf32, #tpu.memory_space<vmem>> -> memref<64x128xf32, #tpu.memory_space<vmem>>
    %dma_wait3A_290 = arith.constant 0 : i32
    %dma_wait3A_291 = arith.constant 0 : i32
    %dma_wait3A_292 = tpu.memref_slice %arg2[%dma_wait3A_290, %dma_wait3A_291] : memref<64x1000000xf32, #tpu.memory_space<hbm>> -> memref<64x128xf32, #tpu.memory_space<hbm>>
    tpu.wait_dma2 semaphore(%dma_wait3A_285 : memref<!tpu.dma_semaphore, #tpu.memory_space<semaphore_mem>>) src(%dma_wait3A_292 : memref<64x128xf32, #tpu.memory_space<hbm>>) dst(%dma_wait3A_289 : memref<64x128xf32, #tpu.memory_space<vmem>>)
    %add3A_293 = arith.constant 0 : i32
    %add3A_294 = vector.broadcast %add3A_293 : i32 to vector<16xi32>
    %add3A_295 = arith.addi %iota3A, %add3A_294 : vector<16xi32>
    %gather3A_296 = arith.constant 0 : i32
    %gather3A_297 = arith.constant 0 : i32
    %gather3A_298 = arith.constant 0 : i32
    %gather3A_299 = tpu.memref_slice %arg7[%gather3A_296, %gather3A_297, %gather3A_298] : memref<11x64x128xf32, #tpu.memory_space<vmem>> -> memref<1x64x128xf32, #tpu.memory_space<vmem>>
    %gather3A_300 = tpu.memref_squeeze %gather3A_299 : memref<1x64x128xf32, #tpu.memory_space<vmem>> -> memref<64x128xf32, #tpu.memory_space<vmem>>
    %gather3A_301 = tpu.vector_load_idx %gather3A_300[%add3A_295, %broadcast_in_dim3A_274] : memref<64x128xf32, #tpu.memory_space<vmem>>[vector<16xi32>, vector<16xi32>], vector<16xf32>,
    %swap3A_302 = arith.constant 32384 : index
    %swap3A_303 = tpu.vector_load %arg8[%swap3A_302] {strides = array<i32>} : memref<32768xf32, #tpu.memory_space<vmem>>, vector<16xf32>,
    tpu.vector_store %arg8[%swap3A_302], %gather3A_301 {strides = array<i32>} : memref<32768xf32, #tpu.memory_space<vmem>>, vector<16xf32>,
    %add3A_304 = arith.constant 16 : i32
    %add3A_305 = vector.broadcast %add3A_304 : i32 to vector<16xi32>
    %add3A_306 = arith.addi %iota3A, %add3A_305 : vector<16xi32>
    %gather3A_307 = arith.constant 0 : i32
    %gather3A_308 = arith.constant 0 : i32
    %gather3A_309 = arith.constant 0 : i32
    %gather3A_310 = tpu.memref_slice %arg7[%gather3A_307, %gather3A_308, %gather3A_309] : memref<11x64x128xf32, #tpu.memory_space<vmem>> -> memref<1x64x128xf32, #tpu.memory_space<vmem>>
    %gather3A_311 = tpu.memref_squeeze %gather3A_310 : memref<1x64x128xf32, #tpu.memory_space<vmem>> -> memref<64x128xf32, #tpu.memory_space<vmem>>
    %gather3A_312 = tpu.vector_load_idx %gather3A_311[%add3A_306, %broadcast_in_dim3A_274] : memref<64x128xf32, #tpu.memory_space<vmem>>[vector<16xi32>, vector<16xi32>], vector<16xf32>,
    %swap3A_313 = arith.constant 32400 : index
    %swap3A_314 = tpu.vector_load %arg8[%swap3A_313] {strides = array<i32>} : memref<32768xf32, #tpu.memory_space<vmem>>, vector<16xf32>,
    tpu.vector_store %arg8[%swap3A_313], %gather3A_312 {strides = array<i32>} : memref<32768xf32, #tpu.memory_space<vmem>>, vector<16xf32>,
    %add3A_315 = arith.constant 32 : i32
    %add3A_316 = vector.broadcast %add3A_315 : i32 to vector<16xi32>
    %add3A_317 = arith.addi %iota3A, %add3A_316 : vector<16xi32>
    %gather3A_318 = arith.constant 0 : i32
    %gather3A_319 = arith.constant 0 : i32
    %gather3A_320 = arith.constant 0 : i32
    %gather3A_321 = tpu.memref_slice %arg7[%gather3A_318, %gather3A_319, %gather3A_320] : memref<11x64x128xf32, #tpu.memory_space<vmem>> -> memref<1x64x128xf32, #tpu.memory_space<vmem>>
    %gather3A_322 = tpu.memref_squeeze %gather3A_321 : memref<1x64x128xf32, #tpu.memory_space<vmem>> -> memref<64x128xf32, #tpu.memory_space<vmem>>
    %gather3A_323 = tpu.vector_load_idx %gather3A_322[%add3A_317, %broadcast_in_dim3A_274] : memref<64x128xf32, #tpu.memory_space<vmem>>[vector<16xi32>, vector<16xi32>], vector<16xf32>,
    %swap3A_324 = arith.constant 32416 : index
    %swap3A_325 = tpu.vector_load %arg8[%swap3A_324] {strides = array<i32>} : memref<32768xf32, #tpu.memory_space<vmem>>, vector<16xf32>,
    tpu.vector_store %arg8[%swap3A_324], %gather3A_323 {strides = array<i32>} : memref<32768xf32, #tpu.memory_space<vmem>>, vector<16xf32>,
    %add3A_326 = arith.constant 48 : i32
    %add3A_327 = vector.broadcast %add3A_326 : i32 to vector<16xi32>
    %add3A_328 = arith.addi %iota3A, %add3A_327 : vector<16xi32>
    %gather3A_329 = arith.constant 0 : i32
    %gather3A_330 = arith.constant 0 : i32
    %gather3A_331 = arith.constant 0 : i32
    %gather3A_332 = tpu.memref_slice %arg7[%gather3A_329, %gather3A_330, %gather3A_331] : memref<11x64x128xf32, #tpu.memory_space<vmem>> -> memref<1x64x128xf32, #tpu.memory_space<vmem>>
    %gather3A_333 = tpu.memref_squeeze %gather3A_332 : memref<1x64x128xf32, #tpu.memory_space<vmem>> -> memref<64x128xf32, #tpu.memory_space<vmem>>
    %gather3A_334 = tpu.vector_load_idx %gather3A_333[%add3A_328, %broadcast_in_dim3A_274] : memref<64x128xf32, #tpu.memory_space<vmem>>[vector<16xi32>, vector<16xi32>], vector<16xf32>,
    %swap3A_335 = arith.constant 32432 : index
    %swap3A_336 = tpu.vector_load %arg8[%swap3A_335] {strides = array<i32>} : memref<32768xf32, #tpu.memory_space<vmem>>, vector<16xf32>,
    tpu.vector_store %arg8[%swap3A_335], %gather3A_334 {strides = array<i32>} : memref<32768xf32, #tpu.memory_space<vmem>>, vector<16xf32>,
    %slice3A_337 = vector.extract_strided_slice %get3A_8 {offsets = [11], sizes = [1], strides = [1]} : vector<16xi32> to vector<1xi32>
    %squeeze3A_338 = vector.extract %slice3A_337[0] : i32 from vector<1xi32>
    %and3A_339 = arith.constant 127 : i32
    %and3A_340 = arith.andi %squeeze3A_338, %and3A_339 : i32
    %broadcast_in_dim3A_341 = vector.broadcast %and3A_340 : i32 to vector<16xi32>
    %dma_wait3A_342 = arith.constant 1 : i32
    %dma_wait3A_343 = arith.constant 1 : i32
    %dma_wait3A_344 = arith.constant 0 : i32
    %dma_wait3A_345 = arith.constant 0 : i32
    %dma_wait3A_346 = tpu.memref_slice %arg7[%dma_wait3A_342, %dma_wait3A_344, %dma_wait3A_345] : memref<11x64x128xf32, #tpu.memory_space<vmem>> -> memref<1x64x128xf32, #tpu.memory_space<vmem>>
    %dma_wait3A_347 = tpu.memref_squeeze %dma_wait3A_346 : memref<1x64x128xf32, #tpu.memory_space<vmem>> -> memref<64x128xf32, #tpu.memory_space<vmem>>
    %dma_wait3A_348 = arith.constant 0 : i32
    %dma_wait3A_349 = arith.constant 0 : i32
    %dma_wait3A_350 = tpu.memref_slice %arg2[%dma_wait3A_348, %dma_wait3A_349] : memref<64x1000000xf32, #tpu.memory_space<hbm>> -> memref<64x128xf32, #tpu.memory_space<hbm>>
    %dma_wait3A_351 = tpu.memref_slice %arg9[%dma_wait3A_343] : memref<11x!tpu.dma_semaphore, #tpu.memory_space<semaphore_mem>> -> memref<1x!tpu.dma_semaphore, #tpu.memory_space<semaphore_mem>>
    %dma_wait3A_352 = tpu.memref_squeeze %dma_wait3A_351 : memref<1x!tpu.dma_semaphore, #tpu.memory_space<semaphore_mem>> -> memref<!tpu.dma_semaphore, #tpu.memory_space<semaphore_mem>>
    %dma_wait3A_353 = arith.constant 0 : i32
    %dma_wait3A_354 = arith.constant 0 : i32
    %dma_wait3A_355 = tpu.memref_slice %arg7[%dma_wait3A_342, %dma_wait3A_353, %dma_wait3A_354] : memref<11x64x128xf32, #tpu.memory_space<vmem>> -> memref<1x64x128xf32, #tpu.memory_space<vmem>>
    %dma_wait3A_356 = tpu.memref_squeeze %dma_wait3A_355 : memref<1x64x128xf32, #tpu.memory_space<vmem>> -> memref<64x128xf32, #tpu.memory_space<vmem>>
    %dma_wait3A_357 = arith.constant 0 : i32
    %dma_wait3A_358 = arith.constant 0 : i32
    %dma_wait3A_359 = tpu.memref_slice %arg2[%dma_wait3A_357, %dma_wait3A_358] : memref<64x1000000xf32, #tpu.memory_space<hbm>> -> memref<64x128xf32, #tpu.memory_space<hbm>>
    tpu.wait_dma2 semaphore(%dma_wait3A_352 : memref<!tpu.dma_semaphore, #tpu.memory_space<semaphore_mem>>) src(%dma_wait3A_359 : memref<64x128xf32, #tpu.memory_space<hbm>>) dst(%dma_wait3A_356 : memref<64x128xf32, #tpu.memory_space<vmem>>)
    %add3A_360 = arith.constant 0 : i32
    %add3A_361 = vector.broadcast %add3A_360 : i32 to vector<16xi32>
    %add3A_362 = arith.addi %iota3A, %add3A_361 : vector<16xi32>
    %gather3A_363 = arith.constant 1 : i32
    %gather3A_364 = arith.constant 0 : i32
    %gather3A_365 = arith.constant 0 : i32
    %gather3A_366 = tpu.memref_slice %arg7[%gather3A_363, %gather3A_364, %gather3A_365] : memref<11x64x128xf32, #tpu.memory_space<vmem>> -> memref<1x64x128xf32, #tpu.memory_space<vmem>>
    %gather3A_367 = tpu.memref_squeeze %gather3A_366 : memref<1x64x128xf32, #tpu.memory_space<vmem>> -> memref<64x128xf32, #tpu.memory_space<vmem>>
    %gather3A_368 = tpu.vector_load_idx %gather3A_367[%add3A_362, %broadcast_in_dim3A_341] : memref<64x128xf32, #tpu.memory_space<vmem>>[vector<16xi32>, vector<16xi32>], vector<16xf32>,
    %swap3A_369 = arith.constant 32448 : index
    %swap3A_370 = tpu.vector_load %arg8[%swap3A_369] {strides = array<i32>} : memref<32768xf32, #tpu.memory_space<vmem>>, vector<16xf32>,
    tpu.vector_store %arg8[%swap3A_369], %gather3A_368 {strides = array<i32>} : memref<32768xf32, #tpu.memory_space<vmem>>, vector<16xf32>,
    %add3A_371 = arith.constant 16 : i32
    %add3A_372 = vector.broadcast %add3A_371 : i32 to vector<16xi32>
    %add3A_373 = arith.addi %iota3A, %add3A_372 : vector<16xi32>
    %gather3A_374 = arith.constant 1 : i32
    %gather3A_375 = arith.constant 0 : i32
    %gather3A_376 = arith.constant 0 : i32
    %gather3A_377 = tpu.memref_slice %arg7[%gather3A_374, %gather3A_375, %gather3A_376] : memref<11x64x128xf32, #tpu.memory_space<vmem>> -> memref<1x64x128xf32, #tpu.memory_space<vmem>>
    %gather3A_378 = tpu.memref_squeeze %gather3A_377 : memref<1x64x128xf32, #tpu.memory_space<vmem>> -> memref<64x128xf32, #tpu.memory_space<vmem>>
    %gather3A_379 = tpu.vector_load_idx %gather3A_378[%add3A_373, %broadcast_in_dim3A_341] : memref<64x128xf32, #tpu.memory_space<vmem>>[vector<16xi32>, vector<16xi32>], vector<16xf32>,
    %swap3A_380 = arith.constant 32464 : index
    %swap3A_381 = tpu.vector_load %arg8[%swap3A_380] {strides = array<i32>} : memref<32768xf32, #tpu.memory_space<vmem>>, vector<16xf32>,
    tpu.vector_store %arg8[%swap3A_380], %gather3A_379 {strides = array<i32>} : memref<32768xf32, #tpu.memory_space<vmem>>, vector<16xf32>,
    %add3A_382 = arith.constant 32 : i32
    %add3A_383 = vector.broadcast %add3A_382 : i32 to vector<16xi32>
    %add3A_384 = arith.addi %iota3A, %add3A_383 : vector<16xi32>
    %gather3A_385 = arith.constant 1 : i32
    %gather3A_386 = arith.constant 0 : i32
    %gather3A_387 = arith.constant 0 : i32
    %gather3A_388 = tpu.memref_slice %arg7[%gather3A_385, %gather3A_386, %gather3A_387] : memref<11x64x128xf32, #tpu.memory_space<vmem>> -> memref<1x64x128xf32, #tpu.memory_space<vmem>>
    %gather3A_389 = tpu.memref_squeeze %gather3A_388 : memref<1x64x128xf32, #tpu.memory_space<vmem>> -> memref<64x128xf32, #tpu.memory_space<vmem>>
    %gather3A_390 = tpu.vector_load_idx %gather3A_389[%add3A_384, %broadcast_in_dim3A_341] : memref<64x128xf32, #tpu.memory_space<vmem>>[vector<16xi32>, vector<16xi32>], vector<16xf32>,
    %swap3A_391 = arith.constant 32480 : index
    %swap3A_392 = tpu.vector_load %arg8[%swap3A_391] {strides = array<i32>} : memref<32768xf32, #tpu.memory_space<vmem>>, vector<16xf32>,
    tpu.vector_store %arg8[%swap3A_391], %gather3A_390 {strides = array<i32>} : memref<32768xf32, #tpu.memory_space<vmem>>, vector<16xf32>,
    %add3A_393 = arith.constant 48 : i32
    %add3A_394 = vector.broadcast %add3A_393 : i32 to vector<16xi32>
    %add3A_395 = arith.addi %iota3A, %add3A_394 : vector<16xi32>
    %gather3A_396 = arith.constant 1 : i32
    %gather3A_397 = arith.constant 0 : i32
    %gather3A_398 = arith.constant 0 : i32
    %gather3A_399 = tpu.memref_slice %arg7[%gather3A_396, %gather3A_397, %gather3A_398] : memref<11x64x128xf32, #tpu.memory_space<vmem>> -> memref<1x64x128xf32, #tpu.memory_space<vmem>>
    %gather3A_400 = tpu.memref_squeeze %gather3A_399 : memref<1x64x128xf32, #tpu.memory_space<vmem>> -> memref<64x128xf32, #tpu.memory_space<vmem>>
    %gather3A_401 = tpu.vector_load_idx %gather3A_400[%add3A_395, %broadcast_in_dim3A_341] : memref<64x128xf32, #tpu.memory_space<vmem>>[vector<16xi32>, vector<16xi32>], vector<16xf32>,
    %swap3A_402 = arith.constant 32496 : index
    %swap3A_403 = tpu.vector_load %arg8[%swap3A_402] {strides = array<i32>} : memref<32768xf32, #tpu.memory_space<vmem>>, vector<16xf32>,
    tpu.vector_store %arg8[%swap3A_402], %gather3A_401 {strides = array<i32>} : memref<32768xf32, #tpu.memory_space<vmem>>, vector<16xf32>,
    %slice3A_404 = vector.extract_strided_slice %get3A_8 {offsets = [12], sizes = [1], strides = [1]} : vector<16xi32> to vector<1xi32>
    %squeeze3A_405 = vector.extract %slice3A_404[0] : i32 from vector<1xi32>
    %and3A_406 = arith.constant 127 : i32
    %and3A_407 = arith.andi %squeeze3A_405, %and3A_406 : i32
    %broadcast_in_dim3A_408 = vector.broadcast %and3A_407 : i32 to vector<16xi32>
    %dma_wait3A_409 = arith.constant 2 : i32
    %dma_wait3A_410 = arith.constant 2 : i32
    %dma_wait3A_411 = arith.constant 0 : i32
    %dma_wait3A_412 = arith.constant 0 : i32
    %dma_wait3A_413 = tpu.memref_slice %arg7[%dma_wait3A_409, %dma_wait3A_411, %dma_wait3A_412] : memref<11x64x128xf32, #tpu.memory_space<vmem>> -> memref<1x64x128xf32, #tpu.memory_space<vmem>>
    %dma_wait3A_414 = tpu.memref_squeeze %dma_wait3A_413 : memref<1x64x128xf32, #tpu.memory_space<vmem>> -> memref<64x128xf32, #tpu.memory_space<vmem>>
    %dma_wait3A_415 = arith.constant 0 : i32
    %dma_wait3A_416 = arith.constant 0 : i32
    %dma_wait3A_417 = tpu.memref_slice %arg2[%dma_wait3A_415, %dma_wait3A_416] : memref<64x1000000xf32, #tpu.memory_space<hbm>> -> memref<64x128xf32, #tpu.memory_space<hbm>>
    %dma_wait3A_418 = tpu.memref_slice %arg9[%dma_wait3A_410] : memref<11x!tpu.dma_semaphore, #tpu.memory_space<semaphore_mem>> -> memref<1x!tpu.dma_semaphore, #tpu.memory_space<semaphore_mem>>
    %dma_wait3A_419 = tpu.memref_squeeze %dma_wait3A_418 : memref<1x!tpu.dma_semaphore, #tpu.memory_space<semaphore_mem>> -> memref<!tpu.dma_semaphore, #tpu.memory_space<semaphore_mem>>
    %dma_wait3A_420 = arith.constant 0 : i32
    %dma_wait3A_421 = arith.constant 0 : i32
    %dma_wait3A_422 = tpu.memref_slice %arg7[%dma_wait3A_409, %dma_wait3A_420, %dma_wait3A_421] : memref<11x64x128xf32, #tpu.memory_space<vmem>> -> memref<1x64x128xf32, #tpu.memory_space<vmem>>
    %dma_wait3A_423 = tpu.memref_squeeze %dma_wait3A_422 : memref<1x64x128xf32, #tpu.memory_space<vmem>> -> memref<64x128xf32, #tpu.memory_space<vmem>>
    %dma_wait3A_424 = arith.constant 0 : i32
    %dma_wait3A_425 = arith.constant 0 : i32
    %dma_wait3A_426 = tpu.memref_slice %arg2[%dma_wait3A_424, %dma_wait3A_425] : memref<64x1000000xf32, #tpu.memory_space<hbm>> -> memref<64x128xf32, #tpu.memory_space<hbm>>
    tpu.wait_dma2 semaphore(%dma_wait3A_419 : memref<!tpu.dma_semaphore, #tpu.memory_space<semaphore_mem>>) src(%dma_wait3A_426 : memref<64x128xf32, #tpu.memory_space<hbm>>) dst(%dma_wait3A_423 : memref<64x128xf32, #tpu.memory_space<vmem>>)
    %add3A_427 = arith.constant 0 : i32
    %add3A_428 = vector.broadcast %add3A_427 : i32 to vector<16xi32>
    %add3A_429 = arith.addi %iota3A, %add3A_428 : vector<16xi32>
    %gather3A_430 = arith.constant 2 : i32
    %gather3A_431 = arith.constant 0 : i32
    %gather3A_432 = arith.constant 0 : i32
    %gather3A_433 = tpu.memref_slice %arg7[%gather3A_430, %gather3A_431, %gather3A_432] : memref<11x64x128xf32, #tpu.memory_space<vmem>> -> memref<1x64x128xf32, #tpu.memory_space<vmem>>
    %gather3A_434 = tpu.memref_squeeze %gather3A_433 : memref<1x64x128xf32, #tpu.memory_space<vmem>> -> memref<64x128xf32, #tpu.memory_space<vmem>>
    %gather3A_435 = tpu.vector_load_idx %gather3A_434[%add3A_429, %broadcast_in_dim3A_408] : memref<64x128xf32, #tpu.memory_space<vmem>>[vector<16xi32>, vector<16xi32>], vector<16xf32>,
    %swap3A_436 = arith.constant 32512 : index
    %swap3A_437 = tpu.vector_load %arg8[%swap3A_436] {strides = array<i32>} : memref<32768xf32, #tpu.memory_space<vmem>>, vector<16xf32>,
    tpu.vector_store %arg8[%swap3A_436], %gather3A_435 {strides = array<i32>} : memref<32768xf32, #tpu.memory_space<vmem>>, vector<16xf32>,
    %add3A_438 = arith.constant 16 : i32
    %add3A_439 = vector.broadcast %add3A_438 : i32 to vector<16xi32>
    %add3A_440 = arith.addi %iota3A, %add3A_439 : vector<16xi32>
    %gather3A_441 = arith.constant 2 : i32
    %gather3A_442 = arith.constant 0 : i32
    %gather3A_443 = arith.constant 0 : i32
    %gather3A_444 = tpu.memref_slice %arg7[%gather3A_441, %gather3A_442, %gather3A_443] : memref<11x64x128xf32, #tpu.memory_space<vmem>> -> memref<1x64x128xf32, #tpu.memory_space<vmem>>
    %gather3A_445 = tpu.memref_squeeze %gather3A_444 : memref<1x64x128xf32, #tpu.memory_space<vmem>> -> memref<64x128xf32, #tpu.memory_space<vmem>>
    %gather3A_446 = tpu.vector_load_idx %gather3A_445[%add3A_440, %broadcast_in_dim3A_408] : memref<64x128xf32, #tpu.memory_space<vmem>>[vector<16xi32>, vector<16xi32>], vector<16xf32>,
    %swap3A_447 = arith.constant 32528 : index
    %swap3A_448 = tpu.vector_load %arg8[%swap3A_447] {strides = array<i32>} : memref<32768xf32, #tpu.memory_space<vmem>>, vector<16xf32>,
    tpu.vector_store %arg8[%swap3A_447], %gather3A_446 {strides = array<i32>} : memref<32768xf32, #tpu.memory_space<vmem>>, vector<16xf32>,
    %add3A_449 = arith.constant 32 : i32
    %add3A_450 = vector.broadcast %add3A_449 : i32 to vector<16xi32>
    %add3A_451 = arith.addi %iota3A, %add3A_450 : vector<16xi32>
    %gather3A_452 = arith.constant 2 : i32
    %gather3A_453 = arith.constant 0 : i32
    %gather3A_454 = arith.constant 0 : i32
    %gather3A_455 = tpu.memref_slice %arg7[%gather3A_452, %gather3A_453, %gather3A_454] : memref<11x64x128xf32, #tpu.memory_space<vmem>> -> memref<1x64x128xf32, #tpu.memory_space<vmem>>
    %gather3A_456 = tpu.memref_squeeze %gather3A_455 : memref<1x64x128xf32, #tpu.memory_space<vmem>> -> memref<64x128xf32, #tpu.memory_space<vmem>>
    %gather3A_457 = tpu.vector_load_idx %gather3A_456[%add3A_451, %broadcast_in_dim3A_408] : memref<64x128xf32, #tpu.memory_space<vmem>>[vector<16xi32>, vector<16xi32>], vector<16xf32>,
    %swap3A_458 = arith.constant 32544 : index
    %swap3A_459 = tpu.vector_load %arg8[%swap3A_458] {strides = array<i32>} : memref<32768xf32, #tpu.memory_space<vmem>>, vector<16xf32>,
    tpu.vector_store %arg8[%swap3A_458], %gather3A_457 {strides = array<i32>} : memref<32768xf32, #tpu.memory_space<vmem>>, vector<16xf32>,
    %add3A_460 = arith.constant 48 : i32
    %add3A_461 = vector.broadcast %add3A_460 : i32 to vector<16xi32>
    %add3A_462 = arith.addi %iota3A, %add3A_461 : vector<16xi32>
    %gather3A_463 = arith.constant 2 : i32
    %gather3A_464 = arith.constant 0 : i32
    %gather3A_465 = arith.constant 0 : i32
    %gather3A_466 = tpu.memref_slice %arg7[%gather3A_463, %gather3A_464, %gather3A_465] : memref<11x64x128xf32, #tpu.memory_space<vmem>> -> memref<1x64x128xf32, #tpu.memory_space<vmem>>
    %gather3A_467 = tpu.memref_squeeze %gather3A_466 : memref<1x64x128xf32, #tpu.memory_space<vmem>> -> memref<64x128xf32, #tpu.memory_space<vmem>>
    %gather3A_468 = tpu.vector_load_idx %gather3A_467[%add3A_462, %broadcast_in_dim3A_408] : memref<64x128xf32, #tpu.memory_space<vmem>>[vector<16xi32>, vector<16xi32>], vector<16xf32>,
    %swap3A_469 = arith.constant 32560 : index
    %swap3A_470 = tpu.vector_load %arg8[%swap3A_469] {strides = array<i32>} : memref<32768xf32, #tpu.memory_space<vmem>>, vector<16xf32>,
    tpu.vector_store %arg8[%swap3A_469], %gather3A_468 {strides = array<i32>} : memref<32768xf32, #tpu.memory_space<vmem>>, vector<16xf32>,
    %slice3A_471 = vector.extract_strided_slice %get3A_8 {offsets = [13], sizes = [1], strides = [1]} : vector<16xi32> to vector<1xi32>
    %squeeze3A_472 = vector.extract %slice3A_471[0] : i32 from vector<1xi32>
    %and3A_473 = arith.constant 127 : i32
    %and3A_474 = arith.andi %squeeze3A_472, %and3A_473 : i32
    %broadcast_in_dim3A_475 = vector.broadcast %and3A_474 : i32 to vector<16xi32>
    %dma_wait3A_476 = arith.constant 3 : i32
    %dma_wait3A_477 = arith.constant 3 : i32
    %dma_wait3A_478 = arith.constant 0 : i32
    %dma_wait3A_479 = arith.constant 0 : i32
    %dma_wait3A_480 = tpu.memref_slice %arg7[%dma_wait3A_476, %dma_wait3A_478, %dma_wait3A_479] : memref<11x64x128xf32, #tpu.memory_space<vmem>> -> memref<1x64x128xf32, #tpu.memory_space<vmem>>
    %dma_wait3A_481 = tpu.memref_squeeze %dma_wait3A_480 : memref<1x64x128xf32, #tpu.memory_space<vmem>> -> memref<64x128xf32, #tpu.memory_space<vmem>>
    %dma_wait3A_482 = arith.constant 0 : i32
    %dma_wait3A_483 = arith.constant 0 : i32
    %dma_wait3A_484 = tpu.memref_slice %arg2[%dma_wait3A_482, %dma_wait3A_483] : memref<64x1000000xf32, #tpu.memory_space<hbm>> -> memref<64x128xf32, #tpu.memory_space<hbm>>
    %dma_wait3A_485 = tpu.memref_slice %arg9[%dma_wait3A_477] : memref<11x!tpu.dma_semaphore, #tpu.memory_space<semaphore_mem>> -> memref<1x!tpu.dma_semaphore, #tpu.memory_space<semaphore_mem>>
    %dma_wait3A_486 = tpu.memref_squeeze %dma_wait3A_485 : memref<1x!tpu.dma_semaphore, #tpu.memory_space<semaphore_mem>> -> memref<!tpu.dma_semaphore, #tpu.memory_space<semaphore_mem>>
    %dma_wait3A_487 = arith.constant 0 : i32
    %dma_wait3A_488 = arith.constant 0 : i32
    %dma_wait3A_489 = tpu.memref_slice %arg7[%dma_wait3A_476, %dma_wait3A_487, %dma_wait3A_488] : memref<11x64x128xf32, #tpu.memory_space<vmem>> -> memref<1x64x128xf32, #tpu.memory_space<vmem>>
    %dma_wait3A_490 = tpu.memref_squeeze %dma_wait3A_489 : memref<1x64x128xf32, #tpu.memory_space<vmem>> -> memref<64x128xf32, #tpu.memory_space<vmem>>
    %dma_wait3A_491 = arith.constant 0 : i32
    %dma_wait3A_492 = arith.constant 0 : i32
    %dma_wait3A_493 = tpu.memref_slice %arg2[%dma_wait3A_491, %dma_wait3A_492] : memref<64x1000000xf32, #tpu.memory_space<hbm>> -> memref<64x128xf32, #tpu.memory_space<hbm>>
    tpu.wait_dma2 semaphore(%dma_wait3A_486 : memref<!tpu.dma_semaphore, #tpu.memory_space<semaphore_mem>>) src(%dma_wait3A_493 : memref<64x128xf32, #tpu.memory_space<hbm>>) dst(%dma_wait3A_490 : memref<64x128xf32, #tpu.memory_space<vmem>>)
    %add3A_494 = arith.constant 0 : i32
    %add3A_495 = vector.broadcast %add3A_494 : i32 to vector<16xi32>
    %add3A_496 = arith.addi %iota3A, %add3A_495 : vector<16xi32>
    %gather3A_497 = arith.constant 3 : i32
    %gather3A_498 = arith.constant 0 : i32
    %gather3A_499 = arith.constant 0 : i32
    %gather3A_500 = tpu.memref_slice %arg7[%gather3A_497, %gather3A_498, %gather3A_499] : memref<11x64x128xf32, #tpu.memory_space<vmem>> -> memref<1x64x128xf32, #tpu.memory_space<vmem>>
    %gather3A_501 = tpu.memref_squeeze %gather3A_500 : memref<1x64x128xf32, #tpu.memory_space<vmem>> -> memref<64x128xf32, #tpu.memory_space<vmem>>
    %gather3A_502 = tpu.vector_load_idx %gather3A_501[%add3A_496, %broadcast_in_dim3A_475] : memref<64x128xf32, #tpu.memory_space<vmem>>[vector<16xi32>, vector<16xi32>], vector<16xf32>,
    %swap3A_503 = arith.constant 32576 : index
    %swap3A_504 = tpu.vector_load %arg8[%swap3A_503] {strides = array<i32>} : memref<32768xf32, #tpu.memory_space<vmem>>, vector<16xf32>,
    tpu.vector_store %arg8[%swap3A_503], %gather3A_502 {strides = array<i32>} : memref<32768xf32, #tpu.memory_space<vmem>>, vector<16xf32>,
    %add3A_505 = arith.constant 16 : i32
    %add3A_506 = vector.broadcast %add3A_505 : i32 to vector<16xi32>
    %add3A_507 = arith.addi %iota3A, %add3A_506 : vector<16xi32>
    %gather3A_508 = arith.constant 3 : i32
    %gather3A_509 = arith.constant 0 : i32
    %gather3A_510 = arith.constant 0 : i32
    %gather3A_511 = tpu.memref_slice %arg7[%gather3A_508, %gather3A_509, %gather3A_510] : memref<11x64x128xf32, #tpu.memory_space<vmem>> -> memref<1x64x128xf32, #tpu.memory_space<vmem>>
    %gather3A_512 = tpu.memref_squeeze %gather3A_511 : memref<1x64x128xf32, #tpu.memory_space<vmem>> -> memref<64x128xf32, #tpu.memory_space<vmem>>
    %gather3A_513 = tpu.vector_load_idx %gather3A_512[%add3A_507, %broadcast_in_dim3A_475] : memref<64x128xf32, #tpu.memory_space<vmem>>[vector<16xi32>, vector<16xi32>], vector<16xf32>,
    %swap3A_514 = arith.constant 32592 : index
    %swap3A_515 = tpu.vector_load %arg8[%swap3A_514] {strides = array<i32>} : memref<32768xf32, #tpu.memory_space<vmem>>, vector<16xf32>,
    tpu.vector_store %arg8[%swap3A_514], %gather3A_513 {strides = array<i32>} : memref<32768xf32, #tpu.memory_space<vmem>>, vector<16xf32>,
    %add3A_516 = arith.constant 32 : i32
    %add3A_517 = vector.broadcast %add3A_516 : i32 to vector<16xi32>
    %add3A_518 = arith.addi %iota3A, %add3A_517 : vector<16xi32>
    %gather3A_519 = arith.constant 3 : i32
    %gather3A_520 = arith.constant 0 : i32
    %gather3A_521 = arith.constant 0 : i32
    %gather3A_522 = tpu.memref_slice %arg7[%gather3A_519, %gather3A_520, %gather3A_521] : memref<11x64x128xf32, #tpu.memory_space<vmem>> -> memref<1x64x128xf32, #tpu.memory_space<vmem>>
    %gather3A_523 = tpu.memref_squeeze %gather3A_522 : memref<1x64x128xf32, #tpu.memory_space<vmem>> -> memref<64x128xf32, #tpu.memory_space<vmem>>
    %gather3A_524 = tpu.vector_load_idx %gather3A_523[%add3A_518, %broadcast_in_dim3A_475] : memref<64x128xf32, #tpu.memory_space<vmem>>[vector<16xi32>, vector<16xi32>], vector<16xf32>,
    %swap3A_525 = arith.constant 32608 : index
    %swap3A_526 = tpu.vector_load %arg8[%swap3A_525] {strides = array<i32>} : memref<32768xf32, #tpu.memory_space<vmem>>, vector<16xf32>,
    tpu.vector_store %arg8[%swap3A_525], %gather3A_524 {strides = array<i32>} : memref<32768xf32, #tpu.memory_space<vmem>>, vector<16xf32>,
    %add3A_527 = arith.constant 48 : i32
    %add3A_528 = vector.broadcast %add3A_527 : i32 to vector<16xi32>
    %add3A_529 = arith.addi %iota3A, %add3A_528 : vector<16xi32>
    %gather3A_530 = arith.constant 3 : i32
    %gather3A_531 = arith.constant 0 : i32
    %gather3A_532 = arith.constant 0 : i32
    %gather3A_533 = tpu.memref_slice %arg7[%gather3A_530, %gather3A_531, %gather3A_532] : memref<11x64x128xf32, #tpu.memory_space<vmem>> -> memref<1x64x128xf32, #tpu.memory_space<vmem>>
    %gather3A_534 = tpu.memref_squeeze %gather3A_533 : memref<1x64x128xf32, #tpu.memory_space<vmem>> -> memref<64x128xf32, #tpu.memory_space<vmem>>
    %gather3A_535 = tpu.vector_load_idx %gather3A_534[%add3A_529, %broadcast_in_dim3A_475] : memref<64x128xf32, #tpu.memory_space<vmem>>[vector<16xi32>, vector<16xi32>], vector<16xf32>,
    %swap3A_536 = arith.constant 32624 : index
    %swap3A_537 = tpu.vector_load %arg8[%swap3A_536] {strides = array<i32>} : memref<32768xf32, #tpu.memory_space<vmem>>, vector<16xf32>,
    tpu.vector_store %arg8[%swap3A_536], %gather3A_535 {strides = array<i32>} : memref<32768xf32, #tpu.memory_space<vmem>>, vector<16xf32>,
    %slice3A_538 = vector.extract_strided_slice %get3A_8 {offsets = [14], sizes = [1], strides = [1]} : vector<16xi32> to vector<1xi32>
    %squeeze3A_539 = vector.extract %slice3A_538[0] : i32 from vector<1xi32>
    %and3A_540 = arith.constant 127 : i32
    %and3A_541 = arith.andi %squeeze3A_539, %and3A_540 : i32
    %broadcast_in_dim3A_542 = vector.broadcast %and3A_541 : i32 to vector<16xi32>
    %dma_wait3A_543 = arith.constant 4 : i32
    %dma_wait3A_544 = arith.constant 4 : i32
    %dma_wait3A_545 = arith.constant 0 : i32
    %dma_wait3A_546 = arith.constant 0 : i32
    %dma_wait3A_547 = tpu.memref_slice %arg7[%dma_wait3A_543, %dma_wait3A_545, %dma_wait3A_546] : memref<11x64x128xf32, #tpu.memory_space<vmem>> -> memref<1x64x128xf32, #tpu.memory_space<vmem>>
    %dma_wait3A_548 = tpu.memref_squeeze %dma_wait3A_547 : memref<1x64x128xf32, #tpu.memory_space<vmem>> -> memref<64x128xf32, #tpu.memory_space<vmem>>
    %dma_wait3A_549 = arith.constant 0 : i32
    %dma_wait3A_550 = arith.constant 0 : i32
    %dma_wait3A_551 = tpu.memref_slice %arg2[%dma_wait3A_549, %dma_wait3A_550] : memref<64x1000000xf32, #tpu.memory_space<hbm>> -> memref<64x128xf32, #tpu.memory_space<hbm>>
    %dma_wait3A_552 = tpu.memref_slice %arg9[%dma_wait3A_544] : memref<11x!tpu.dma_semaphore, #tpu.memory_space<semaphore_mem>> -> memref<1x!tpu.dma_semaphore, #tpu.memory_space<semaphore_mem>>
    %dma_wait3A_553 = tpu.memref_squeeze %dma_wait3A_552 : memref<1x!tpu.dma_semaphore, #tpu.memory_space<semaphore_mem>> -> memref<!tpu.dma_semaphore, #tpu.memory_space<semaphore_mem>>
    %dma_wait3A_554 = arith.constant 0 : i32
    %dma_wait3A_555 = arith.constant 0 : i32
    %dma_wait3A_556 = tpu.memref_slice %arg7[%dma_wait3A_543, %dma_wait3A_554, %dma_wait3A_555] : memref<11x64x128xf32, #tpu.memory_space<vmem>> -> memref<1x64x128xf32, #tpu.memory_space<vmem>>
    %dma_wait3A_557 = tpu.memref_squeeze %dma_wait3A_556 : memref<1x64x128xf32, #tpu.memory_space<vmem>> -> memref<64x128xf32, #tpu.memory_space<vmem>>
    %dma_wait3A_558 = arith.constant 0 : i32
    %dma_wait3A_559 = arith.constant 0 : i32
    %dma_wait3A_560 = tpu.memref_slice %arg2[%dma_wait3A_558, %dma_wait3A_559] : memref<64x1000000xf32, #tpu.memory_space<hbm>> -> memref<64x128xf32, #tpu.memory_space<hbm>>
    tpu.wait_dma2 semaphore(%dma_wait3A_553 : memref<!tpu.dma_semaphore, #tpu.memory_space<semaphore_mem>>) src(%dma_wait3A_560 : memref<64x128xf32, #tpu.memory_space<hbm>>) dst(%dma_wait3A_557 : memref<64x128xf32, #tpu.memory_space<vmem>>)
    %add3A_561 = arith.constant 0 : i32
    %add3A_562 = vector.broadcast %add3A_561 : i32 to vector<16xi32>
    %add3A_563 = arith.addi %iota3A, %add3A_562 : vector<16xi32>
    %gather3A_564 = arith.constant 4 : i32
    %gather3A_565 = arith.constant 0 : i32
    %gather3A_566 = arith.constant 0 : i32
    %gather3A_567 = tpu.memref_slice %arg7[%gather3A_564, %gather3A_565, %gather3A_566] : memref<11x64x128xf32, #tpu.memory_space<vmem>> -> memref<1x64x128xf32, #tpu.memory_space<vmem>>
    %gather3A_568 = tpu.memref_squeeze %gather3A_567 : memref<1x64x128xf32, #tpu.memory_space<vmem>> -> memref<64x128xf32, #tpu.memory_space<vmem>>
    %gather3A_569 = tpu.vector_load_idx %gather3A_568[%add3A_563, %broadcast_in_dim3A_542] : memref<64x128xf32, #tpu.memory_space<vmem>>[vector<16xi32>, vector<16xi32>], vector<16xf32>,
    %swap3A_570 = arith.constant 32640 : index
    %swap3A_571 = tpu.vector_load %arg8[%swap3A_570] {strides = array<i32>} : memref<32768xf32, #tpu.memory_space<vmem>>, vector<16xf32>,
    tpu.vector_store %arg8[%swap3A_570], %gather3A_569 {strides = array<i32>} : memref<32768xf32, #tpu.memory_space<vmem>>, vector<16xf32>,
    %add3A_572 = arith.constant 16 : i32
    %add3A_573 = vector.broadcast %add3A_572 : i32 to vector<16xi32>
    %add3A_574 = arith.addi %iota3A, %add3A_573 : vector<16xi32>
    %gather3A_575 = arith.constant 4 : i32
    %gather3A_576 = arith.constant 0 : i32
    %gather3A_577 = arith.constant 0 : i32
    %gather3A_578 = tpu.memref_slice %arg7[%gather3A_575, %gather3A_576, %gather3A_577] : memref<11x64x128xf32, #tpu.memory_space<vmem>> -> memref<1x64x128xf32, #tpu.memory_space<vmem>>
    %gather3A_579 = tpu.memref_squeeze %gather3A_578 : memref<1x64x128xf32, #tpu.memory_space<vmem>> -> memref<64x128xf32, #tpu.memory_space<vmem>>
    %gather3A_580 = tpu.vector_load_idx %gather3A_579[%add3A_574, %broadcast_in_dim3A_542] : memref<64x128xf32, #tpu.memory_space<vmem>>[vector<16xi32>, vector<16xi32>], vector<16xf32>,
    %swap3A_581 = arith.constant 32656 : index
    %swap3A_582 = tpu.vector_load %arg8[%swap3A_581] {strides = array<i32>} : memref<32768xf32, #tpu.memory_space<vmem>>, vector<16xf32>,
    tpu.vector_store %arg8[%swap3A_581], %gather3A_580 {strides = array<i32>} : memref<32768xf32, #tpu.memory_space<vmem>>, vector<16xf32>,
    %add3A_583 = arith.constant 32 : i32
    %add3A_584 = vector.broadcast %add3A_583 : i32 to vector<16xi32>
    %add3A_585 = arith.addi %iota3A, %add3A_584 : vector<16xi32>
    %gather3A_586 = arith.constant 4 : i32
    %gather3A_587 = arith.constant 0 : i32
    %gather3A_588 = arith.constant 0 : i32
    %gather3A_589 = tpu.memref_slice %arg7[%gather3A_586, %gather3A_587, %gather3A_588] : memref<11x64x128xf32, #tpu.memory_space<vmem>> -> memref<1x64x128xf32, #tpu.memory_space<vmem>>
    %gather3A_590 = tpu.memref_squeeze %gather3A_589 : memref<1x64x128xf32, #tpu.memory_space<vmem>> -> memref<64x128xf32, #tpu.memory_space<vmem>>
    %gather3A_591 = tpu.vector_load_idx %gather3A_590[%add3A_585, %broadcast_in_dim3A_542] : memref<64x128xf32, #tpu.memory_space<vmem>>[vector<16xi32>, vector<16xi32>], vector<16xf32>,
    %swap3A_592 = arith.constant 32672 : index
    %swap3A_593 = tpu.vector_load %arg8[%swap3A_592] {strides = array<i32>} : memref<32768xf32, #tpu.memory_space<vmem>>, vector<16xf32>,
    tpu.vector_store %arg8[%swap3A_592], %gather3A_591 {strides = array<i32>} : memref<32768xf32, #tpu.memory_space<vmem>>, vector<16xf32>,
    %add3A_594 = arith.constant 48 : i32
    %add3A_595 = vector.broadcast %add3A_594 : i32 to vector<16xi32>
    %add3A_596 = arith.addi %iota3A, %add3A_595 : vector<16xi32>
    %gather3A_597 = arith.constant 4 : i32
    %gather3A_598 = arith.constant 0 : i32
    %gather3A_599 = arith.constant 0 : i32
    %gather3A_600 = tpu.memref_slice %arg7[%gather3A_597, %gather3A_598, %gather3A_599] : memref<11x64x128xf32, #tpu.memory_space<vmem>> -> memref<1x64x128xf32, #tpu.memory_space<vmem>>
    %gather3A_601 = tpu.memref_squeeze %gather3A_600 : memref<1x64x128xf32, #tpu.memory_space<vmem>> -> memref<64x128xf32, #tpu.memory_space<vmem>>
    %gather3A_602 = tpu.vector_load_idx %gather3A_601[%add3A_596, %broadcast_in_dim3A_542] : memref<64x128xf32, #tpu.memory_space<vmem>>[vector<16xi32>, vector<16xi32>], vector<16xf32>,
    %swap3A_603 = arith.constant 32688 : index
    %swap3A_604 = tpu.vector_load %arg8[%swap3A_603] {strides = array<i32>} : memref<32768xf32, #tpu.memory_space<vmem>>, vector<16xf32>,
    tpu.vector_store %arg8[%swap3A_603], %gather3A_602 {strides = array<i32>} : memref<32768xf32, #tpu.memory_space<vmem>>, vector<16xf32>,
    %slice3A_605 = vector.extract_strided_slice %get3A_8 {offsets = [15], sizes = [1], strides = [1]} : vector<16xi32> to vector<1xi32>
    %squeeze3A_606 = vector.extract %slice3A_605[0] : i32 from vector<1xi32>
    %and3A_607 = arith.constant 127 : i32
    %and3A_608 = arith.andi %squeeze3A_606, %and3A_607 : i32
    %broadcast_in_dim3A_609 = vector.broadcast %and3A_608 : i32 to vector<16xi32>
    %dma_wait3A_610 = arith.constant 5 : i32
    %dma_wait3A_611 = arith.constant 5 : i32
    %dma_wait3A_612 = arith.constant 0 : i32
    %dma_wait3A_613 = arith.constant 0 : i32
    %dma_wait3A_614 = tpu.memref_slice %arg7[%dma_wait3A_610, %dma_wait3A_612, %dma_wait3A_613] : memref<11x64x128xf32, #tpu.memory_space<vmem>> -> memref<1x64x128xf32, #tpu.memory_space<vmem>>
    %dma_wait3A_615 = tpu.memref_squeeze %dma_wait3A_614 : memref<1x64x128xf32, #tpu.memory_space<vmem>> -> memref<64x128xf32, #tpu.memory_space<vmem>>
    %dma_wait3A_616 = arith.constant 0 : i32
    %dma_wait3A_617 = arith.constant 0 : i32
    %dma_wait3A_618 = tpu.memref_slice %arg2[%dma_wait3A_616, %dma_wait3A_617] : memref<64x1000000xf32, #tpu.memory_space<hbm>> -> memref<64x128xf32, #tpu.memory_space<hbm>>
    %dma_wait3A_619 = tpu.memref_slice %arg9[%dma_wait3A_611] : memref<11x!tpu.dma_semaphore, #tpu.memory_space<semaphore_mem>> -> memref<1x!tpu.dma_semaphore, #tpu.memory_space<semaphore_mem>>
    %dma_wait3A_620 = tpu.memref_squeeze %dma_wait3A_619 : memref<1x!tpu.dma_semaphore, #tpu.memory_space<semaphore_mem>> -> memref<!tpu.dma_semaphore, #tpu.memory_space<semaphore_mem>>
    %dma_wait3A_621 = arith.constant 0 : i32
    %dma_wait3A_622 = arith.constant 0 : i32
    %dma_wait3A_623 = tpu.memref_slice %arg7[%dma_wait3A_610, %dma_wait3A_621, %dma_wait3A_622] : memref<11x64x128xf32, #tpu.memory_space<vmem>> -> memref<1x64x128xf32, #tpu.memory_space<vmem>>
    %dma_wait3A_624 = tpu.memref_squeeze %dma_wait3A_623 : memref<1x64x128xf32, #tpu.memory_space<vmem>> -> memref<64x128xf32, #tpu.memory_space<vmem>>
    %dma_wait3A_625 = arith.constant 0 : i32
    %dma_wait3A_626 = arith.constant 0 : i32
    %dma_wait3A_627 = tpu.memref_slice %arg2[%dma_wait3A_625, %dma_wait3A_626] : memref<64x1000000xf32, #tpu.memory_space<hbm>> -> memref<64x128xf32, #tpu.memory_space<hbm>>
    tpu.wait_dma2 semaphore(%dma_wait3A_620 : memref<!tpu.dma_semaphore, #tpu.memory_space<semaphore_mem>>) src(%dma_wait3A_627 : memref<64x128xf32, #tpu.memory_space<hbm>>) dst(%dma_wait3A_624 : memref<64x128xf32, #tpu.memory_space<vmem>>)
    %add3A_628 = arith.constant 0 : i32
    %add3A_629 = vector.broadcast %add3A_628 : i32 to vector<16xi32>
    %add3A_630 = arith.addi %iota3A, %add3A_629 : vector<16xi32>
    %gather3A_631 = arith.constant 5 : i32
    %gather3A_632 = arith.constant 0 : i32
    %gather3A_633 = arith.constant 0 : i32
    %gather3A_634 = tpu.memref_slice %arg7[%gather3A_631, %gather3A_632, %gather3A_633] : memref<11x64x128xf32, #tpu.memory_space<vmem>> -> memref<1x64x128xf32, #tpu.memory_space<vmem>>
    %gather3A_635 = tpu.memref_squeeze %gather3A_634 : memref<1x64x128xf32, #tpu.memory_space<vmem>> -> memref<64x128xf32, #tpu.memory_space<vmem>>
    %gather3A_636 = tpu.vector_load_idx %gather3A_635[%add3A_630, %broadcast_in_dim3A_609] : memref<64x128xf32, #tpu.memory_space<vmem>>[vector<16xi32>, vector<16xi32>], vector<16xf32>,
    %swap3A_637 = arith.constant 32704 : index
    %swap3A_638 = tpu.vector_load %arg8[%swap3A_637] {strides = array<i32>} : memref<32768xf32, #tpu.memory_space<vmem>>, vector<16xf32>,
    tpu.vector_store %arg8[%swap3A_637], %gather3A_636 {strides = array<i32>} : memref<32768xf32, #tpu.memory_space<vmem>>, vector<16xf32>,
    %add3A_639 = arith.constant 16 : i32
    %add3A_640 = vector.broadcast %add3A_639 : i32 to vector<16xi32>
    %add3A_641 = arith.addi %iota3A, %add3A_640 : vector<16xi32>
    %gather3A_642 = arith.constant 5 : i32
    %gather3A_643 = arith.constant 0 : i32
    %gather3A_644 = arith.constant 0 : i32
    %gather3A_645 = tpu.memref_slice %arg7[%gather3A_642, %gather3A_643, %gather3A_644] : memref<11x64x128xf32, #tpu.memory_space<vmem>> -> memref<1x64x128xf32, #tpu.memory_space<vmem>>
    %gather3A_646 = tpu.memref_squeeze %gather3A_645 : memref<1x64x128xf32, #tpu.memory_space<vmem>> -> memref<64x128xf32, #tpu.memory_space<vmem>>
    %gather3A_647 = tpu.vector_load_idx %gather3A_646[%add3A_641, %broadcast_in_dim3A_609] : memref<64x128xf32, #tpu.memory_space<vmem>>[vector<16xi32>, vector<16xi32>], vector<16xf32>,
    %swap3A_648 = arith.constant 32720 : index
    %swap3A_649 = tpu.vector_load %arg8[%swap3A_648] {strides = array<i32>} : memref<32768xf32, #tpu.memory_space<vmem>>, vector<16xf32>,
    tpu.vector_store %arg8[%swap3A_648], %gather3A_647 {strides = array<i32>} : memref<32768xf32, #tpu.memory_space<vmem>>, vector<16xf32>,
    %add3A_650 = arith.constant 32 : i32
    %add3A_651 = vector.broadcast %add3A_650 : i32 to vector<16xi32>
    %add3A_652 = arith.addi %iota3A, %add3A_651 : vector<16xi32>
    %gather3A_653 = arith.constant 5 : i32
    %gather3A_654 = arith.constant 0 : i32
    %gather3A_655 = arith.constant 0 : i32
    %gather3A_656 = tpu.memref_slice %arg7[%gather3A_653, %gather3A_654, %gather3A_655] : memref<11x64x128xf32, #tpu.memory_space<vmem>> -> memref<1x64x128xf32, #tpu.memory_space<vmem>>
    %gather3A_657 = tpu.memref_squeeze %gather3A_656 : memref<1x64x128xf32, #tpu.memory_space<vmem>> -> memref<64x128xf32, #tpu.memory_space<vmem>>
    %gather3A_658 = tpu.vector_load_idx %gather3A_657[%add3A_652, %broadcast_in_dim3A_609] : memref<64x128xf32, #tpu.memory_space<vmem>>[vector<16xi32>, vector<16xi32>], vector<16xf32>,
    %swap3A_659 = arith.constant 32736 : index
    %swap3A_660 = tpu.vector_load %arg8[%swap3A_659] {strides = array<i32>} : memref<32768xf32, #tpu.memory_space<vmem>>, vector<16xf32>,
    tpu.vector_store %arg8[%swap3A_659], %gather3A_658 {strides = array<i32>} : memref<32768xf32, #tpu.memory_space<vmem>>, vector<16xf32>,
    %add3A_661 = arith.constant 48 : i32
    %add3A_662 = vector.broadcast %add3A_661 : i32 to vector<16xi32>
    %add3A_663 = arith.addi %iota3A, %add3A_662 : vector<16xi32>
    %gather3A_664 = arith.constant 5 : i32
    %gather3A_665 = arith.constant 0 : i32
    %gather3A_666 = arith.constant 0 : i32
    %gather3A_667 = tpu.memref_slice %arg7[%gather3A_664, %gather3A_665, %gather3A_666] : memref<11x64x128xf32, #tpu.memory_space<vmem>> -> memref<1x64x128xf32, #tpu.memory_space<vmem>>
    %gather3A_668 = tpu.memref_squeeze %gather3A_667 : memref<1x64x128xf32, #tpu.memory_space<vmem>> -> memref<64x128xf32, #tpu.memory_space<vmem>>
    %gather3A_669 = tpu.vector_load_idx %gather3A_668[%add3A_663, %broadcast_in_dim3A_609] : memref<64x128xf32, #tpu.memory_space<vmem>>[vector<16xi32>, vector<16xi32>], vector<16xf32>,
    %swap3A_670 = arith.constant 32752 : index
    %swap3A_671 = tpu.vector_load %arg8[%swap3A_670] {strides = array<i32>} : memref<32768xf32, #tpu.memory_space<vmem>>, vector<16xf32>,
    tpu.vector_store %arg8[%swap3A_670], %gather3A_669 {strides = array<i32>} : memref<32768xf32, #tpu.memory_space<vmem>>, vector<16xf32>,
    %mul3A_672 = arith.constant 32768 : i32
    %mul3A_673 = arith.muli %add3A, %mul3A_672 : i32
    "tpu.region"() ({
      %run_scoped3A = tpu.sem_alloc : memref<!tpu.dma_semaphore, #tpu.memory_space<semaphore_mem>>
      %dma_start3A = tpu.memref_slice %arg5[%mul3A_673] : memref<1048576xf32, #tpu.memory_space<hbm>> -> memref<32768xf32, #tpu.memory_space<hbm>>
      %dma_start3A_674 = tpu.memref_slice %arg5[%mul3A_673] : memref<1048576xf32, #tpu.memory_space<hbm>> -> memref<32768xf32, #tpu.memory_space<hbm>>
      tpu.enqueue_dma source(%arg8 : memref<32768xf32, #tpu.memory_space<vmem>>) target(%dma_start3A_674 : memref<32768xf32, #tpu.memory_space<hbm>>) target_semaphore(%run_scoped3A : memref<!tpu.dma_semaphore, #tpu.memory_space<semaphore_mem>>)
      %dma_wait3A_675 = tpu.memref_slice %arg5[%mul3A_673] : memref<1048576xf32, #tpu.memory_space<hbm>> -> memref<32768xf32, #tpu.memory_space<hbm>>
      %dma_wait3A_676 = tpu.memref_slice %arg5[%mul3A_673] : memref<1048576xf32, #tpu.memory_space<hbm>> -> memref<32768xf32, #tpu.memory_space<hbm>>
      tpu.wait_dma2 semaphore(%run_scoped3A : memref<!tpu.dma_semaphore, #tpu.memory_space<semaphore_mem>>) src(%arg8 : memref<32768xf32, #tpu.memory_space<vmem>>) dst(%dma_wait3A_676 : memref<32768xf32, #tpu.memory_space<hbm>>)
      tpu.yield
    }) : () -> ()
    return
  }
}

</mosaic_0001>

<sc_bundles>
// kernel: kernel.3.cloned.1.call-start
scs
__scs_entry_jumppad:
0x0: {  	(pc) =	sbr.rel $0x88, $3  }
0x1: {  	(tag) =	ssettag $0x0;
	lr =	simm.s32 $0x1  }
0x2: {  	[smem:$0x3F9F] =	sst lr;
	_ =	strace $0xD0000000  }
0x3: {  	_ = 	snop  }
0x4: {  	_ = 	snop  }
0x5: {  	_ = 	snop  }
0x6: {  	_ = 	snop  }
0x7: {  	_ = 	snop  }
__scs_overlays_trampoline_lowered:
0x8: {  	[smem:$0x3FAE] =	sst s0  }
0x9: {  	[smem:$0x3FAF] =	sst s1  }
0xa: {  	[smem:$0x3FB0] =	sst s2  }
0xb: {  	[smem:$0x3FB1] =	sst s3  }
0xc: {  	[smem:$0x3FB2] =	sst s4  }
0xd: {  	[smem:$0x3FB3] =	sst s5  }
0xe: {  	[smem:$0x3FB4] =	sst s6  }
0xf: {  	[smem:$0x3FB5] =	sst s7  }
0x10: {  	[smem:$0x3FB6] =	sst s8  }
0x11: {  	[smem:$0x3FB7] =	sst s9;
	s0 =	simm.s32 @!p0 $0x0  }
0x12: {  	s1 =	sld [smem:$0x3F9D];
	s0 =	simm.s32 @p0 $0x1  }
0x13: {  	[smem:$0x3FB8] =	sst s0;
	s0 =	simm.s32 @!p1 $0x0  }
0x14: {  	s2 =	sld [smem:$0x3F9C];
	s0 =	simm.s32 @p1 $0x1  }
0x15: {  	[smem:$0x3FB9] =	sst s0;
	s0 =	simm.s32 @!p2 $0x0  }
0x16: {  	s3 =	sld [smem:$0x3FDB];
	s0 =	simm.s32 @p2 $0x1  }
0x17: {  	s4 =	simm.s32 $0x1BF5;
	[smem:$0x3FBB] =	sst s0  }
0x18: {  	s0 =	sld [smem:$0x3F9E];
	_ =	swait.ge [sflag:s4], $0x0  }
0x19: {  	s7 =	sld [smem:$0x3F9F]  }
0x1a: {  	s8 =	sadd.s32 $0xFFFFE003, lr  }
0x1b: {  	s9 =	sadd.s32 $0xFFFFFEF7, lr;
	s5 =	simm.s32 $0xFFFFFFFF;
	p2 =	slt.u32 s8, $0xFFFFF086  }
0x1c: {  	p1 =	slt.u32 s9, $0xF7A;
	s5 =	simm.s32 @!p2 $0x0  }
0x1d: {  	s5 =	simm.s32 @p1 $0x1;
	p0 =	seq.s32 s7, s2  }
0x1e: {  	s7 =	smul.u32 @!p0 $0xF7A, s2;
	p2 =	seq.s32 @!p0 s5, $0x0  }
0x1f: {  	s9 =	smul.u32 $0xF7A, s1;
	s8 =	simm.s32 @!p0 $0x1BF5;
	p2 =	por !p2, p0  }
0x20: {  	[sflag:s8] =	ssyncset.s32 @!p0 $0xFFFFF086;
	s6 =	sadd.s32 @!p0 s3, s7;
	s7 =	simm.s32 @!p0 $0x108  }
0x21: {  	s3 =	sadd.s32 s3, s9;
	s6 =	sadd.s32 @!p0 $0x88, s6;
	s7 =	simm.s32 @p2 $0x1082  }
0x22: {  	[simem:s7], [sflag:s8] =	dma.local @!p0 [hbm:s6], $0xF7A  }
0x23: {  	s9 =	sor.u32 $0xD0000000, s2;
	s6 =	simm.s32 $0x108;
	_ =	swait.ge @!p0 [sflag:s8], $0x0  }
0x24: {  	s3 =	sadd.s32 $0x88, s3;
	s6 =	simm.s32 @!p1 $0x1082;
	[sflag:s4] =	ssyncset.s32 $0xFFFFF086  }
0x25: {  	[simem:s6], [sflag:s4] =	dma.local [hbm:s3], $0xF7A  }
0x26: {  	[smem:$0x3F9F] =	sst s1;
	(tag) =	ssettag s2;
	_ =	strace s9  }
0x27: {  	s1 =	sld [smem:$0x3FAF]  }
0x28: {  	s2 =	sld [smem:$0x3FB0]  }
0x29: {  	s4 =	sld [smem:$0x3FB2]  }
0x2a: {  	p0 =	seq.s32 s5, $0x0;
	s5 =	sld [smem:$0x3FB3]  }
0x2b: {  	s6 =	sld [smem:$0x3FB4]  }
0x2c: {  	s7 =	sld [smem:$0x3FB5]  }
0x2d: {  	s3 =	simm.s32 $0x108;
	s8 =	sld [smem:$0x3FB6]  }
0x2e: {  	s3 =	simm.s32 @!p0 $0x1082;
	s9 =	sld [smem:$0x3FB7]  }
0x2f: {  	lr =	sadd.s32 s0, s3;
	s0 =	sld [smem:$0x3FAE]  }
0x30: {  	s3 =	sld [smem:$0x3FB1]  }
0x31: {  	[smem:$0x3FBA] =	sst s10  }
0x32: {  	s10 =	sld [smem:$0x3FB8];
	_ =	sdelay $0x3  }
0x33: {  	p0 =	seq.s32 s10, $0x1;
	s10 =	sld [smem:$0x3FBA];
	_ =	sdelay $0x3  }
0x34: {  	[smem:$0x3FBA] =	sst s10  }
0x35: {  	s10 =	sld [smem:$0x3FB9];
	_ =	sdelay $0x3  }
0x36: {  	p1 =	seq.s32 s10, $0x1;
	s10 =	sld [smem:$0x3FBA];
	_ =	sdelay $0x3  }
0x37: {  	[smem:$0x3FBA] =	sst s10  }
0x38: {  	s10 =	sld [smem:$0x3FBB]  }
0x39: {  	_ = 	snop;
	(pc) =	sbr.ind lr, $3  }
0x3a: {  	_ = 	snop  }
0x3b: {  	_ = 	snop  }
0x3c: {  	p2 =	seq.s32 s10, $0x1;
	s10 =	sld [smem:$0x3FBA]  }
0x3d: {  	_ =	shalt  }
0x3e: {  	_ =	shalt  }
0x3f: {  	_ =	shalt  }
0x40: {  	_ =	shalt  }
0x41: {  	_ =	shalt  }
0x42: {  	_ =	shalt  }
0x43: {  	_ =	shalt  }
0x44: {  	_ =	shalt  }
0x45: {  	_ =	shalt  }
0x46: {  	_ =	shalt  }
0x47: {  	_ =	shalt  }
0x48: {  	_ =	shalt  }
0x49: {  	_ =	shalt  }
0x4a: {  	_ =	shalt  }
0x4b: {  	_ =	shalt  }
0x4c: {  	_ =	shalt  }
0x4d: {  	_ =	shalt  }
0x4e: {  	_ =	shalt  }
0x4f: {  	_ =	shalt  }
0x50: {  	_ =	shalt  }
0x51: {  	_ =	shalt  }
0x52: {  	_ =	shalt  }
0x53: {  	_ =	shalt  }
0x54: {  	_ =	shalt  }
0x55: {  	_ =	shalt  }
0x56: {  	_ =	shalt  }
0x57: {  	_ =	shalt  }
0x58: {  	_ =	shalt  }
0x59: {  	_ =	shalt  }
0x5a: {  	_ =	shalt  }
0x5b: {  	_ =	shalt  }
0x5c: {  	_ =	shalt  }
0x5d: {  	_ =	shalt  }
0x5e: {  	_ =	shalt  }
0x5f: {  	_ =	shalt  }
0x60: {  	_ =	shalt  }
0x61: {  	_ =	shalt  }
0x62: {  	_ =	shalt  }
0x63: {  	_ =	shalt  }
0x64: {  	_ =	shalt  }
0x65: {  	_ =	shalt  }
0x66: {  	_ =	shalt  }
0x67: {  	_ =	shalt  }
0x68: {  	_ =	shalt  }
0x69: {  	_ =	shalt  }
0x6a: {  	_ =	shalt  }
0x6b: {  	_ =	shalt  }
0x6c: {  	_ =	shalt  }
0x6d: {  	_ =	shalt  }
0x6e: {  	_ =	shalt  }
0x6f: {  	_ =	shalt  }
0x70: {  	_ =	shalt  }
0x71: {  	_ =	shalt  }
0x72: {  	_ =	shalt  }
0x73: {  	_ =	shalt  }
0x74: {  	_ =	shalt  }
0x75: {  	_ =	shalt  }
0x76: {  	_ =	shalt  }
0x77: {  	_ =	shalt  }
0x78: {  	_ =	shalt  }
0x79: {  	_ =	shalt  }
0x7a: {  	_ =	shalt  }
0x7b: {  	_ =	shalt  }
0x7c: {  	_ =	shalt  }
0x7d: {  	_ =	shalt  }
0x7e: {  	_ =	shalt  }
0x7f: {  	_ =	shalt  }
0x80: {  	_ =	shalt  }
0x81: {  	_ =	shalt  }
0x82: {  	_ =	shalt  }
0x83: {  	_ =	shalt  }
0x84: {  	_ =	shalt  }
0x85: {  	_ =	shalt  }
0x86: {  	_ =	shalt  }
0x87: {  	_ =	shalt  }
.Lfunc_end0:
.L_simem_size_0:
called_computation_lowered:
.L_overlay_start_0:
0x88: {  	s2 =	sld [smem:$0x3FD9]  }
0x89: {  	s3 =	sld [smem:$0x3FFE];
	_ =	sdelay $0x1  }
0x8a: {  	s1 =	srdreg.scid  }
0x8b: {  	s0 =	sand.u32 $0x1, s1  }
0x8c: {  	s17 =	sshll.u32 s0, $0xA;
	s2 =	sadd.s32 s3, s2  }
0x8d: {  	s2 =	sadd.s32 s2, s17  }
0x8e: {  	[smem:$0x3FC6] =	sst s2  }
0x8f: {  	_ = 	snop  }
0x90: {  	s2 =	sld [smem:$0x3FC9]  }
0x91: {  	s18 =	sld [smem:$0x3FC8]  }
0x92: {  	s4 =	sld [smem:$0x3FD0];
	(tm) =	ssettm $0x1  }
0x93: {  	s5 =	sld [smem:$0x3FFB];
	_ =	sdelay $0x3  }
0x94: {  	_ =	strace s5  }
0x95: {  	s5 =	sld [smem:$0x3FFC];
	_ =	sdelay $0x3  }
0x96: {  	_ =	strace s5  }
0x97: {  	s5 =	sld [smem:$0x3FFD];
	_ =	sdelay $0x3  }
0x98: {  	_ =	strace s5  }
0x99: {  	_ =	strace $0x8FFFFFFF  }
0x9a: {  	s19 =	sld [smem:$0x3FDB];
	_ =	sdelay $0x1  }
0x9b: {  	s6 =	simm.s32 $_scs_section_size  }
0x9c: {  	s7 =	simm.s32 $_size__tile_overlayer_lowered;
	s8 =	simm.s32 $_tile_overlayer_lowered  }
0x9d: {  	s22 =	simm.s32 $0x1BFF;
	s21 =	sshll.u32 s8, $0x1;
	s5 =	sadd.s32 s6, s19  }
0x9e: {  	s9 =	simm.s32 $0x0;
	s20 =	sshll.u32 s7, $0x1;
	s7 =	sadd.s32 s21, s5  }
0x9f: {  	[timem:s9], [sflag:s22] =	dma.local [hbm:s7], s20  }
0xa0: {  	_ =	swait.ge [sflag:s22], s20  }
0xa1: {  	s6 =	ssub.s32 $0x0, s20;
	[sflag:s22] =	ssyncset.done $0x0  }
0xa2: {  	[sflag:s22] =	ssyncadd.s32 s6;
	_ =	sdelay $0x1  }
0xa3: {  	s23 =	simm.s32 $0x1B8B  }
0xa4: {  	_ =	swait.ge [sflag:s23], $0x1  }
0xa5: {  	[sflag:s23] =	ssyncset.done $0x0  }
0xa6: {  	s25 =	simm.s32 $0x1B8E;
	s24 =	sld [smem:$0x3FFE];
	[sflag:s23] =	ssyncadd.s32 $0xFFFFFFFF  }
0xa7: {  	s26 =	simm.s32 $execute0_lowered;
	[smem:$0x3FD2] =	sst s25  }
0xa8: {  	s7 =	sshll.u32 s26, $0x1;
	_ =	strace $0x80000046;
	[dreg:$0x1] =	wrdreg $0xFFFFFFFF  }
0xa9: {  	s28 =	simm.s32 $_size_execute0_lowered;
	s5 =	sadd.s32 s5, s7;
	[dreg:$0x0] =	wrdreg $0x0  }
0xaa: {  	s7 =	sshll.u32 s28, $0x1;
	[dreg:$0x2] =	wrdreg s5  }
0xab: {  	[dreg:$0x3] =	wrdreg s7  }
0xac: {  	[dreg:$0x4] =	wrdreg $0xC0  }
0xad: {  	_ =	task [dreg:s9], $0x5FFFF  }
0xae: {  	[dreg:$0x1] =	wrdreg $0xFFFFFFFF  }
0xaf: {  	[dreg:$0x0] =	wrdreg $0x60  }
0xb0: {  	[dreg:$0x2] =	wrdreg s18  }
0xb1: {  	[dreg:$0x3] =	wrdreg s24  }
0xb2: {  	[dreg:$0x4] =	wrdreg s2  }
0xb3: {  	[dreg:$0x5] =	wrdreg s4  }
0xb4: {  	[dreg:$0x6] =	wrdreg $0x9  }
0xb5: {  	_ =	task.clear_ibuf [dreg:s9], $0x7FFFF;
	_ =	strace $0x90000046  }
0xb6: {  	s29 =	simm.s32 $0x9;
	_ =	strace $0x80000048  }
0xb7: {  	_ =	swait.ge [sflag:s29], $0x1  }
0xb8: {  	[sflag:s29] =	ssyncadd.s32 $0xFFFFFFFF  }
0xb9: {  	_ =	strace $0x90000048  }
0xba: {  	_ =	sfence  }
0xbb: {  	s30 =	sld [smem:$0x0];
	_ =	sdelay $0x2  }
0xbc: {  	s31 =	sshll.u32 s1, $0xD;
	s1 =	sshrl.u32 s1, $0x2  }
0xbd: {  	s3 =	sand.u32 $0x4000, s31;
	s1 =	sadd.s32 s1, s30  }
0xbe: {  	s0 =	sor.u32 s3, s0;
	s1 =	sshll.u32 s1, $0x11  }
0xbf: {  	s0 =	sor.u32 s1, s0  }
0xc0: {  	s0 =	sadd.s32 $0x8F2B, s0  }
0xc1: {  	[sflag:s0] =	ssyncadd.remote.s32 $0x1  }
0xc2: {  	_ =	sfence.sel $0xFFFF  }
0xc3: {  	[dreg:$0x0] =	wrdreg $0xFFFFFFFF;
	(pc) =	sbr.abs _section_cstart, $3  }
0xc4: {  	[dreg:$0x1] =	wrdreg $0xFFFFFFFF  }
0xc5: {  	_ =	task.clear_ibuf [dreg:s9], $0x2FFFF;
	_ =	strace $0x9FFFFFFF  }
0xc6: {  	(tm) =	ssettm $0x7FFFFFFF  }
0xc7: {  	_ =	shalt  }
tec
execute0_lowered:
.L_overlay_start_1:
0x0: {  	(tag) =	ssettag $0x1  }
0x1: {  	s1 =	rddreg [dreg:$0x0]  }
0x2: {  	s0 =	rddreg [dreg:$0x1]  }
0x3: {  	s2 =	rddreg [dreg:$0x2]  }
0x4: {  	s3 =	rddreg [dreg:$0x3];
	s9 =	simm.s32 $0x0;
	s4 =	srdreg.scid  }
0x5: {  	s6 =	stileid.u32;
	s8 =	simm.s32 $0xC;
	s22 =	simm.s32 $0x4200  }
0x6: {  	s24 =	simm.s32 $0x6200;
	s5 =	sand.u32 $0x1, s4;
	s6 =	sshll.u32 s6, $0x1  }
0x7: {  	[smem:$0x7FF] =	sst s9;
	s26 =	ssub.s32 $0x2, s5;
	s5 =	sor.u32 s5, s6  }
0x8: {  	s4 =	sadd.s32 $0x400, s0;
	_ =	strace $0x80000047;
	s7 =	sshll.u32 s5, $0x6  }
0x9: {  	v0 =	vlaneseq.u32;
	s28 =	sshrl.u32 s26, $0x1;
	s5 =	sshll.u32 s5, $0xC;
	s2 =	sadd.s32 s2, s7  }
0xa: {  	v0 =	vmul.u32 $0x80, v0;
	s0 =	ssub.s32 s26, s28;
	s30 =	sadd.s32 s3, s5;
	[dreg:$0x5] =	wrdreg s2  }
0xb: {  	s29 =	simm.s32 $0xA200;
	[dreg:$0x6] =	wrdreg s30;
	s0 =	smax.u32 s0, $0x1  }
0xc: {  	s31 =	simm.s32 $0x0;
	v1 =	vor.u32 $0x800, v0;
	v2 =	vor.u32 $0x1000, v0;
	v3 =	vor.u32 $0x1800, v0;
	s26 =	simm.s32 $0x8200;
	[dreg:$0x7] =	wrdreg s0  }
.LBB2_1:
0xd: {  	s0 =	rddreg [dreg:$0x5]  }
0xe: {  	[tilespmem:s9], [sflag:$0xC] =	stream.linear.gather [hbm4b:s0+s9], $0x200, $0x38;
	[tilespmem:$0x1E200] =	vst v63  }
0xf: {  	s2 =	simm.s32 $0x16180;
	_ =	swait.ge [sflag:s8], $0x200  }
0x10: {  	s30 =	simm.s32 $0x0;
	s3 =	simm.s32 $0x0;
	[sflag:s8] =	ssyncset.done $0x0  }
0x11: {  	s5 =	simm.s32 $0x0;
	s0 =	simm.s32 $0x140;
	[sflag:s8] =	ssyncadd.s32 $0xFFFFFE00  }
.LBB2_2:
0x12: {  	v4 =	vld [tilespmem:s30+$0x0];
	_ =	sdelay $0x4  }
0x13: {  	(v2sf) =	vpush v4, $0x0;
	_ =	sdelay $0xd  }
0x14: {  	s6 =	smax.u32 s5, $0x1  }
0x15: {  	s7 =	sshll.u32 s6, $0x4;
	s6 =	spop (v2sf)  }
0x16: {  	s7 =	sand.u32 $0x3FFFFFF0, s7;
	p1 =	sgt.s32 s6, $0xF41FF  }
0x17: {  	v5 =	vld [tilespmem:s7+$0xFFFFFFF0];
	s7 =	smul.u32 @p1 $0xBA2F, s3;
	_ =	sdelay $0x1  }
0x18: {  	s7 =	sshrl.u32 @p1 s7, $0x13  }
0x19: {  	s7 =	smul.u32 @p1 $0xB, s7  }
0x1a: {  	p0 =	seq.s32 s3, $0x0  }
0x1b: {  	(v2sf) =	vpush @!p0 v5, $0x6;
	s9 =	smul.u32 @!p1 $0xBA2F, s3;
	s7 =	ssub.s32 @p1 s3, s7  }
0x1c: {  	s7 =	sand.u32 @p1 $0xFFFF, s7  }
0x1d: {  	s9 =	sshrl.u32 @!p1 s9, $0x13;
	s11 =	sadd.s32 @p1 $0x1, s7;
	s7 =	sshll.u32 @p1 s7, $0xD  }
0x1e: {  	s13 =	simm.s32 @p1 $0x0;
	s9 =	smul.u32 @!p1 $0xB, s9;
	s7 =	sor.u32 @p1 $0x200, s7  }
0x1f: {  	[tilespmem:s7], [sflag:s11] =	stream.linear.gather @p1 [hbm4b:s4+s13], $0x2000, $0x38;
	[tilespmem:$0x1E200] =	vst v63  }
0x20: {  	s7 =	ssub.s32 @!p1 s3, s9;
	s9 =	sadd.s32 @!p0 $0xFFFFFFF6, s3  }
0x21: {  	s19 =	simm.s32 @!p1 $0x7A1400;
	s11 =	smul.u32 @!p0 $0x1746, s9  }
0x22: {  	s13 =	sand.u32 @!p1 $0xFFFFF80, s6;
	s7 =	sand.u32 @!p1 $0xFFFF, s7  }
0x23: {  	s13 =	sadd.s32 @!p1 s1, s13;
	s17 =	sshrl.u32 @!p0 s11, $0x1F;
	s11 =	sshrl.u32 @!p0 s11, $0x10  }
0x24: {  	s15 =	sshll.u32 @!p1 s7, $0xD;
	s7 =	sadd.s32 @!p1 $0x1, s7;
	s11 =	sadd.s32 @!p0 s17, s11  }
0x25: {  	s15 =	sor.u32 @!p1 $0x200, s15;
	s17 =	simm.s32 @!p1 $0x400;
	s11 =	smul.u32 @!p0 $0xB, s11  }
0x26: {  	[tilespmem:s15], [sflag:s7] =	stream.strided.gather @!p1 [hbm4b:s13+s17], $0x2000, s19, s17, $0x38;
	[tilespmem:$0x1E200] =	vst v63  }
0x27: {  	s7 =	ssub.s32 @!p0 s9, s11  }
0x28: {  	s7 =	sshll.u32 @!p0 s7, $0x10  }
0x29: {  	v6 =	vlaneseq.u32 @!p0;
	s7 =	sshra.s32 @!p0 s7, $0x10  }
0x2a: {  	v6 =	vmul.u32 @!p0 $0x80, v6;
	s9 =	spop @!p0 (v2sf);
	p1 =	slt.s32 @!p0 s7, $0x0  }
0x2b: {  	s9 =	sand.u32 @!p0 $0x7F, s9;
	s11 =	sadd.s32 @!p0 $0xB, s7;
	p1 =	por !p1, p0  }
0x2c: {  	v7 =	vor.u32 @!p0 s9, v6;
	s11 =	smov.u32 @p1 s7  }
0x2d: {  	s7 =	sadd.s32 @!p0 $0x1, s11  }
0x2e: {  	s11 =	sshll.u32 @!p0 s11, $0xF;
	_ =	swait.ge @!p0 [sflag:s7], $0x2000  }
0x2f: {  	s11 =	sshra.s32 @!p0 s11, $0x2;
	[sflag:s7] =	ssyncset.done @!p0 $0x0;
	(v2sf) =	vpush v4, $0x1  }
0x30: {  	s11 =	sor.u32 @!p0 $0x200, s11;
	[sflag:s7] =	ssyncadd.s32 @!p0 $0xFFFFE000  }
0x31: {  	v8 =	vld.idx.msk @!p0 [tilespmem:v7+s11+$0x0], $0xffff;
	v7 =	vor.u32 @!p0 $0x800, v6  }
0x32: {  	v9 =	vor.u32 @!p0 s9, v7;
	_ =	sdelay $0x3  }
0x33: {  	[tilespmem:s2+$0xFFFFFE00] =	vst @!p0 v8  }
0x34: {  	v8 =	vld.idx.msk @!p0 [tilespmem:v9+s11+$0x0], $0xffff;
	v9 =	vor.u32 @!p0 $0x1000, v6  }
0x35: {  	v10 =	vor.u32 @!p0 s9, v9;
	_ =	sdelay $0x3  }
0x36: {  	[tilespmem:s2+$0xFFFFFE10] =	vst @!p0 v8  }
0x37: {  	v8 =	vor.u32 @!p0 $0x1800, v6;
	v10 =	vld.idx.msk @!p0 [tilespmem:v10+s11+$0x0], $0xffff  }
0x38: {  	v11 =	vor.u32 @!p0 s9, v8;
	s9 =	spop (v2sf)  }
0x39: {  	s7 =	sadd.s32 $0x1, s3;
	p1 =	sgt.s32 s9, $0xF41FF  }
0x3a: {  	s13 =	smul.u32 @p1 $0xBA2F, s7;
	_ =	sdelay $0x1  }
0x3b: {  	[tilespmem:s2+$0xFFFFFE20] =	vst @!p0 v10;
	s13 =	sshrl.u32 @p1 s13, $0x13  }
0x3c: {  	v10 =	vld.idx.msk @!p0 [tilespmem:v11+s11+$0x0], $0xffff;
	s11 =	smul.u32 @p1 $0xB, s13;
	_ =	sdelay $0x1  }
0x3d: {  	(v2sf) =	vpush @!p0 v5, $0x7;
	s13 =	smul.u32 @!p1 $0xBA2F, s7;
	s11 =	ssub.s32 @p1 s7, s11  }
0x3e: {  	s11 =	sand.u32 @p1 $0xFFFF, s11  }
0x3f: {  	s13 =	sshrl.u32 @!p1 s13, $0x13;
	s15 =	sadd.s32 @p1 $0x1, s11;
	s11 =	sshll.u32 @p1 s11, $0xD  }
0x40: {  	s17 =	simm.s32 @p1 $0x0;
	s13 =	smul.u32 @!p1 $0xB, s13;
	[tilespmem:s2+$0xFFFFFE30] =	vst @!p0 v10;
	s11 =	sor.u32 @p1 $0x200, s11  }
0x41: {  	[tilespmem:s11], [sflag:s15] =	stream.linear.gather @p1 [hbm4b:s4+s17], $0x2000, $0x38;
	[tilespmem:$0x1E200] =	vst v63  }
0x42: {  	s11 =	ssub.s32 @!p1 s7, s13;
	s13 =	sadd.s32 @!p0 $0xFFFFFFF7, s3  }
0x43: {  	s23 =	simm.s32 @!p1 $0x7A1400;
	s15 =	smul.u32 @!p0 $0x1746, s13  }
0x44: {  	s17 =	sand.u32 @!p1 $0xFFFFF80, s9;
	s11 =	sand.u32 @!p1 $0xFFFF, s11  }
0x45: {  	s17 =	sadd.s32 @!p1 s1, s17;
	s21 =	sshrl.u32 @!p0 s15, $0x1F;
	s15 =	sshrl.u32 @!p0 s15, $0x10  }
0x46: {  	s19 =	sshll.u32 @!p1 s11, $0xD;
	s11 =	sadd.s32 @!p1 $0x1, s11;
	s15 =	sadd.s32 @!p0 s21, s15  }
0x47: {  	s19 =	sor.u32 @!p1 $0x200, s19;
	s21 =	simm.s32 @!p1 $0x400;
	s15 =	smul.u32 @!p0 $0xB, s15  }
0x48: {  	[tilespmem:s19], [sflag:s11] =	stream.strided.gather @!p1 [hbm4b:s17+s21], $0x2000, s23, s21, $0x38;
	[tilespmem:$0x1E200] =	vst v63  }
0x49: {  	s11 =	ssub.s32 @!p0 s13, s15  }
0x4a: {  	s11 =	sshll.u32 @!p0 s11, $0x10  }
0x4b: {  	s11 =	sshra.s32 @!p0 s11, $0x10  }
0x4c: {  	s13 =	spop @!p0 (v2sf);
	p1 =	slt.s32 @!p0 s11, $0x0  }
0x4d: {  	s13 =	sand.u32 @!p0 $0x7F, s13;
	s15 =	sadd.s32 @!p0 $0xB, s11;
	p1 =	por !p1, p0  }
0x4e: {  	v10 =	vor.u32 @!p0 s13, v6;
	s15 =	smov.u32 @p1 s11  }
0x4f: {  	s11 =	sadd.s32 @!p0 $0x1, s15  }
0x50: {  	s15 =	sshll.u32 @!p0 s15, $0xF;
	_ =	swait.ge @!p0 [sflag:s11], $0x2000  }
0x51: {  	s15 =	sshra.s32 @!p0 s15, $0x2;
	[sflag:s11] =	ssyncset.done @!p0 $0x0;
	(v2sf) =	vpush v4, $0x2  }
0x52: {  	s15 =	sor.u32 @!p0 $0x200, s15;
	[sflag:s11] =	ssyncadd.s32 @!p0 $0xFFFFE000  }
0x53: {  	v10 =	vld.idx.msk @!p0 [tilespmem:v10+s15+$0x0], $0xffff  }
0x54: {  	v11 =	vor.u32 @!p0 s13, v7;
	_ =	sdelay $0x3  }
0x55: {  	[tilespmem:s2+$0xFFFFFE40] =	vst @!p0 v10  }
0x56: {  	v10 =	vld.idx.msk @!p0 [tilespmem:v11+s15+$0x0], $0xffff  }
0x57: {  	v11 =	vor.u32 @!p0 s13, v9;
	_ =	sdelay $0x1  }
0x58: {  	s17 =	sadd.s32 @!p0 $0xFFFFFC80, s0  }
0x59: {  	s11 =	sor.u32 @!p0 $0x50, s17  }
0x5a: {  	[tilespmem:s11+$0x16200] =	vst @!p0 v10  }
0x5b: {  	v10 =	vld.idx.msk @!p0 [tilespmem:v11+s15+$0x0], $0xffff  }
0x5c: {  	v11 =	vor.u32 @!p0 s13, v8;
	s13 =	spop (v2sf)  }
0x5d: {  	s11 =	sadd.s32 $0x2, s3;
	p1 =	sgt.s32 s13, $0xF41FF  }
0x5e: {  	s19 =	smul.u32 @p1 $0xBA2F, s11  }
0x5f: {  	s21 =	sor.u32 @!p0 $0x60, s17  }
0x60: {  	[tilespmem:s21+$0x16200] =	vst @!p0 v10;
	s19 =	sshrl.u32 @p1 s19, $0x13  }
0x61: {  	v10 =	vld.idx.msk @!p0 [tilespmem:v11+s15+$0x0], $0xffff;
	s15 =	smul.u32 @p1 $0xB, s19;
	_ =	sdelay $0x1  }
0x62: {  	(v2sf) =	vpush @!p0 v5, $0x8;
	s19 =	smul.u32 @!p1 $0xBA2F, s11;
	s15 =	ssub.s32 @p1 s11, s15  }
0x63: {  	s17 =	sor.u32 @!p0 $0x70, s17;
	s15 =	sand.u32 @p1 $0xFFFF, s15  }
0x64: {  	s19 =	sshrl.u32 @!p1 s19, $0x13;
	s21 =	sadd.s32 @p1 $0x1, s15;
	s15 =	sshll.u32 @p1 s15, $0xD  }
0x65: {  	s19 =	smul.u32 @!p1 $0xB, s19;
	[tilespmem:s17+$0x16200] =	vst @!p0 v10;
	s15 =	sor.u32 @p1 $0x200, s15;
	s17 =	simm.s32 @p1 $0x0  }
0x66: {  	[tilespmem:s15], [sflag:s21] =	stream.linear.gather @p1 [hbm4b:s4+s17], $0x2000, $0x38;
	[tilespmem:$0x1E200] =	vst v63  }
0x67: {  	s17 =	sadd.s32 @!p0 $0xFFFFFFF8, s3  }
0x68: {  	s28 =	simm.s32 @!p1 $0x7A1400;
	s15 =	ssub.s32 @!p1 s11, s19;
	s19 =	smul.u32 @!p0 $0x1746, s17  }
0x69: {  	s21 =	sand.u32 @!p1 $0xFFFFF80, s13;
	s15 =	sand.u32 @!p1 $0xFFFF, s15  }
0x6a: {  	s21 =	sadd.s32 @!p1 s1, s21;
	s25 =	sshrl.u32 @!p0 s19, $0x1F;
	s19 =	sshrl.u32 @!p0 s19, $0x10  }
0x6b: {  	s23 =	sshll.u32 @!p1 s15, $0xD;
	s15 =	sadd.s32 @!p1 $0x1, s15;
	s19 =	sadd.s32 @!p0 s25, s19  }
0x6c: {  	s23 =	sor.u32 @!p1 $0x200, s23;
	s25 =	simm.s32 @!p1 $0x400;
	s19 =	smul.u32 @!p0 $0xB, s19  }
0x6d: {  	[tilespmem:s23], [sflag:s15] =	stream.strided.gather @!p1 [hbm4b:s21+s25], $0x2000, s28, s25, $0x38;
	[tilespmem:$0x1E200] =	vst v63  }
0x6e: {  	s15 =	ssub.s32 @!p0 s17, s19  }
0x6f: {  	s15 =	sshll.u32 @!p0 s15, $0x10  }
0x70: {  	s15 =	sshra.s32 @!p0 s15, $0x10  }
0x71: {  	s17 =	spop @!p0 (v2sf);
	p1 =	slt.s32 @!p0 s15, $0x0  }
0x72: {  	s17 =	sand.u32 @!p0 $0x7F, s17;
	s19 =	sadd.s32 @!p0 $0xB, s15;
	p1 =	por !p1, p0  }
0x73: {  	v10 =	vor.u32 @!p0 s17, v6;
	s19 =	smov.u32 @p1 s15  }
0x74: {  	s15 =	sadd.s32 @!p0 $0x1, s19  }
0x75: {  	s19 =	sshll.u32 @!p0 s19, $0xF;
	_ =	swait.ge @!p0 [sflag:s15], $0x2000  }
0x76: {  	s19 =	sshra.s32 @!p0 s19, $0x2;
	[sflag:s15] =	ssyncset.done @!p0 $0x0;
	(v2sf) =	vpush v4, $0x3  }
0x77: {  	s19 =	sor.u32 @!p0 $0x200, s19;
	[sflag:s15] =	ssyncadd.s32 @!p0 $0xFFFFE000  }
0x78: {  	v10 =	vld.idx.msk @!p0 [tilespmem:v10+s19+$0x0], $0xffff  }
0x79: {  	v11 =	vor.u32 @!p0 s17, v7;
	_ =	sdelay $0x3  }
0x7a: {  	[tilespmem:s2+$0xFFFFFE80] =	vst @!p0 v10  }
0x7b: {  	v10 =	vld.idx.msk @!p0 [tilespmem:v11+s19+$0x0], $0xffff  }
0x7c: {  	v11 =	vor.u32 @!p0 s17, v9;
	_ =	sdelay $0x3  }
0x7d: {  	[tilespmem:s2+$0xFFFFFE90] =	vst @!p0 v10  }
0x7e: {  	v10 =	vld.idx.msk @!p0 [tilespmem:v11+s19+$0x0], $0xffff  }
0x7f: {  	v11 =	vor.u32 @!p0 s17, v8;
	s17 =	spop (v2sf)  }
0x80: {  	s15 =	sadd.s32 $0x3, s3;
	p1 =	sgt.s32 s17, $0xF41FF  }
0x81: {  	s21 =	smul.u32 @p1 $0xBA2F, s15;
	_ =	sdelay $0x1  }
0x82: {  	[tilespmem:s2+$0xFFFFFEA0] =	vst @!p0 v10;
	s21 =	sshrl.u32 @p1 s21, $0x13  }
0x83: {  	v10 =	vld.idx.msk @!p0 [tilespmem:v11+s19+$0x0], $0xffff;
	s19 =	smul.u32 @p1 $0xB, s21;
	_ =	sdelay $0x1  }
0x84: {  	(v2sf) =	vpush @!p0 v5, $0x9;
	s21 =	smul.u32 @!p1 $0xBA2F, s15;
	s19 =	ssub.s32 @p1 s15, s19  }
0x85: {  	s19 =	sand.u32 @p1 $0xFFFF, s19  }
0x86: {  	s21 =	sshrl.u32 @!p1 s21, $0x13;
	s23 =	sadd.s32 @p1 $0x1, s19;
	s19 =	sshll.u32 @p1 s19, $0xD  }
0x87: {  	s25 =	simm.s32 @p1 $0x0;
	s21 =	smul.u32 @!p1 $0xB, s21;
	[tilespmem:s2+$0xFFFFFEB0] =	vst @!p0 v10;
	s19 =	sor.u32 @p1 $0x200, s19  }
0x88: {  	[tilespmem:s19], [sflag:s23] =	stream.linear.gather @p1 [hbm4b:s4+s25], $0x2000, $0x38;
	[tilespmem:$0x1E200] =	vst v63  }
0x89: {  	s19 =	ssub.s32 @!p1 s15, s21;
	s21 =	sadd.s32 @!p0 $0xFFFFFFF9, s3  }
0x8a: {  	s12 =	simm.s32 @!p1 $0x7A1400;
	s23 =	smul.u32 @!p0 $0x1746, s21  }
0x8b: {  	s25 =	sand.u32 @!p1 $0xFFFFF80, s17;
	s19 =	sand.u32 @!p1 $0xFFFF, s19  }
0x8c: {  	s25 =	sadd.s32 @!p1 s1, s25;
	s10 =	sshrl.u32 @!p0 s23, $0x1F;
	s23 =	sshrl.u32 @!p0 s23, $0x10  }
0x8d: {  	s28 =	sshll.u32 @!p1 s19, $0xD;
	s19 =	sadd.s32 @!p1 $0x1, s19;
	s10 =	sadd.s32 @!p0 s10, s23  }
0x8e: {  	s28 =	sor.u32 @!p1 $0x200, s28;
	s23 =	simm.s32 @!p1 $0x400;
	s10 =	smul.u32 @!p0 $0xB, s10  }
0x8f: {  	[tilespmem:s28], [sflag:s19] =	stream.strided.gather @!p1 [hbm4b:s25+s23], $0x2000, s12, s23, $0x38;
	[tilespmem:$0x1E200] =	vst v63  }
0x90: {  	s10 =	ssub.s32 @!p0 s21, s10  }
0x91: {  	s10 =	sshll.u32 @!p0 s10, $0x10  }
0x92: {  	s10 =	sshra.s32 @!p0 s10, $0x10  }
0x93: {  	s12 =	spop @!p0 (v2sf);
	p1 =	slt.s32 @!p0 s10, $0x0  }
0x94: {  	s12 =	sand.u32 @!p0 $0x7F, s12;
	s19 =	sadd.s32 @!p0 $0xB, s10;
	p1 =	por !p1, p0  }
0x95: {  	v10 =	vor.u32 @!p0 s12, v6;
	s19 =	smov.u32 @p1 s10  }
0x96: {  	s10 =	sadd.s32 @!p0 $0x1, s19  }
0x97: {  	s19 =	sshll.u32 @!p0 s19, $0xF;
	_ =	swait.ge @!p0 [sflag:s10], $0x2000  }
0x98: {  	s19 =	sshra.s32 @!p0 s19, $0x2;
	[sflag:s10] =	ssyncset.done @!p0 $0x0;
	(v2sf) =	vpush v4, $0x4  }
0x99: {  	s23 =	sor.u32 @!p0 $0x200, s19;
	[sflag:s10] =	ssyncadd.s32 @!p0 $0xFFFFE000  }
0x9a: {  	v10 =	vld.idx.msk @!p0 [tilespmem:v10+s23+$0x0], $0xffff  }
0x9b: {  	v11 =	vor.u32 @!p0 s12, v7;
	_ =	sdelay $0x3  }
0x9c: {  	[tilespmem:s2+$0xFFFFFEC0] =	vst @!p0 v10  }
0x9d: {  	v10 =	vld.idx.msk @!p0 [tilespmem:v11+s23+$0x0], $0xffff  }
0x9e: {  	v11 =	vor.u32 @!p0 s12, v9;
	_ =	sdelay $0x1  }
0x9f: {  	s10 =	sadd.s32 @!p0 $0xFFFFFD00, s0  }
0xa0: {  	s19 =	sor.u32 @!p0 $0x50, s10  }
0xa1: {  	[tilespmem:s19+$0x16200] =	vst @!p0 v10  }
0xa2: {  	v10 =	vld.idx.msk @!p0 [tilespmem:v11+s23+$0x0], $0xffff  }
0xa3: {  	v11 =	vor.u32 @!p0 s12, v8;
	s21 =	spop (v2sf)  }
0xa4: {  	s19 =	sadd.s32 $0x4, s3;
	p1 =	sgt.s32 s21, $0xF41FF  }
0xa5: {  	s12 =	smul.u32 @p1 $0xBA2F, s19  }
0xa6: {  	s25 =	sor.u32 @!p0 $0x60, s10  }
0xa7: {  	[tilespmem:s25+$0x16200] =	vst @!p0 v10;
	s12 =	sshrl.u32 @p1 s12, $0x13  }
0xa8: {  	v10 =	vld.idx.msk @!p0 [tilespmem:v11+s23+$0x0], $0xffff;
	s12 =	smul.u32 @p1 $0xB, s12;
	_ =	sdelay $0x1  }
0xa9: {  	(v2sf) =	vpush @!p0 v5, $0xA;
	s23 =	smul.u32 @!p1 $0xBA2F, s19;
	s12 =	ssub.s32 @p1 s19, s12  }
0xaa: {  	s10 =	sor.u32 @!p0 $0x70, s10;
	s12 =	sand.u32 @p1 $0xFFFF, s12  }
0xab: {  	s23 =	sshrl.u32 @!p1 s23, $0x13;
	s25 =	sadd.s32 @p1 $0x1, s12;
	s12 =	sshll.u32 @p1 s12, $0xD  }
0xac: {  	s23 =	smul.u32 @!p1 $0xB, s23;
	[tilespmem:s10+$0x16200] =	vst @!p0 v10;
	s10 =	sor.u32 @p1 $0x200, s12;
	s12 =	simm.s32 @p1 $0x0  }
0xad: {  	[tilespmem:s10], [sflag:s25] =	stream.linear.gather @p1 [hbm4b:s4+s12], $0x2000, $0x38;
	[tilespmem:$0x1E200] =	vst v63  }
0xae: {  	s12 =	sadd.s32 @!p0 $0xFFFFFFFA, s3  }
0xaf: {  	s16 =	simm.s32 @!p1 $0x7A1400;
	s10 =	ssub.s32 @!p1 s19, s23;
	s23 =	smul.u32 @!p0 $0x1746, s12  }
0xb0: {  	s25 =	sand.u32 @!p1 $0xFFFFF80, s21;
	s10 =	sand.u32 @!p1 $0xFFFF, s10  }
0xb1: {  	s25 =	sadd.s32 @!p1 s1, s25;
	s14 =	sshrl.u32 @!p0 s23, $0x1F;
	s23 =	sshrl.u32 @!p0 s23, $0x10  }
0xb2: {  	s28 =	sshll.u32 @!p1 s10, $0xD;
	s10 =	sadd.s32 @!p1 $0x1, s10;
	s14 =	sadd.s32 @!p0 s14, s23  }
0xb3: {  	s28 =	sor.u32 @!p1 $0x200, s28;
	s23 =	simm.s32 @!p1 $0x400;
	s14 =	smul.u32 @!p0 $0xB, s14  }
0xb4: {  	[tilespmem:s28], [sflag:s10] =	stream.strided.gather @!p1 [hbm4b:s25+s23], $0x2000, s16, s23, $0x38;
	[tilespmem:$0x1E200] =	vst v63  }
0xb5: {  	s10 =	ssub.s32 @!p0 s12, s14  }
0xb6: {  	s10 =	sshll.u32 @!p0 s10, $0x10  }
0xb7: {  	s10 =	sshra.s32 @!p0 s10, $0x10  }
0xb8: {  	s12 =	spop @!p0 (v2sf);
	p1 =	slt.s32 @!p0 s10, $0x0  }
0xb9: {  	s12 =	sand.u32 @!p0 $0x7F, s12;
	s14 =	sadd.s32 @!p0 $0xB, s10;
	p1 =	por !p1, p0  }
0xba: {  	v10 =	vor.u32 @!p0 s12, v6;
	s14 =	smov.u32 @p1 s10  }
0xbb: {  	s10 =	sadd.s32 @!p0 $0x1, s14  }
0xbc: {  	s14 =	sshll.u32 @!p0 s14, $0xF;
	_ =	swait.ge @!p0 [sflag:s10], $0x2000  }
0xbd: {  	s14 =	sshra.s32 @!p0 s14, $0x2;
	[sflag:s10] =	ssyncset.done @!p0 $0x0;
	(v2sf) =	vpush v4, $0x5  }
0xbe: {  	s14 =	sor.u32 @!p0 $0x200, s14;
	[sflag:s10] =	ssyncadd.s32 @!p0 $0xFFFFE000  }
0xbf: {  	v10 =	vld.idx.msk @!p0 [tilespmem:v10+s14+$0x0], $0xffff  }
0xc0: {  	v11 =	vor.u32 @!p0 s12, v7;
	_ =	sdelay $0x3  }
0xc1: {  	[tilespmem:s2+$0xFFFFFF00] =	vst @!p0 v10  }
0xc2: {  	v10 =	vld.idx.msk @!p0 [tilespmem:v11+s14+$0x0], $0xffff  }
0xc3: {  	v11 =	vor.u32 @!p0 s12, v9;
	_ =	sdelay $0x3  }
0xc4: {  	[tilespmem:s2+$0xFFFFFF10] =	vst @!p0 v10  }
0xc5: {  	v10 =	vld.idx.msk @!p0 [tilespmem:v11+s14+$0x0], $0xffff  }
0xc6: {  	v11 =	vor.u32 @!p0 s12, v8;
	s25 =	spop (v2sf)  }
0xc7: {  	s23 =	sadd.s32 $0x5, s3;
	p1 =	sgt.s32 s25, $0xF41FF  }
0xc8: {  	s10 =	smul.u32 @p1 $0xBA2F, s23;
	_ =	sdelay $0x1  }
0xc9: {  	[tilespmem:s2+$0xFFFFFF20] =	vst @!p0 v10;
	s10 =	sshrl.u32 @p1 s10, $0x13  }
0xca: {  	v10 =	vld.idx.msk @!p0 [tilespmem:v11+s14+$0x0], $0xffff;
	s10 =	smul.u32 @p1 $0xB, s10;
	_ =	sdelay $0x1  }
0xcb: {  	(v2sf) =	vpush @!p0 v5, $0xB;
	s12 =	smul.u32 @!p1 $0xBA2F, s23;
	s10 =	ssub.s32 @p1 s23, s10  }
0xcc: {  	s10 =	sand.u32 @p1 $0xFFFF, s10  }
0xcd: {  	s12 =	sshrl.u32 @!p1 s12, $0x13;
	s14 =	sadd.s32 @p1 $0x1, s10;
	s10 =	sshll.u32 @p1 s10, $0xD  }
0xce: {  	s16 =	simm.s32 @p1 $0x0;
	s12 =	smul.u32 @!p1 $0xB, s12;
	[tilespmem:s2+$0xFFFFFF30] =	vst @!p0 v10;
	s10 =	sor.u32 @p1 $0x200, s10  }
0xcf: {  	[tilespmem:s10], [sflag:s14] =	stream.linear.gather @p1 [hbm4b:s4+s16], $0x2000, $0x38;
	[tilespmem:$0x1E200] =	vst v63  }
0xd0: {  	s10 =	ssub.s32 @!p1 s23, s12;
	s12 =	sadd.s32 @!p0 $0xFFFFFFFB, s3  }
0xd1: {  	s20 =	simm.s32 @!p1 $0x7A1400;
	s14 =	smul.u32 @!p0 $0x1746, s12  }
0xd2: {  	s16 =	sand.u32 @!p1 $0xFFFFF80, s25;
	s10 =	sand.u32 @!p1 $0xFFFF, s10  }
0xd3: {  	s16 =	sadd.s32 @!p1 s1, s16;
	s18 =	sshrl.u32 @!p0 s14, $0x1F;
	s14 =	sshrl.u32 @!p0 s14, $0x10  }
0xd4: {  	s28 =	sshll.u32 @!p1 s10, $0xD;
	s10 =	sadd.s32 @!p1 $0x1, s10;
	s14 =	sadd.s32 @!p0 s18, s14  }
0xd5: {  	s28 =	sor.u32 @!p1 $0x200, s28;
	s18 =	simm.s32 @!p1 $0x400;
	s14 =	smul.u32 @!p0 $0xB, s14  }
0xd6: {  	[tilespmem:s28], [sflag:s10] =	stream.strided.gather @!p1 [hbm4b:s16+s18], $0x2000, s20, s18, $0x38;
	[tilespmem:$0x1E200] =	vst v63  }
0xd7: {  	s10 =	ssub.s32 @!p0 s12, s14  }
0xd8: {  	s10 =	sshll.u32 @!p0 s10, $0x10  }
0xd9: {  	s10 =	sshra.s32 @!p0 s10, $0x10  }
0xda: {  	s12 =	spop @!p0 (v2sf);
	p1 =	slt.s32 @!p0 s10, $0x0  }
0xdb: {  	s12 =	sand.u32 @!p0 $0x7F, s12;
	s14 =	sadd.s32 @!p0 $0xB, s10;
	p1 =	por !p1, p0  }
0xdc: {  	v10 =	vor.u32 @!p0 s12, v6;
	s14 =	smov.u32 @p1 s10  }
0xdd: {  	s10 =	sadd.s32 @!p0 $0x1, s14  }
0xde: {  	s14 =	sshll.u32 @!p0 s14, $0xF;
	_ =	swait.ge @!p0 [sflag:s10], $0x2000  }
0xdf: {  	s14 =	sshra.s32 @!p0 s14, $0x2;
	[sflag:s10] =	ssyncset.done @!p0 $0x0;
	(v2sf) =	vpush v4, $0x6  }
0xe0: {  	s14 =	sor.u32 @!p0 $0x200, s14;
	[sflag:s10] =	ssyncadd.s32 @!p0 $0xFFFFE000  }
0xe1: {  	v10 =	vld.idx.msk @!p0 [tilespmem:v10+s14+$0x0], $0xffff  }
0xe2: {  	v11 =	vor.u32 @!p0 s12, v7;
	_ =	sdelay $0x3  }
0xe3: {  	[tilespmem:s2+$0xFFFFFF40] =	vst @!p0 v10  }
0xe4: {  	v10 =	vld.idx.msk @!p0 [tilespmem:v11+s14+$0x0], $0xffff  }
0xe5: {  	v11 =	vor.u32 @!p0 s12, v9;
	_ =	sdelay $0x1  }
0xe6: {  	s10 =	sadd.s32 @!p0 $0xFFFFFD80, s0  }
0xe7: {  	s16 =	sor.u32 @!p0 $0x50, s10  }
0xe8: {  	[tilespmem:s16+$0x16200] =	vst @!p0 v10  }
0xe9: {  	v10 =	vld.idx.msk @!p0 [tilespmem:v11+s14+$0x0], $0xffff  }
0xea: {  	v11 =	vor.u32 @!p0 s12, v8;
	s12 =	spop (v2sf)  }
0xeb: {  	s16 =	sadd.s32 $0x6, s3;
	p1 =	sgt.s32 s12, $0xF41FF  }
0xec: {  	s18 =	smul.u32 @p1 $0xBA2F, s16  }
0xed: {  	s20 =	sor.u32 @!p0 $0x60, s10  }
0xee: {  	[tilespmem:s20+$0x16200] =	vst @!p0 v10;
	s18 =	sshrl.u32 @p1 s18, $0x13  }
0xef: {  	v10 =	vld.idx.msk @!p0 [tilespmem:v11+s14+$0x0], $0xffff;
	s14 =	smul.u32 @p1 $0xB, s18;
	_ =	sdelay $0x1  }
0xf0: {  	(v2sf) =	vpush @!p0 v5, $0xC;
	s18 =	smul.u32 @!p1 $0xBA2F, s16;
	s14 =	ssub.s32 @p1 s16, s14  }
0xf1: {  	s10 =	sor.u32 @!p0 $0x70, s10;
	s14 =	sand.u32 @p1 $0xFFFF, s14  }
0xf2: {  	s18 =	sshrl.u32 @!p1 s18, $0x13;
	s20 =	sadd.s32 @p1 $0x1, s14;
	s14 =	sshll.u32 @p1 s14, $0xD  }
0xf3: {  	s18 =	smul.u32 @!p1 $0xB, s18;
	[tilespmem:s10+$0x16200] =	vst @!p0 v10;
	s10 =	sor.u32 @p1 $0x200, s14;
	s14 =	simm.s32 @p1 $0x0  }
0xf4: {  	[tilespmem:s10], [sflag:s20] =	stream.linear.gather @p1 [hbm4b:s4+s14], $0x2000, $0x38;
	[tilespmem:$0x1E200] =	vst v63  }
0xf5: {  	s14 =	sadd.s32 @!p0 $0xFFFFFFFC, s3  }
0xf6: {  	s12 =	sand.u32 @!p1 $0xFFFFF80, s12;
	s10 =	ssub.s32 @!p1 s16, s18;
	s16 =	smul.u32 @!p0 $0x1746, s14  }
0xf7: {  	s28 =	simm.s32 @!p1 $0x7A1400;
	s12 =	sadd.s32 @!p1 s1, s12  }
0xf8: {  	s10 =	sand.u32 @!p1 $0xFFFF, s10;
	s20 =	sshrl.u32 @!p0 s16, $0x1F;
	s16 =	sshrl.u32 @!p0 s16, $0x10  }
0xf9: {  	s18 =	sshll.u32 @!p1 s10, $0xD;
	s10 =	sadd.s32 @!p1 $0x1, s10;
	s16 =	sadd.s32 @!p0 s20, s16  }
0xfa: {  	s18 =	sor.u32 @!p1 $0x200, s18;
	s20 =	simm.s32 @!p1 $0x400;
	s16 =	smul.u32 @!p0 $0xB, s16  }
0xfb: {  	[tilespmem:s18], [sflag:s10] =	stream.strided.gather @!p1 [hbm4b:s12+s20], $0x2000, s28, s20, $0x38;
	[tilespmem:$0x1E200] =	vst v63  }
0xfc: {  	s10 =	ssub.s32 @!p0 s14, s16  }
0xfd: {  	s10 =	sshll.u32 @!p0 s10, $0x10  }
0xfe: {  	s10 =	sshra.s32 @!p0 s10, $0x10  }
0xff: {  	s12 =	spop @!p0 (v2sf);
	p1 =	slt.s32 @!p0 s10, $0x0  }
0x100: {  	s12 =	sand.u32 @!p0 $0x7F, s12;
	s14 =	sadd.s32 @!p0 $0xB, s10;
	p1 =	por !p1, p0  }
0x101: {  	v10 =	vor.u32 @!p0 s12, v6;
	s14 =	smov.u32 @p1 s10  }
0x102: {  	s10 =	sadd.s32 @!p0 $0x1, s14  }
0x103: {  	s14 =	sshll.u32 @!p0 s14, $0xF;
	_ =	swait.ge @!p0 [sflag:s10], $0x2000  }
0x104: {  	s14 =	sshra.s32 @!p0 s14, $0x2;
	[sflag:s10] =	ssyncset.done @!p0 $0x0;
	(v2sf) =	vpush v4, $0x7  }
0x105: {  	s14 =	sor.u32 @!p0 $0x200, s14;
	[sflag:s10] =	ssyncadd.s32 @!p0 $0xFFFFE000  }
0x106: {  	v10 =	vld.idx.msk @!p0 [tilespmem:v10+s14+$0x0], $0xffff  }
0x107: {  	v11 =	vor.u32 @!p0 s12, v7;
	_ =	sdelay $0x3  }
0x108: {  	[tilespmem:s2+$0xFFFFFF80] =	vst @!p0 v10  }
0x109: {  	v10 =	vld.idx.msk @!p0 [tilespmem:v11+s14+$0x0], $0xffff  }
0x10a: {  	v11 =	vor.u32 @!p0 s12, v9;
	_ =	sdelay $0x3  }
0x10b: {  	[tilespmem:s2+$0xFFFFFF90] =	vst @!p0 v10  }
0x10c: {  	v10 =	vld.idx.msk @!p0 [tilespmem:v11+s14+$0x0], $0xffff  }
0x10d: {  	v11 =	vor.u32 @!p0 s12, v8;
	s10 =	spop (v2sf)  }
0x10e: {  	s12 =	sadd.s32 $0x7, s3;
	p1 =	sgt.s32 s10, $0xF41FF  }
0x10f: {  	s16 =	smul.u32 @p1 $0xBA2F, s12;
	_ =	sdelay $0x1  }
0x110: {  	[tilespmem:s2+$0xFFFFFFA0] =	vst @!p0 v10;
	s16 =	sshrl.u32 @p1 s16, $0x13  }
0x111: {  	v10 =	vld.idx.msk @!p0 [tilespmem:v11+s14+$0x0], $0xffff;
	s14 =	smul.u32 @p1 $0xB, s16;
	_ =	sdelay $0x1  }
0x112: {  	(v2sf) =	vpush @!p0 v5, $0xD;
	s16 =	smul.u32 @!p1 $0xBA2F, s12;
	s14 =	ssub.s32 @p1 s12, s14  }
0x113: {  	s14 =	sand.u32 @p1 $0xFFFF, s14  }
0x114: {  	s16 =	sshrl.u32 @!p1 s16, $0x13;
	s18 =	sadd.s32 @p1 $0x1, s14;
	s14 =	sshll.u32 @p1 s14, $0xD  }
0x115: {  	s20 =	simm.s32 @p1 $0x0;
	s16 =	smul.u32 @!p1 $0xB, s16;
	[tilespmem:s2+$0xFFFFFFB0] =	vst @!p0 v10;
	s14 =	sor.u32 @p1 $0x200, s14  }
0x116: {  	[tilespmem:s14], [sflag:s18] =	stream.linear.gather @p1 [hbm4b:s4+s20], $0x2000, $0x38;
	[tilespmem:$0x1E200] =	vst v63  }
0x117: {  	s14 =	sadd.s32 @!p0 $0xFFFFFFFD, s3  }
0x118: {  	s10 =	sand.u32 @!p1 $0xFFFFF80, s10;
	s12 =	ssub.s32 @!p1 s12, s16;
	s16 =	smul.u32 @!p0 $0x1746, s14  }
0x119: {  	s28 =	simm.s32 @!p1 $0x7A1400;
	s10 =	sadd.s32 @!p1 s1, s10  }
0x11a: {  	s12 =	sand.u32 @!p1 $0xFFFF, s12;
	s20 =	sshrl.u32 @!p0 s16, $0x1F;
	s16 =	sshrl.u32 @!p0 s16, $0x10  }
0x11b: {  	s18 =	sshll.u32 @!p1 s12, $0xD;
	s12 =	sadd.s32 @!p1 $0x1, s12;
	s16 =	sadd.s32 @!p0 s20, s16  }
0x11c: {  	s18 =	sor.u32 @!p1 $0x200, s18;
	s20 =	simm.s32 @!p1 $0x400;
	s16 =	smul.u32 @!p0 $0xB, s16  }
0x11d: {  	[tilespmem:s18], [sflag:s12] =	stream.strided.gather @!p1 [hbm4b:s10+s20], $0x2000, s28, s20, $0x38;
	[tilespmem:$0x1E200] =	vst v63  }
0x11e: {  	s10 =	ssub.s32 @!p0 s14, s16  }
0x11f: {  	s10 =	sshll.u32 @!p0 s10, $0x10  }
0x120: {  	s10 =	sshra.s32 @!p0 s10, $0x10  }
0x121: {  	s12 =	spop @!p0 (v2sf);
	p1 =	slt.s32 @!p0 s10, $0x0  }
0x122: {  	s12 =	sand.u32 @!p0 $0x7F, s12;
	s14 =	sadd.s32 @!p0 $0xB, s10;
	p1 =	por !p1, p0  }
0x123: {  	v10 =	vor.u32 @!p0 s12, v6;
	s14 =	smov.u32 @p1 s10  }
0x124: {  	s10 =	sadd.s32 @!p0 $0x1, s14  }
0x125: {  	s14 =	sshll.u32 @!p0 s14, $0xF;
	_ =	swait.ge @!p0 [sflag:s10], $0x2000  }
0x126: {  	s14 =	sshra.s32 @!p0 s14, $0x2;
	[sflag:s10] =	ssyncset.done @!p0 $0x0;
	(v2sf) =	vpush v4, $0x8  }
0x127: {  	s14 =	sor.u32 @!p0 $0x200, s14;
	[sflag:s10] =	ssyncadd.s32 @!p0 $0xFFFFE000  }
0x128: {  	v10 =	vld.idx.msk @!p0 [tilespmem:v10+s14+$0x0], $0xffff  }
0x129: {  	v11 =	vor.u32 @!p0 s12, v7;
	_ =	sdelay $0x3  }
0x12a: {  	[tilespmem:s2+$0xFFFFFFC0] =	vst @!p0 v10  }
0x12b: {  	v10 =	vld.idx.msk @!p0 [tilespmem:v11+s14+$0x0], $0xffff  }
0x12c: {  	v11 =	vor.u32 @!p0 s12, v9;
	_ =	sdelay $0x1  }
0x12d: {  	s10 =	sadd.s32 @!p0 $0xFFFFFE00, s0  }
0x12e: {  	s16 =	sor.u32 @!p0 $0x50, s10  }
0x12f: {  	[tilespmem:s16+$0x16200] =	vst @!p0 v10  }
0x130: {  	v10 =	vld.idx.msk @!p0 [tilespmem:v11+s14+$0x0], $0xffff  }
0x131: {  	v11 =	vor.u32 @!p0 s12, v8;
	s12 =	spop (v2sf)  }
0x132: {  	s16 =	sadd.s32 $0x8, s3;
	p1 =	sgt.s32 s12, $0xF41FF  }
0x133: {  	s18 =	smul.u32 @p1 $0xBA2F, s16  }
0x134: {  	s20 =	sor.u32 @!p0 $0x60, s10  }
0x135: {  	[tilespmem:s20+$0x16200] =	vst @!p0 v10;
	s18 =	sshrl.u32 @p1 s18, $0x13  }
0x136: {  	v10 =	vld.idx.msk @!p0 [tilespmem:v11+s14+$0x0], $0xffff;
	s14 =	smul.u32 @p1 $0xB, s18;
	_ =	sdelay $0x1  }
0x137: {  	(v2sf) =	vpush @!p0 v5, $0xE;
	s18 =	smul.u32 @!p1 $0xBA2F, s16;
	s14 =	ssub.s32 @p1 s16, s14  }
0x138: {  	s10 =	sor.u32 @!p0 $0x70, s10;
	s14 =	sand.u32 @p1 $0xFFFF, s14  }
0x139: {  	s18 =	sshrl.u32 @!p1 s18, $0x13;
	s20 =	sadd.s32 @p1 $0x1, s14;
	s14 =	sshll.u32 @p1 s14, $0xD  }
0x13a: {  	s18 =	smul.u32 @!p1 $0xB, s18;
	[tilespmem:s10+$0x16200] =	vst @!p0 v10;
	s10 =	sor.u32 @p1 $0x200, s14;
	s14 =	simm.s32 @p1 $0x0  }
0x13b: {  	[tilespmem:s10], [sflag:s20] =	stream.linear.gather @p1 [hbm4b:s4+s14], $0x2000, $0x38;
	[tilespmem:$0x1E200] =	vst v63  }
0x13c: {  	s14 =	sadd.s32 @!p0 $0xFFFFFFFE, s3  }
0x13d: {  	s12 =	sand.u32 @!p1 $0xFFFFF80, s12;
	s10 =	ssub.s32 @!p1 s16, s18;
	s16 =	smul.u32 @!p0 $0x1746, s14  }
0x13e: {  	s28 =	simm.s32 @!p1 $0x7A1400;
	s12 =	sadd.s32 @!p1 s1, s12  }
0x13f: {  	s10 =	sand.u32 @!p1 $0xFFFF, s10;
	s20 =	sshrl.u32 @!p0 s16, $0x1F;
	s16 =	sshrl.u32 @!p0 s16, $0x10  }
0x140: {  	s18 =	sshll.u32 @!p1 s10, $0xD;
	s10 =	sadd.s32 @!p1 $0x1, s10;
	s16 =	sadd.s32 @!p0 s20, s16  }
0x141: {  	s18 =	sor.u32 @!p1 $0x200, s18;
	s20 =	simm.s32 @!p1 $0x400;
	s16 =	smul.u32 @!p0 $0xB, s16  }
0x142: {  	[tilespmem:s18], [sflag:s10] =	stream.strided.gather @!p1 [hbm4b:s12+s20], $0x2000, s28, s20, $0x38;
	[tilespmem:$0x1E200] =	vst v63  }
0x143: {  	s10 =	ssub.s32 @!p0 s14, s16  }
0x144: {  	s10 =	sshll.u32 @!p0 s10, $0x10  }
0x145: {  	s10 =	sshra.s32 @!p0 s10, $0x10  }
0x146: {  	s12 =	spop @!p0 (v2sf);
	p1 =	slt.s32 @!p0 s10, $0x0  }
0x147: {  	s12 =	sand.u32 @!p0 $0x7F, s12;
	s14 =	sadd.s32 @!p0 $0xB, s10;
	p1 =	por !p1, p0  }
0x148: {  	v10 =	vor.u32 @!p0 s12, v6;
	s14 =	smov.u32 @p1 s10  }
0x149: {  	s10 =	sadd.s32 @!p0 $0x1, s14  }
0x14a: {  	s14 =	sshll.u32 @!p0 s14, $0xF;
	_ =	swait.ge @!p0 [sflag:s10], $0x2000  }
0x14b: {  	s14 =	sshra.s32 @!p0 s14, $0x2;
	[sflag:s10] =	ssyncset.done @!p0 $0x0;
	(v2sf) =	vpush v4, $0x9  }
0x14c: {  	s14 =	sor.u32 @!p0 $0x200, s14;
	[sflag:s10] =	ssyncadd.s32 @!p0 $0xFFFFE000  }
0x14d: {  	v10 =	vld.idx.msk @!p0 [tilespmem:v10+s14+$0x0], $0xffff  }
0x14e: {  	v11 =	vor.u32 @!p0 s12, v7;
	_ =	sdelay $0x3  }
0x14f: {  	[tilespmem:s2+$0x0] =	vst @!p0 v10  }
0x150: {  	v10 =	vld.idx.msk @!p0 [tilespmem:v11+s14+$0x0], $0xffff  }
0x151: {  	v11 =	vor.u32 @!p0 s12, v9;
	_ =	sdelay $0x3  }
0x152: {  	[tilespmem:s2+$0x10] =	vst @!p0 v10  }
0x153: {  	v10 =	vld.idx.msk @!p0 [tilespmem:v11+s14+$0x0], $0xffff  }
0x154: {  	v11 =	vor.u32 @!p0 s12, v8;
	s10 =	spop (v2sf)  }
0x155: {  	s12 =	sadd.s32 $0x9, s3;
	p1 =	sgt.s32 s10, $0xF41FF  }
0x156: {  	s16 =	smul.u32 @p1 $0xBA2F, s12;
	_ =	sdelay $0x1  }
0x157: {  	[tilespmem:s2+$0x20] =	vst @!p0 v10;
	s16 =	sshrl.u32 @p1 s16, $0x13  }
0x158: {  	v10 =	vld.idx.msk @!p0 [tilespmem:v11+s14+$0x0], $0xffff;
	s14 =	smul.u32 @p1 $0xB, s16;
	_ =	sdelay $0x1  }
0x159: {  	(v2sf) =	vpush @!p0 v5, $0xF;
	s16 =	smul.u32 @!p1 $0xBA2F, s12;
	s14 =	ssub.s32 @p1 s12, s14  }
0x15a: {  	s14 =	sand.u32 @p1 $0xFFFF, s14  }
0x15b: {  	s16 =	sshrl.u32 @!p1 s16, $0x13;
	s18 =	sadd.s32 @p1 $0x1, s14;
	s14 =	sshll.u32 @p1 s14, $0xD  }
0x15c: {  	s20 =	simm.s32 @p1 $0x0;
	s16 =	smul.u32 @!p1 $0xB, s16;
	[tilespmem:s2+$0x30] =	vst @!p0 v10;
	s14 =	sor.u32 @p1 $0x200, s14  }
0x15d: {  	[tilespmem:s14], [sflag:s18] =	stream.linear.gather @p1 [hbm4b:s4+s20], $0x2000, $0x38;
	[tilespmem:$0x1E200] =	vst v63  }
0x15e: {  	s14 =	sadd.s32 @!p0 $0xFFFFFFFF, s3  }
0x15f: {  	s10 =	sand.u32 @!p1 $0xFFFFF80, s10;
	s12 =	ssub.s32 @!p1 s12, s16;
	s16 =	smul.u32 @!p0 $0x1746, s14  }
0x160: {  	s28 =	simm.s32 @!p1 $0x7A1400;
	s10 =	sadd.s32 @!p1 s1, s10  }
0x161: {  	s12 =	sand.u32 @!p1 $0xFFFF, s12;
	s20 =	sshrl.u32 @!p0 s16, $0x1F;
	s16 =	sshrl.u32 @!p0 s16, $0x10  }
0x162: {  	s18 =	sshll.u32 @!p1 s12, $0xD;
	s12 =	sadd.s32 @!p1 $0x1, s12;
	s16 =	sadd.s32 @!p0 s20, s16  }
0x163: {  	s18 =	sor.u32 @!p1 $0x200, s18;
	s20 =	simm.s32 @!p1 $0x400;
	s16 =	smul.u32 @!p0 $0xB, s16  }
0x164: {  	[tilespmem:s18], [sflag:s12] =	stream.strided.gather @!p1 [hbm4b:s10+s20], $0x2000, s28, s20, $0x38;
	[tilespmem:$0x1E200] =	vst v63  }
0x165: {  	s10 =	ssub.s32 @!p0 s14, s16  }
0x166: {  	s10 =	sshll.u32 @!p0 s10, $0x10  }
0x167: {  	s10 =	sshra.s32 @!p0 s10, $0x10  }
0x168: {  	s12 =	spop @!p0 (v2sf);
	p1 =	slt.s32 @!p0 s10, $0x0  }
0x169: {  	s12 =	sand.u32 @!p0 $0x7F, s12;
	s14 =	sadd.s32 @!p0 $0xB, s10;
	p1 =	por !p1, p0  }
0x16a: {  	v5 =	vor.u32 @!p0 s12, v6;
	s14 =	smov.u32 @p1 s10  }
0x16b: {  	s10 =	sadd.s32 @!p0 $0x1, s14  }
0x16c: {  	s14 =	sshll.u32 @!p0 s14, $0xF;
	_ =	swait.ge @!p0 [sflag:s10], $0x2000  }
0x16d: {  	s14 =	sshra.s32 @!p0 s14, $0x2;
	[sflag:s10] =	ssyncset.done @!p0 $0x0;
	(v2sf) =	vpush v4, $0xA  }
0x16e: {  	s14 =	sor.u32 @!p0 $0x200, s14;
	[sflag:s10] =	ssyncadd.s32 @!p0 $0xFFFFE000  }
0x16f: {  	v5 =	vld.idx.msk @!p0 [tilespmem:v5+s14+$0x0], $0xffff  }
0x170: {  	v6 =	vor.u32 @!p0 s12, v7;
	_ =	sdelay $0x3  }
0x171: {  	[tilespmem:s2+$0x40] =	vst @!p0 v5  }
0x172: {  	v5 =	vld.idx.msk @!p0 [tilespmem:v6+s14+$0x0], $0xffff  }
0x173: {  	v6 =	vor.u32 @!p0 s12, v9;
	_ =	sdelay $0x1  }
0x174: {  	s10 =	sadd.s32 @!p0 $0xFFFFFE80, s0  }
0x175: {  	s16 =	sor.u32 @!p0 $0x50, s10  }
0x176: {  	[tilespmem:s16+$0x16200] =	vst @!p0 v5  }
0x177: {  	v5 =	vld.idx.msk @!p0 [tilespmem:v6+s14+$0x0], $0xffff  }
0x178: {  	v6 =	vor.u32 @!p0 s12, v8;
	s12 =	spop (v2sf)  }
0x179: {  	s16 =	sadd.s32 $0xA, s3;
	p1 =	sgt.s32 s12, $0xF41FF  }
0x17a: {  	s18 =	smul.u32 @p1 $0xBA2F, s16  }
0x17b: {  	s20 =	sor.u32 @!p0 $0x60, s10  }
0x17c: {  	[tilespmem:s20+$0x16200] =	vst @!p0 v5;
	s18 =	sshrl.u32 @p1 s18, $0x13  }
0x17d: {  	v5 =	vld.idx.msk @!p0 [tilespmem:v6+s14+$0x0], $0xffff;
	s14 =	smul.u32 @p1 $0xB, s18;
	_ =	sdelay $0x1  }
0x17e: {  	s18 =	smul.u32 @!p1 $0xBA2F, s16;
	s14 =	ssub.s32 @p1 s16, s14  }
0x17f: {  	s28 =	smul.u32 $0xBA2F, s3;
	s10 =	sor.u32 @!p0 $0x70, s10;
	s14 =	sand.u32 @p1 $0xFFFF, s14  }
0x180: {  	s18 =	sshrl.u32 @!p1 s18, $0x13;
	s20 =	sadd.s32 @p1 $0x1, s14;
	s14 =	sshll.u32 @p1 s14, $0xD  }
0x181: {  	s18 =	smul.u32 @!p1 $0xB, s18;
	[tilespmem:s10+$0x16200] =	vst @!p0 v5;
	s10 =	sor.u32 @p1 $0x200, s14;
	s14 =	simm.s32 @p1 $0x0  }
0x182: {  	[tilespmem:s10], [sflag:s20] =	stream.linear.gather @p1 [hbm4b:s4+s14], $0x2000, $0x38;
	[tilespmem:$0x1E200] =	vst v63  }
0x183: {  	s12 =	sand.u32 @!p1 $0xFFFFF80, s12;
	s10 =	ssub.s32 @!p1 s16, s18  }
0x184: {  	s12 =	sadd.s32 @!p1 s1, s12;
	s16 =	sshrl.u32 s28, $0x13;
	s10 =	sand.u32 @!p1 $0xFFFF, s10  }
0x185: {  	s18 =	simm.s32 @!p1 $0x400;
	s20 =	simm.s32 @!p1 $0x7A1400;
	s14 =	sshll.u32 @!p1 s10, $0xD  }
0x186: {  	s16 =	smul.u32 $0xB, s16;
	s10 =	sadd.s32 @!p1 $0x1, s10;
	s14 =	sor.u32 @!p1 $0x200, s14  }
0x187: {  	[tilespmem:s14], [sflag:s10] =	stream.strided.gather @!p1 [hbm4b:s12+s18], $0x2000, s20, s18, $0x38;
	[tilespmem:$0x1E200] =	vst v63  }
0x188: {  	s6 =	sand.u32 $0x7F, s6;
	s18 =	ssub.s32 s3, s16  }
0x189: {  	v5 =	vor.u32 s6, v0;
	s10 =	sand.u32 $0xFFFF, s18  }
0x18a: {  	s20 =	sadd.s32 $0x1, s10  }
0x18b: {  	_ =	swait.ge [sflag:s20], $0x2000  }
0x18c: {  	s10 =	sshll.u32 s10, $0xD;
	[sflag:s20] =	ssyncset.done $0x0;
	(v2sf) =	vpush v4, $0xB  }
0x18d: {  	s10 =	sor.u32 $0x200, s10;
	[sflag:s20] =	ssyncadd.s32 $0xFFFFE000  }
0x18e: {  	v5 =	vld.idx.msk [tilespmem:v5+s10+$0x0], $0xffff  }
0x18f: {  	v52 =	vor.u32 s6, v1;
	_ =	sdelay $0x3  }
0x190: {  	[tilespmem:s2+$0x80] =	vst v5  }
0x191: {  	v5 =	vld.idx.msk [tilespmem:v52+s10+$0x0], $0xffff  }
0x192: {  	v53 =	vor.u32 s6, v2;
	_ =	sdelay $0x3  }
0x193: {  	[tilespmem:s2+$0x90] =	vst v5  }
0x194: {  	v5 =	vld.idx.msk [tilespmem:v53+s10+$0x0], $0xffff  }
0x195: {  	v54 =	vor.u32 s6, v3;
	s6 =	spop (v2sf)  }
0x196: {  	s12 =	sadd.s32 $0xB, s3;
	p0 =	sgt.s32 s6, $0xF41FF  }
0x197: {  	s14 =	smul.u32 @p0 $0xBA2F, s12;
	_ =	sdelay $0x1  }
0x198: {  	[tilespmem:s2+$0xA0] =	vst v5;
	s14 =	sshrl.u32 @p0 s14, $0x13  }
0x199: {  	v5 =	vld.idx.msk [tilespmem:v54+s10+$0x0], $0xffff;
	s10 =	smul.u32 @p0 $0xB, s14;
	_ =	sdelay $0x1  }
0x19a: {  	s14 =	smul.u32 @!p0 $0xBA2F, s12;
	s10 =	ssub.s32 @p0 s12, s10  }
0x19b: {  	s28 =	smul.u32 $0xBA2F, s7;
	s10 =	sand.u32 @p0 $0xFFFF, s10  }
0x19c: {  	s14 =	sshrl.u32 @!p0 s14, $0x13;
	s16 =	sadd.s32 @p0 $0x1, s10;
	s10 =	sshll.u32 @p0 s10, $0xD  }
0x19d: {  	s18 =	simm.s32 @p0 $0x0;
	s14 =	smul.u32 @!p0 $0xB, s14;
	[tilespmem:s2+$0xB0] =	vst v5;
	s10 =	sor.u32 @p0 $0x200, s10  }
0x19e: {  	[tilespmem:s10], [sflag:s16] =	stream.linear.gather @p0 [hbm4b:s4+s18], $0x2000, $0x38;
	[tilespmem:$0x1E200] =	vst v63  }
0x19f: {  	s6 =	sand.u32 @!p0 $0xFFFFF80, s6;
	s10 =	ssub.s32 @!p0 s12, s14  }
0x1a0: {  	s6 =	sadd.s32 @!p0 s1, s6;
	s14 =	sshrl.u32 s28, $0x13;
	s10 =	sand.u32 @!p0 $0xFFFF, s10  }
0x1a1: {  	s16 =	simm.s32 @!p0 $0x400;
	s18 =	simm.s32 @!p0 $0x7A1400;
	s12 =	sshll.u32 @!p0 s10, $0xD  }
0x1a2: {  	s14 =	smul.u32 $0xB, s14;
	s10 =	sadd.s32 @!p0 $0x1, s10;
	s12 =	sor.u32 @!p0 $0x200, s12  }
0x1a3: {  	[tilespmem:s12], [sflag:s10] =	stream.strided.gather @!p0 [hbm4b:s6+s16], $0x2000, s18, s16, $0x38;
	[tilespmem:$0x1E200] =	vst v63  }
0x1a4: {  	s7 =	ssub.s32 s7, s14;
	s12 =	sand.u32 $0x7F, s9  }
0x1a5: {  	s7 =	sand.u32 $0xFFFF, s7;
	v5 =	vor.u32 s12, v0  }
0x1a6: {  	s14 =	sadd.s32 $0x1, s7  }
0x1a7: {  	_ =	swait.ge [sflag:s14], $0x2000  }
0x1a8: {  	s7 =	sshll.u32 s7, $0xD;
	[sflag:s14] =	ssyncset.done $0x0;
	(v2sf) =	vpush v4, $0xC  }
0x1a9: {  	s7 =	sor.u32 $0x200, s7;
	[sflag:s14] =	ssyncadd.s32 $0xFFFFE000  }
0x1aa: {  	v5 =	vld.idx.msk [tilespmem:v5+s7+$0x0], $0xffff  }
0x1ab: {  	v55 =	vor.u32 s12, v1;
	_ =	sdelay $0x3  }
0x1ac: {  	[tilespmem:s2+$0xC0] =	vst v5  }
0x1ad: {  	v5 =	vld.idx.msk [tilespmem:v55+s7+$0x0], $0xffff  }
0x1ae: {  	v56 =	vor.u32 s12, v2;
	_ =	sdelay $0x1  }
0x1af: {  	s16 =	sadd.s32 $0xFFFFFF00, s0  }
0x1b0: {  	s18 =	sor.u32 $0x50, s16  }
0x1b1: {  	[tilespmem:s18+$0x16200] =	vst v5  }
0x1b2: {  	v5 =	vld.idx.msk [tilespmem:v56+s7+$0x0], $0xffff  }
0x1b3: {  	v57 =	vor.u32 s12, v3;
	s6 =	spop (v2sf)  }
0x1b4: {  	s10 =	sadd.s32 $0xC, s3;
	p0 =	sgt.s32 s6, $0xF41FF  }
0x1b5: {  	s12 =	smul.u32 @p0 $0xBA2F, s10  }
0x1b6: {  	s20 =	sor.u32 $0x60, s16  }
0x1b7: {  	s12 =	sshrl.u32 @p0 s12, $0x13;
	[tilespmem:s20+$0x16200] =	vst v5  }
0x1b8: {  	v5 =	vld.idx.msk [tilespmem:v57+s7+$0x0], $0xffff;
	s7 =	smul.u32 @p0 $0xB, s12;
	_ =	sdelay $0x1  }
0x1b9: {  	s12 =	smul.u32 @!p0 $0xBA2F, s10;
	s7 =	ssub.s32 @p0 s10, s7  }
0x1ba: {  	s28 =	smul.u32 $0xBA2F, s11;
	s9 =	sor.u32 $0x70, s16;
	s7 =	sand.u32 @p0 $0xFFFF, s7  }
0x1bb: {  	s12 =	sshrl.u32 @!p0 s12, $0x13;
	s14 =	sadd.s32 @p0 $0x1, s7;
	s7 =	sshll.u32 @p0 s7, $0xD  }
0x1bc: {  	s12 =	smul.u32 @!p0 $0xB, s12;
	[tilespmem:s9+$0x16200] =	vst v5;
	s7 =	sor.u32 @p0 $0x200, s7;
	s9 =	simm.s32 @p0 $0x0  }
0x1bd: {  	[tilespmem:s7], [sflag:s14] =	stream.linear.gather @p0 [hbm4b:s4+s9], $0x2000, $0x38;
	[tilespmem:$0x1E200] =	vst v63  }
0x1be: {  	s6 =	sand.u32 @!p0 $0xFFFFF80, s6;
	s7 =	ssub.s32 @!p0 s10, s12  }
0x1bf: {  	s6 =	sadd.s32 @!p0 s1, s6;
	s10 =	sshrl.u32 s28, $0x13;
	s7 =	sand.u32 @!p0 $0xFFFF, s7  }
0x1c0: {  	s12 =	simm.s32 @!p0 $0x400;
	s14 =	simm.s32 @!p0 $0x7A1400;
	s9 =	sshll.u32 @!p0 s7, $0xD  }
0x1c1: {  	s10 =	smul.u32 $0xB, s10;
	s7 =	sadd.s32 @!p0 $0x1, s7;
	s9 =	sor.u32 @!p0 $0x200, s9  }
0x1c2: {  	[tilespmem:s9], [sflag:s7] =	stream.strided.gather @!p0 [hbm4b:s6+s12], $0x2000, s14, s12, $0x38;
	[tilespmem:$0x1E200] =	vst v63  }
0x1c3: {  	s12 =	sand.u32 $0x7F, s13;
	s13 =	ssub.s32 s11, s10  }
0x1c4: {  	s7 =	sand.u32 $0xFFFF, s13;
	v5 =	vor.u32 s12, v0  }
0x1c5: {  	s14 =	sadd.s32 $0x1, s7  }
0x1c6: {  	_ =	swait.ge [sflag:s14], $0x2000  }
0x1c7: {  	s7 =	sshll.u32 s7, $0xD;
	[sflag:s14] =	ssyncset.done $0x0;
	(v2sf) =	vpush v4, $0xD  }
0x1c8: {  	s7 =	sor.u32 $0x200, s7;
	[sflag:s14] =	ssyncadd.s32 $0xFFFFE000  }
0x1c9: {  	v5 =	vld.idx.msk [tilespmem:v5+s7+$0x0], $0xffff  }
0x1ca: {  	v58 =	vor.u32 s12, v1;
	_ =	sdelay $0x3  }
0x1cb: {  	[tilespmem:s2+$0x100] =	vst v5  }
0x1cc: {  	v5 =	vld.idx.msk [tilespmem:v58+s7+$0x0], $0xffff  }
0x1cd: {  	v59 =	vor.u32 s12, v2;
	_ =	sdelay $0x3  }
0x1ce: {  	[tilespmem:s2+$0x110] =	vst v5  }
0x1cf: {  	v5 =	vld.idx.msk [tilespmem:v59+s7+$0x0], $0xffff  }
0x1d0: {  	v60 =	vor.u32 s12, v3;
	s6 =	spop (v2sf)  }
0x1d1: {  	s9 =	sadd.s32 $0xD, s3;
	p0 =	sgt.s32 s6, $0xF41FF  }
0x1d2: {  	s10 =	smul.u32 @p0 $0xBA2F, s9;
	_ =	sdelay $0x1  }
0x1d3: {  	[tilespmem:s2+$0x120] =	vst v5;
	s10 =	sshrl.u32 @p0 s10, $0x13  }
0x1d4: {  	v5 =	vld.idx.msk [tilespmem:v60+s7+$0x0], $0xffff;
	s7 =	smul.u32 @p0 $0xB, s10;
	_ =	sdelay $0x1  }
0x1d5: {  	s10 =	smul.u32 @!p0 $0xBA2F, s9;
	s7 =	ssub.s32 @p0 s9, s7  }
0x1d6: {  	s17 =	sand.u32 $0x7F, s17;
	s16 =	smul.u32 $0xBA2F, s15;
	s7 =	sand.u32 @p0 $0xFFFF, s7  }
0x1d7: {  	s10 =	sshrl.u32 @!p0 s10, $0x13;
	s11 =	sadd.s32 @p0 $0x1, s7;
	s7 =	sshll.u32 @p0 s7, $0xD  }
0x1d8: {  	s12 =	simm.s32 @p0 $0x0;
	s10 =	smul.u32 @!p0 $0xB, s10;
	[tilespmem:s2+$0x130] =	vst v5;
	s7 =	sor.u32 @p0 $0x200, s7  }
0x1d9: {  	[tilespmem:s7], [sflag:s11] =	stream.linear.gather @p0 [hbm4b:s4+s12], $0x2000, $0x38;
	[tilespmem:$0x1E200] =	vst v63  }
0x1da: {  	s6 =	sand.u32 @!p0 $0xFFFFF80, s6;
	s7 =	ssub.s32 @!p0 s9, s10;
	s10 =	sshrl.u32 s16, $0x13  }
0x1db: {  	s6 =	sadd.s32 @!p0 s1, s6;
	s7 =	sand.u32 @!p0 $0xFFFF, s7;
	s10 =	smul.u32 $0xB, s10  }
0x1dc: {  	s11 =	simm.s32 @!p0 $0x400;
	s12 =	simm.s32 @!p0 $0x7A1400;
	s9 =	sshll.u32 @!p0 s7, $0xD  }
0x1dd: {  	s7 =	sadd.s32 @!p0 $0x1, s7;
	s9 =	sor.u32 @!p0 $0x200, s9;
	s18 =	ssub.s32 s15, s10  }
0x1de: {  	[tilespmem:s9], [sflag:s7] =	stream.strided.gather @!p0 [hbm4b:s6+s11], $0x2000, s12, s11, $0x38;
	[tilespmem:$0x1E200] =	vst v63  }
0x1df: {  	v5 =	vor.u32 s17, v0;
	s7 =	sand.u32 $0xFFFF, s18  }
0x1e0: {  	s20 =	sadd.s32 $0x1, s7  }
0x1e1: {  	_ =	swait.ge [sflag:s20], $0x2000  }
0x1e2: {  	s7 =	sshll.u32 s7, $0xD;
	[sflag:s20] =	ssyncset.done $0x0;
	(v2sf) =	vpush v4, $0xE  }
0x1e3: {  	s7 =	sor.u32 $0x200, s7;
	[sflag:s20] =	ssyncadd.s32 $0xFFFFE000  }
0x1e4: {  	v5 =	vld.idx.msk [tilespmem:v5+s7+$0x0], $0xffff  }
0x1e5: {  	v61 =	vor.u32 s17, v1;
	_ =	sdelay $0x3  }
0x1e6: {  	[tilespmem:s2+$0x140] =	vst v5  }
0x1e7: {  	v5 =	vld.idx.msk [tilespmem:v61+s7+$0x0], $0xffff  }
0x1e8: {  	v62 =	vor.u32 s17, v2;
	_ =	sdelay $0x1  }
0x1e9: {  	s28 =	sadd.s32 $0xFFFFFF80, s0  }
0x1ea: {  	s12 =	sor.u32 $0x50, s28  }
0x1eb: {  	[tilespmem:s12+$0x16200] =	vst v5  }
0x1ec: {  	v5 =	vld.idx.msk [tilespmem:v62+s7+$0x0], $0xffff  }
0x1ed: {  	v63 =	vor.u32 s17, v3;
	s6 =	spop (v2sf)  }
0x1ee: {  	s10 =	sadd.s32 $0xE, s3;
	p0 =	sgt.s32 s6, $0xF41FF  }
0x1ef: {  	s11 =	smul.u32 @p0 $0xBA2F, s10  }
0x1f0: {  	s13 =	sor.u32 $0x60, s28  }
0x1f1: {  	[tilespmem:s13+$0x16200] =	vst v5;
	s11 =	sshrl.u32 @p0 s11, $0x13  }
0x1f2: {  	v5 =	vld.idx.msk [tilespmem:v63+s7+$0x0], $0xffff;
	s7 =	smul.u32 @p0 $0xB, s11  }
0x1f3: {  	s14 =	smul.u32 $0xBA2F, s19  }
0x1f4: {  	s11 =	smul.u32 @!p0 $0xBA2F, s10;
	s7 =	ssub.s32 @p0 s10, s7  }
0x1f5: {  	s15 =	sand.u32 $0x7F, s21;
	s9 =	sor.u32 $0x70, s28;
	s7 =	sand.u32 @p0 $0xFFFF, s7  }
0x1f6: {  	s11 =	sshrl.u32 @!p0 s11, $0x13;
	s12 =	sadd.s32 @p0 $0x1, s7;
	s7 =	sshll.u32 @p0 s7, $0xD  }
0x1f7: {  	s11 =	smul.u32 @!p0 $0xB, s11;
	[tilespmem:s9+$0x16200] =	vst v5;
	s7 =	sor.u32 @p0 $0x200, s7;
	s9 =	simm.s32 @p0 $0x0  }
0x1f8: {  	[tilespmem:s7], [sflag:s12] =	stream.linear.gather @p0 [hbm4b:s4+s9], $0x2000, $0x38;
	[tilespmem:$0x1E200] =	vst v63  }
0x1f9: {  	s6 =	sand.u32 @!p0 $0xFFFFF80, s6;
	s7 =	ssub.s32 @!p0 s10, s11;
	s10 =	sshrl.u32 s14, $0x13  }
0x1fa: {  	s6 =	sadd.s32 @!p0 s1, s6;
	s7 =	sand.u32 @!p0 $0xFFFF, s7;
	s10 =	smul.u32 $0xB, s10  }
0x1fb: {  	s11 =	simm.s32 @!p0 $0x400;
	s12 =	simm.s32 @!p0 $0x7A1400;
	s9 =	sshll.u32 @!p0 s7, $0xD  }
0x1fc: {  	s7 =	sadd.s32 @!p0 $0x1, s7;
	s9 =	sor.u32 @!p0 $0x200, s9;
	s16 =	ssub.s32 s19, s10  }
0x1fd: {  	[tilespmem:s9], [sflag:s7] =	stream.strided.gather @!p0 [hbm4b:s6+s11], $0x2000, s12, s11, $0x38;
	[tilespmem:$0x1E200] =	vst v63  }
0x1fe: {  	v5 =	vor.u32 s15, v0;
	s7 =	sand.u32 $0xFFFF, s16  }
0x1ff: {  	s17 =	sadd.s32 $0x1, s7  }
0x200: {  	_ =	swait.ge [sflag:s17], $0x2000  }
0x201: {  	s7 =	sshll.u32 s7, $0xD;
	[sflag:s17] =	ssyncset.done $0x0;
	(v2sf) =	vpush v4, $0xF  }
0x202: {  	s7 =	sor.u32 $0x200, s7;
	[sflag:s17] =	ssyncadd.s32 $0xFFFFE000  }
0x203: {  	v4 =	vld.idx.msk [tilespmem:v5+s7+$0x0], $0xffff  }
0x204: {  	v5 =	vor.u32 s15, v1;
	_ =	sdelay $0x3  }
0x205: {  	[tilespmem:s2+$0x180] =	vst v4  }
0x206: {  	v4 =	vld.idx.msk [tilespmem:v5+s7+$0x0], $0xffff  }
0x207: {  	v5 =	vor.u32 s15, v2;
	_ =	sdelay $0x3  }
0x208: {  	[tilespmem:s2+$0x190] =	vst v4  }
0x209: {  	v4 =	vld.idx.msk [tilespmem:v5+s7+$0x0], $0xffff  }
0x20a: {  	v5 =	vor.u32 s15, v3;
	s6 =	spop (v2sf)  }
0x20b: {  	s9 =	sadd.s32 $0xF, s3;
	p0 =	sgt.s32 s6, $0xF41FF  }
0x20c: {  	s10 =	smul.u32 @p0 $0xBA2F, s9;
	_ =	sdelay $0x1  }
0x20d: {  	[tilespmem:s2+$0x1A0] =	vst v4;
	s10 =	sshrl.u32 @p0 s10, $0x13  }
0x20e: {  	v4 =	vld.idx.msk [tilespmem:v5+s7+$0x0], $0xffff;
	s7 =	smul.u32 @p0 $0xB, s10;
	_ =	sdelay $0x1  }
0x20f: {  	s10 =	smul.u32 @!p0 $0xBA2F, s9;
	s7 =	ssub.s32 @p0 s9, s7  }
0x210: {  	s18 =	smul.u32 $0xBA2F, s23;
	s19 =	sand.u32 $0x7F, s25;
	s7 =	sand.u32 @p0 $0xFFFF, s7  }
0x211: {  	s10 =	sshrl.u32 @!p0 s10, $0x13;
	s11 =	sadd.s32 @p0 $0x1, s7;
	s7 =	sshll.u32 @p0 s7, $0xD  }
0x212: {  	s12 =	simm.s32 @p0 $0x0;
	s10 =	smul.u32 @!p0 $0xB, s10;
	[tilespmem:s2+$0x1B0] =	vst v4;
	s7 =	sor.u32 @p0 $0x200, s7  }
0x213: {  	[tilespmem:s7], [sflag:s11] =	stream.linear.gather @p0 [hbm4b:s4+s12], $0x2000, $0x38;
	[tilespmem:$0x1E200] =	vst v63  }
0x214: {  	s6 =	sand.u32 @!p0 $0xFFFFF80, s6;
	s7 =	ssub.s32 @!p0 s9, s10;
	s10 =	sshrl.u32 s18, $0x13  }
0x215: {  	s6 =	sadd.s32 @!p0 s1, s6;
	s7 =	sand.u32 @!p0 $0xFFFF, s7;
	s10 =	smul.u32 $0xB, s10  }
0x216: {  	s11 =	simm.s32 @!p0 $0x400;
	s12 =	simm.s32 @!p0 $0x7A1400;
	s9 =	sshll.u32 @!p0 s7, $0xD  }
0x217: {  	s7 =	sadd.s32 @!p0 $0x1, s7;
	s9 =	sor.u32 @!p0 $0x200, s9;
	s20 =	ssub.s32 s23, s10  }
0x218: {  	[tilespmem:s9], [sflag:s7] =	stream.strided.gather @!p0 [hbm4b:s6+s11], $0x2000, s12, s11, $0x38;
	[tilespmem:$0x1E200] =	vst v63  }
0x219: {  	v4 =	vor.u32 s19, v0;
	s7 =	sand.u32 $0xFFFF, s20  }
0x21a: {  	s21 =	sadd.s32 $0x1, s7  }
0x21b: {  	_ =	swait.ge [sflag:s21], $0x2000  }
0x21c: {  	s7 =	sshll.u32 s7, $0xD;
	[sflag:s21] =	ssyncset.done $0x0  }
0x21d: {  	s7 =	sor.u32 $0x200, s7;
	[sflag:s21] =	ssyncadd.s32 $0xFFFFE000  }
0x21e: {  	v4 =	vld.idx.msk [tilespmem:v4+s7+$0x0], $0xffff  }
0x21f: {  	v5 =	vor.u32 s19, v1;
	_ =	sdelay $0x3  }
0x220: {  	[tilespmem:s2+$0x1C0] =	vst v4  }
0x221: {  	v4 =	vld.idx.msk [tilespmem:v5+s7+$0x0], $0xffff  }
0x222: {  	v5 =	vor.u32 s19, v2;
	_ =	sdelay $0x2  }
0x223: {  	s23 =	sor.u32 $0x50, s0  }
0x224: {  	[tilespmem:s23+$0x16200] =	vst v4  }
0x225: {  	v4 =	vld.idx.msk [tilespmem:v5+s7+$0x0], $0xffff  }
0x226: {  	v5 =	vor.u32 s19, v3;
	_ =	sdelay $0x2  }
0x227: {  	s25 =	sor.u32 $0x60, s0  }
0x228: {  	s3 =	sadd.s32 $0x10, s3;
	[tilespmem:s25+$0x16200] =	vst v4  }
0x229: {  	p0 =	sne.s32 s3, $0x200;
	v4 =	vld.idx.msk [tilespmem:v5+s7+$0x0], $0xffff  }
.Ltmp0:
0x22a: {  	_ = 	snop;
	(pc) =	sbr.rel @p0 .LBB2_2-.Ltmp0, $3  }
0x22b: {  	_ =	sdelay $0x1  }
0x22c: {  	s5 =	sadd.s32 $0x1, s5;
	s28 =	sor.u32 $0x70, s0  }
0x22d: {  	s30 =	sadd.s32 $0x10, s30;
	s0 =	sadd.s32 $0x400, s0;
	s2 =	sadd.s32 $0x400, s2;
	[tilespmem:s28+$0x16200] =	vst v4  }
0x22e: {  	v4 =	vld [tilespmem:$0x1F0];
	_ =	sdelay $0x4  }
0x22f: {  	(v2sf) =	vpush v4, $0x6;
	_ =	sdelay $0xe  }
0x230: {  	s0 =	spop (v2sf)  }
0x231: {  	s0 =	sand.u32 $0x7F, s0  }
0x232: {  	v5 =	vor.u32 s0, v0  }
0x233: {  	s2 =	simm.s32 $0x8  }
0x234: {  	_ =	swait.ge [sflag:s2], $0x2000  }
0x235: {  	[sflag:s2] =	ssyncset.done $0x0  }
0x236: {  	s20 =	simm.s32 $0xE200;
	[sflag:s2] =	ssyncadd.s32 $0xFFFFE000  }
0x237: {  	v5 =	vld.idx.msk [tilespmem:v5+s20+$0x0], $0xffff  }
0x238: {  	v6 =	vor.u32 s0, v1;
	_ =	sdelay $0x3  }
0x239: {  	(v2sf) =	vpush v4, $0x7;
	[tilespmem:$0x1DF80] =	vst v5  }
0x23a: {  	v5 =	vld.idx.msk [tilespmem:v6+s20+$0x0], $0xffff  }
0x23b: {  	v32 =	vor.u32 s0, v2;
	_ =	sdelay $0x3  }
0x23c: {  	[tilespmem:$0x1DF90] =	vst v5  }
0x23d: {  	v5 =	vld.idx.msk [tilespmem:v32+s20+$0x0], $0xffff  }
0x23e: {  	v33 =	vor.u32 s0, v3;
	_ =	sdelay $0x3  }
0x23f: {  	[tilespmem:$0x1DFA0] =	vst v5  }
0x240: {  	v5 =	vld.idx.msk [tilespmem:v33+s20+$0x0], $0xffff;
	_ =	sdelay $0x1  }
0x241: {  	s21 =	spop (v2sf)  }
0x242: {  	s0 =	sand.u32 $0x7F, s21  }
0x243: {  	v34 =	vor.u32 s0, v0  }
0x244: {  	s23 =	simm.s32 $0x9;
	[tilespmem:$0x1DFB0] =	vst v5  }
0x245: {  	_ =	swait.ge [sflag:s23], $0x2000  }
0x246: {  	[sflag:s23] =	ssyncset.done $0x0  }
0x247: {  	s25 =	simm.s32 $0x10200;
	[sflag:s23] =	ssyncadd.s32 $0xFFFFE000  }
0x248: {  	v5 =	vld.idx.msk [tilespmem:v34+s25+$0x0], $0xffff  }
0x249: {  	v35 =	vor.u32 s0, v1;
	_ =	sdelay $0x3  }
0x24a: {  	(v2sf) =	vpush v4, $0x8;
	[tilespmem:$0x1DFC0] =	vst v5  }
0x24b: {  	v5 =	vld.idx.msk [tilespmem:v35+s25+$0x0], $0xffff  }
0x24c: {  	v36 =	vor.u32 s0, v2;
	_ =	sdelay $0x3  }
0x24d: {  	[tilespmem:$0x1DFD0] =	vst v5  }
0x24e: {  	v5 =	vld.idx.msk [tilespmem:v36+s25+$0x0], $0xffff  }
0x24f: {  	v37 =	vor.u32 s0, v3;
	_ =	sdelay $0x3  }
0x250: {  	[tilespmem:$0x1DFE0] =	vst v5  }
0x251: {  	v5 =	vld.idx.msk [tilespmem:v37+s25+$0x0], $0xffff;
	_ =	sdelay $0x1  }
0x252: {  	s28 =	spop (v2sf)  }
0x253: {  	s0 =	sand.u32 $0x7F, s28  }
0x254: {  	v38 =	vor.u32 s0, v0  }
0x255: {  	s30 =	simm.s32 $0xA;
	[tilespmem:$0x1DFF0] =	vst v5  }
0x256: {  	_ =	swait.ge [sflag:s30], $0x2000  }
0x257: {  	[sflag:s30] =	ssyncset.done $0x0  }
0x258: {  	s3 =	simm.s32 $0x12200;
	[sflag:s30] =	ssyncadd.s32 $0xFFFFE000  }
0x259: {  	v5 =	vld.idx.msk [tilespmem:v38+s3+$0x0], $0xffff  }
0x25a: {  	v39 =	vor.u32 s0, v1;
	_ =	sdelay $0x3  }
0x25b: {  	(v2sf) =	vpush v4, $0x9;
	[tilespmem:$0x1E000] =	vst v5  }
0x25c: {  	v5 =	vld.idx.msk [tilespmem:v39+s3+$0x0], $0xffff  }
0x25d: {  	v40 =	vor.u32 s0, v2;
	_ =	sdelay $0x3  }
0x25e: {  	[tilespmem:$0x1E010] =	vst v5  }
0x25f: {  	v5 =	vld.idx.msk [tilespmem:v40+s3+$0x0], $0xffff  }
0x260: {  	v41 =	vor.u32 s0, v3;
	_ =	sdelay $0x3  }
0x261: {  	[tilespmem:$0x1E020] =	vst v5  }
0x262: {  	v5 =	vld.idx.msk [tilespmem:v41+s3+$0x0], $0xffff;
	_ =	sdelay $0x1  }
0x263: {  	s5 =	spop (v2sf)  }
0x264: {  	s0 =	sand.u32 $0x7F, s5  }
0x265: {  	v42 =	vor.u32 s0, v0  }
0x266: {  	s6 =	simm.s32 $0xB;
	[tilespmem:$0x1E030] =	vst v5  }
0x267: {  	_ =	swait.ge [sflag:s6], $0x2000  }
0x268: {  	[sflag:s6] =	ssyncset.done $0x0  }
0x269: {  	s7 =	simm.s32 $0x14200;
	[sflag:s6] =	ssyncadd.s32 $0xFFFFE000  }
0x26a: {  	v5 =	vld.idx.msk [tilespmem:v42+s7+$0x0], $0xffff  }
0x26b: {  	v43 =	vor.u32 s0, v1;
	_ =	sdelay $0x3  }
0x26c: {  	(v2sf) =	vpush v4, $0xA;
	[tilespmem:$0x1E040] =	vst v5  }
0x26d: {  	v5 =	vld.idx.msk [tilespmem:v43+s7+$0x0], $0xffff  }
0x26e: {  	v44 =	vor.u32 s0, v2;
	_ =	sdelay $0x3  }
0x26f: {  	[tilespmem:$0x1E050] =	vst v5  }
0x270: {  	v5 =	vld.idx.msk [tilespmem:v44+s7+$0x0], $0xffff  }
0x271: {  	v45 =	vor.u32 s0, v3;
	_ =	sdelay $0x3  }
0x272: {  	[tilespmem:$0x1E060] =	vst v5  }
0x273: {  	v5 =	vld.idx.msk [tilespmem:v45+s7+$0x0], $0xffff;
	_ =	sdelay $0x1  }
0x274: {  	s9 =	spop (v2sf)  }
0x275: {  	s0 =	sand.u32 $0x7F, s9  }
0x276: {  	v46 =	vor.u32 s0, v0  }
0x277: {  	s10 =	simm.s32 $0x1;
	[tilespmem:$0x1E070] =	vst v5  }
0x278: {  	_ =	swait.ge [sflag:s10], $0x2000  }
0x279: {  	[sflag:s10] =	ssyncset.done $0x0  }
0x27a: {  	s11 =	simm.s32 $0x200;
	[sflag:s10] =	ssyncadd.s32 $0xFFFFE000  }
0x27b: {  	v5 =	vld.idx.msk [tilespmem:v46+s11+$0x0], $0xffff  }
0x27c: {  	v47 =	vor.u32 s0, v1;
	_ =	sdelay $0x3  }
0x27d: {  	(v2sf) =	vpush v4, $0xB;
	[tilespmem:$0x1E080] =	vst v5  }
0x27e: {  	v5 =	vld.idx.msk [tilespmem:v47+s11+$0x0], $0xffff  }
0x27f: {  	v48 =	vor.u32 s0, v2;
	_ =	sdelay $0x3  }
0x280: {  	[tilespmem:$0x1E090] =	vst v5  }
0x281: {  	v5 =	vld.idx.msk [tilespmem:v48+s11+$0x0], $0xffff  }
0x282: {  	v49 =	vor.u32 s0, v3;
	_ =	sdelay $0x3  }
0x283: {  	[tilespmem:$0x1E0A0] =	vst v5  }
0x284: {  	v5 =	vld.idx.msk [tilespmem:v49+s11+$0x0], $0xffff;
	_ =	sdelay $0x1  }
0x285: {  	s12 =	spop (v2sf)  }
0x286: {  	s0 =	sand.u32 $0x7F, s12  }
0x287: {  	v50 =	vor.u32 s0, v0  }
0x288: {  	s13 =	simm.s32 $0x2;
	[tilespmem:$0x1E0B0] =	vst v5  }
0x289: {  	_ =	swait.ge [sflag:s13], $0x2000  }
0x28a: {  	[sflag:s13] =	ssyncset.done $0x0  }
0x28b: {  	s14 =	simm.s32 $0x2200;
	[sflag:s13] =	ssyncadd.s32 $0xFFFFE000  }
0x28c: {  	v5 =	vld.idx.msk [tilespmem:v50+s14+$0x0], $0xffff  }
0x28d: {  	v51 =	vor.u32 s0, v1;
	_ =	sdelay $0x3  }
0x28e: {  	(v2sf) =	vpush v4, $0xC;
	[tilespmem:$0x1E0C0] =	vst v5  }
0x28f: {  	v5 =	vld.idx.msk [tilespmem:v51+s14+$0x0], $0xffff  }
0x290: {  	v52 =	vor.u32 s0, v2;
	_ =	sdelay $0x3  }
0x291: {  	[tilespmem:$0x1E0D0] =	vst v5  }
0x292: {  	v5 =	vld.idx.msk [tilespmem:v52+s14+$0x0], $0xffff  }
0x293: {  	v53 =	vor.u32 s0, v3;
	_ =	sdelay $0x3  }
0x294: {  	[tilespmem:$0x1E0E0] =	vst v5  }
0x295: {  	v5 =	vld.idx.msk [tilespmem:v53+s14+$0x0], $0xffff;
	_ =	sdelay $0x1  }
0x296: {  	s15 =	spop (v2sf)  }
0x297: {  	s0 =	sand.u32 $0x7F, s15  }
0x298: {  	v54 =	vor.u32 s0, v0  }
0x299: {  	s16 =	simm.s32 $0x3;
	[tilespmem:$0x1E0F0] =	vst v5  }
0x29a: {  	_ =	swait.ge [sflag:s16], $0x2000  }
0x29b: {  	[sflag:s16] =	ssyncset.done $0x0  }
0x29c: {  	[sflag:s16] =	ssyncadd.s32 $0xFFFFE000  }
0x29d: {  	v5 =	vld.idx.msk [tilespmem:v54+s22+$0x0], $0xffff  }
0x29e: {  	v55 =	vor.u32 s0, v1;
	_ =	sdelay $0x3  }
0x29f: {  	(v2sf) =	vpush v4, $0xD;
	[tilespmem:$0x1E100] =	vst v5  }
0x2a0: {  	v5 =	vld.idx.msk [tilespmem:v55+s22+$0x0], $0xffff  }
0x2a1: {  	v56 =	vor.u32 s0, v2;
	_ =	sdelay $0x3  }
0x2a2: {  	[tilespmem:$0x1E110] =	vst v5  }
0x2a3: {  	v5 =	vld.idx.msk [tilespmem:v56+s22+$0x0], $0xffff  }
0x2a4: {  	v57 =	vor.u32 s0, v3;
	_ =	sdelay $0x3  }
0x2a5: {  	[tilespmem:$0x1E120] =	vst v5  }
0x2a6: {  	v5 =	vld.idx.msk [tilespmem:v57+s22+$0x0], $0xffff;
	_ =	sdelay $0x1  }
0x2a7: {  	s17 =	spop (v2sf)  }
0x2a8: {  	s0 =	sand.u32 $0x7F, s17  }
0x2a9: {  	v58 =	vor.u32 s0, v0  }
0x2aa: {  	s18 =	simm.s32 $0x4;
	[tilespmem:$0x1E130] =	vst v5  }
0x2ab: {  	_ =	swait.ge [sflag:s18], $0x2000  }
0x2ac: {  	[sflag:s18] =	ssyncset.done $0x0  }
0x2ad: {  	[sflag:s18] =	ssyncadd.s32 $0xFFFFE000  }
0x2ae: {  	v5 =	vld.idx.msk [tilespmem:v58+s24+$0x0], $0xffff  }
0x2af: {  	v59 =	vor.u32 s0, v1;
	_ =	sdelay $0x3  }
0x2b0: {  	(v2sf) =	vpush v4, $0xE;
	[tilespmem:$0x1E140] =	vst v5  }
0x2b1: {  	v5 =	vld.idx.msk [tilespmem:v59+s24+$0x0], $0xffff  }
0x2b2: {  	v60 =	vor.u32 s0, v2;
	_ =	sdelay $0x3  }
0x2b3: {  	[tilespmem:$0x1E150] =	vst v5  }
0x2b4: {  	v5 =	vld.idx.msk [tilespmem:v60+s24+$0x0], $0xffff  }
0x2b5: {  	v61 =	vor.u32 s0, v3;
	_ =	sdelay $0x3  }
0x2b6: {  	[tilespmem:$0x1E160] =	vst v5  }
0x2b7: {  	v5 =	vld.idx.msk [tilespmem:v61+s24+$0x0], $0xffff;
	_ =	sdelay $0x1  }
0x2b8: {  	s19 =	spop (v2sf)  }
0x2b9: {  	s0 =	sand.u32 $0x7F, s19  }
0x2ba: {  	v62 =	vor.u32 s0, v0  }
0x2bb: {  	s20 =	simm.s32 $0x5;
	[tilespmem:$0x1E170] =	vst v5  }
0x2bc: {  	_ =	swait.ge [sflag:s20], $0x2000  }
0x2bd: {  	[sflag:s20] =	ssyncset.done $0x0  }
0x2be: {  	[sflag:s20] =	ssyncadd.s32 $0xFFFFE000  }
0x2bf: {  	v5 =	vld.idx.msk [tilespmem:v62+s26+$0x0], $0xffff  }
0x2c0: {  	v63 =	vor.u32 s0, v1;
	_ =	sdelay $0x3  }
0x2c1: {  	(v2sf) =	vpush v4, $0xF;
	[tilespmem:$0x1E180] =	vst v5  }
0x2c2: {  	v4 =	vld.idx.msk [tilespmem:v63+s26+$0x0], $0xffff  }
0x2c3: {  	v5 =	vor.u32 s0, v2;
	_ =	sdelay $0x3  }
0x2c4: {  	[tilespmem:$0x1E190] =	vst v4  }
0x2c5: {  	v4 =	vld.idx.msk [tilespmem:v5+s26+$0x0], $0xffff  }
0x2c6: {  	v5 =	vor.u32 s0, v3;
	_ =	sdelay $0x3  }
0x2c7: {  	[tilespmem:$0x1E1A0] =	vst v4  }
0x2c8: {  	v4 =	vld.idx.msk [tilespmem:v5+s26+$0x0], $0xffff;
	_ =	sdelay $0x1  }
0x2c9: {  	s21 =	spop (v2sf)  }
0x2ca: {  	s0 =	sand.u32 $0x7F, s21  }
0x2cb: {  	v5 =	vor.u32 s0, v0  }
0x2cc: {  	s23 =	simm.s32 $0x6;
	[tilespmem:$0x1E1B0] =	vst v4  }
0x2cd: {  	_ =	swait.ge [sflag:s23], $0x2000  }
0x2ce: {  	[sflag:s23] =	ssyncset.done $0x0  }
0x2cf: {  	[sflag:s23] =	ssyncadd.s32 $0xFFFFE000  }
0x2d0: {  	v4 =	vld.idx.msk [tilespmem:v5+s29+$0x0], $0xffff  }
0x2d1: {  	v5 =	vor.u32 s0, v1;
	_ =	sdelay $0x3  }
0x2d2: {  	[tilespmem:$0x1E1C0] =	vst v4  }
0x2d3: {  	v4 =	vld.idx.msk [tilespmem:v5+s29+$0x0], $0xffff  }
0x2d4: {  	v5 =	vor.u32 s0, v2;
	_ =	sdelay $0x3  }
0x2d5: {  	[tilespmem:$0x1E1D0] =	vst v4  }
0x2d6: {  	v4 =	vld.idx.msk [tilespmem:v5+s29+$0x0], $0xffff  }
0x2d7: {  	v5 =	vor.u32 s0, v3;
	_ =	sdelay $0x3  }
0x2d8: {  	[tilespmem:$0x1E1E0] =	vst v4  }
0x2d9: {  	v4 =	vld.idx.msk [tilespmem:v5+s29+$0x0], $0xffff;
	_ =	sdelay $0x4  }
0x2da: {  	s28 =	simm.s32 $0x16200;
	s9 =	simm.s32 $0x0;
	s25 =	rddreg [dreg:$0x6];
	[tilespmem:$0x1E1F0] =	vst v4  }
0x2db: {  	[hbm4b:s25+s9] =	stream.linear.scatter [tilespmem:s28], [sflag:$0xC], $0x8000, $0x38;
	[tilespmem:$0x1E200] =	vst v63  }
0x2dc: {  	_ =	swait.ge [sflag:s8], $0x8000  }
0x2dd: {  	s31 =	sadd.s32 $0x1, s31;
	s30 =	rddreg [dreg:$0x7]  }
0x2de: {  	p0 =	sne.s32 s31, s30  }
.Ltmp1:
0x2df: {  	_ = 	snop;
	(pc) =	sbr.rel @p0 .LBB2_1-.Ltmp1, $3  }
0x2e0: {  	_ =	sdelay $0x1  }
0x2e1: {  	[sflag:s8] =	ssyncset.done $0x0  }
0x2e2: {  	[sflag:s8] =	ssyncadd.s32 $0xFFFF8000  }
0x2e3: {  	_ =	sfence.sel $0x180000  }
0x2e4: {  	[bflag:$0x0] =	sbarrier.arrive $0xFFFF  }
0x2e5: {  	_ =	strace $0x90000047  }
0x2e6: {  	s0 =	stileid.u32;
	[bflag:$0x2] =	sbarrier.arrive $0xFFFF  }
0x2e7: {  	p0 =	sne.s32 s0, $0x0;
	s0 =	rddreg [dreg:$0x4]  }
0x2e8: {  	s0 =	sadd.s32 @!p0 $0x100000, s0  }
0x2e9: {  	[sflag:s0] =	ssyncadd.tile.s32 @!p0 $0x1;
	_ =	shalt  }
.Lfunc_end2:
_tile_overlayer_lowered:
.L_overlay_start_2:
0x2ea: {  	(tag) =	ssettag $0x2  }
0x2eb: {  	s0 =	rddreg [dreg:$0x0];
	s2 =	stileid.u32  }
0x2ec: {  	s1 =	rddreg [dreg:$0x1];
	p0 =	sne.s32 s2, $0x0  }
0x2ed: {  	s3 =	rddreg [dreg:$0x2];
	[bflag:$0x3] =	sbarrier.arrive $0xFFFF;
	s2 =	simm.s32 @!p0 $0x1C0C  }
0x2ee: {  	[timem:s3], [sflag:s2] =	dma.local @!p0 [hbm:s0], s1  }
0x2ef: {  	s0 =	simm.s32 @!p0 $0xC  }
0x2f0: {  	_ =	swait.ge @!p0 [sflag:s0], s1  }
0x2f1: {  	s1 =	ssub.s32 @!p0 $0x0, s1;
	[sflag:s0] =	ssyncset.done @!p0 $0x0  }
0x2f2: {  	[sflag:s0] =	ssyncadd.s32 @!p0 s1  }
0x2f3: {  	[bflag:$0x3] =	sbarrier.arrive $0xFFFF  }
0x2f4: {  	_ =	shalt  }

</sc_bundles>
